<compile_context>
chip_gen: v7x
topology: tpu7x:2x2x1
jax: 0.10.2.dev20260603
libtpu: 0.0.44.dev20260713+nightly
codegen_flags: <defaults>
</compile_context>

<pallas_src>
import functools

import jax
import jax.numpy as jnp
from jax import lax
from jax.experimental import pallas as pl
from jax.experimental.pallas import tpu as pltpu
from jax.experimental.pallas import tpu_sc as plsc

N_NODES = 10000
N_EDGES = 320000
D = 128
F = 16

NC, NS = 2, 16
NW = NC * NS
EPW = N_EDGES // NW
CH = 80
RND = 2000
GPR = RND // CH
NRND = EPW // RND
NPS = N_NODES // NS

def _sc_gather_body(pi_hbm, pj_hbm, ii_hbm, ij_hbm, eat_hbm,
                    gi_hbm, gj_hbm, eae_hbm,
                    ii_v, ij_v, rows_v, tin_v, tout_v, sem):
    cid = lax.axis_index("c")
    sid = lax.axis_index("s")
    wid = sid * NC + cid
    base = wid * EPW
    pltpu.sync_copy(ii_hbm.at[pl.ds(base, EPW)], ii_v)
    pltpu.sync_copy(ij_hbm.at[pl.ds(base, EPW)], ij_v)
    i16 = lax.iota(jnp.int32, 16)

    def make_round(idx_v, tab_hbm, out_hbm):
        def round_body(o, carry):
            cps = []
            for k in range(GPR):
                s = o * RND + k * CH
                cps.append(pltpu.async_copy(
                    tab_hbm.at[idx_v.at[pl.ds(s, CH)]],
                    rows_v.at[pl.ds(k * CH, CH)], sem))
            for cp in cps:
                cp.wait()
            pltpu.sync_copy(rows_v, out_hbm.at[pl.ds(base + o * RND, RND)])
            return carry
        return round_body

    lax.fori_loop(0, NRND, make_round(ii_v, pi_hbm, gi_hbm), 0)
    lax.fori_loop(0, NRND, make_round(ij_v, pj_hbm, gj_hbm), 0)

    def ea_round(o, carry):
        cps = [pltpu.async_copy(
            eat_hbm.at[j, pl.ds(base + o * RND, RND)],
            tin_v.at[pl.ds(j * RND, RND)], sem)
            for j in range(F)]
        for cp in cps:
            cp.wait()

        def tr_body(c, tc):
            for j in range(F):
                v = tin_v[pl.ds(j * RND + 16 * c, 16)]
                plsc.store_scatter(tout_v, [i16 * F + (256 * c + j)], v)
            return tc
        lax.fori_loop(0, RND // 16, tr_body, 0)
        pltpu.sync_copy(tout_v,
                        eae_hbm.at[pl.ds((base + o * RND) * F, RND * F)])
        return carry

    lax.fori_loop(0, NRND, ea_round, 0)


@functools.cache
def _gather_call():
    return pl.kernel(
        _sc_gather_body,
        mesh=plsc.VectorSubcoreMesh(core_axis_name="c", subcore_axis_name="s"),
        out_type=[jax.ShapeDtypeStruct((N_EDGES, F), jnp.float32),
                  jax.ShapeDtypeStruct((N_EDGES, F), jnp.float32),
                  jax.ShapeDtypeStruct((N_EDGES * F,), jnp.float32)],
        scratch_types=[pltpu.VMEM((EPW,), jnp.int32),
                       pltpu.VMEM((EPW,), jnp.int32),
                       pltpu.VMEM((RND, F), jnp.float32),
                       pltpu.VMEM((F * RND,), jnp.float32),
                       pltpu.VMEM((RND * F,), jnp.float32),
                       pltpu.SemaphoreType.DMA],
        compiler_params=pltpu.CompilerParams(
            use_tc_tiling_on_sc=False, needs_layout_passes=False),
    )


def _sc_scatter_body(rows_hbm, idx2_hbm, zero_hbm, out_hbm, outt_hbm,
                     idx_v, rows_v, tbuf_v, acc_sh, sem):
    cid = lax.axis_index("c")
    sid = lax.axis_index("s")
    wid = sid * NC + cid
    zslice = pl.ds(sid * NPS, NPS)
    pltpu.sync_copy(zero_hbm.at[zslice], acc_sh.at[zslice])
    plsc.subcore_barrier()

    rpw = EPW // CH
    pltpu.sync_copy(idx2_hbm.at[pl.ds(wid * rpw, rpw)], idx_v)
    i16 = lax.iota(jnp.int32, 16)

    def round_body(o, carry):
        pltpu.sync_copy(rows_hbm.at[pl.ds(wid * EPW + o * RND, RND)], rows_v)
        for k in range(GPR):
            pltpu.sync_copy(rows_v.at[pl.ds(k * CH, CH)],
                            acc_sh.at[idx_v.at[o * GPR + k]], add=True)

        ibase = i16 * RND
        def tr_body(e, tc):
            for u in range(8):
                ee = e * 8 + u
                plsc.store_scatter(tbuf_v, [ibase + ee], rows_v[ee])
            return tc
        lax.fori_loop(0, RND // 8, tr_body, 0)
        cps = [pltpu.async_copy(
            tbuf_v.at[pl.ds(j * RND, RND)],
            outt_hbm.at[j, pl.ds(wid * EPW + o * RND, RND)], sem)
            for j in range(F)]
        for cp in cps:
            cp.wait()
        return carry

    lax.fori_loop(0, NRND, round_body, 0)
    plsc.subcore_barrier()
    pltpu.sync_copy(acc_sh.at[zslice], out_hbm.at[cid, zslice])


@functools.cache
def _scatter_call():
    return pl.kernel(
        _sc_scatter_body,
        mesh=plsc.VectorSubcoreMesh(core_axis_name="c", subcore_axis_name="s"),
        out_type=[jax.ShapeDtypeStruct((NC, N_NODES, F), jnp.float32),
                  jax.ShapeDtypeStruct((F, N_EDGES), jnp.float32)],
        scratch_types=[pltpu.VMEM((EPW // CH, CH), jnp.int32),
                       pltpu.VMEM((RND, F), jnp.float32),
                       pltpu.VMEM((F * RND,), jnp.float32),
                       pltpu.VMEM_SHARED((N_NODES, F), jnp.float32),
                       pltpu.SemaphoreType.DMA],
        compiler_params=pltpu.CompilerParams(
            use_tc_tiling_on_sc=False, needs_layout_passes=False),
    )


def _prep_body(x_ref, wi_ref, wj_ref, pi_ref, pj_ref):
    xv = x_ref[...]
    pi_ref[...] = jnp.dot(xv, wi_ref[...], preferred_element_type=jnp.float32)
    pj_ref[...] = jnp.dot(xv, wj_ref[...], preferred_element_type=jnp.float32)


def _edge_body(gi_ref, gj_ref, ea_ref, w1_ref, b1_ref, w2_ref, b2_ref,
               w3_ref, b3_ref, m_ref, g_ref, bt_ref, out_ref):
    ea = ea_ref[...]
    h = (gi_ref[...] + gj_ref[...]
         + jnp.dot(ea, w1_ref[...], preferred_element_type=jnp.float32)
         + b1_ref[...])
    h = h * lax.logistic(h)
    h = jnp.dot(h, w2_ref[...], preferred_element_type=jnp.float32) + b2_ref[...]
    h = h * lax.logistic(h)
    h = jnp.dot(h, w3_ref[...], preferred_element_type=jnp.float32) + b3_ref[...]
    m = m_ref[...]
    mu = jnp.dot(h, m, preferred_element_type=jnp.float32)
    d = h - mu
    var = jnp.dot(d * d, m, preferred_element_type=jnp.float32)
    out_ref[...] = ea + d * lax.rsqrt(var + 1e-5) * g_ref[...] + bt_ref[...]


def _node_body(x_ref, a0_ref, a1_ref, w1x_ref, w1a_ref, b1_ref, w2_ref, b2_ref,
               w3_ref, b3_ref, g_ref, bt_ref, out_ref):
    xv = x_ref[...]
    a = a0_ref[...] + a1_ref[...]
    h = (jnp.dot(xv, w1x_ref[...], preferred_element_type=jnp.float32)
         + jnp.dot(a, w1a_ref[...], preferred_element_type=jnp.float32)
         + b1_ref[...])
    h = h * lax.logistic(h)
    h = jnp.dot(h, w2_ref[...], preferred_element_type=jnp.float32) + b2_ref[...]
    h = h * lax.logistic(h)
    h = jnp.dot(h, w3_ref[...], preferred_element_type=jnp.float32) + b3_ref[...]
    mu = jnp.mean(h, axis=-1, keepdims=True)
    d = h - mu
    var = jnp.mean(d * d, axis=-1, keepdims=True)
    out_ref[...] = xv + d * lax.rsqrt(var + 1e-5) * g_ref[...] + bt_ref[...]


FOLD = D // F
EF_ROWS = N_EDGES // FOLD

_NB = 2000
_EB = 2000

_full = lambda shape: pl.BlockSpec(shape, lambda i: (0,) * len(shape))


def _prep_call(x, wi, wj):
    g = N_NODES // _NB
    return pl.pallas_call(
        _prep_body,
        grid=(g,),
        in_specs=[pl.BlockSpec((_NB, D), lambda i: (i, 0)),
                  _full((D, F)), _full((D, F))],
        out_specs=[pl.BlockSpec((_NB, F), lambda i: (i, 0)),
                   pl.BlockSpec((_NB, F), lambda i: (i, 0))],
        out_shape=[jax.ShapeDtypeStruct((N_NODES, F), jnp.float32),
                   jax.ShapeDtypeStruct((N_NODES, F), jnp.float32)],
    )(x, wi, wj)


def _edge_call(gi, gj, ea, w1, b1, w2, b2, w3, b3, m, gm, bt):
    g = EF_ROWS // _EB
    eb = lambda: pl.BlockSpec((_EB, D), lambda i: (i, 0))
    return pl.pallas_call(
        _edge_body,
        grid=(g,),
        in_specs=[eb(), eb(), eb(),
                  _full((D, D)), _full((1, D)), _full((D, D)), _full((1, D)),
                  _full((D, D)), _full((1, D)), _full((D, D)),
                  _full((1, D)), _full((1, D))],
        out_specs=eb(),
        out_shape=jax.ShapeDtypeStruct((EF_ROWS, D), jnp.float32),
    )(gi, gj, ea, w1, b1, w2, b2, w3, b3, m, gm, bt)


def _node_call(x, a0, a1, w1x, w1a, b1, w2, b2, w3, b3, gm, bt):
    g = N_NODES // _NB
    return pl.pallas_call(
        _node_body,
        grid=(g,),
        in_specs=[pl.BlockSpec((_NB, D), lambda i: (i, 0)),
                  pl.BlockSpec((_NB, F), lambda i: (i, 0)),
                  pl.BlockSpec((_NB, F), lambda i: (i, 0)),
                  _full((D, D)), _full((F, D)), _full((1, D)),
                  _full((D, D)), _full((1, D)),
                  _full((D, D)), _full((1, D)),
                  _full((1, D)), _full((1, D))],
        out_specs=pl.BlockSpec((_NB, D), lambda i: (i, 0)),
        out_shape=jax.ShapeDtypeStruct((N_NODES, D), jnp.float32),
    )(x, a0, a1, w1x, w1a, b1, w2, b2, w3, b3, gm, bt)


def kernel(x, edge_index, edge_attr,
           eW1, eb1, eW2, eb2, eW3, eb3, e_gamma, e_beta,
           nW1, nb1, nW2, nb2, nW3, nb3, n_gamma, n_beta):
    f32 = jnp.float32
    idx_i = edge_index[0].astype(jnp.int32)
    idx_j = edge_index[1].astype(jnp.int32)

    pi, pj = _prep_call(x, eW1[:D], eW1[D:2 * D])
    gi, gj, ea_e = _gather_call()(pi, pj, idx_i, idx_j, edge_attr.T)

    eye8 = jnp.eye(FOLD, dtype=f32)
    w1d = jnp.kron(eye8, eW1[2 * D:])
    w2d = jnp.kron(eye8, eW2)
    w3d = jnp.kron(eye8, eW3)
    mavg = jnp.kron(eye8, jnp.full((F, F), 1.0 / F, f32))
    ef = _edge_call(
        gi.reshape(EF_ROWS, D), gj.reshape(EF_ROWS, D),
        ea_e.reshape(EF_ROWS, D),
        w1d, jnp.tile(eb1, FOLD)[None], w2d, jnp.tile(eb2, FOLD)[None],
        w3d, jnp.tile(eb3, FOLD)[None], mavg,
        jnp.tile(e_gamma, FOLD)[None], jnp.tile(e_beta, FOLD)[None])
    edge_new = ef.reshape(N_EDGES, F)

    idx2 = idx_j.reshape(N_EDGES // CH, CH)
    partial, edge_new_t = _scatter_call()(
        edge_new, idx2, jnp.zeros((N_NODES, F), f32))

    x_new = _node_call(
        x, partial[0], partial[1],
        nW1[:D], nW1[D:], nb1[None], nW2, nb2[None], nW3, nb3[None],
        n_gamma[None], n_beta[None])

    return (x_new, edge_new_t.T)

# --- scband reference (transcript-rebuilt; emitter-appended) ---
"""Pipeline reference for scband-mesh-graph-nets-conv-31825707663674 (READ-ONLY COPY).

The authoritative reference and input builder live on the scoring server;
editing this copy changes nothing except your own understanding.
"""

import jax, jax.numpy as jnp
import numpy as np

N_NODES = 10000
N_EDGES = 320000
NODE_DIM = 128
EDGE_DIM = 16


def _layernorm(x, gamma, beta, eps=1e-5):
    mu = jnp.mean(x, axis=-1, keepdims=True)
    var = jnp.var(x, axis=-1, keepdims=True)
    return (x - mu) / jnp.sqrt(var + eps) * gamma + beta


def _mlp(x, Ws, bs):
    # Linear -> SiLU between layers, no activation after the last Linear
    n = len(Ws)
    for i in range(n):
        x = x @ Ws[i] + bs[i]
        if i < n - 1:
            x = jax.nn.silu(x)
    return x


def setup_inputs(seed: int = 0) -> dict:
    key = jax.random.key(seed)
    ks = jax.random.split(key, 20)
    x = jax.random.normal(ks[0], (N_NODES, NODE_DIM), dtype=jnp.float32)
    edge_index = jax.random.randint(ks[1], (2, N_EDGES), 0, N_NODES, dtype=jnp.int64)
    edge_attr = jax.random.normal(ks[2], (N_EDGES, EDGE_DIM), dtype=jnp.float32)

    def w(k, fan_in, fan_out):
        return jax.random.normal(k, (fan_in, fan_out), dtype=jnp.float32) * (1.0 / np.sqrt(fan_in))

    # Edge MLP dims: [2*node_dim + edge_dim, edge_dim, edge_dim, edge_dim]
    e_in = 2 * NODE_DIM + EDGE_DIM
    eW1 = w(ks[3], e_in, EDGE_DIM); eb1 = jnp.zeros((EDGE_DIM,), jnp.float32)
    eW2 = w(ks[4], EDGE_DIM, EDGE_DIM); eb2 = jnp.zeros((EDGE_DIM,), jnp.float32)
    eW3 = w(ks[5], EDGE_DIM, EDGE_DIM); eb3 = jnp.zeros((EDGE_DIM,), jnp.float32)
    e_gamma = jnp.ones((EDGE_DIM,), jnp.float32); e_beta = jnp.zeros((EDGE_DIM,), jnp.float32)

    # Node MLP dims: [node_dim + edge_dim, node_dim, node_dim, node_dim]
    n_in = NODE_DIM + EDGE_DIM
    nW1 = w(ks[6], n_in, NODE_DIM); nb1 = jnp.zeros((NODE_DIM,), jnp.float32)
    nW2 = w(ks[7], NODE_DIM, NODE_DIM); nb2 = jnp.zeros((NODE_DIM,), jnp.float32)
    nW3 = w(ks[8], NODE_DIM, NODE_DIM); nb3 = jnp.zeros((NODE_DIM,), jnp.float32)
    n_gamma = jnp.ones((NODE_DIM,), jnp.float32); n_beta = jnp.zeros((NODE_DIM,), jnp.float32)

    return {
        'x': x, 'edge_index': edge_index, 'edge_attr': edge_attr,
        'eW1': eW1, 'eb1': eb1, 'eW2': eW2, 'eb2': eb2, 'eW3': eW3, 'eb3': eb3,
        'e_gamma': e_gamma, 'e_beta': e_beta,
        'nW1': nW1, 'nb1': nb1, 'nW2': nW2, 'nb2': nb2, 'nW3': nW3, 'nb3': nb3,
        'n_gamma': n_gamma, 'n_beta': n_beta,
    }


def reference(x, edge_index, edge_attr,
              eW1, eb1, eW2, eb2, eW3, eb3, e_gamma, e_beta,
              nW1, nb1, nW2, nb2, nW3, nb3, n_gamma, n_beta):
    i = edge_index[0]
    j = edge_index[1]
    x_i = jnp.take(x, i, axis=0)
    x_j = jnp.take(x, j, axis=0)

    # EdgeProcessor: edge_attr + LayerNorm(MLP(cat([x_i, x_j, edge_attr])))
    e_in = jnp.concatenate([x_i, x_j, edge_attr], axis=-1)
    e_out = _mlp(e_in, [eW1, eW2, eW3], [eb1, eb2, eb3])
    e_out = _layernorm(e_out, e_gamma, e_beta)
    edge_attr_new = edge_attr + e_out

    # NodeProcessor: x + LayerNorm(MLP(cat([x, scatter_sum(edge_attr_new, j)])))
    agg = jax.ops.segment_sum(edge_attr_new, j, num_segments=x.shape[0])
    n_in = jnp.concatenate([x, agg], axis=-1)
    n_out = _mlp(n_in, [nW1, nW2, nW3], [nb1, nb2, nb3])
    n_out = _layernorm(n_out, n_gamma, n_beta)
    x_new = x + n_out

    return (x_new, edge_attr_new)

if __name__ == "__main__":
    import jax
    _d = setup_inputs()
    print(jax.jit(kernel)(*tuple(_d.values())))

</pallas_src>

<mosaic_0001>
#map = affine_map<(d0, d1) -> (0, 0)>
#map1 = affine_map<(d0, d1) -> (0, 0, 0)>
module attributes {stable_mosaic.version = 14 : i64} {
  func.func @_sc_scatter_body(%arg0: i32, %arg1: i32, %arg2: memref<320000x16xf32, #tpu.memory_space<hbm>>, %arg3: memref<4000x80xi32, #tpu.memory_space<hbm>>, %arg4: memref<10000x16xf32, #tpu.memory_space<hbm>>, %arg5: memref<2x10000x16xf32, #tpu.memory_space<hbm>>, %arg6: memref<16x320000xf32, #tpu.memory_space<hbm>>, %arg7: memref<125x80xi32, #tpu.memory_space<vmem>>, %arg8: memref<2000x16xf32, #tpu.memory_space<vmem>>, %arg9: memref<32000xf32, #tpu.memory_space<vmem>>, %arg10: memref<10000x16xf32, #tpu.memory_space<vmem_shared>>, %arg11: memref<!tpu.dma_semaphore, #tpu.memory_space<semaphore_mem>>) attributes {dimension_semantics = [#tpu.dimension_semantics<core_parallel>, #tpu.dimension_semantics<subcore_parallel>], iteration_bounds = array<i64: 2, 16>, scalar_prefetch = 0 : i64, scratch_operands = 5 : i64, tpu.core_type = #tpu.core_type<sc_vector_subcore>, window_params = [{transform_indices = #map}, {transform_indices = #map}, {transform_indices = #map}, {transform_indices = #map1}, {transform_indices = #map}]} {
    %mul3A = arith.constant 2 : i32
    %mul3A_0 = arith.muli %arg1, %mul3A : i32
    %add3A = arith.addi %mul3A_0, %arg0 : i32
    %mul3A_1 = arith.constant 625 : i32
    %mul3A_2 = arith.muli %arg1, %mul3A_1 : i32
    "tpu.region"() ({
      %run_scoped3A = tpu.sem_alloc : memref<!tpu.dma_semaphore, #tpu.memory_space<semaphore_mem>>
      %dma_start3A = arith.constant 0 : i32
      %dma_start3A_11 = tpu.memref_slice %arg10[%mul3A_2, %dma_start3A] : memref<10000x16xf32, #tpu.memory_space<vmem_shared>> -> memref<625x16xf32, #tpu.memory_space<vmem_shared>>
      %dma_start3A_12 = arith.constant 0 : i32
      %dma_start3A_13 = tpu.memref_slice %arg4[%mul3A_2, %dma_start3A_12] : memref<10000x16xf32, #tpu.memory_space<hbm>> -> memref<625x16xf32, #tpu.memory_space<hbm>>
      tpu.enqueue_dma source(%dma_start3A_13 : memref<625x16xf32, #tpu.memory_space<hbm>>) target(%dma_start3A_11 : memref<625x16xf32, #tpu.memory_space<vmem_shared>>) target_semaphore(%run_scoped3A : memref<!tpu.dma_semaphore, #tpu.memory_space<semaphore_mem>>)
      %dma_wait3A = arith.constant 0 : i32
      %dma_wait3A_14 = tpu.memref_slice %arg10[%mul3A_2, %dma_wait3A] : memref<10000x16xf32, #tpu.memory_space<vmem_shared>> -> memref<625x16xf32, #tpu.memory_space<vmem_shared>>
      %dma_wait3A_15 = arith.constant 0 : i32
      %dma_wait3A_16 = tpu.memref_slice %arg4[%mul3A_2, %dma_wait3A_15] : memref<10000x16xf32, #tpu.memory_space<hbm>> -> memref<625x16xf32, #tpu.memory_space<hbm>>
      tpu.wait_dma2 semaphore(%run_scoped3A : memref<!tpu.dma_semaphore, #tpu.memory_space<semaphore_mem>>) src(%dma_wait3A_16 : memref<625x16xf32, #tpu.memory_space<hbm>>) dst(%dma_wait3A_14 : memref<625x16xf32, #tpu.memory_space<vmem_shared>>)
      tpu.yield
    }) : () -> ()
    %barrier3A = arith.constant 0 : index
    tpu.barrier barrier_id(%barrier3A)
    %mul3A_3 = arith.constant 125 : i32
    %mul3A_4 = arith.muli %add3A, %mul3A_3 : i32
    "tpu.region"() ({
      %run_scoped3A = tpu.sem_alloc : memref<!tpu.dma_semaphore, #tpu.memory_space<semaphore_mem>>
      %dma_start3A = arith.constant 0 : i32
      %dma_start3A_11 = tpu.memref_slice %arg3[%mul3A_4, %dma_start3A] : memref<4000x80xi32, #tpu.memory_space<hbm>> -> memref<125x80xi32, #tpu.memory_space<hbm>>
      %dma_start3A_12 = arith.constant 0 : i32
      %dma_start3A_13 = tpu.memref_slice %arg3[%mul3A_4, %dma_start3A_12] : memref<4000x80xi32, #tpu.memory_space<hbm>> -> memref<125x80xi32, #tpu.memory_space<hbm>>
      tpu.enqueue_dma source(%dma_start3A_13 : memref<125x80xi32, #tpu.memory_space<hbm>>) target(%arg7 : memref<125x80xi32, #tpu.memory_space<vmem>>) target_semaphore(%run_scoped3A : memref<!tpu.dma_semaphore, #tpu.memory_space<semaphore_mem>>)
      %dma_wait3A = arith.constant 0 : i32
      %dma_wait3A_14 = tpu.memref_slice %arg3[%mul3A_4, %dma_wait3A] : memref<4000x80xi32, #tpu.memory_space<hbm>> -> memref<125x80xi32, #tpu.memory_space<hbm>>
      %dma_wait3A_15 = arith.constant 0 : i32
      %dma_wait3A_16 = tpu.memref_slice %arg3[%mul3A_4, %dma_wait3A_15] : memref<4000x80xi32, #tpu.memory_space<hbm>> -> memref<125x80xi32, #tpu.memory_space<hbm>>
      tpu.wait_dma2 semaphore(%run_scoped3A : memref<!tpu.dma_semaphore, #tpu.memory_space<semaphore_mem>>) src(%dma_wait3A_16 : memref<125x80xi32, #tpu.memory_space<hbm>>) dst(%arg7 : memref<125x80xi32, #tpu.memory_space<vmem>>)
      tpu.yield
    }) : () -> ()
    %iota3A = tpu.iota {dimensions = array<i32: 0>} : vector<16xi32>
    %scan3A = arith.constant 0 : i32
    %scan3A_5 = arith.constant 0 : i32
    %scan3A_6 = arith.constant 5 : i32
    %scan3A_7 = arith.addi %scan3A_5, %scan3A_6 : i32
    %scan3A_8 = arith.constant 1 : i32
    scf.for %scan3A_11 = %scan3A_5 to %scan3A_7 step %scan3A_8  : i32 {
      %mul3A_12 = arith.constant 10000 : i32
      %mul3A_13 = arith.muli %add3A, %mul3A_12 : i32
      %mul3A_14 = arith.constant 2000 : i32
      %mul3A_15 = arith.muli %scan3A_11, %mul3A_14 : i32
      %add3A_16 = arith.addi %mul3A_13, %mul3A_15 : i32
      "tpu.region"() ({
        %run_scoped3A = tpu.sem_alloc : memref<!tpu.dma_semaphore, #tpu.memory_space<semaphore_mem>>
        %dma_start3A_492 = arith.constant 0 : i32
        %dma_start3A_493 = tpu.memref_slice %arg2[%add3A_16, %dma_start3A_492] : memref<320000x16xf32, #tpu.memory_space<hbm>> -> memref<2000x16xf32, #tpu.memory_space<hbm>>
        %dma_start3A_494 = arith.constant 0 : i32
        %dma_start3A_495 = tpu.memref_slice %arg2[%add3A_16, %dma_start3A_494] : memref<320000x16xf32, #tpu.memory_space<hbm>> -> memref<2000x16xf32, #tpu.memory_space<hbm>>
        tpu.enqueue_dma source(%dma_start3A_495 : memref<2000x16xf32, #tpu.memory_space<hbm>>) target(%arg8 : memref<2000x16xf32, #tpu.memory_space<vmem>>) target_semaphore(%run_scoped3A : memref<!tpu.dma_semaphore, #tpu.memory_space<semaphore_mem>>)
        %dma_wait3A_496 = arith.constant 0 : i32
        %dma_wait3A_497 = tpu.memref_slice %arg2[%add3A_16, %dma_wait3A_496] : memref<320000x16xf32, #tpu.memory_space<hbm>> -> memref<2000x16xf32, #tpu.memory_space<hbm>>
        %dma_wait3A_498 = arith.constant 0 : i32
        %dma_wait3A_499 = tpu.memref_slice %arg2[%add3A_16, %dma_wait3A_498] : memref<320000x16xf32, #tpu.memory_space<hbm>> -> memref<2000x16xf32, #tpu.memory_space<hbm>>
        tpu.wait_dma2 semaphore(%run_scoped3A : memref<!tpu.dma_semaphore, #tpu.memory_space<semaphore_mem>>) src(%dma_wait3A_499 : memref<2000x16xf32, #tpu.memory_space<hbm>>) dst(%arg8 : memref<2000x16xf32, #tpu.memory_space<vmem>>)
        tpu.yield
      }) : () -> ()
      %mul3A_17 = arith.constant 25 : i32
      %mul3A_18 = arith.muli %scan3A_11, %mul3A_17 : i32
      %add3A_19 = arith.constant 0 : i32
      %add3A_20 = arith.addi %mul3A_18, %add3A_19 : i32
      "tpu.region"() ({
        %run_scoped3A = tpu.sem_alloc : memref<!tpu.dma_semaphore, #tpu.memory_space<semaphore_mem>>
        %dma_start3A_492 = arith.constant 0 : i32
        %dma_start3A_493 = arith.constant 0 : i32
        %dma_start3A_494 = tpu.memref_slice %arg8[%dma_start3A_492, %dma_start3A_493] : memref<2000x16xf32, #tpu.memory_space<vmem>> -> memref<80x16xf32, #tpu.memory_space<vmem>>
        %dma_start3A_495 = arith.constant 0 : i32
        %dma_start3A_496 = tpu.memref_slice %arg7[%add3A_20, %dma_start3A_495] : memref<125x80xi32, #tpu.memory_space<vmem>> -> memref<1x80xi32, #tpu.memory_space<vmem>>
        %dma_start3A_497 = tpu.memref_squeeze %dma_start3A_496 : memref<1x80xi32, #tpu.memory_space<vmem>> -> memref<80xi32, #tpu.memory_space<vmem>>
        %dma_start3A_498 = arith.constant 0 : i32
        %dma_start3A_499 = arith.constant 0 : i32
        %dma_start3A_500 = tpu.memref_slice %arg10[%dma_start3A_498, %dma_start3A_499] : memref<10000x16xf32, #tpu.memory_space<vmem_shared>> -> memref<10000x16xf32, #tpu.memory_space<vmem_shared>>
        tpu.enqueue_indirect_dma source(%dma_start3A_494 : memref<80x16xf32, #tpu.memory_space<vmem>>) target(%dma_start3A_500 : memref<10000x16xf32, #tpu.memory_space<vmem_shared>>) offsets(%dma_start3A_497 : memref<80xi32, #tpu.memory_space<vmem>>) semaphore(%run_scoped3A : memref<!tpu.dma_semaphore, #tpu.memory_space<semaphore_mem>>) {add = true}
        %dma_wait3A_501 = arith.constant 0 : i32
        %dma_wait3A_502 = arith.constant 0 : i32
        %dma_wait3A_503 = tpu.memref_slice %arg8[%dma_wait3A_501, %dma_wait3A_502] : memref<2000x16xf32, #tpu.memory_space<vmem>> -> memref<80x16xf32, #tpu.memory_space<vmem>>
        %dma_wait3A_504 = arith.constant 0 : i32
        %dma_wait3A_505 = tpu.memref_slice %arg7[%add3A_20, %dma_wait3A_504] : memref<125x80xi32, #tpu.memory_space<vmem>> -> memref<1x80xi32, #tpu.memory_space<vmem>>
        %dma_wait3A_506 = tpu.memref_squeeze %dma_wait3A_505 : memref<1x80xi32, #tpu.memory_space<vmem>> -> memref<80xi32, #tpu.memory_space<vmem>>
        %dma_wait3A_507 = arith.constant 0 : i32
        %dma_wait3A_508 = arith.constant 0 : i32
        %dma_wait3A_509 = tpu.memref_slice %arg10[%dma_wait3A_507, %dma_wait3A_508] : memref<10000x16xf32, #tpu.memory_space<vmem_shared>> -> memref<10000x16xf32, #tpu.memory_space<vmem_shared>>
        tpu.wait_indirect_dma semaphore(%run_scoped3A : memref<!tpu.dma_semaphore, #tpu.memory_space<semaphore_mem>>) src(%dma_wait3A_503 : memref<80x16xf32, #tpu.memory_space<vmem>>) dst(%dma_wait3A_509 : memref<10000x16xf32, #tpu.memory_space<vmem_shared>>)
        tpu.yield
      }) : () -> ()
      %mul3A_21 = arith.constant 25 : i32
      %mul3A_22 = arith.muli %scan3A_11, %mul3A_21 : i32
      %add3A_23 = arith.constant 1 : i32
      %add3A_24 = arith.addi %mul3A_22, %add3A_23 : i32
      "tpu.region"() ({
        %run_scoped3A = tpu.sem_alloc : memref<!tpu.dma_semaphore, #tpu.memory_space<semaphore_mem>>
        %dma_start3A_492 = arith.constant 80 : i32
        %dma_start3A_493 = arith.constant 0 : i32
        %dma_start3A_494 = tpu.memref_slice %arg8[%dma_start3A_492, %dma_start3A_493] : memref<2000x16xf32, #tpu.memory_space<vmem>> -> memref<80x16xf32, #tpu.memory_space<vmem>>
        %dma_start3A_495 = arith.constant 0 : i32
        %dma_start3A_496 = tpu.memref_slice %arg7[%add3A_24, %dma_start3A_495] : memref<125x80xi32, #tpu.memory_space<vmem>> -> memref<1x80xi32, #tpu.memory_space<vmem>>
        %dma_start3A_497 = tpu.memref_squeeze %dma_start3A_496 : memref<1x80xi32, #tpu.memory_space<vmem>> -> memref<80xi32, #tpu.memory_space<vmem>>
        %dma_start3A_498 = arith.constant 0 : i32
        %dma_start3A_499 = arith.constant 0 : i32
        %dma_start3A_500 = tpu.memref_slice %arg10[%dma_start3A_498, %dma_start3A_499] : memref<10000x16xf32, #tpu.memory_space<vmem_shared>> -> memref<10000x16xf32, #tpu.memory_space<vmem_shared>>
        tpu.enqueue_indirect_dma source(%dma_start3A_494 : memref<80x16xf32, #tpu.memory_space<vmem>>) target(%dma_start3A_500 : memref<10000x16xf32, #tpu.memory_space<vmem_shared>>) offsets(%dma_start3A_497 : memref<80xi32, #tpu.memory_space<vmem>>) semaphore(%run_scoped3A : memref<!tpu.dma_semaphore, #tpu.memory_space<semaphore_mem>>) {add = true}
        %dma_wait3A_501 = arith.constant 80 : i32
        %dma_wait3A_502 = arith.constant 0 : i32
        %dma_wait3A_503 = tpu.memref_slice %arg8[%dma_wait3A_501, %dma_wait3A_502] : memref<2000x16xf32, #tpu.memory_space<vmem>> -> memref<80x16xf32, #tpu.memory_space<vmem>>
        %dma_wait3A_504 = arith.constant 0 : i32
        %dma_wait3A_505 = tpu.memref_slice %arg7[%add3A_24, %dma_wait3A_504] : memref<125x80xi32, #tpu.memory_space<vmem>> -> memref<1x80xi32, #tpu.memory_space<vmem>>
        %dma_wait3A_506 = tpu.memref_squeeze %dma_wait3A_505 : memref<1x80xi32, #tpu.memory_space<vmem>> -> memref<80xi32, #tpu.memory_space<vmem>>
        %dma_wait3A_507 = arith.constant 0 : i32
        %dma_wait3A_508 = arith.constant 0 : i32
        %dma_wait3A_509 = tpu.memref_slice %arg10[%dma_wait3A_507, %dma_wait3A_508] : memref<10000x16xf32, #tpu.memory_space<vmem_shared>> -> memref<10000x16xf32, #tpu.memory_space<vmem_shared>>
        tpu.wait_indirect_dma semaphore(%run_scoped3A : memref<!tpu.dma_semaphore, #tpu.memory_space<semaphore_mem>>) src(%dma_wait3A_503 : memref<80x16xf32, #tpu.memory_space<vmem>>) dst(%dma_wait3A_509 : memref<10000x16xf32, #tpu.memory_space<vmem_shared>>)
        tpu.yield
      }) : () -> ()
      %mul3A_25 = arith.constant 25 : i32
      %mul3A_26 = arith.muli %scan3A_11, %mul3A_25 : i32
      %add3A_27 = arith.constant 2 : i32
      %add3A_28 = arith.addi %mul3A_26, %add3A_27 : i32
      "tpu.region"() ({
        %run_scoped3A = tpu.sem_alloc : memref<!tpu.dma_semaphore, #tpu.memory_space<semaphore_mem>>
        %dma_start3A_492 = arith.constant 160 : i32
        %dma_start3A_493 = arith.constant 0 : i32
        %dma_start3A_494 = tpu.memref_slice %arg8[%dma_start3A_492, %dma_start3A_493] : memref<2000x16xf32, #tpu.memory_space<vmem>> -> memref<80x16xf32, #tpu.memory_space<vmem>>
        %dma_start3A_495 = arith.constant 0 : i32
        %dma_start3A_496 = tpu.memref_slice %arg7[%add3A_28, %dma_start3A_495] : memref<125x80xi32, #tpu.memory_space<vmem>> -> memref<1x80xi32, #tpu.memory_space<vmem>>
        %dma_start3A_497 = tpu.memref_squeeze %dma_start3A_496 : memref<1x80xi32, #tpu.memory_space<vmem>> -> memref<80xi32, #tpu.memory_space<vmem>>
        %dma_start3A_498 = arith.constant 0 : i32
        %dma_start3A_499 = arith.constant 0 : i32
        %dma_start3A_500 = tpu.memref_slice %arg10[%dma_start3A_498, %dma_start3A_499] : memref<10000x16xf32, #tpu.memory_space<vmem_shared>> -> memref<10000x16xf32, #tpu.memory_space<vmem_shared>>
        tpu.enqueue_indirect_dma source(%dma_start3A_494 : memref<80x16xf32, #tpu.memory_space<vmem>>) target(%dma_start3A_500 : memref<10000x16xf32, #tpu.memory_space<vmem_shared>>) offsets(%dma_start3A_497 : memref<80xi32, #tpu.memory_space<vmem>>) semaphore(%run_scoped3A : memref<!tpu.dma_semaphore, #tpu.memory_space<semaphore_mem>>) {add = true}
        %dma_wait3A_501 = arith.constant 160 : i32
        %dma_wait3A_502 = arith.constant 0 : i32
        %dma_wait3A_503 = tpu.memref_slice %arg8[%dma_wait3A_501, %dma_wait3A_502] : memref<2000x16xf32, #tpu.memory_space<vmem>> -> memref<80x16xf32, #tpu.memory_space<vmem>>
        %dma_wait3A_504 = arith.constant 0 : i32
        %dma_wait3A_505 = tpu.memref_slice %arg7[%add3A_28, %dma_wait3A_504] : memref<125x80xi32, #tpu.memory_space<vmem>> -> memref<1x80xi32, #tpu.memory_space<vmem>>
        %dma_wait3A_506 = tpu.memref_squeeze %dma_wait3A_505 : memref<1x80xi32, #tpu.memory_space<vmem>> -> memref<80xi32, #tpu.memory_space<vmem>>
        %dma_wait3A_507 = arith.constant 0 : i32
        %dma_wait3A_508 = arith.constant 0 : i32
        %dma_wait3A_509 = tpu.memref_slice %arg10[%dma_wait3A_507, %dma_wait3A_508] : memref<10000x16xf32, #tpu.memory_space<vmem_shared>> -> memref<10000x16xf32, #tpu.memory_space<vmem_shared>>
        tpu.wait_indirect_dma semaphore(%run_scoped3A : memref<!tpu.dma_semaphore, #tpu.memory_space<semaphore_mem>>) src(%dma_wait3A_503 : memref<80x16xf32, #tpu.memory_space<vmem>>) dst(%dma_wait3A_509 : memref<10000x16xf32, #tpu.memory_space<vmem_shared>>)
        tpu.yield
      }) : () -> ()
      %mul3A_29 = arith.constant 25 : i32
      %mul3A_30 = arith.muli %scan3A_11, %mul3A_29 : i32
      %add3A_31 = arith.constant 3 : i32
      %add3A_32 = arith.addi %mul3A_30, %add3A_31 : i32
      "tpu.region"() ({
        %run_scoped3A = tpu.sem_alloc : memref<!tpu.dma_semaphore, #tpu.memory_space<semaphore_mem>>
        %dma_start3A_492 = arith.constant 240 : i32
        %dma_start3A_493 = arith.constant 0 : i32
        %dma_start3A_494 = tpu.memref_slice %arg8[%dma_start3A_492, %dma_start3A_493] : memref<2000x16xf32, #tpu.memory_space<vmem>> -> memref<80x16xf32, #tpu.memory_space<vmem>>
        %dma_start3A_495 = arith.constant 0 : i32
        %dma_start3A_496 = tpu.memref_slice %arg7[%add3A_32, %dma_start3A_495] : memref<125x80xi32, #tpu.memory_space<vmem>> -> memref<1x80xi32, #tpu.memory_space<vmem>>
        %dma_start3A_497 = tpu.memref_squeeze %dma_start3A_496 : memref<1x80xi32, #tpu.memory_space<vmem>> -> memref<80xi32, #tpu.memory_space<vmem>>
        %dma_start3A_498 = arith.constant 0 : i32
        %dma_start3A_499 = arith.constant 0 : i32
        %dma_start3A_500 = tpu.memref_slice %arg10[%dma_start3A_498, %dma_start3A_499] : memref<10000x16xf32, #tpu.memory_space<vmem_shared>> -> memref<10000x16xf32, #tpu.memory_space<vmem_shared>>
        tpu.enqueue_indirect_dma source(%dma_start3A_494 : memref<80x16xf32, #tpu.memory_space<vmem>>) target(%dma_start3A_500 : memref<10000x16xf32, #tpu.memory_space<vmem_shared>>) offsets(%dma_start3A_497 : memref<80xi32, #tpu.memory_space<vmem>>) semaphore(%run_scoped3A : memref<!tpu.dma_semaphore, #tpu.memory_space<semaphore_mem>>) {add = true}
        %dma_wait3A_501 = arith.constant 240 : i32
        %dma_wait3A_502 = arith.constant 0 : i32
        %dma_wait3A_503 = tpu.memref_slice %arg8[%dma_wait3A_501, %dma_wait3A_502] : memref<2000x16xf32, #tpu.memory_space<vmem>> -> memref<80x16xf32, #tpu.memory_space<vmem>>
        %dma_wait3A_504 = arith.constant 0 : i32
        %dma_wait3A_505 = tpu.memref_slice %arg7[%add3A_32, %dma_wait3A_504] : memref<125x80xi32, #tpu.memory_space<vmem>> -> memref<1x80xi32, #tpu.memory_space<vmem>>
        %dma_wait3A_506 = tpu.memref_squeeze %dma_wait3A_505 : memref<1x80xi32, #tpu.memory_space<vmem>> -> memref<80xi32, #tpu.memory_space<vmem>>
        %dma_wait3A_507 = arith.constant 0 : i32
        %dma_wait3A_508 = arith.constant 0 : i32
        %dma_wait3A_509 = tpu.memref_slice %arg10[%dma_wait3A_507, %dma_wait3A_508] : memref<10000x16xf32, #tpu.memory_space<vmem_shared>> -> memref<10000x16xf32, #tpu.memory_space<vmem_shared>>
        tpu.wait_indirect_dma semaphore(%run_scoped3A : memref<!tpu.dma_semaphore, #tpu.memory_space<semaphore_mem>>) src(%dma_wait3A_503 : memref<80x16xf32, #tpu.memory_space<vmem>>) dst(%dma_wait3A_509 : memref<10000x16xf32, #tpu.memory_space<vmem_shared>>)
        tpu.yield
      }) : () -> ()
      %mul3A_33 = arith.constant 25 : i32
      %mul3A_34 = arith.muli %scan3A_11, %mul3A_33 : i32
      %add3A_35 = arith.constant 4 : i32
      %add3A_36 = arith.addi %mul3A_34, %add3A_35 : i32
      "tpu.region"() ({
        %run_scoped3A = tpu.sem_alloc : memref<!tpu.dma_semaphore, #tpu.memory_space<semaphore_mem>>
        %dma_start3A_492 = arith.constant 320 : i32
        %dma_start3A_493 = arith.constant 0 : i32
        %dma_start3A_494 = tpu.memref_slice %arg8[%dma_start3A_492, %dma_start3A_493] : memref<2000x16xf32, #tpu.memory_space<vmem>> -> memref<80x16xf32, #tpu.memory_space<vmem>>
        %dma_start3A_495 = arith.constant 0 : i32
        %dma_start3A_496 = tpu.memref_slice %arg7[%add3A_36, %dma_start3A_495] : memref<125x80xi32, #tpu.memory_space<vmem>> -> memref<1x80xi32, #tpu.memory_space<vmem>>
        %dma_start3A_497 = tpu.memref_squeeze %dma_start3A_496 : memref<1x80xi32, #tpu.memory_space<vmem>> -> memref<80xi32, #tpu.memory_space<vmem>>
        %dma_start3A_498 = arith.constant 0 : i32
        %dma_start3A_499 = arith.constant 0 : i32
        %dma_start3A_500 = tpu.memref_slice %arg10[%dma_start3A_498, %dma_start3A_499] : memref<10000x16xf32, #tpu.memory_space<vmem_shared>> -> memref<10000x16xf32, #tpu.memory_space<vmem_shared>>
        tpu.enqueue_indirect_dma source(%dma_start3A_494 : memref<80x16xf32, #tpu.memory_space<vmem>>) target(%dma_start3A_500 : memref<10000x16xf32, #tpu.memory_space<vmem_shared>>) offsets(%dma_start3A_497 : memref<80xi32, #tpu.memory_space<vmem>>) semaphore(%run_scoped3A : memref<!tpu.dma_semaphore, #tpu.memory_space<semaphore_mem>>) {add = true}
        %dma_wait3A_501 = arith.constant 320 : i32
        %dma_wait3A_502 = arith.constant 0 : i32
        %dma_wait3A_503 = tpu.memref_slice %arg8[%dma_wait3A_501, %dma_wait3A_502] : memref<2000x16xf32, #tpu.memory_space<vmem>> -> memref<80x16xf32, #tpu.memory_space<vmem>>
        %dma_wait3A_504 = arith.constant 0 : i32
        %dma_wait3A_505 = tpu.memref_slice %arg7[%add3A_36, %dma_wait3A_504] : memref<125x80xi32, #tpu.memory_space<vmem>> -> memref<1x80xi32, #tpu.memory_space<vmem>>
        %dma_wait3A_506 = tpu.memref_squeeze %dma_wait3A_505 : memref<1x80xi32, #tpu.memory_space<vmem>> -> memref<80xi32, #tpu.memory_space<vmem>>
        %dma_wait3A_507 = arith.constant 0 : i32
        %dma_wait3A_508 = arith.constant 0 : i32
        %dma_wait3A_509 = tpu.memref_slice %arg10[%dma_wait3A_507, %dma_wait3A_508] : memref<10000x16xf32, #tpu.memory_space<vmem_shared>> -> memref<10000x16xf32, #tpu.memory_space<vmem_shared>>
        tpu.wait_indirect_dma semaphore(%run_scoped3A : memref<!tpu.dma_semaphore, #tpu.memory_space<semaphore_mem>>) src(%dma_wait3A_503 : memref<80x16xf32, #tpu.memory_space<vmem>>) dst(%dma_wait3A_509 : memref<10000x16xf32, #tpu.memory_space<vmem_shared>>)
        tpu.yield
      }) : () -> ()
      %mul3A_37 = arith.constant 25 : i32
      %mul3A_38 = arith.muli %scan3A_11, %mul3A_37 : i32
      %add3A_39 = arith.constant 5 : i32
      %add3A_40 = arith.addi %mul3A_38, %add3A_39 : i32
      "tpu.region"() ({
        %run_scoped3A = tpu.sem_alloc : memref<!tpu.dma_semaphore, #tpu.memory_space<semaphore_mem>>
        %dma_start3A_492 = arith.constant 400 : i32
        %dma_start3A_493 = arith.constant 0 : i32
        %dma_start3A_494 = tpu.memref_slice %arg8[%dma_start3A_492, %dma_start3A_493] : memref<2000x16xf32, #tpu.memory_space<vmem>> -> memref<80x16xf32, #tpu.memory_space<vmem>>
        %dma_start3A_495 = arith.constant 0 : i32
        %dma_start3A_496 = tpu.memref_slice %arg7[%add3A_40, %dma_start3A_495] : memref<125x80xi32, #tpu.memory_space<vmem>> -> memref<1x80xi32, #tpu.memory_space<vmem>>
        %dma_start3A_497 = tpu.memref_squeeze %dma_start3A_496 : memref<1x80xi32, #tpu.memory_space<vmem>> -> memref<80xi32, #tpu.memory_space<vmem>>
        %dma_start3A_498 = arith.constant 0 : i32
        %dma_start3A_499 = arith.constant 0 : i32
        %dma_start3A_500 = tpu.memref_slice %arg10[%dma_start3A_498, %dma_start3A_499] : memref<10000x16xf32, #tpu.memory_space<vmem_shared>> -> memref<10000x16xf32, #tpu.memory_space<vmem_shared>>
        tpu.enqueue_indirect_dma source(%dma_start3A_494 : memref<80x16xf32, #tpu.memory_space<vmem>>) target(%dma_start3A_500 : memref<10000x16xf32, #tpu.memory_space<vmem_shared>>) offsets(%dma_start3A_497 : memref<80xi32, #tpu.memory_space<vmem>>) semaphore(%run_scoped3A : memref<!tpu.dma_semaphore, #tpu.memory_space<semaphore_mem>>) {add = true}
        %dma_wait3A_501 = arith.constant 400 : i32
        %dma_wait3A_502 = arith.constant 0 : i32
        %dma_wait3A_503 = tpu.memref_slice %arg8[%dma_wait3A_501, %dma_wait3A_502] : memref<2000x16xf32, #tpu.memory_space<vmem>> -> memref<80x16xf32, #tpu.memory_space<vmem>>
        %dma_wait3A_504 = arith.constant 0 : i32
        %dma_wait3A_505 = tpu.memref_slice %arg7[%add3A_40, %dma_wait3A_504] : memref<125x80xi32, #tpu.memory_space<vmem>> -> memref<1x80xi32, #tpu.memory_space<vmem>>
        %dma_wait3A_506 = tpu.memref_squeeze %dma_wait3A_505 : memref<1x80xi32, #tpu.memory_space<vmem>> -> memref<80xi32, #tpu.memory_space<vmem>>
        %dma_wait3A_507 = arith.constant 0 : i32
        %dma_wait3A_508 = arith.constant 0 : i32
        %dma_wait3A_509 = tpu.memref_slice %arg10[%dma_wait3A_507, %dma_wait3A_508] : memref<10000x16xf32, #tpu.memory_space<vmem_shared>> -> memref<10000x16xf32, #tpu.memory_space<vmem_shared>>
        tpu.wait_indirect_dma semaphore(%run_scoped3A : memref<!tpu.dma_semaphore, #tpu.memory_space<semaphore_mem>>) src(%dma_wait3A_503 : memref<80x16xf32, #tpu.memory_space<vmem>>) dst(%dma_wait3A_509 : memref<10000x16xf32, #tpu.memory_space<vmem_shared>>)
        tpu.yield
      }) : () -> ()
      %mul3A_41 = arith.constant 25 : i32
      %mul3A_42 = arith.muli %scan3A_11, %mul3A_41 : i32
      %add3A_43 = arith.constant 6 : i32
      %add3A_44 = arith.addi %mul3A_42, %add3A_43 : i32
      "tpu.region"() ({
        %run_scoped3A = tpu.sem_alloc : memref<!tpu.dma_semaphore, #tpu.memory_space<semaphore_mem>>
        %dma_start3A_492 = arith.constant 480 : i32
        %dma_start3A_493 = arith.constant 0 : i32
        %dma_start3A_494 = tpu.memref_slice %arg8[%dma_start3A_492, %dma_start3A_493] : memref<2000x16xf32, #tpu.memory_space<vmem>> -> memref<80x16xf32, #tpu.memory_space<vmem>>
        %dma_start3A_495 = arith.constant 0 : i32
        %dma_start3A_496 = tpu.memref_slice %arg7[%add3A_44, %dma_start3A_495] : memref<125x80xi32, #tpu.memory_space<vmem>> -> memref<1x80xi32, #tpu.memory_space<vmem>>
        %dma_start3A_497 = tpu.memref_squeeze %dma_start3A_496 : memref<1x80xi32, #tpu.memory_space<vmem>> -> memref<80xi32, #tpu.memory_space<vmem>>
        %dma_start3A_498 = arith.constant 0 : i32
        %dma_start3A_499 = arith.constant 0 : i32
        %dma_start3A_500 = tpu.memref_slice %arg10[%dma_start3A_498, %dma_start3A_499] : memref<10000x16xf32, #tpu.memory_space<vmem_shared>> -> memref<10000x16xf32, #tpu.memory_space<vmem_shared>>
        tpu.enqueue_indirect_dma source(%dma_start3A_494 : memref<80x16xf32, #tpu.memory_space<vmem>>) target(%dma_start3A_500 : memref<10000x16xf32, #tpu.memory_space<vmem_shared>>) offsets(%dma_start3A_497 : memref<80xi32, #tpu.memory_space<vmem>>) semaphore(%run_scoped3A : memref<!tpu.dma_semaphore, #tpu.memory_space<semaphore_mem>>) {add = true}
        %dma_wait3A_501 = arith.constant 480 : i32
        %dma_wait3A_502 = arith.constant 0 : i32
        %dma_wait3A_503 = tpu.memref_slice %arg8[%dma_wait3A_501, %dma_wait3A_502] : memref<2000x16xf32, #tpu.memory_space<vmem>> -> memref<80x16xf32, #tpu.memory_space<vmem>>
        %dma_wait3A_504 = arith.constant 0 : i32
        %dma_wait3A_505 = tpu.memref_slice %arg7[%add3A_44, %dma_wait3A_504] : memref<125x80xi32, #tpu.memory_space<vmem>> -> memref<1x80xi32, #tpu.memory_space<vmem>>
        %dma_wait3A_506 = tpu.memref_squeeze %dma_wait3A_505 : memref<1x80xi32, #tpu.memory_space<vmem>> -> memref<80xi32, #tpu.memory_space<vmem>>
        %dma_wait3A_507 = arith.constant 0 : i32
        %dma_wait3A_508 = arith.constant 0 : i32
        %dma_wait3A_509 = tpu.memref_slice %arg10[%dma_wait3A_507, %dma_wait3A_508] : memref<10000x16xf32, #tpu.memory_space<vmem_shared>> -> memref<10000x16xf32, #tpu.memory_space<vmem_shared>>
        tpu.wait_indirect_dma semaphore(%run_scoped3A : memref<!tpu.dma_semaphore, #tpu.memory_space<semaphore_mem>>) src(%dma_wait3A_503 : memref<80x16xf32, #tpu.memory_space<vmem>>) dst(%dma_wait3A_509 : memref<10000x16xf32, #tpu.memory_space<vmem_shared>>)
        tpu.yield
      }) : () -> ()
      %mul3A_45 = arith.constant 25 : i32
      %mul3A_46 = arith.muli %scan3A_11, %mul3A_45 : i32
      %add3A_47 = arith.constant 7 : i32
      %add3A_48 = arith.addi %mul3A_46, %add3A_47 : i32
      "tpu.region"() ({
        %run_scoped3A = tpu.sem_alloc : memref<!tpu.dma_semaphore, #tpu.memory_space<semaphore_mem>>
        %dma_start3A_492 = arith.constant 560 : i32
        %dma_start3A_493 = arith.constant 0 : i32
        %dma_start3A_494 = tpu.memref_slice %arg8[%dma_start3A_492, %dma_start3A_493] : memref<2000x16xf32, #tpu.memory_space<vmem>> -> memref<80x16xf32, #tpu.memory_space<vmem>>
        %dma_start3A_495 = arith.constant 0 : i32
        %dma_start3A_496 = tpu.memref_slice %arg7[%add3A_48, %dma_start3A_495] : memref<125x80xi32, #tpu.memory_space<vmem>> -> memref<1x80xi32, #tpu.memory_space<vmem>>
        %dma_start3A_497 = tpu.memref_squeeze %dma_start3A_496 : memref<1x80xi32, #tpu.memory_space<vmem>> -> memref<80xi32, #tpu.memory_space<vmem>>
        %dma_start3A_498 = arith.constant 0 : i32
        %dma_start3A_499 = arith.constant 0 : i32
        %dma_start3A_500 = tpu.memref_slice %arg10[%dma_start3A_498, %dma_start3A_499] : memref<10000x16xf32, #tpu.memory_space<vmem_shared>> -> memref<10000x16xf32, #tpu.memory_space<vmem_shared>>
        tpu.enqueue_indirect_dma source(%dma_start3A_494 : memref<80x16xf32, #tpu.memory_space<vmem>>) target(%dma_start3A_500 : memref<10000x16xf32, #tpu.memory_space<vmem_shared>>) offsets(%dma_start3A_497 : memref<80xi32, #tpu.memory_space<vmem>>) semaphore(%run_scoped3A : memref<!tpu.dma_semaphore, #tpu.memory_space<semaphore_mem>>) {add = true}
        %dma_wait3A_501 = arith.constant 560 : i32
        %dma_wait3A_502 = arith.constant 0 : i32
        %dma_wait3A_503 = tpu.memref_slice %arg8[%dma_wait3A_501, %dma_wait3A_502] : memref<2000x16xf32, #tpu.memory_space<vmem>> -> memref<80x16xf32, #tpu.memory_space<vmem>>
        %dma_wait3A_504 = arith.constant 0 : i32
        %dma_wait3A_505 = tpu.memref_slice %arg7[%add3A_48, %dma_wait3A_504] : memref<125x80xi32, #tpu.memory_space<vmem>> -> memref<1x80xi32, #tpu.memory_space<vmem>>
        %dma_wait3A_506 = tpu.memref_squeeze %dma_wait3A_505 : memref<1x80xi32, #tpu.memory_space<vmem>> -> memref<80xi32, #tpu.memory_space<vmem>>
        %dma_wait3A_507 = arith.constant 0 : i32
        %dma_wait3A_508 = arith.constant 0 : i32
        %dma_wait3A_509 = tpu.memref_slice %arg10[%dma_wait3A_507, %dma_wait3A_508] : memref<10000x16xf32, #tpu.memory_space<vmem_shared>> -> memref<10000x16xf32, #tpu.memory_space<vmem_shared>>
        tpu.wait_indirect_dma semaphore(%run_scoped3A : memref<!tpu.dma_semaphore, #tpu.memory_space<semaphore_mem>>) src(%dma_wait3A_503 : memref<80x16xf32, #tpu.memory_space<vmem>>) dst(%dma_wait3A_509 : memref<10000x16xf32, #tpu.memory_space<vmem_shared>>)
        tpu.yield
      }) : () -> ()
      %mul3A_49 = arith.constant 25 : i32
      %mul3A_50 = arith.muli %scan3A_11, %mul3A_49 : i32
      %add3A_51 = arith.constant 8 : i32
      %add3A_52 = arith.addi %mul3A_50, %add3A_51 : i32
      "tpu.region"() ({
        %run_scoped3A = tpu.sem_alloc : memref<!tpu.dma_semaphore, #tpu.memory_space<semaphore_mem>>
        %dma_start3A_492 = arith.constant 640 : i32
        %dma_start3A_493 = arith.constant 0 : i32
        %dma_start3A_494 = tpu.memref_slice %arg8[%dma_start3A_492, %dma_start3A_493] : memref<2000x16xf32, #tpu.memory_space<vmem>> -> memref<80x16xf32, #tpu.memory_space<vmem>>
        %dma_start3A_495 = arith.constant 0 : i32
        %dma_start3A_496 = tpu.memref_slice %arg7[%add3A_52, %dma_start3A_495] : memref<125x80xi32, #tpu.memory_space<vmem>> -> memref<1x80xi32, #tpu.memory_space<vmem>>
        %dma_start3A_497 = tpu.memref_squeeze %dma_start3A_496 : memref<1x80xi32, #tpu.memory_space<vmem>> -> memref<80xi32, #tpu.memory_space<vmem>>
        %dma_start3A_498 = arith.constant 0 : i32
        %dma_start3A_499 = arith.constant 0 : i32
        %dma_start3A_500 = tpu.memref_slice %arg10[%dma_start3A_498, %dma_start3A_499] : memref<10000x16xf32, #tpu.memory_space<vmem_shared>> -> memref<10000x16xf32, #tpu.memory_space<vmem_shared>>
        tpu.enqueue_indirect_dma source(%dma_start3A_494 : memref<80x16xf32, #tpu.memory_space<vmem>>) target(%dma_start3A_500 : memref<10000x16xf32, #tpu.memory_space<vmem_shared>>) offsets(%dma_start3A_497 : memref<80xi32, #tpu.memory_space<vmem>>) semaphore(%run_scoped3A : memref<!tpu.dma_semaphore, #tpu.memory_space<semaphore_mem>>) {add = true}
        %dma_wait3A_501 = arith.constant 640 : i32
        %dma_wait3A_502 = arith.constant 0 : i32
        %dma_wait3A_503 = tpu.memref_slice %arg8[%dma_wait3A_501, %dma_wait3A_502] : memref<2000x16xf32, #tpu.memory_space<vmem>> -> memref<80x16xf32, #tpu.memory_space<vmem>>
        %dma_wait3A_504 = arith.constant 0 : i32
        %dma_wait3A_505 = tpu.memref_slice %arg7[%add3A_52, %dma_wait3A_504] : memref<125x80xi32, #tpu.memory_space<vmem>> -> memref<1x80xi32, #tpu.memory_space<vmem>>
        %dma_wait3A_506 = tpu.memref_squeeze %dma_wait3A_505 : memref<1x80xi32, #tpu.memory_space<vmem>> -> memref<80xi32, #tpu.memory_space<vmem>>
        %dma_wait3A_507 = arith.constant 0 : i32
        %dma_wait3A_508 = arith.constant 0 : i32
        %dma_wait3A_509 = tpu.memref_slice %arg10[%dma_wait3A_507, %dma_wait3A_508] : memref<10000x16xf32, #tpu.memory_space<vmem_shared>> -> memref<10000x16xf32, #tpu.memory_space<vmem_shared>>
        tpu.wait_indirect_dma semaphore(%run_scoped3A : memref<!tpu.dma_semaphore, #tpu.memory_space<semaphore_mem>>) src(%dma_wait3A_503 : memref<80x16xf32, #tpu.memory_space<vmem>>) dst(%dma_wait3A_509 : memref<10000x16xf32, #tpu.memory_space<vmem_shared>>)
        tpu.yield
      }) : () -> ()
      %mul3A_53 = arith.constant 25 : i32
      %mul3A_54 = arith.muli %scan3A_11, %mul3A_53 : i32
      %add3A_55 = arith.constant 9 : i32
      %add3A_56 = arith.addi %mul3A_54, %add3A_55 : i32
      "tpu.region"() ({
        %run_scoped3A = tpu.sem_alloc : memref<!tpu.dma_semaphore, #tpu.memory_space<semaphore_mem>>
        %dma_start3A_492 = arith.constant 720 : i32
        %dma_start3A_493 = arith.constant 0 : i32
        %dma_start3A_494 = tpu.memref_slice %arg8[%dma_start3A_492, %dma_start3A_493] : memref<2000x16xf32, #tpu.memory_space<vmem>> -> memref<80x16xf32, #tpu.memory_space<vmem>>
        %dma_start3A_495 = arith.constant 0 : i32
        %dma_start3A_496 = tpu.memref_slice %arg7[%add3A_56, %dma_start3A_495] : memref<125x80xi32, #tpu.memory_space<vmem>> -> memref<1x80xi32, #tpu.memory_space<vmem>>
        %dma_start3A_497 = tpu.memref_squeeze %dma_start3A_496 : memref<1x80xi32, #tpu.memory_space<vmem>> -> memref<80xi32, #tpu.memory_space<vmem>>
        %dma_start3A_498 = arith.constant 0 : i32
        %dma_start3A_499 = arith.constant 0 : i32
        %dma_start3A_500 = tpu.memref_slice %arg10[%dma_start3A_498, %dma_start3A_499] : memref<10000x16xf32, #tpu.memory_space<vmem_shared>> -> memref<10000x16xf32, #tpu.memory_space<vmem_shared>>
        tpu.enqueue_indirect_dma source(%dma_start3A_494 : memref<80x16xf32, #tpu.memory_space<vmem>>) target(%dma_start3A_500 : memref<10000x16xf32, #tpu.memory_space<vmem_shared>>) offsets(%dma_start3A_497 : memref<80xi32, #tpu.memory_space<vmem>>) semaphore(%run_scoped3A : memref<!tpu.dma_semaphore, #tpu.memory_space<semaphore_mem>>) {add = true}
        %dma_wait3A_501 = arith.constant 720 : i32
        %dma_wait3A_502 = arith.constant 0 : i32
        %dma_wait3A_503 = tpu.memref_slice %arg8[%dma_wait3A_501, %dma_wait3A_502] : memref<2000x16xf32, #tpu.memory_space<vmem>> -> memref<80x16xf32, #tpu.memory_space<vmem>>
        %dma_wait3A_504 = arith.constant 0 : i32
        %dma_wait3A_505 = tpu.memref_slice %arg7[%add3A_56, %dma_wait3A_504] : memref<125x80xi32, #tpu.memory_space<vmem>> -> memref<1x80xi32, #tpu.memory_space<vmem>>
        %dma_wait3A_506 = tpu.memref_squeeze %dma_wait3A_505 : memref<1x80xi32, #tpu.memory_space<vmem>> -> memref<80xi32, #tpu.memory_space<vmem>>
        %dma_wait3A_507 = arith.constant 0 : i32
        %dma_wait3A_508 = arith.constant 0 : i32
        %dma_wait3A_509 = tpu.memref_slice %arg10[%dma_wait3A_507, %dma_wait3A_508] : memref<10000x16xf32, #tpu.memory_space<vmem_shared>> -> memref<10000x16xf32, #tpu.memory_space<vmem_shared>>
        tpu.wait_indirect_dma semaphore(%run_scoped3A : memref<!tpu.dma_semaphore, #tpu.memory_space<semaphore_mem>>) src(%dma_wait3A_503 : memref<80x16xf32, #tpu.memory_space<vmem>>) dst(%dma_wait3A_509 : memref<10000x16xf32, #tpu.memory_space<vmem_shared>>)
        tpu.yield
      }) : () -> ()
      %mul3A_57 = arith.constant 25 : i32
      %mul3A_58 = arith.muli %scan3A_11, %mul3A_57 : i32
      %add3A_59 = arith.constant 10 : i32
      %add3A_60 = arith.addi %mul3A_58, %add3A_59 : i32
      "tpu.region"() ({
        %run_scoped3A = tpu.sem_alloc : memref<!tpu.dma_semaphore, #tpu.memory_space<semaphore_mem>>
        %dma_start3A_492 = arith.constant 800 : i32
        %dma_start3A_493 = arith.constant 0 : i32
        %dma_start3A_494 = tpu.memref_slice %arg8[%dma_start3A_492, %dma_start3A_493] : memref<2000x16xf32, #tpu.memory_space<vmem>> -> memref<80x16xf32, #tpu.memory_space<vmem>>
        %dma_start3A_495 = arith.constant 0 : i32
        %dma_start3A_496 = tpu.memref_slice %arg7[%add3A_60, %dma_start3A_495] : memref<125x80xi32, #tpu.memory_space<vmem>> -> memref<1x80xi32, #tpu.memory_space<vmem>>
        %dma_start3A_497 = tpu.memref_squeeze %dma_start3A_496 : memref<1x80xi32, #tpu.memory_space<vmem>> -> memref<80xi32, #tpu.memory_space<vmem>>
        %dma_start3A_498 = arith.constant 0 : i32
        %dma_start3A_499 = arith.constant 0 : i32
        %dma_start3A_500 = tpu.memref_slice %arg10[%dma_start3A_498, %dma_start3A_499] : memref<10000x16xf32, #tpu.memory_space<vmem_shared>> -> memref<10000x16xf32, #tpu.memory_space<vmem_shared>>
        tpu.enqueue_indirect_dma source(%dma_start3A_494 : memref<80x16xf32, #tpu.memory_space<vmem>>) target(%dma_start3A_500 : memref<10000x16xf32, #tpu.memory_space<vmem_shared>>) offsets(%dma_start3A_497 : memref<80xi32, #tpu.memory_space<vmem>>) semaphore(%run_scoped3A : memref<!tpu.dma_semaphore, #tpu.memory_space<semaphore_mem>>) {add = true}
        %dma_wait3A_501 = arith.constant 800 : i32
        %dma_wait3A_502 = arith.constant 0 : i32
        %dma_wait3A_503 = tpu.memref_slice %arg8[%dma_wait3A_501, %dma_wait3A_502] : memref<2000x16xf32, #tpu.memory_space<vmem>> -> memref<80x16xf32, #tpu.memory_space<vmem>>
        %dma_wait3A_504 = arith.constant 0 : i32
        %dma_wait3A_505 = tpu.memref_slice %arg7[%add3A_60, %dma_wait3A_504] : memref<125x80xi32, #tpu.memory_space<vmem>> -> memref<1x80xi32, #tpu.memory_space<vmem>>
        %dma_wait3A_506 = tpu.memref_squeeze %dma_wait3A_505 : memref<1x80xi32, #tpu.memory_space<vmem>> -> memref<80xi32, #tpu.memory_space<vmem>>
        %dma_wait3A_507 = arith.constant 0 : i32
        %dma_wait3A_508 = arith.constant 0 : i32
        %dma_wait3A_509 = tpu.memref_slice %arg10[%dma_wait3A_507, %dma_wait3A_508] : memref<10000x16xf32, #tpu.memory_space<vmem_shared>> -> memref<10000x16xf32, #tpu.memory_space<vmem_shared>>
        tpu.wait_indirect_dma semaphore(%run_scoped3A : memref<!tpu.dma_semaphore, #tpu.memory_space<semaphore_mem>>) src(%dma_wait3A_503 : memref<80x16xf32, #tpu.memory_space<vmem>>) dst(%dma_wait3A_509 : memref<10000x16xf32, #tpu.memory_space<vmem_shared>>)
        tpu.yield
      }) : () -> ()
      %mul3A_61 = arith.constant 25 : i32
      %mul3A_62 = arith.muli %scan3A_11, %mul3A_61 : i32
      %add3A_63 = arith.constant 11 : i32
      %add3A_64 = arith.addi %mul3A_62, %add3A_63 : i32
      "tpu.region"() ({
        %run_scoped3A = tpu.sem_alloc : memref<!tpu.dma_semaphore, #tpu.memory_space<semaphore_mem>>
        %dma_start3A_492 = arith.constant 880 : i32
        %dma_start3A_493 = arith.constant 0 : i32
        %dma_start3A_494 = tpu.memref_slice %arg8[%dma_start3A_492, %dma_start3A_493] : memref<2000x16xf32, #tpu.memory_space<vmem>> -> memref<80x16xf32, #tpu.memory_space<vmem>>
        %dma_start3A_495 = arith.constant 0 : i32
        %dma_start3A_496 = tpu.memref_slice %arg7[%add3A_64, %dma_start3A_495] : memref<125x80xi32, #tpu.memory_space<vmem>> -> memref<1x80xi32, #tpu.memory_space<vmem>>
        %dma_start3A_497 = tpu.memref_squeeze %dma_start3A_496 : memref<1x80xi32, #tpu.memory_space<vmem>> -> memref<80xi32, #tpu.memory_space<vmem>>
        %dma_start3A_498 = arith.constant 0 : i32
        %dma_start3A_499 = arith.constant 0 : i32
        %dma_start3A_500 = tpu.memref_slice %arg10[%dma_start3A_498, %dma_start3A_499] : memref<10000x16xf32, #tpu.memory_space<vmem_shared>> -> memref<10000x16xf32, #tpu.memory_space<vmem_shared>>
        tpu.enqueue_indirect_dma source(%dma_start3A_494 : memref<80x16xf32, #tpu.memory_space<vmem>>) target(%dma_start3A_500 : memref<10000x16xf32, #tpu.memory_space<vmem_shared>>) offsets(%dma_start3A_497 : memref<80xi32, #tpu.memory_space<vmem>>) semaphore(%run_scoped3A : memref<!tpu.dma_semaphore, #tpu.memory_space<semaphore_mem>>) {add = true}
        %dma_wait3A_501 = arith.constant 880 : i32
        %dma_wait3A_502 = arith.constant 0 : i32
        %dma_wait3A_503 = tpu.memref_slice %arg8[%dma_wait3A_501, %dma_wait3A_502] : memref<2000x16xf32, #tpu.memory_space<vmem>> -> memref<80x16xf32, #tpu.memory_space<vmem>>
        %dma_wait3A_504 = arith.constant 0 : i32
        %dma_wait3A_505 = tpu.memref_slice %arg7[%add3A_64, %dma_wait3A_504] : memref<125x80xi32, #tpu.memory_space<vmem>> -> memref<1x80xi32, #tpu.memory_space<vmem>>
        %dma_wait3A_506 = tpu.memref_squeeze %dma_wait3A_505 : memref<1x80xi32, #tpu.memory_space<vmem>> -> memref<80xi32, #tpu.memory_space<vmem>>
        %dma_wait3A_507 = arith.constant 0 : i32
        %dma_wait3A_508 = arith.constant 0 : i32
        %dma_wait3A_509 = tpu.memref_slice %arg10[%dma_wait3A_507, %dma_wait3A_508] : memref<10000x16xf32, #tpu.memory_space<vmem_shared>> -> memref<10000x16xf32, #tpu.memory_space<vmem_shared>>
        tpu.wait_indirect_dma semaphore(%run_scoped3A : memref<!tpu.dma_semaphore, #tpu.memory_space<semaphore_mem>>) src(%dma_wait3A_503 : memref<80x16xf32, #tpu.memory_space<vmem>>) dst(%dma_wait3A_509 : memref<10000x16xf32, #tpu.memory_space<vmem_shared>>)
        tpu.yield
      }) : () -> ()
      %mul3A_65 = arith.constant 25 : i32
      %mul3A_66 = arith.muli %scan3A_11, %mul3A_65 : i32
      %add3A_67 = arith.constant 12 : i32
      %add3A_68 = arith.addi %mul3A_66, %add3A_67 : i32
      "tpu.region"() ({
        %run_scoped3A = tpu.sem_alloc : memref<!tpu.dma_semaphore, #tpu.memory_space<semaphore_mem>>
        %dma_start3A_492 = arith.constant 960 : i32
        %dma_start3A_493 = arith.constant 0 : i32
        %dma_start3A_494 = tpu.memref_slice %arg8[%dma_start3A_492, %dma_start3A_493] : memref<2000x16xf32, #tpu.memory_space<vmem>> -> memref<80x16xf32, #tpu.memory_space<vmem>>
        %dma_start3A_495 = arith.constant 0 : i32
        %dma_start3A_496 = tpu.memref_slice %arg7[%add3A_68, %dma_start3A_495] : memref<125x80xi32, #tpu.memory_space<vmem>> -> memref<1x80xi32, #tpu.memory_space<vmem>>
        %dma_start3A_497 = tpu.memref_squeeze %dma_start3A_496 : memref<1x80xi32, #tpu.memory_space<vmem>> -> memref<80xi32, #tpu.memory_space<vmem>>
        %dma_start3A_498 = arith.constant 0 : i32
        %dma_start3A_499 = arith.constant 0 : i32
        %dma_start3A_500 = tpu.memref_slice %arg10[%dma_start3A_498, %dma_start3A_499] : memref<10000x16xf32, #tpu.memory_space<vmem_shared>> -> memref<10000x16xf32, #tpu.memory_space<vmem_shared>>
        tpu.enqueue_indirect_dma source(%dma_start3A_494 : memref<80x16xf32, #tpu.memory_space<vmem>>) target(%dma_start3A_500 : memref<10000x16xf32, #tpu.memory_space<vmem_shared>>) offsets(%dma_start3A_497 : memref<80xi32, #tpu.memory_space<vmem>>) semaphore(%run_scoped3A : memref<!tpu.dma_semaphore, #tpu.memory_space<semaphore_mem>>) {add = true}
        %dma_wait3A_501 = arith.constant 960 : i32
        %dma_wait3A_502 = arith.constant 0 : i32
        %dma_wait3A_503 = tpu.memref_slice %arg8[%dma_wait3A_501, %dma_wait3A_502] : memref<2000x16xf32, #tpu.memory_space<vmem>> -> memref<80x16xf32, #tpu.memory_space<vmem>>
        %dma_wait3A_504 = arith.constant 0 : i32
        %dma_wait3A_505 = tpu.memref_slice %arg7[%add3A_68, %dma_wait3A_504] : memref<125x80xi32, #tpu.memory_space<vmem>> -> memref<1x80xi32, #tpu.memory_space<vmem>>
        %dma_wait3A_506 = tpu.memref_squeeze %dma_wait3A_505 : memref<1x80xi32, #tpu.memory_space<vmem>> -> memref<80xi32, #tpu.memory_space<vmem>>
        %dma_wait3A_507 = arith.constant 0 : i32
        %dma_wait3A_508 = arith.constant 0 : i32
        %dma_wait3A_509 = tpu.memref_slice %arg10[%dma_wait3A_507, %dma_wait3A_508] : memref<10000x16xf32, #tpu.memory_space<vmem_shared>> -> memref<10000x16xf32, #tpu.memory_space<vmem_shared>>
        tpu.wait_indirect_dma semaphore(%run_scoped3A : memref<!tpu.dma_semaphore, #tpu.memory_space<semaphore_mem>>) src(%dma_wait3A_503 : memref<80x16xf32, #tpu.memory_space<vmem>>) dst(%dma_wait3A_509 : memref<10000x16xf32, #tpu.memory_space<vmem_shared>>)
        tpu.yield
      }) : () -> ()
      %mul3A_69 = arith.constant 25 : i32
      %mul3A_70 = arith.muli %scan3A_11, %mul3A_69 : i32
      %add3A_71 = arith.constant 13 : i32
      %add3A_72 = arith.addi %mul3A_70, %add3A_71 : i32
      "tpu.region"() ({
        %run_scoped3A = tpu.sem_alloc : memref<!tpu.dma_semaphore, #tpu.memory_space<semaphore_mem>>
        %dma_start3A_492 = arith.constant 1040 : i32
        %dma_start3A_493 = arith.constant 0 : i32
        %dma_start3A_494 = tpu.memref_slice %arg8[%dma_start3A_492, %dma_start3A_493] : memref<2000x16xf32, #tpu.memory_space<vmem>> -> memref<80x16xf32, #tpu.memory_space<vmem>>
        %dma_start3A_495 = arith.constant 0 : i32
        %dma_start3A_496 = tpu.memref_slice %arg7[%add3A_72, %dma_start3A_495] : memref<125x80xi32, #tpu.memory_space<vmem>> -> memref<1x80xi32, #tpu.memory_space<vmem>>
        %dma_start3A_497 = tpu.memref_squeeze %dma_start3A_496 : memref<1x80xi32, #tpu.memory_space<vmem>> -> memref<80xi32, #tpu.memory_space<vmem>>
        %dma_start3A_498 = arith.constant 0 : i32
        %dma_start3A_499 = arith.constant 0 : i32
        %dma_start3A_500 = tpu.memref_slice %arg10[%dma_start3A_498, %dma_start3A_499] : memref<10000x16xf32, #tpu.memory_space<vmem_shared>> -> memref<10000x16xf32, #tpu.memory_space<vmem_shared>>
        tpu.enqueue_indirect_dma source(%dma_start3A_494 : memref<80x16xf32, #tpu.memory_space<vmem>>) target(%dma_start3A_500 : memref<10000x16xf32, #tpu.memory_space<vmem_shared>>) offsets(%dma_start3A_497 : memref<80xi32, #tpu.memory_space<vmem>>) semaphore(%run_scoped3A : memref<!tpu.dma_semaphore, #tpu.memory_space<semaphore_mem>>) {add = true}
        %dma_wait3A_501 = arith.constant 1040 : i32
        %dma_wait3A_502 = arith.constant 0 : i32
        %dma_wait3A_503 = tpu.memref_slice %arg8[%dma_wait3A_501, %dma_wait3A_502] : memref<2000x16xf32, #tpu.memory_space<vmem>> -> memref<80x16xf32, #tpu.memory_space<vmem>>
        %dma_wait3A_504 = arith.constant 0 : i32
        %dma_wait3A_505 = tpu.memref_slice %arg7[%add3A_72, %dma_wait3A_504] : memref<125x80xi32, #tpu.memory_space<vmem>> -> memref<1x80xi32, #tpu.memory_space<vmem>>
        %dma_wait3A_506 = tpu.memref_squeeze %dma_wait3A_505 : memref<1x80xi32, #tpu.memory_space<vmem>> -> memref<80xi32, #tpu.memory_space<vmem>>
        %dma_wait3A_507 = arith.constant 0 : i32
        %dma_wait3A_508 = arith.constant 0 : i32
        %dma_wait3A_509 = tpu.memref_slice %arg10[%dma_wait3A_507, %dma_wait3A_508] : memref<10000x16xf32, #tpu.memory_space<vmem_shared>> -> memref<10000x16xf32, #tpu.memory_space<vmem_shared>>
        tpu.wait_indirect_dma semaphore(%run_scoped3A : memref<!tpu.dma_semaphore, #tpu.memory_space<semaphore_mem>>) src(%dma_wait3A_503 : memref<80x16xf32, #tpu.memory_space<vmem>>) dst(%dma_wait3A_509 : memref<10000x16xf32, #tpu.memory_space<vmem_shared>>)
        tpu.yield
      }) : () -> ()
      %mul3A_73 = arith.constant 25 : i32
      %mul3A_74 = arith.muli %scan3A_11, %mul3A_73 : i32
      %add3A_75 = arith.constant 14 : i32
      %add3A_76 = arith.addi %mul3A_74, %add3A_75 : i32
      "tpu.region"() ({
        %run_scoped3A = tpu.sem_alloc : memref<!tpu.dma_semaphore, #tpu.memory_space<semaphore_mem>>
        %dma_start3A_492 = arith.constant 1120 : i32
        %dma_start3A_493 = arith.constant 0 : i32
        %dma_start3A_494 = tpu.memref_slice %arg8[%dma_start3A_492, %dma_start3A_493] : memref<2000x16xf32, #tpu.memory_space<vmem>> -> memref<80x16xf32, #tpu.memory_space<vmem>>
        %dma_start3A_495 = arith.constant 0 : i32
        %dma_start3A_496 = tpu.memref_slice %arg7[%add3A_76, %dma_start3A_495] : memref<125x80xi32, #tpu.memory_space<vmem>> -> memref<1x80xi32, #tpu.memory_space<vmem>>
        %dma_start3A_497 = tpu.memref_squeeze %dma_start3A_496 : memref<1x80xi32, #tpu.memory_space<vmem>> -> memref<80xi32, #tpu.memory_space<vmem>>
        %dma_start3A_498 = arith.constant 0 : i32
        %dma_start3A_499 = arith.constant 0 : i32
        %dma_start3A_500 = tpu.memref_slice %arg10[%dma_start3A_498, %dma_start3A_499] : memref<10000x16xf32, #tpu.memory_space<vmem_shared>> -> memref<10000x16xf32, #tpu.memory_space<vmem_shared>>
        tpu.enqueue_indirect_dma source(%dma_start3A_494 : memref<80x16xf32, #tpu.memory_space<vmem>>) target(%dma_start3A_500 : memref<10000x16xf32, #tpu.memory_space<vmem_shared>>) offsets(%dma_start3A_497 : memref<80xi32, #tpu.memory_space<vmem>>) semaphore(%run_scoped3A : memref<!tpu.dma_semaphore, #tpu.memory_space<semaphore_mem>>) {add = true}
        %dma_wait3A_501 = arith.constant 1120 : i32
        %dma_wait3A_502 = arith.constant 0 : i32
        %dma_wait3A_503 = tpu.memref_slice %arg8[%dma_wait3A_501, %dma_wait3A_502] : memref<2000x16xf32, #tpu.memory_space<vmem>> -> memref<80x16xf32, #tpu.memory_space<vmem>>
        %dma_wait3A_504 = arith.constant 0 : i32
        %dma_wait3A_505 = tpu.memref_slice %arg7[%add3A_76, %dma_wait3A_504] : memref<125x80xi32, #tpu.memory_space<vmem>> -> memref<1x80xi32, #tpu.memory_space<vmem>>
        %dma_wait3A_506 = tpu.memref_squeeze %dma_wait3A_505 : memref<1x80xi32, #tpu.memory_space<vmem>> -> memref<80xi32, #tpu.memory_space<vmem>>
        %dma_wait3A_507 = arith.constant 0 : i32
        %dma_wait3A_508 = arith.constant 0 : i32
        %dma_wait3A_509 = tpu.memref_slice %arg10[%dma_wait3A_507, %dma_wait3A_508] : memref<10000x16xf32, #tpu.memory_space<vmem_shared>> -> memref<10000x16xf32, #tpu.memory_space<vmem_shared>>
        tpu.wait_indirect_dma semaphore(%run_scoped3A : memref<!tpu.dma_semaphore, #tpu.memory_space<semaphore_mem>>) src(%dma_wait3A_503 : memref<80x16xf32, #tpu.memory_space<vmem>>) dst(%dma_wait3A_509 : memref<10000x16xf32, #tpu.memory_space<vmem_shared>>)
        tpu.yield
      }) : () -> ()
      %mul3A_77 = arith.constant 25 : i32
      %mul3A_78 = arith.muli %scan3A_11, %mul3A_77 : i32
      %add3A_79 = arith.constant 15 : i32
      %add3A_80 = arith.addi %mul3A_78, %add3A_79 : i32
      "tpu.region"() ({
        %run_scoped3A = tpu.sem_alloc : memref<!tpu.dma_semaphore, #tpu.memory_space<semaphore_mem>>
        %dma_start3A_492 = arith.constant 1200 : i32
        %dma_start3A_493 = arith.constant 0 : i32
        %dma_start3A_494 = tpu.memref_slice %arg8[%dma_start3A_492, %dma_start3A_493] : memref<2000x16xf32, #tpu.memory_space<vmem>> -> memref<80x16xf32, #tpu.memory_space<vmem>>
        %dma_start3A_495 = arith.constant 0 : i32
        %dma_start3A_496 = tpu.memref_slice %arg7[%add3A_80, %dma_start3A_495] : memref<125x80xi32, #tpu.memory_space<vmem>> -> memref<1x80xi32, #tpu.memory_space<vmem>>
        %dma_start3A_497 = tpu.memref_squeeze %dma_start3A_496 : memref<1x80xi32, #tpu.memory_space<vmem>> -> memref<80xi32, #tpu.memory_space<vmem>>
        %dma_start3A_498 = arith.constant 0 : i32
        %dma_start3A_499 = arith.constant 0 : i32
        %dma_start3A_500 = tpu.memref_slice %arg10[%dma_start3A_498, %dma_start3A_499] : memref<10000x16xf32, #tpu.memory_space<vmem_shared>> -> memref<10000x16xf32, #tpu.memory_space<vmem_shared>>
        tpu.enqueue_indirect_dma source(%dma_start3A_494 : memref<80x16xf32, #tpu.memory_space<vmem>>) target(%dma_start3A_500 : memref<10000x16xf32, #tpu.memory_space<vmem_shared>>) offsets(%dma_start3A_497 : memref<80xi32, #tpu.memory_space<vmem>>) semaphore(%run_scoped3A : memref<!tpu.dma_semaphore, #tpu.memory_space<semaphore_mem>>) {add = true}
        %dma_wait3A_501 = arith.constant 1200 : i32
        %dma_wait3A_502 = arith.constant 0 : i32
        %dma_wait3A_503 = tpu.memref_slice %arg8[%dma_wait3A_501, %dma_wait3A_502] : memref<2000x16xf32, #tpu.memory_space<vmem>> -> memref<80x16xf32, #tpu.memory_space<vmem>>
        %dma_wait3A_504 = arith.constant 0 : i32
        %dma_wait3A_505 = tpu.memref_slice %arg7[%add3A_80, %dma_wait3A_504] : memref<125x80xi32, #tpu.memory_space<vmem>> -> memref<1x80xi32, #tpu.memory_space<vmem>>
        %dma_wait3A_506 = tpu.memref_squeeze %dma_wait3A_505 : memref<1x80xi32, #tpu.memory_space<vmem>> -> memref<80xi32, #tpu.memory_space<vmem>>
        %dma_wait3A_507 = arith.constant 0 : i32
        %dma_wait3A_508 = arith.constant 0 : i32
        %dma_wait3A_509 = tpu.memref_slice %arg10[%dma_wait3A_507, %dma_wait3A_508] : memref<10000x16xf32, #tpu.memory_space<vmem_shared>> -> memref<10000x16xf32, #tpu.memory_space<vmem_shared>>
        tpu.wait_indirect_dma semaphore(%run_scoped3A : memref<!tpu.dma_semaphore, #tpu.memory_space<semaphore_mem>>) src(%dma_wait3A_503 : memref<80x16xf32, #tpu.memory_space<vmem>>) dst(%dma_wait3A_509 : memref<10000x16xf32, #tpu.memory_space<vmem_shared>>)
        tpu.yield
      }) : () -> ()
      %mul3A_81 = arith.constant 25 : i32
      %mul3A_82 = arith.muli %scan3A_11, %mul3A_81 : i32
      %add3A_83 = arith.constant 16 : i32
      %add3A_84 = arith.addi %mul3A_82, %add3A_83 : i32
      "tpu.region"() ({
        %run_scoped3A = tpu.sem_alloc : memref<!tpu.dma_semaphore, #tpu.memory_space<semaphore_mem>>
        %dma_start3A_492 = arith.constant 1280 : i32
        %dma_start3A_493 = arith.constant 0 : i32
        %dma_start3A_494 = tpu.memref_slice %arg8[%dma_start3A_492, %dma_start3A_493] : memref<2000x16xf32, #tpu.memory_space<vmem>> -> memref<80x16xf32, #tpu.memory_space<vmem>>
        %dma_start3A_495 = arith.constant 0 : i32
        %dma_start3A_496 = tpu.memref_slice %arg7[%add3A_84, %dma_start3A_495] : memref<125x80xi32, #tpu.memory_space<vmem>> -> memref<1x80xi32, #tpu.memory_space<vmem>>
        %dma_start3A_497 = tpu.memref_squeeze %dma_start3A_496 : memref<1x80xi32, #tpu.memory_space<vmem>> -> memref<80xi32, #tpu.memory_space<vmem>>
        %dma_start3A_498 = arith.constant 0 : i32
        %dma_start3A_499 = arith.constant 0 : i32
        %dma_start3A_500 = tpu.memref_slice %arg10[%dma_start3A_498, %dma_start3A_499] : memref<10000x16xf32, #tpu.memory_space<vmem_shared>> -> memref<10000x16xf32, #tpu.memory_space<vmem_shared>>
        tpu.enqueue_indirect_dma source(%dma_start3A_494 : memref<80x16xf32, #tpu.memory_space<vmem>>) target(%dma_start3A_500 : memref<10000x16xf32, #tpu.memory_space<vmem_shared>>) offsets(%dma_start3A_497 : memref<80xi32, #tpu.memory_space<vmem>>) semaphore(%run_scoped3A : memref<!tpu.dma_semaphore, #tpu.memory_space<semaphore_mem>>) {add = true}
        %dma_wait3A_501 = arith.constant 1280 : i32
        %dma_wait3A_502 = arith.constant 0 : i32
        %dma_wait3A_503 = tpu.memref_slice %arg8[%dma_wait3A_501, %dma_wait3A_502] : memref<2000x16xf32, #tpu.memory_space<vmem>> -> memref<80x16xf32, #tpu.memory_space<vmem>>
        %dma_wait3A_504 = arith.constant 0 : i32
        %dma_wait3A_505 = tpu.memref_slice %arg7[%add3A_84, %dma_wait3A_504] : memref<125x80xi32, #tpu.memory_space<vmem>> -> memref<1x80xi32, #tpu.memory_space<vmem>>
        %dma_wait3A_506 = tpu.memref_squeeze %dma_wait3A_505 : memref<1x80xi32, #tpu.memory_space<vmem>> -> memref<80xi32, #tpu.memory_space<vmem>>
        %dma_wait3A_507 = arith.constant 0 : i32
        %dma_wait3A_508 = arith.constant 0 : i32
        %dma_wait3A_509 = tpu.memref_slice %arg10[%dma_wait3A_507, %dma_wait3A_508] : memref<10000x16xf32, #tpu.memory_space<vmem_shared>> -> memref<10000x16xf32, #tpu.memory_space<vmem_shared>>
        tpu.wait_indirect_dma semaphore(%run_scoped3A : memref<!tpu.dma_semaphore, #tpu.memory_space<semaphore_mem>>) src(%dma_wait3A_503 : memref<80x16xf32, #tpu.memory_space<vmem>>) dst(%dma_wait3A_509 : memref<10000x16xf32, #tpu.memory_space<vmem_shared>>)
        tpu.yield
      }) : () -> ()
      %mul3A_85 = arith.constant 25 : i32
      %mul3A_86 = arith.muli %scan3A_11, %mul3A_85 : i32
      %add3A_87 = arith.constant 17 : i32
      %add3A_88 = arith.addi %mul3A_86, %add3A_87 : i32
      "tpu.region"() ({
        %run_scoped3A = tpu.sem_alloc : memref<!tpu.dma_semaphore, #tpu.memory_space<semaphore_mem>>
        %dma_start3A_492 = arith.constant 1360 : i32
        %dma_start3A_493 = arith.constant 0 : i32
        %dma_start3A_494 = tpu.memref_slice %arg8[%dma_start3A_492, %dma_start3A_493] : memref<2000x16xf32, #tpu.memory_space<vmem>> -> memref<80x16xf32, #tpu.memory_space<vmem>>
        %dma_start3A_495 = arith.constant 0 : i32
        %dma_start3A_496 = tpu.memref_slice %arg7[%add3A_88, %dma_start3A_495] : memref<125x80xi32, #tpu.memory_space<vmem>> -> memref<1x80xi32, #tpu.memory_space<vmem>>
        %dma_start3A_497 = tpu.memref_squeeze %dma_start3A_496 : memref<1x80xi32, #tpu.memory_space<vmem>> -> memref<80xi32, #tpu.memory_space<vmem>>
        %dma_start3A_498 = arith.constant 0 : i32
        %dma_start3A_499 = arith.constant 0 : i32
        %dma_start3A_500 = tpu.memref_slice %arg10[%dma_start3A_498, %dma_start3A_499] : memref<10000x16xf32, #tpu.memory_space<vmem_shared>> -> memref<10000x16xf32, #tpu.memory_space<vmem_shared>>
        tpu.enqueue_indirect_dma source(%dma_start3A_494 : memref<80x16xf32, #tpu.memory_space<vmem>>) target(%dma_start3A_500 : memref<10000x16xf32, #tpu.memory_space<vmem_shared>>) offsets(%dma_start3A_497 : memref<80xi32, #tpu.memory_space<vmem>>) semaphore(%run_scoped3A : memref<!tpu.dma_semaphore, #tpu.memory_space<semaphore_mem>>) {add = true}
        %dma_wait3A_501 = arith.constant 1360 : i32
        %dma_wait3A_502 = arith.constant 0 : i32
        %dma_wait3A_503 = tpu.memref_slice %arg8[%dma_wait3A_501, %dma_wait3A_502] : memref<2000x16xf32, #tpu.memory_space<vmem>> -> memref<80x16xf32, #tpu.memory_space<vmem>>
        %dma_wait3A_504 = arith.constant 0 : i32
        %dma_wait3A_505 = tpu.memref_slice %arg7[%add3A_88, %dma_wait3A_504] : memref<125x80xi32, #tpu.memory_space<vmem>> -> memref<1x80xi32, #tpu.memory_space<vmem>>
        %dma_wait3A_506 = tpu.memref_squeeze %dma_wait3A_505 : memref<1x80xi32, #tpu.memory_space<vmem>> -> memref<80xi32, #tpu.memory_space<vmem>>
        %dma_wait3A_507 = arith.constant 0 : i32
        %dma_wait3A_508 = arith.constant 0 : i32
        %dma_wait3A_509 = tpu.memref_slice %arg10[%dma_wait3A_507, %dma_wait3A_508] : memref<10000x16xf32, #tpu.memory_space<vmem_shared>> -> memref<10000x16xf32, #tpu.memory_space<vmem_shared>>
        tpu.wait_indirect_dma semaphore(%run_scoped3A : memref<!tpu.dma_semaphore, #tpu.memory_space<semaphore_mem>>) src(%dma_wait3A_503 : memref<80x16xf32, #tpu.memory_space<vmem>>) dst(%dma_wait3A_509 : memref<10000x16xf32, #tpu.memory_space<vmem_shared>>)
        tpu.yield
      }) : () -> ()
      %mul3A_89 = arith.constant 25 : i32
      %mul3A_90 = arith.muli %scan3A_11, %mul3A_89 : i32
      %add3A_91 = arith.constant 18 : i32
      %add3A_92 = arith.addi %mul3A_90, %add3A_91 : i32
      "tpu.region"() ({
        %run_scoped3A = tpu.sem_alloc : memref<!tpu.dma_semaphore, #tpu.memory_space<semaphore_mem>>
        %dma_start3A_492 = arith.constant 1440 : i32
        %dma_start3A_493 = arith.constant 0 : i32
        %dma_start3A_494 = tpu.memref_slice %arg8[%dma_start3A_492, %dma_start3A_493] : memref<2000x16xf32, #tpu.memory_space<vmem>> -> memref<80x16xf32, #tpu.memory_space<vmem>>
        %dma_start3A_495 = arith.constant 0 : i32
        %dma_start3A_496 = tpu.memref_slice %arg7[%add3A_92, %dma_start3A_495] : memref<125x80xi32, #tpu.memory_space<vmem>> -> memref<1x80xi32, #tpu.memory_space<vmem>>
        %dma_start3A_497 = tpu.memref_squeeze %dma_start3A_496 : memref<1x80xi32, #tpu.memory_space<vmem>> -> memref<80xi32, #tpu.memory_space<vmem>>
        %dma_start3A_498 = arith.constant 0 : i32
        %dma_start3A_499 = arith.constant 0 : i32
        %dma_start3A_500 = tpu.memref_slice %arg10[%dma_start3A_498, %dma_start3A_499] : memref<10000x16xf32, #tpu.memory_space<vmem_shared>> -> memref<10000x16xf32, #tpu.memory_space<vmem_shared>>
        tpu.enqueue_indirect_dma source(%dma_start3A_494 : memref<80x16xf32, #tpu.memory_space<vmem>>) target(%dma_start3A_500 : memref<10000x16xf32, #tpu.memory_space<vmem_shared>>) offsets(%dma_start3A_497 : memref<80xi32, #tpu.memory_space<vmem>>) semaphore(%run_scoped3A : memref<!tpu.dma_semaphore, #tpu.memory_space<semaphore_mem>>) {add = true}
        %dma_wait3A_501 = arith.constant 1440 : i32
        %dma_wait3A_502 = arith.constant 0 : i32
        %dma_wait3A_503 = tpu.memref_slice %arg8[%dma_wait3A_501, %dma_wait3A_502] : memref<2000x16xf32, #tpu.memory_space<vmem>> -> memref<80x16xf32, #tpu.memory_space<vmem>>
        %dma_wait3A_504 = arith.constant 0 : i32
        %dma_wait3A_505 = tpu.memref_slice %arg7[%add3A_92, %dma_wait3A_504] : memref<125x80xi32, #tpu.memory_space<vmem>> -> memref<1x80xi32, #tpu.memory_space<vmem>>
        %dma_wait3A_506 = tpu.memref_squeeze %dma_wait3A_505 : memref<1x80xi32, #tpu.memory_space<vmem>> -> memref<80xi32, #tpu.memory_space<vmem>>
        %dma_wait3A_507 = arith.constant 0 : i32
        %dma_wait3A_508 = arith.constant 0 : i32
        %dma_wait3A_509 = tpu.memref_slice %arg10[%dma_wait3A_507, %dma_wait3A_508] : memref<10000x16xf32, #tpu.memory_space<vmem_shared>> -> memref<10000x16xf32, #tpu.memory_space<vmem_shared>>
        tpu.wait_indirect_dma semaphore(%run_scoped3A : memref<!tpu.dma_semaphore, #tpu.memory_space<semaphore_mem>>) src(%dma_wait3A_503 : memref<80x16xf32, #tpu.memory_space<vmem>>) dst(%dma_wait3A_509 : memref<10000x16xf32, #tpu.memory_space<vmem_shared>>)
        tpu.yield
      }) : () -> ()
      %mul3A_93 = arith.constant 25 : i32
      %mul3A_94 = arith.muli %scan3A_11, %mul3A_93 : i32
      %add3A_95 = arith.constant 19 : i32
      %add3A_96 = arith.addi %mul3A_94, %add3A_95 : i32
      "tpu.region"() ({
        %run_scoped3A = tpu.sem_alloc : memref<!tpu.dma_semaphore, #tpu.memory_space<semaphore_mem>>
        %dma_start3A_492 = arith.constant 1520 : i32
        %dma_start3A_493 = arith.constant 0 : i32
        %dma_start3A_494 = tpu.memref_slice %arg8[%dma_start3A_492, %dma_start3A_493] : memref<2000x16xf32, #tpu.memory_space<vmem>> -> memref<80x16xf32, #tpu.memory_space<vmem>>
        %dma_start3A_495 = arith.constant 0 : i32
        %dma_start3A_496 = tpu.memref_slice %arg7[%add3A_96, %dma_start3A_495] : memref<125x80xi32, #tpu.memory_space<vmem>> -> memref<1x80xi32, #tpu.memory_space<vmem>>
        %dma_start3A_497 = tpu.memref_squeeze %dma_start3A_496 : memref<1x80xi32, #tpu.memory_space<vmem>> -> memref<80xi32, #tpu.memory_space<vmem>>
        %dma_start3A_498 = arith.constant 0 : i32
        %dma_start3A_499 = arith.constant 0 : i32
        %dma_start3A_500 = tpu.memref_slice %arg10[%dma_start3A_498, %dma_start3A_499] : memref<10000x16xf32, #tpu.memory_space<vmem_shared>> -> memref<10000x16xf32, #tpu.memory_space<vmem_shared>>
        tpu.enqueue_indirect_dma source(%dma_start3A_494 : memref<80x16xf32, #tpu.memory_space<vmem>>) target(%dma_start3A_500 : memref<10000x16xf32, #tpu.memory_space<vmem_shared>>) offsets(%dma_start3A_497 : memref<80xi32, #tpu.memory_space<vmem>>) semaphore(%run_scoped3A : memref<!tpu.dma_semaphore, #tpu.memory_space<semaphore_mem>>) {add = true}
        %dma_wait3A_501 = arith.constant 1520 : i32
        %dma_wait3A_502 = arith.constant 0 : i32
        %dma_wait3A_503 = tpu.memref_slice %arg8[%dma_wait3A_501, %dma_wait3A_502] : memref<2000x16xf32, #tpu.memory_space<vmem>> -> memref<80x16xf32, #tpu.memory_space<vmem>>
        %dma_wait3A_504 = arith.constant 0 : i32
        %dma_wait3A_505 = tpu.memref_slice %arg7[%add3A_96, %dma_wait3A_504] : memref<125x80xi32, #tpu.memory_space<vmem>> -> memref<1x80xi32, #tpu.memory_space<vmem>>
        %dma_wait3A_506 = tpu.memref_squeeze %dma_wait3A_505 : memref<1x80xi32, #tpu.memory_space<vmem>> -> memref<80xi32, #tpu.memory_space<vmem>>
        %dma_wait3A_507 = arith.constant 0 : i32
        %dma_wait3A_508 = arith.constant 0 : i32
        %dma_wait3A_509 = tpu.memref_slice %arg10[%dma_wait3A_507, %dma_wait3A_508] : memref<10000x16xf32, #tpu.memory_space<vmem_shared>> -> memref<10000x16xf32, #tpu.memory_space<vmem_shared>>
        tpu.wait_indirect_dma semaphore(%run_scoped3A : memref<!tpu.dma_semaphore, #tpu.memory_space<semaphore_mem>>) src(%dma_wait3A_503 : memref<80x16xf32, #tpu.memory_space<vmem>>) dst(%dma_wait3A_509 : memref<10000x16xf32, #tpu.memory_space<vmem_shared>>)
        tpu.yield
      }) : () -> ()
      %mul3A_97 = arith.constant 25 : i32
      %mul3A_98 = arith.muli %scan3A_11, %mul3A_97 : i32
      %add3A_99 = arith.constant 20 : i32
      %add3A_100 = arith.addi %mul3A_98, %add3A_99 : i32
      "tpu.region"() ({
        %run_scoped3A = tpu.sem_alloc : memref<!tpu.dma_semaphore, #tpu.memory_space<semaphore_mem>>
        %dma_start3A_492 = arith.constant 1600 : i32
        %dma_start3A_493 = arith.constant 0 : i32
        %dma_start3A_494 = tpu.memref_slice %arg8[%dma_start3A_492, %dma_start3A_493] : memref<2000x16xf32, #tpu.memory_space<vmem>> -> memref<80x16xf32, #tpu.memory_space<vmem>>
        %dma_start3A_495 = arith.constant 0 : i32
        %dma_start3A_496 = tpu.memref_slice %arg7[%add3A_100, %dma_start3A_495] : memref<125x80xi32, #tpu.memory_space<vmem>> -> memref<1x80xi32, #tpu.memory_space<vmem>>
        %dma_start3A_497 = tpu.memref_squeeze %dma_start3A_496 : memref<1x80xi32, #tpu.memory_space<vmem>> -> memref<80xi32, #tpu.memory_space<vmem>>
        %dma_start3A_498 = arith.constant 0 : i32
        %dma_start3A_499 = arith.constant 0 : i32
        %dma_start3A_500 = tpu.memref_slice %arg10[%dma_start3A_498, %dma_start3A_499] : memref<10000x16xf32, #tpu.memory_space<vmem_shared>> -> memref<10000x16xf32, #tpu.memory_space<vmem_shared>>
        tpu.enqueue_indirect_dma source(%dma_start3A_494 : memref<80x16xf32, #tpu.memory_space<vmem>>) target(%dma_start3A_500 : memref<10000x16xf32, #tpu.memory_space<vmem_shared>>) offsets(%dma_start3A_497 : memref<80xi32, #tpu.memory_space<vmem>>) semaphore(%run_scoped3A : memref<!tpu.dma_semaphore, #tpu.memory_space<semaphore_mem>>) {add = true}
        %dma_wait3A_501 = arith.constant 1600 : i32
        %dma_wait3A_502 = arith.constant 0 : i32
        %dma_wait3A_503 = tpu.memref_slice %arg8[%dma_wait3A_501, %dma_wait3A_502] : memref<2000x16xf32, #tpu.memory_space<vmem>> -> memref<80x16xf32, #tpu.memory_space<vmem>>
        %dma_wait3A_504 = arith.constant 0 : i32
        %dma_wait3A_505 = tpu.memref_slice %arg7[%add3A_100, %dma_wait3A_504] : memref<125x80xi32, #tpu.memory_space<vmem>> -> memref<1x80xi32, #tpu.memory_space<vmem>>
        %dma_wait3A_506 = tpu.memref_squeeze %dma_wait3A_505 : memref<1x80xi32, #tpu.memory_space<vmem>> -> memref<80xi32, #tpu.memory_space<vmem>>
        %dma_wait3A_507 = arith.constant 0 : i32
        %dma_wait3A_508 = arith.constant 0 : i32
        %dma_wait3A_509 = tpu.memref_slice %arg10[%dma_wait3A_507, %dma_wait3A_508] : memref<10000x16xf32, #tpu.memory_space<vmem_shared>> -> memref<10000x16xf32, #tpu.memory_space<vmem_shared>>
        tpu.wait_indirect_dma semaphore(%run_scoped3A : memref<!tpu.dma_semaphore, #tpu.memory_space<semaphore_mem>>) src(%dma_wait3A_503 : memref<80x16xf32, #tpu.memory_space<vmem>>) dst(%dma_wait3A_509 : memref<10000x16xf32, #tpu.memory_space<vmem_shared>>)
        tpu.yield
      }) : () -> ()
      %mul3A_101 = arith.constant 25 : i32
      %mul3A_102 = arith.muli %scan3A_11, %mul3A_101 : i32
      %add3A_103 = arith.constant 21 : i32
      %add3A_104 = arith.addi %mul3A_102, %add3A_103 : i32
      "tpu.region"() ({
        %run_scoped3A = tpu.sem_alloc : memref<!tpu.dma_semaphore, #tpu.memory_space<semaphore_mem>>
        %dma_start3A_492 = arith.constant 1680 : i32
        %dma_start3A_493 = arith.constant 0 : i32
        %dma_start3A_494 = tpu.memref_slice %arg8[%dma_start3A_492, %dma_start3A_493] : memref<2000x16xf32, #tpu.memory_space<vmem>> -> memref<80x16xf32, #tpu.memory_space<vmem>>
        %dma_start3A_495 = arith.constant 0 : i32
        %dma_start3A_496 = tpu.memref_slice %arg7[%add3A_104, %dma_start3A_495] : memref<125x80xi32, #tpu.memory_space<vmem>> -> memref<1x80xi32, #tpu.memory_space<vmem>>
        %dma_start3A_497 = tpu.memref_squeeze %dma_start3A_496 : memref<1x80xi32, #tpu.memory_space<vmem>> -> memref<80xi32, #tpu.memory_space<vmem>>
        %dma_start3A_498 = arith.constant 0 : i32
        %dma_start3A_499 = arith.constant 0 : i32
        %dma_start3A_500 = tpu.memref_slice %arg10[%dma_start3A_498, %dma_start3A_499] : memref<10000x16xf32, #tpu.memory_space<vmem_shared>> -> memref<10000x16xf32, #tpu.memory_space<vmem_shared>>
        tpu.enqueue_indirect_dma source(%dma_start3A_494 : memref<80x16xf32, #tpu.memory_space<vmem>>) target(%dma_start3A_500 : memref<10000x16xf32, #tpu.memory_space<vmem_shared>>) offsets(%dma_start3A_497 : memref<80xi32, #tpu.memory_space<vmem>>) semaphore(%run_scoped3A : memref<!tpu.dma_semaphore, #tpu.memory_space<semaphore_mem>>) {add = true}
        %dma_wait3A_501 = arith.constant 1680 : i32
        %dma_wait3A_502 = arith.constant 0 : i32
        %dma_wait3A_503 = tpu.memref_slice %arg8[%dma_wait3A_501, %dma_wait3A_502] : memref<2000x16xf32, #tpu.memory_space<vmem>> -> memref<80x16xf32, #tpu.memory_space<vmem>>
        %dma_wait3A_504 = arith.constant 0 : i32
        %dma_wait3A_505 = tpu.memref_slice %arg7[%add3A_104, %dma_wait3A_504] : memref<125x80xi32, #tpu.memory_space<vmem>> -> memref<1x80xi32, #tpu.memory_space<vmem>>
        %dma_wait3A_506 = tpu.memref_squeeze %dma_wait3A_505 : memref<1x80xi32, #tpu.memory_space<vmem>> -> memref<80xi32, #tpu.memory_space<vmem>>
        %dma_wait3A_507 = arith.constant 0 : i32
        %dma_wait3A_508 = arith.constant 0 : i32
        %dma_wait3A_509 = tpu.memref_slice %arg10[%dma_wait3A_507, %dma_wait3A_508] : memref<10000x16xf32, #tpu.memory_space<vmem_shared>> -> memref<10000x16xf32, #tpu.memory_space<vmem_shared>>
        tpu.wait_indirect_dma semaphore(%run_scoped3A : memref<!tpu.dma_semaphore, #tpu.memory_space<semaphore_mem>>) src(%dma_wait3A_503 : memref<80x16xf32, #tpu.memory_space<vmem>>) dst(%dma_wait3A_509 : memref<10000x16xf32, #tpu.memory_space<vmem_shared>>)
        tpu.yield
      }) : () -> ()
      %mul3A_105 = arith.constant 25 : i32
      %mul3A_106 = arith.muli %scan3A_11, %mul3A_105 : i32
      %add3A_107 = arith.constant 22 : i32
      %add3A_108 = arith.addi %mul3A_106, %add3A_107 : i32
      "tpu.region"() ({
        %run_scoped3A = tpu.sem_alloc : memref<!tpu.dma_semaphore, #tpu.memory_space<semaphore_mem>>
        %dma_start3A_492 = arith.constant 1760 : i32
        %dma_start3A_493 = arith.constant 0 : i32
        %dma_start3A_494 = tpu.memref_slice %arg8[%dma_start3A_492, %dma_start3A_493] : memref<2000x16xf32, #tpu.memory_space<vmem>> -> memref<80x16xf32, #tpu.memory_space<vmem>>
        %dma_start3A_495 = arith.constant 0 : i32
        %dma_start3A_496 = tpu.memref_slice %arg7[%add3A_108, %dma_start3A_495] : memref<125x80xi32, #tpu.memory_space<vmem>> -> memref<1x80xi32, #tpu.memory_space<vmem>>
        %dma_start3A_497 = tpu.memref_squeeze %dma_start3A_496 : memref<1x80xi32, #tpu.memory_space<vmem>> -> memref<80xi32, #tpu.memory_space<vmem>>
        %dma_start3A_498 = arith.constant 0 : i32
        %dma_start3A_499 = arith.constant 0 : i32
        %dma_start3A_500 = tpu.memref_slice %arg10[%dma_start3A_498, %dma_start3A_499] : memref<10000x16xf32, #tpu.memory_space<vmem_shared>> -> memref<10000x16xf32, #tpu.memory_space<vmem_shared>>
        tpu.enqueue_indirect_dma source(%dma_start3A_494 : memref<80x16xf32, #tpu.memory_space<vmem>>) target(%dma_start3A_500 : memref<10000x16xf32, #tpu.memory_space<vmem_shared>>) offsets(%dma_start3A_497 : memref<80xi32, #tpu.memory_space<vmem>>) semaphore(%run_scoped3A : memref<!tpu.dma_semaphore, #tpu.memory_space<semaphore_mem>>) {add = true}
        %dma_wait3A_501 = arith.constant 1760 : i32
        %dma_wait3A_502 = arith.constant 0 : i32
        %dma_wait3A_503 = tpu.memref_slice %arg8[%dma_wait3A_501, %dma_wait3A_502] : memref<2000x16xf32, #tpu.memory_space<vmem>> -> memref<80x16xf32, #tpu.memory_space<vmem>>
        %dma_wait3A_504 = arith.constant 0 : i32
        %dma_wait3A_505 = tpu.memref_slice %arg7[%add3A_108, %dma_wait3A_504] : memref<125x80xi32, #tpu.memory_space<vmem>> -> memref<1x80xi32, #tpu.memory_space<vmem>>
        %dma_wait3A_506 = tpu.memref_squeeze %dma_wait3A_505 : memref<1x80xi32, #tpu.memory_space<vmem>> -> memref<80xi32, #tpu.memory_space<vmem>>
        %dma_wait3A_507 = arith.constant 0 : i32
        %dma_wait3A_508 = arith.constant 0 : i32
        %dma_wait3A_509 = tpu.memref_slice %arg10[%dma_wait3A_507, %dma_wait3A_508] : memref<10000x16xf32, #tpu.memory_space<vmem_shared>> -> memref<10000x16xf32, #tpu.memory_space<vmem_shared>>
        tpu.wait_indirect_dma semaphore(%run_scoped3A : memref<!tpu.dma_semaphore, #tpu.memory_space<semaphore_mem>>) src(%dma_wait3A_503 : memref<80x16xf32, #tpu.memory_space<vmem>>) dst(%dma_wait3A_509 : memref<10000x16xf32, #tpu.memory_space<vmem_shared>>)
        tpu.yield
      }) : () -> ()
      %mul3A_109 = arith.constant 25 : i32
      %mul3A_110 = arith.muli %scan3A_11, %mul3A_109 : i32
      %add3A_111 = arith.constant 23 : i32
      %add3A_112 = arith.addi %mul3A_110, %add3A_111 : i32
      "tpu.region"() ({
        %run_scoped3A = tpu.sem_alloc : memref<!tpu.dma_semaphore, #tpu.memory_space<semaphore_mem>>
        %dma_start3A_492 = arith.constant 1840 : i32
        %dma_start3A_493 = arith.constant 0 : i32
        %dma_start3A_494 = tpu.memref_slice %arg8[%dma_start3A_492, %dma_start3A_493] : memref<2000x16xf32, #tpu.memory_space<vmem>> -> memref<80x16xf32, #tpu.memory_space<vmem>>
        %dma_start3A_495 = arith.constant 0 : i32
        %dma_start3A_496 = tpu.memref_slice %arg7[%add3A_112, %dma_start3A_495] : memref<125x80xi32, #tpu.memory_space<vmem>> -> memref<1x80xi32, #tpu.memory_space<vmem>>
        %dma_start3A_497 = tpu.memref_squeeze %dma_start3A_496 : memref<1x80xi32, #tpu.memory_space<vmem>> -> memref<80xi32, #tpu.memory_space<vmem>>
        %dma_start3A_498 = arith.constant 0 : i32
        %dma_start3A_499 = arith.constant 0 : i32
        %dma_start3A_500 = tpu.memref_slice %arg10[%dma_start3A_498, %dma_start3A_499] : memref<10000x16xf32, #tpu.memory_space<vmem_shared>> -> memref<10000x16xf32, #tpu.memory_space<vmem_shared>>
        tpu.enqueue_indirect_dma source(%dma_start3A_494 : memref<80x16xf32, #tpu.memory_space<vmem>>) target(%dma_start3A_500 : memref<10000x16xf32, #tpu.memory_space<vmem_shared>>) offsets(%dma_start3A_497 : memref<80xi32, #tpu.memory_space<vmem>>) semaphore(%run_scoped3A : memref<!tpu.dma_semaphore, #tpu.memory_space<semaphore_mem>>) {add = true}
        %dma_wait3A_501 = arith.constant 1840 : i32
        %dma_wait3A_502 = arith.constant 0 : i32
        %dma_wait3A_503 = tpu.memref_slice %arg8[%dma_wait3A_501, %dma_wait3A_502] : memref<2000x16xf32, #tpu.memory_space<vmem>> -> memref<80x16xf32, #tpu.memory_space<vmem>>
        %dma_wait3A_504 = arith.constant 0 : i32
        %dma_wait3A_505 = tpu.memref_slice %arg7[%add3A_112, %dma_wait3A_504] : memref<125x80xi32, #tpu.memory_space<vmem>> -> memref<1x80xi32, #tpu.memory_space<vmem>>
        %dma_wait3A_506 = tpu.memref_squeeze %dma_wait3A_505 : memref<1x80xi32, #tpu.memory_space<vmem>> -> memref<80xi32, #tpu.memory_space<vmem>>
        %dma_wait3A_507 = arith.constant 0 : i32
        %dma_wait3A_508 = arith.constant 0 : i32
        %dma_wait3A_509 = tpu.memref_slice %arg10[%dma_wait3A_507, %dma_wait3A_508] : memref<10000x16xf32, #tpu.memory_space<vmem_shared>> -> memref<10000x16xf32, #tpu.memory_space<vmem_shared>>
        tpu.wait_indirect_dma semaphore(%run_scoped3A : memref<!tpu.dma_semaphore, #tpu.memory_space<semaphore_mem>>) src(%dma_wait3A_503 : memref<80x16xf32, #tpu.memory_space<vmem>>) dst(%dma_wait3A_509 : memref<10000x16xf32, #tpu.memory_space<vmem_shared>>)
        tpu.yield
      }) : () -> ()
      %mul3A_113 = arith.constant 25 : i32
      %mul3A_114 = arith.muli %scan3A_11, %mul3A_113 : i32
      %add3A_115 = arith.constant 24 : i32
      %add3A_116 = arith.addi %mul3A_114, %add3A_115 : i32
      "tpu.region"() ({
        %run_scoped3A = tpu.sem_alloc : memref<!tpu.dma_semaphore, #tpu.memory_space<semaphore_mem>>
        %dma_start3A_492 = arith.constant 1920 : i32
        %dma_start3A_493 = arith.constant 0 : i32
        %dma_start3A_494 = tpu.memref_slice %arg8[%dma_start3A_492, %dma_start3A_493] : memref<2000x16xf32, #tpu.memory_space<vmem>> -> memref<80x16xf32, #tpu.memory_space<vmem>>
        %dma_start3A_495 = arith.constant 0 : i32
        %dma_start3A_496 = tpu.memref_slice %arg7[%add3A_116, %dma_start3A_495] : memref<125x80xi32, #tpu.memory_space<vmem>> -> memref<1x80xi32, #tpu.memory_space<vmem>>
        %dma_start3A_497 = tpu.memref_squeeze %dma_start3A_496 : memref<1x80xi32, #tpu.memory_space<vmem>> -> memref<80xi32, #tpu.memory_space<vmem>>
        %dma_start3A_498 = arith.constant 0 : i32
        %dma_start3A_499 = arith.constant 0 : i32
        %dma_start3A_500 = tpu.memref_slice %arg10[%dma_start3A_498, %dma_start3A_499] : memref<10000x16xf32, #tpu.memory_space<vmem_shared>> -> memref<10000x16xf32, #tpu.memory_space<vmem_shared>>
        tpu.enqueue_indirect_dma source(%dma_start3A_494 : memref<80x16xf32, #tpu.memory_space<vmem>>) target(%dma_start3A_500 : memref<10000x16xf32, #tpu.memory_space<vmem_shared>>) offsets(%dma_start3A_497 : memref<80xi32, #tpu.memory_space<vmem>>) semaphore(%run_scoped3A : memref<!tpu.dma_semaphore, #tpu.memory_space<semaphore_mem>>) {add = true}
        %dma_wait3A_501 = arith.constant 1920 : i32
        %dma_wait3A_502 = arith.constant 0 : i32
        %dma_wait3A_503 = tpu.memref_slice %arg8[%dma_wait3A_501, %dma_wait3A_502] : memref<2000x16xf32, #tpu.memory_space<vmem>> -> memref<80x16xf32, #tpu.memory_space<vmem>>
        %dma_wait3A_504 = arith.constant 0 : i32
        %dma_wait3A_505 = tpu.memref_slice %arg7[%add3A_116, %dma_wait3A_504] : memref<125x80xi32, #tpu.memory_space<vmem>> -> memref<1x80xi32, #tpu.memory_space<vmem>>
        %dma_wait3A_506 = tpu.memref_squeeze %dma_wait3A_505 : memref<1x80xi32, #tpu.memory_space<vmem>> -> memref<80xi32, #tpu.memory_space<vmem>>
        %dma_wait3A_507 = arith.constant 0 : i32
        %dma_wait3A_508 = arith.constant 0 : i32
        %dma_wait3A_509 = tpu.memref_slice %arg10[%dma_wait3A_507, %dma_wait3A_508] : memref<10000x16xf32, #tpu.memory_space<vmem_shared>> -> memref<10000x16xf32, #tpu.memory_space<vmem_shared>>
        tpu.wait_indirect_dma semaphore(%run_scoped3A : memref<!tpu.dma_semaphore, #tpu.memory_space<semaphore_mem>>) src(%dma_wait3A_503 : memref<80x16xf32, #tpu.memory_space<vmem>>) dst(%dma_wait3A_509 : memref<10000x16xf32, #tpu.memory_space<vmem_shared>>)
        tpu.yield
      }) : () -> ()
      %mul3A_117 = arith.constant 2000 : i32
      %mul3A_118 = vector.broadcast %mul3A_117 : i32 to vector<16xi32>
      %mul3A_119 = arith.muli %iota3A, %mul3A_118 : vector<16xi32>
      %scan3A_120 = arith.constant 0 : i32
      %scan3A_121 = arith.constant 0 : i32
      %scan3A_122 = arith.constant 250 : i32
      %scan3A_123 = arith.addi %scan3A_121, %scan3A_122 : i32
      %scan3A_124 = arith.constant 1 : i32
      scf.for %scan3A_492 = %scan3A_121 to %scan3A_123 step %scan3A_124  : i32 {
        %mul3A_493 = arith.constant 8 : i32
        %mul3A_494 = arith.muli %scan3A_492, %mul3A_493 : i32
        %add3A_495 = arith.constant 0 : i32
        %add3A_496 = arith.addi %mul3A_494, %add3A_495 : i32
        %add3A_497 = vector.broadcast %add3A_496 : i32 to vector<16xi32>
        %add3A_498 = arith.addi %mul3A_119, %add3A_497 : vector<16xi32>
        %get3A = arith.index_cast %add3A_496 : i32 to index
        %get3A_499 = arith.constant 0 : index
        %get3A_500 = tpu.vector_load %arg8[%get3A, %get3A_499] {strides = array<i32>} : memref<2000x16xf32, #tpu.memory_space<vmem>>, vector<16xf32>,
        tpu.vector_store_idx %arg9[%add3A_498], %get3A_500 : memref<32000xf32, #tpu.memory_space<vmem>>[vector<16xi32>], vector<16xf32>,
        %mul3A_501 = arith.constant 8 : i32
        %mul3A_502 = arith.muli %scan3A_492, %mul3A_501 : i32
        %add3A_503 = arith.constant 1 : i32
        %add3A_504 = arith.addi %mul3A_502, %add3A_503 : i32
        %add3A_505 = vector.broadcast %add3A_504 : i32 to vector<16xi32>
        %add3A_506 = arith.addi %mul3A_119, %add3A_505 : vector<16xi32>
        %get3A_507 = arith.index_cast %add3A_504 : i32 to index
        %get3A_508 = arith.constant 0 : index
        %get3A_509 = tpu.vector_load %arg8[%get3A_507, %get3A_508] {strides = array<i32>} : memref<2000x16xf32, #tpu.memory_space<vmem>>, vector<16xf32>,
        tpu.vector_store_idx %arg9[%add3A_506], %get3A_509 : memref<32000xf32, #tpu.memory_space<vmem>>[vector<16xi32>], vector<16xf32>,
        %mul3A_510 = arith.constant 8 : i32
        %mul3A_511 = arith.muli %scan3A_492, %mul3A_510 : i32
        %add3A_512 = arith.constant 2 : i32
        %add3A_513 = arith.addi %mul3A_511, %add3A_512 : i32
        %add3A_514 = vector.broadcast %add3A_513 : i32 to vector<16xi32>
        %add3A_515 = arith.addi %mul3A_119, %add3A_514 : vector<16xi32>
        %get3A_516 = arith.index_cast %add3A_513 : i32 to index
        %get3A_517 = arith.constant 0 : index
        %get3A_518 = tpu.vector_load %arg8[%get3A_516, %get3A_517] {strides = array<i32>} : memref<2000x16xf32, #tpu.memory_space<vmem>>, vector<16xf32>,
        tpu.vector_store_idx %arg9[%add3A_515], %get3A_518 : memref<32000xf32, #tpu.memory_space<vmem>>[vector<16xi32>], vector<16xf32>,
        %mul3A_519 = arith.constant 8 : i32
        %mul3A_520 = arith.muli %scan3A_492, %mul3A_519 : i32
        %add3A_521 = arith.constant 3 : i32
        %add3A_522 = arith.addi %mul3A_520, %add3A_521 : i32
        %add3A_523 = vector.broadcast %add3A_522 : i32 to vector<16xi32>
        %add3A_524 = arith.addi %mul3A_119, %add3A_523 : vector<16xi32>
        %get3A_525 = arith.index_cast %add3A_522 : i32 to index
        %get3A_526 = arith.constant 0 : index
        %get3A_527 = tpu.vector_load %arg8[%get3A_525, %get3A_526] {strides = array<i32>} : memref<2000x16xf32, #tpu.memory_space<vmem>>, vector<16xf32>,
        tpu.vector_store_idx %arg9[%add3A_524], %get3A_527 : memref<32000xf32, #tpu.memory_space<vmem>>[vector<16xi32>], vector<16xf32>,
        %mul3A_528 = arith.constant 8 : i32
        %mul3A_529 = arith.muli %scan3A_492, %mul3A_528 : i32
        %add3A_530 = arith.constant 4 : i32
        %add3A_531 = arith.addi %mul3A_529, %add3A_530 : i32
        %add3A_532 = vector.broadcast %add3A_531 : i32 to vector<16xi32>
        %add3A_533 = arith.addi %mul3A_119, %add3A_532 : vector<16xi32>
        %get3A_534 = arith.index_cast %add3A_531 : i32 to index
        %get3A_535 = arith.constant 0 : index
        %get3A_536 = tpu.vector_load %arg8[%get3A_534, %get3A_535] {strides = array<i32>} : memref<2000x16xf32, #tpu.memory_space<vmem>>, vector<16xf32>,
        tpu.vector_store_idx %arg9[%add3A_533], %get3A_536 : memref<32000xf32, #tpu.memory_space<vmem>>[vector<16xi32>], vector<16xf32>,
        %mul3A_537 = arith.constant 8 : i32
        %mul3A_538 = arith.muli %scan3A_492, %mul3A_537 : i32
        %add3A_539 = arith.constant 5 : i32
        %add3A_540 = arith.addi %mul3A_538, %add3A_539 : i32
        %add3A_541 = vector.broadcast %add3A_540 : i32 to vector<16xi32>
        %add3A_542 = arith.addi %mul3A_119, %add3A_541 : vector<16xi32>
        %get3A_543 = arith.index_cast %add3A_540 : i32 to index
        %get3A_544 = arith.constant 0 : index
        %get3A_545 = tpu.vector_load %arg8[%get3A_543, %get3A_544] {strides = array<i32>} : memref<2000x16xf32, #tpu.memory_space<vmem>>, vector<16xf32>,
        tpu.vector_store_idx %arg9[%add3A_542], %get3A_545 : memref<32000xf32, #tpu.memory_space<vmem>>[vector<16xi32>], vector<16xf32>,
        %mul3A_546 = arith.constant 8 : i32
        %mul3A_547 = arith.muli %scan3A_492, %mul3A_546 : i32
        %add3A_548 = arith.constant 6 : i32
        %add3A_549 = arith.addi %mul3A_547, %add3A_548 : i32
        %add3A_550 = vector.broadcast %add3A_549 : i32 to vector<16xi32>
        %add3A_551 = arith.addi %mul3A_119, %add3A_550 : vector<16xi32>
        %get3A_552 = arith.index_cast %add3A_549 : i32 to index
        %get3A_553 = arith.constant 0 : index
        %get3A_554 = tpu.vector_load %arg8[%get3A_552, %get3A_553] {strides = array<i32>} : memref<2000x16xf32, #tpu.memory_space<vmem>>, vector<16xf32>,
        tpu.vector_store_idx %arg9[%add3A_551], %get3A_554 : memref<32000xf32, #tpu.memory_space<vmem>>[vector<16xi32>], vector<16xf32>,
        %mul3A_555 = arith.constant 8 : i32
        %mul3A_556 = arith.muli %scan3A_492, %mul3A_555 : i32
        %add3A_557 = arith.constant 7 : i32
        %add3A_558 = arith.addi %mul3A_556, %add3A_557 : i32
        %add3A_559 = vector.broadcast %add3A_558 : i32 to vector<16xi32>
        %add3A_560 = arith.addi %mul3A_119, %add3A_559 : vector<16xi32>
        %get3A_561 = arith.index_cast %add3A_558 : i32 to index
        %get3A_562 = arith.constant 0 : index
        %get3A_563 = tpu.vector_load %arg8[%get3A_561, %get3A_562] {strides = array<i32>} : memref<2000x16xf32, #tpu.memory_space<vmem>>, vector<16xf32>,
        tpu.vector_store_idx %arg9[%add3A_560], %get3A_563 : memref<32000xf32, #tpu.memory_space<vmem>>[vector<16xi32>], vector<16xf32>,
      }
      %scan3A_125 = arith.constant 250 : i32
      %mul3A_126 = arith.constant 10000 : i32
      %mul3A_127 = arith.muli %add3A, %mul3A_126 : i32
      %mul3A_128 = arith.constant 2000 : i32
      %mul3A_129 = arith.muli %scan3A_11, %mul3A_128 : i32
      %add3A_130 = arith.addi %mul3A_127, %mul3A_129 : i32
      %dma_start3A = arith.constant 0 : i32
      %dma_start3A_131 = arith.constant 0 : i32
      %dma_start3A_132 = tpu.memref_slice %arg9[%dma_start3A_131] : memref<32000xf32, #tpu.memory_space<vmem>> -> memref<2000xf32, #tpu.memory_space<vmem>>
      %dma_start3A_133 = tpu.memref_slice %arg6[%dma_start3A, %add3A_130] : memref<16x320000xf32, #tpu.memory_space<hbm>> -> memref<1x2000xf32, #tpu.memory_space<hbm>>
      %dma_start3A_134 = tpu.memref_squeeze %dma_start3A_133 : memref<1x2000xf32, #tpu.memory_space<hbm>> -> memref<2000xf32, #tpu.memory_space<hbm>>
      %dma_start3A_135 = tpu.memref_slice %arg6[%dma_start3A, %add3A_130] : memref<16x320000xf32, #tpu.memory_space<hbm>> -> memref<1x2000xf32, #tpu.memory_space<hbm>>
      %dma_start3A_136 = tpu.memref_squeeze %dma_start3A_135 : memref<1x2000xf32, #tpu.memory_space<hbm>> -> memref<2000xf32, #tpu.memory_space<hbm>>
      %dma_start3A_137 = arith.constant 0 : i32
      %dma_start3A_138 = tpu.memref_slice %arg9[%dma_start3A_137] : memref<32000xf32, #tpu.memory_space<vmem>> -> memref<2000xf32, #tpu.memory_space<vmem>>
      tpu.enqueue_dma source(%dma_start3A_138 : memref<2000xf32, #tpu.memory_space<vmem>>) target(%dma_start3A_136 : memref<2000xf32, #tpu.memory_space<hbm>>) target_semaphore(%arg11 : memref<!tpu.dma_semaphore, #tpu.memory_space<semaphore_mem>>)
      %mul3A_139 = arith.constant 10000 : i32
      %mul3A_140 = arith.muli %add3A, %mul3A_139 : i32
      %mul3A_141 = arith.constant 2000 : i32
      %mul3A_142 = arith.muli %scan3A_11, %mul3A_141 : i32
      %add3A_143 = arith.addi %mul3A_140, %mul3A_142 : i32
      %dma_start3A_144 = arith.constant 1 : i32
      %dma_start3A_145 = arith.constant 2000 : i32
      %dma_start3A_146 = tpu.memref_slice %arg9[%dma_start3A_145] : memref<32000xf32, #tpu.memory_space<vmem>> -> memref<2000xf32, #tpu.memory_space<vmem>>
      %dma_start3A_147 = tpu.memref_slice %arg6[%dma_start3A_144, %add3A_143] : memref<16x320000xf32, #tpu.memory_space<hbm>> -> memref<1x2000xf32, #tpu.memory_space<hbm>>
      %dma_start3A_148 = tpu.memref_squeeze %dma_start3A_147 : memref<1x2000xf32, #tpu.memory_space<hbm>> -> memref<2000xf32, #tpu.memory_space<hbm>>
      %dma_start3A_149 = tpu.memref_slice %arg6[%dma_start3A_144, %add3A_143] : memref<16x320000xf32, #tpu.memory_space<hbm>> -> memref<1x2000xf32, #tpu.memory_space<hbm>>
      %dma_start3A_150 = tpu.memref_squeeze %dma_start3A_149 : memref<1x2000xf32, #tpu.memory_space<hbm>> -> memref<2000xf32, #tpu.memory_space<hbm>>
      %dma_start3A_151 = arith.constant 2000 : i32
      %dma_start3A_152 = tpu.memref_slice %arg9[%dma_start3A_151] : memref<32000xf32, #tpu.memory_space<vmem>> -> memref<2000xf32, #tpu.memory_space<vmem>>
      tpu.enqueue_dma source(%dma_start3A_152 : memref<2000xf32, #tpu.memory_space<vmem>>) target(%dma_start3A_150 : memref<2000xf32, #tpu.memory_space<hbm>>) target_semaphore(%arg11 : memref<!tpu.dma_semaphore, #tpu.memory_space<semaphore_mem>>)
      %mul3A_153 = arith.constant 10000 : i32
      %mul3A_154 = arith.muli %add3A, %mul3A_153 : i32
      %mul3A_155 = arith.constant 2000 : i32
      %mul3A_156 = arith.muli %scan3A_11, %mul3A_155 : i32
      %add3A_157 = arith.addi %mul3A_154, %mul3A_156 : i32
      %dma_start3A_158 = arith.constant 2 : i32
      %dma_start3A_159 = arith.constant 4000 : i32
      %dma_start3A_160 = tpu.memref_slice %arg9[%dma_start3A_159] : memref<32000xf32, #tpu.memory_space<vmem>> -> memref<2000xf32, #tpu.memory_space<vmem>>
      %dma_start3A_161 = tpu.memref_slice %arg6[%dma_start3A_158, %add3A_157] : memref<16x320000xf32, #tpu.memory_space<hbm>> -> memref<1x2000xf32, #tpu.memory_space<hbm>>
      %dma_start3A_162 = tpu.memref_squeeze %dma_start3A_161 : memref<1x2000xf32, #tpu.memory_space<hbm>> -> memref<2000xf32, #tpu.memory_space<hbm>>
      %dma_start3A_163 = tpu.memref_slice %arg6[%dma_start3A_158, %add3A_157] : memref<16x320000xf32, #tpu.memory_space<hbm>> -> memref<1x2000xf32, #tpu.memory_space<hbm>>
      %dma_start3A_164 = tpu.memref_squeeze %dma_start3A_163 : memref<1x2000xf32, #tpu.memory_space<hbm>> -> memref<2000xf32, #tpu.memory_space<hbm>>
      %dma_start3A_165 = arith.constant 4000 : i32
      %dma_start3A_166 = tpu.memref_slice %arg9[%dma_start3A_165] : memref<32000xf32, #tpu.memory_space<vmem>> -> memref<2000xf32, #tpu.memory_space<vmem>>
      tpu.enqueue_dma source(%dma_start3A_166 : memref<2000xf32, #tpu.memory_space<vmem>>) target(%dma_start3A_164 : memref<2000xf32, #tpu.memory_space<hbm>>) target_semaphore(%arg11 : memref<!tpu.dma_semaphore, #tpu.memory_space<semaphore_mem>>)
      %mul3A_167 = arith.constant 10000 : i32
      %mul3A_168 = arith.muli %add3A, %mul3A_167 : i32
      %mul3A_169 = arith.constant 2000 : i32
      %mul3A_170 = arith.muli %scan3A_11, %mul3A_169 : i32
      %add3A_171 = arith.addi %mul3A_168, %mul3A_170 : i32
      %dma_start3A_172 = arith.constant 3 : i32
      %dma_start3A_173 = arith.constant 6000 : i32
      %dma_start3A_174 = tpu.memref_slice %arg9[%dma_start3A_173] : memref<32000xf32, #tpu.memory_space<vmem>> -> memref<2000xf32, #tpu.memory_space<vmem>>
      %dma_start3A_175 = tpu.memref_slice %arg6[%dma_start3A_172, %add3A_171] : memref<16x320000xf32, #tpu.memory_space<hbm>> -> memref<1x2000xf32, #tpu.memory_space<hbm>>
      %dma_start3A_176 = tpu.memref_squeeze %dma_start3A_175 : memref<1x2000xf32, #tpu.memory_space<hbm>> -> memref<2000xf32, #tpu.memory_space<hbm>>
      %dma_start3A_177 = tpu.memref_slice %arg6[%dma_start3A_172, %add3A_171] : memref<16x320000xf32, #tpu.memory_space<hbm>> -> memref<1x2000xf32, #tpu.memory_space<hbm>>
      %dma_start3A_178 = tpu.memref_squeeze %dma_start3A_177 : memref<1x2000xf32, #tpu.memory_space<hbm>> -> memref<2000xf32, #tpu.memory_space<hbm>>
      %dma_start3A_179 = arith.constant 6000 : i32
      %dma_start3A_180 = tpu.memref_slice %arg9[%dma_start3A_179] : memref<32000xf32, #tpu.memory_space<vmem>> -> memref<2000xf32, #tpu.memory_space<vmem>>
      tpu.enqueue_dma source(%dma_start3A_180 : memref<2000xf32, #tpu.memory_space<vmem>>) target(%dma_start3A_178 : memref<2000xf32, #tpu.memory_space<hbm>>) target_semaphore(%arg11 : memref<!tpu.dma_semaphore, #tpu.memory_space<semaphore_mem>>)
      %mul3A_181 = arith.constant 10000 : i32
      %mul3A_182 = arith.muli %add3A, %mul3A_181 : i32
      %mul3A_183 = arith.constant 2000 : i32
      %mul3A_184 = arith.muli %scan3A_11, %mul3A_183 : i32
      %add3A_185 = arith.addi %mul3A_182, %mul3A_184 : i32
      %dma_start3A_186 = arith.constant 4 : i32
      %dma_start3A_187 = arith.constant 8000 : i32
      %dma_start3A_188 = tpu.memref_slice %arg9[%dma_start3A_187] : memref<32000xf32, #tpu.memory_space<vmem>> -> memref<2000xf32, #tpu.memory_space<vmem>>
      %dma_start3A_189 = tpu.memref_slice %arg6[%dma_start3A_186, %add3A_185] : memref<16x320000xf32, #tpu.memory_space<hbm>> -> memref<1x2000xf32, #tpu.memory_space<hbm>>
      %dma_start3A_190 = tpu.memref_squeeze %dma_start3A_189 : memref<1x2000xf32, #tpu.memory_space<hbm>> -> memref<2000xf32, #tpu.memory_space<hbm>>
      %dma_start3A_191 = tpu.memref_slice %arg6[%dma_start3A_186, %add3A_185] : memref<16x320000xf32, #tpu.memory_space<hbm>> -> memref<1x2000xf32, #tpu.memory_space<hbm>>
      %dma_start3A_192 = tpu.memref_squeeze %dma_start3A_191 : memref<1x2000xf32, #tpu.memory_space<hbm>> -> memref<2000xf32, #tpu.memory_space<hbm>>
      %dma_start3A_193 = arith.constant 8000 : i32
      %dma_start3A_194 = tpu.memref_slice %arg9[%dma_start3A_193] : memref<32000xf32, #tpu.memory_space<vmem>> -> memref<2000xf32, #tpu.memory_space<vmem>>
      tpu.enqueue_dma source(%dma_start3A_194 : memref<2000xf32, #tpu.memory_space<vmem>>) target(%dma_start3A_192 : memref<2000xf32, #tpu.memory_space<hbm>>) target_semaphore(%arg11 : memref<!tpu.dma_semaphore, #tpu.memory_space<semaphore_mem>>)
      %mul3A_195 = arith.constant 10000 : i32
      %mul3A_196 = arith.muli %add3A, %mul3A_195 : i32
      %mul3A_197 = arith.constant 2000 : i32
      %mul3A_198 = arith.muli %scan3A_11, %mul3A_197 : i32
      %add3A_199 = arith.addi %mul3A_196, %mul3A_198 : i32
      %dma_start3A_200 = arith.constant 5 : i32
      %dma_start3A_201 = arith.constant 10000 : i32
      %dma_start3A_202 = tpu.memref_slice %arg9[%dma_start3A_201] : memref<32000xf32, #tpu.memory_space<vmem>> -> memref<2000xf32, #tpu.memory_space<vmem>>
      %dma_start3A_203 = tpu.memref_slice %arg6[%dma_start3A_200, %add3A_199] : memref<16x320000xf32, #tpu.memory_space<hbm>> -> memref<1x2000xf32, #tpu.memory_space<hbm>>
      %dma_start3A_204 = tpu.memref_squeeze %dma_start3A_203 : memref<1x2000xf32, #tpu.memory_space<hbm>> -> memref<2000xf32, #tpu.memory_space<hbm>>
      %dma_start3A_205 = tpu.memref_slice %arg6[%dma_start3A_200, %add3A_199] : memref<16x320000xf32, #tpu.memory_space<hbm>> -> memref<1x2000xf32, #tpu.memory_space<hbm>>
      %dma_start3A_206 = tpu.memref_squeeze %dma_start3A_205 : memref<1x2000xf32, #tpu.memory_space<hbm>> -> memref<2000xf32, #tpu.memory_space<hbm>>
      %dma_start3A_207 = arith.constant 10000 : i32
      %dma_start3A_208 = tpu.memref_slice %arg9[%dma_start3A_207] : memref<32000xf32, #tpu.memory_space<vmem>> -> memref<2000xf32, #tpu.memory_space<vmem>>
      tpu.enqueue_dma source(%dma_start3A_208 : memref<2000xf32, #tpu.memory_space<vmem>>) target(%dma_start3A_206 : memref<2000xf32, #tpu.memory_space<hbm>>) target_semaphore(%arg11 : memref<!tpu.dma_semaphore, #tpu.memory_space<semaphore_mem>>)
      %mul3A_209 = arith.constant 10000 : i32
      %mul3A_210 = arith.muli %add3A, %mul3A_209 : i32
      %mul3A_211 = arith.constant 2000 : i32
      %mul3A_212 = arith.muli %scan3A_11, %mul3A_211 : i32
      %add3A_213 = arith.addi %mul3A_210, %mul3A_212 : i32
      %dma_start3A_214 = arith.constant 6 : i32
      %dma_start3A_215 = arith.constant 12000 : i32
      %dma_start3A_216 = tpu.memref_slice %arg9[%dma_start3A_215] : memref<32000xf32, #tpu.memory_space<vmem>> -> memref<2000xf32, #tpu.memory_space<vmem>>
      %dma_start3A_217 = tpu.memref_slice %arg6[%dma_start3A_214, %add3A_213] : memref<16x320000xf32, #tpu.memory_space<hbm>> -> memref<1x2000xf32, #tpu.memory_space<hbm>>
      %dma_start3A_218 = tpu.memref_squeeze %dma_start3A_217 : memref<1x2000xf32, #tpu.memory_space<hbm>> -> memref<2000xf32, #tpu.memory_space<hbm>>
      %dma_start3A_219 = tpu.memref_slice %arg6[%dma_start3A_214, %add3A_213] : memref<16x320000xf32, #tpu.memory_space<hbm>> -> memref<1x2000xf32, #tpu.memory_space<hbm>>
      %dma_start3A_220 = tpu.memref_squeeze %dma_start3A_219 : memref<1x2000xf32, #tpu.memory_space<hbm>> -> memref<2000xf32, #tpu.memory_space<hbm>>
      %dma_start3A_221 = arith.constant 12000 : i32
      %dma_start3A_222 = tpu.memref_slice %arg9[%dma_start3A_221] : memref<32000xf32, #tpu.memory_space<vmem>> -> memref<2000xf32, #tpu.memory_space<vmem>>
      tpu.enqueue_dma source(%dma_start3A_222 : memref<2000xf32, #tpu.memory_space<vmem>>) target(%dma_start3A_220 : memref<2000xf32, #tpu.memory_space<hbm>>) target_semaphore(%arg11 : memref<!tpu.dma_semaphore, #tpu.memory_space<semaphore_mem>>)
      %mul3A_223 = arith.constant 10000 : i32
      %mul3A_224 = arith.muli %add3A, %mul3A_223 : i32
      %mul3A_225 = arith.constant 2000 : i32
      %mul3A_226 = arith.muli %scan3A_11, %mul3A_225 : i32
      %add3A_227 = arith.addi %mul3A_224, %mul3A_226 : i32
      %dma_start3A_228 = arith.constant 7 : i32
      %dma_start3A_229 = arith.constant 14000 : i32
      %dma_start3A_230 = tpu.memref_slice %arg9[%dma_start3A_229] : memref<32000xf32, #tpu.memory_space<vmem>> -> memref<2000xf32, #tpu.memory_space<vmem>>
      %dma_start3A_231 = tpu.memref_slice %arg6[%dma_start3A_228, %add3A_227] : memref<16x320000xf32, #tpu.memory_space<hbm>> -> memref<1x2000xf32, #tpu.memory_space<hbm>>
      %dma_start3A_232 = tpu.memref_squeeze %dma_start3A_231 : memref<1x2000xf32, #tpu.memory_space<hbm>> -> memref<2000xf32, #tpu.memory_space<hbm>>
      %dma_start3A_233 = tpu.memref_slice %arg6[%dma_start3A_228, %add3A_227] : memref<16x320000xf32, #tpu.memory_space<hbm>> -> memref<1x2000xf32, #tpu.memory_space<hbm>>
      %dma_start3A_234 = tpu.memref_squeeze %dma_start3A_233 : memref<1x2000xf32, #tpu.memory_space<hbm>> -> memref<2000xf32, #tpu.memory_space<hbm>>
      %dma_start3A_235 = arith.constant 14000 : i32
      %dma_start3A_236 = tpu.memref_slice %arg9[%dma_start3A_235] : memref<32000xf32, #tpu.memory_space<vmem>> -> memref<2000xf32, #tpu.memory_space<vmem>>
      tpu.enqueue_dma source(%dma_start3A_236 : memref<2000xf32, #tpu.memory_space<vmem>>) target(%dma_start3A_234 : memref<2000xf32, #tpu.memory_space<hbm>>) target_semaphore(%arg11 : memref<!tpu.dma_semaphore, #tpu.memory_space<semaphore_mem>>)
      %mul3A_237 = arith.constant 10000 : i32
      %mul3A_238 = arith.muli %add3A, %mul3A_237 : i32
      %mul3A_239 = arith.constant 2000 : i32
      %mul3A_240 = arith.muli %scan3A_11, %mul3A_239 : i32
      %add3A_241 = arith.addi %mul3A_238, %mul3A_240 : i32
      %dma_start3A_242 = arith.constant 8 : i32
      %dma_start3A_243 = arith.constant 16000 : i32
      %dma_start3A_244 = tpu.memref_slice %arg9[%dma_start3A_243] : memref<32000xf32, #tpu.memory_space<vmem>> -> memref<2000xf32, #tpu.memory_space<vmem>>
      %dma_start3A_245 = tpu.memref_slice %arg6[%dma_start3A_242, %add3A_241] : memref<16x320000xf32, #tpu.memory_space<hbm>> -> memref<1x2000xf32, #tpu.memory_space<hbm>>
      %dma_start3A_246 = tpu.memref_squeeze %dma_start3A_245 : memref<1x2000xf32, #tpu.memory_space<hbm>> -> memref<2000xf32, #tpu.memory_space<hbm>>
      %dma_start3A_247 = tpu.memref_slice %arg6[%dma_start3A_242, %add3A_241] : memref<16x320000xf32, #tpu.memory_space<hbm>> -> memref<1x2000xf32, #tpu.memory_space<hbm>>
      %dma_start3A_248 = tpu.memref_squeeze %dma_start3A_247 : memref<1x2000xf32, #tpu.memory_space<hbm>> -> memref<2000xf32, #tpu.memory_space<hbm>>
      %dma_start3A_249 = arith.constant 16000 : i32
      %dma_start3A_250 = tpu.memref_slice %arg9[%dma_start3A_249] : memref<32000xf32, #tpu.memory_space<vmem>> -> memref<2000xf32, #tpu.memory_space<vmem>>
      tpu.enqueue_dma source(%dma_start3A_250 : memref<2000xf32, #tpu.memory_space<vmem>>) target(%dma_start3A_248 : memref<2000xf32, #tpu.memory_space<hbm>>) target_semaphore(%arg11 : memref<!tpu.dma_semaphore, #tpu.memory_space<semaphore_mem>>)
      %mul3A_251 = arith.constant 10000 : i32
      %mul3A_252 = arith.muli %add3A, %mul3A_251 : i32
      %mul3A_253 = arith.constant 2000 : i32
      %mul3A_254 = arith.muli %scan3A_11, %mul3A_253 : i32
      %add3A_255 = arith.addi %mul3A_252, %mul3A_254 : i32
      %dma_start3A_256 = arith.constant 9 : i32
      %dma_start3A_257 = arith.constant 18000 : i32
      %dma_start3A_258 = tpu.memref_slice %arg9[%dma_start3A_257] : memref<32000xf32, #tpu.memory_space<vmem>> -> memref<2000xf32, #tpu.memory_space<vmem>>
      %dma_start3A_259 = tpu.memref_slice %arg6[%dma_start3A_256, %add3A_255] : memref<16x320000xf32, #tpu.memory_space<hbm>> -> memref<1x2000xf32, #tpu.memory_space<hbm>>
      %dma_start3A_260 = tpu.memref_squeeze %dma_start3A_259 : memref<1x2000xf32, #tpu.memory_space<hbm>> -> memref<2000xf32, #tpu.memory_space<hbm>>
      %dma_start3A_261 = tpu.memref_slice %arg6[%dma_start3A_256, %add3A_255] : memref<16x320000xf32, #tpu.memory_space<hbm>> -> memref<1x2000xf32, #tpu.memory_space<hbm>>
      %dma_start3A_262 = tpu.memref_squeeze %dma_start3A_261 : memref<1x2000xf32, #tpu.memory_space<hbm>> -> memref<2000xf32, #tpu.memory_space<hbm>>
      %dma_start3A_263 = arith.constant 18000 : i32
      %dma_start3A_264 = tpu.memref_slice %arg9[%dma_start3A_263] : memref<32000xf32, #tpu.memory_space<vmem>> -> memref<2000xf32, #tpu.memory_space<vmem>>
      tpu.enqueue_dma source(%dma_start3A_264 : memref<2000xf32, #tpu.memory_space<vmem>>) target(%dma_start3A_262 : memref<2000xf32, #tpu.memory_space<hbm>>) target_semaphore(%arg11 : memref<!tpu.dma_semaphore, #tpu.memory_space<semaphore_mem>>)
      %mul3A_265 = arith.constant 10000 : i32
      %mul3A_266 = arith.muli %add3A, %mul3A_265 : i32
      %mul3A_267 = arith.constant 2000 : i32
      %mul3A_268 = arith.muli %scan3A_11, %mul3A_267 : i32
      %add3A_269 = arith.addi %mul3A_266, %mul3A_268 : i32
      %dma_start3A_270 = arith.constant 10 : i32
      %dma_start3A_271 = arith.constant 20000 : i32
      %dma_start3A_272 = tpu.memref_slice %arg9[%dma_start3A_271] : memref<32000xf32, #tpu.memory_space<vmem>> -> memref<2000xf32, #tpu.memory_space<vmem>>
      %dma_start3A_273 = tpu.memref_slice %arg6[%dma_start3A_270, %add3A_269] : memref<16x320000xf32, #tpu.memory_space<hbm>> -> memref<1x2000xf32, #tpu.memory_space<hbm>>
      %dma_start3A_274 = tpu.memref_squeeze %dma_start3A_273 : memref<1x2000xf32, #tpu.memory_space<hbm>> -> memref<2000xf32, #tpu.memory_space<hbm>>
      %dma_start3A_275 = tpu.memref_slice %arg6[%dma_start3A_270, %add3A_269] : memref<16x320000xf32, #tpu.memory_space<hbm>> -> memref<1x2000xf32, #tpu.memory_space<hbm>>
      %dma_start3A_276 = tpu.memref_squeeze %dma_start3A_275 : memref<1x2000xf32, #tpu.memory_space<hbm>> -> memref<2000xf32, #tpu.memory_space<hbm>>
      %dma_start3A_277 = arith.constant 20000 : i32
      %dma_start3A_278 = tpu.memref_slice %arg9[%dma_start3A_277] : memref<32000xf32, #tpu.memory_space<vmem>> -> memref<2000xf32, #tpu.memory_space<vmem>>
      tpu.enqueue_dma source(%dma_start3A_278 : memref<2000xf32, #tpu.memory_space<vmem>>) target(%dma_start3A_276 : memref<2000xf32, #tpu.memory_space<hbm>>) target_semaphore(%arg11 : memref<!tpu.dma_semaphore, #tpu.memory_space<semaphore_mem>>)
      %mul3A_279 = arith.constant 10000 : i32
      %mul3A_280 = arith.muli %add3A, %mul3A_279 : i32
      %mul3A_281 = arith.constant 2000 : i32
      %mul3A_282 = arith.muli %scan3A_11, %mul3A_281 : i32
      %add3A_283 = arith.addi %mul3A_280, %mul3A_282 : i32
      %dma_start3A_284 = arith.constant 11 : i32
      %dma_start3A_285 = arith.constant 22000 : i32
      %dma_start3A_286 = tpu.memref_slice %arg9[%dma_start3A_285] : memref<32000xf32, #tpu.memory_space<vmem>> -> memref<2000xf32, #tpu.memory_space<vmem>>
      %dma_start3A_287 = tpu.memref_slice %arg6[%dma_start3A_284, %add3A_283] : memref<16x320000xf32, #tpu.memory_space<hbm>> -> memref<1x2000xf32, #tpu.memory_space<hbm>>
      %dma_start3A_288 = tpu.memref_squeeze %dma_start3A_287 : memref<1x2000xf32, #tpu.memory_space<hbm>> -> memref<2000xf32, #tpu.memory_space<hbm>>
      %dma_start3A_289 = tpu.memref_slice %arg6[%dma_start3A_284, %add3A_283] : memref<16x320000xf32, #tpu.memory_space<hbm>> -> memref<1x2000xf32, #tpu.memory_space<hbm>>
      %dma_start3A_290 = tpu.memref_squeeze %dma_start3A_289 : memref<1x2000xf32, #tpu.memory_space<hbm>> -> memref<2000xf32, #tpu.memory_space<hbm>>
      %dma_start3A_291 = arith.constant 22000 : i32
      %dma_start3A_292 = tpu.memref_slice %arg9[%dma_start3A_291] : memref<32000xf32, #tpu.memory_space<vmem>> -> memref<2000xf32, #tpu.memory_space<vmem>>
      tpu.enqueue_dma source(%dma_start3A_292 : memref<2000xf32, #tpu.memory_space<vmem>>) target(%dma_start3A_290 : memref<2000xf32, #tpu.memory_space<hbm>>) target_semaphore(%arg11 : memref<!tpu.dma_semaphore, #tpu.memory_space<semaphore_mem>>)
      %mul3A_293 = arith.constant 10000 : i32
      %mul3A_294 = arith.muli %add3A, %mul3A_293 : i32
      %mul3A_295 = arith.constant 2000 : i32
      %mul3A_296 = arith.muli %scan3A_11, %mul3A_295 : i32
      %add3A_297 = arith.addi %mul3A_294, %mul3A_296 : i32
      %dma_start3A_298 = arith.constant 12 : i32
      %dma_start3A_299 = arith.constant 24000 : i32
      %dma_start3A_300 = tpu.memref_slice %arg9[%dma_start3A_299] : memref<32000xf32, #tpu.memory_space<vmem>> -> memref<2000xf32, #tpu.memory_space<vmem>>
      %dma_start3A_301 = tpu.memref_slice %arg6[%dma_start3A_298, %add3A_297] : memref<16x320000xf32, #tpu.memory_space<hbm>> -> memref<1x2000xf32, #tpu.memory_space<hbm>>
      %dma_start3A_302 = tpu.memref_squeeze %dma_start3A_301 : memref<1x2000xf32, #tpu.memory_space<hbm>> -> memref<2000xf32, #tpu.memory_space<hbm>>
      %dma_start3A_303 = tpu.memref_slice %arg6[%dma_start3A_298, %add3A_297] : memref<16x320000xf32, #tpu.memory_space<hbm>> -> memref<1x2000xf32, #tpu.memory_space<hbm>>
      %dma_start3A_304 = tpu.memref_squeeze %dma_start3A_303 : memref<1x2000xf32, #tpu.memory_space<hbm>> -> memref<2000xf32, #tpu.memory_space<hbm>>
      %dma_start3A_305 = arith.constant 24000 : i32
      %dma_start3A_306 = tpu.memref_slice %arg9[%dma_start3A_305] : memref<32000xf32, #tpu.memory_space<vmem>> -> memref<2000xf32, #tpu.memory_space<vmem>>
      tpu.enqueue_dma source(%dma_start3A_306 : memref<2000xf32, #tpu.memory_space<vmem>>) target(%dma_start3A_304 : memref<2000xf32, #tpu.memory_space<hbm>>) target_semaphore(%arg11 : memref<!tpu.dma_semaphore, #tpu.memory_space<semaphore_mem>>)
      %mul3A_307 = arith.constant 10000 : i32
      %mul3A_308 = arith.muli %add3A, %mul3A_307 : i32
      %mul3A_309 = arith.constant 2000 : i32
      %mul3A_310 = arith.muli %scan3A_11, %mul3A_309 : i32
      %add3A_311 = arith.addi %mul3A_308, %mul3A_310 : i32
      %dma_start3A_312 = arith.constant 13 : i32
      %dma_start3A_313 = arith.constant 26000 : i32
      %dma_start3A_314 = tpu.memref_slice %arg9[%dma_start3A_313] : memref<32000xf32, #tpu.memory_space<vmem>> -> memref<2000xf32, #tpu.memory_space<vmem>>
      %dma_start3A_315 = tpu.memref_slice %arg6[%dma_start3A_312, %add3A_311] : memref<16x320000xf32, #tpu.memory_space<hbm>> -> memref<1x2000xf32, #tpu.memory_space<hbm>>
      %dma_start3A_316 = tpu.memref_squeeze %dma_start3A_315 : memref<1x2000xf32, #tpu.memory_space<hbm>> -> memref<2000xf32, #tpu.memory_space<hbm>>
      %dma_start3A_317 = tpu.memref_slice %arg6[%dma_start3A_312, %add3A_311] : memref<16x320000xf32, #tpu.memory_space<hbm>> -> memref<1x2000xf32, #tpu.memory_space<hbm>>
      %dma_start3A_318 = tpu.memref_squeeze %dma_start3A_317 : memref<1x2000xf32, #tpu.memory_space<hbm>> -> memref<2000xf32, #tpu.memory_space<hbm>>
      %dma_start3A_319 = arith.constant 26000 : i32
      %dma_start3A_320 = tpu.memref_slice %arg9[%dma_start3A_319] : memref<32000xf32, #tpu.memory_space<vmem>> -> memref<2000xf32, #tpu.memory_space<vmem>>
      tpu.enqueue_dma source(%dma_start3A_320 : memref<2000xf32, #tpu.memory_space<vmem>>) target(%dma_start3A_318 : memref<2000xf32, #tpu.memory_space<hbm>>) target_semaphore(%arg11 : memref<!tpu.dma_semaphore, #tpu.memory_space<semaphore_mem>>)
      %mul3A_321 = arith.constant 10000 : i32
      %mul3A_322 = arith.muli %add3A, %mul3A_321 : i32
      %mul3A_323 = arith.constant 2000 : i32
      %mul3A_324 = arith.muli %scan3A_11, %mul3A_323 : i32
      %add3A_325 = arith.addi %mul3A_322, %mul3A_324 : i32
      %dma_start3A_326 = arith.constant 14 : i32
      %dma_start3A_327 = arith.constant 28000 : i32
      %dma_start3A_328 = tpu.memref_slice %arg9[%dma_start3A_327] : memref<32000xf32, #tpu.memory_space<vmem>> -> memref<2000xf32, #tpu.memory_space<vmem>>
      %dma_start3A_329 = tpu.memref_slice %arg6[%dma_start3A_326, %add3A_325] : memref<16x320000xf32, #tpu.memory_space<hbm>> -> memref<1x2000xf32, #tpu.memory_space<hbm>>
      %dma_start3A_330 = tpu.memref_squeeze %dma_start3A_329 : memref<1x2000xf32, #tpu.memory_space<hbm>> -> memref<2000xf32, #tpu.memory_space<hbm>>
      %dma_start3A_331 = tpu.memref_slice %arg6[%dma_start3A_326, %add3A_325] : memref<16x320000xf32, #tpu.memory_space<hbm>> -> memref<1x2000xf32, #tpu.memory_space<hbm>>
      %dma_start3A_332 = tpu.memref_squeeze %dma_start3A_331 : memref<1x2000xf32, #tpu.memory_space<hbm>> -> memref<2000xf32, #tpu.memory_space<hbm>>
      %dma_start3A_333 = arith.constant 28000 : i32
      %dma_start3A_334 = tpu.memref_slice %arg9[%dma_start3A_333] : memref<32000xf32, #tpu.memory_space<vmem>> -> memref<2000xf32, #tpu.memory_space<vmem>>
      tpu.enqueue_dma source(%dma_start3A_334 : memref<2000xf32, #tpu.memory_space<vmem>>) target(%dma_start3A_332 : memref<2000xf32, #tpu.memory_space<hbm>>) target_semaphore(%arg11 : memref<!tpu.dma_semaphore, #tpu.memory_space<semaphore_mem>>)
      %mul3A_335 = arith.constant 10000 : i32
      %mul3A_336 = arith.muli %add3A, %mul3A_335 : i32
      %mul3A_337 = arith.constant 2000 : i32
      %mul3A_338 = arith.muli %scan3A_11, %mul3A_337 : i32
      %add3A_339 = arith.addi %mul3A_336, %mul3A_338 : i32
      %dma_start3A_340 = arith.constant 15 : i32
      %dma_start3A_341 = arith.constant 30000 : i32
      %dma_start3A_342 = tpu.memref_slice %arg9[%dma_start3A_341] : memref<32000xf32, #tpu.memory_space<vmem>> -> memref<2000xf32, #tpu.memory_space<vmem>>
      %dma_start3A_343 = tpu.memref_slice %arg6[%dma_start3A_340, %add3A_339] : memref<16x320000xf32, #tpu.memory_space<hbm>> -> memref<1x2000xf32, #tpu.memory_space<hbm>>
      %dma_start3A_344 = tpu.memref_squeeze %dma_start3A_343 : memref<1x2000xf32, #tpu.memory_space<hbm>> -> memref<2000xf32, #tpu.memory_space<hbm>>
      %dma_start3A_345 = tpu.memref_slice %arg6[%dma_start3A_340, %add3A_339] : memref<16x320000xf32, #tpu.memory_space<hbm>> -> memref<1x2000xf32, #tpu.memory_space<hbm>>
      %dma_start3A_346 = tpu.memref_squeeze %dma_start3A_345 : memref<1x2000xf32, #tpu.memory_space<hbm>> -> memref<2000xf32, #tpu.memory_space<hbm>>
      %dma_start3A_347 = arith.constant 30000 : i32
      %dma_start3A_348 = tpu.memref_slice %arg9[%dma_start3A_347] : memref<32000xf32, #tpu.memory_space<vmem>> -> memref<2000xf32, #tpu.memory_space<vmem>>
      tpu.enqueue_dma source(%dma_start3A_348 : memref<2000xf32, #tpu.memory_space<vmem>>) target(%dma_start3A_346 : memref<2000xf32, #tpu.memory_space<hbm>>) target_semaphore(%arg11 : memref<!tpu.dma_semaphore, #tpu.memory_space<semaphore_mem>>)
      %dma_wait3A = arith.constant 0 : i32
      %dma_wait3A_349 = arith.constant 0 : i32
      %dma_wait3A_350 = tpu.memref_slice %arg9[%dma_wait3A_349] : memref<32000xf32, #tpu.memory_space<vmem>> -> memref<2000xf32, #tpu.memory_space<vmem>>
      %dma_wait3A_351 = tpu.memref_slice %arg6[%dma_wait3A, %add3A_130] : memref<16x320000xf32, #tpu.memory_space<hbm>> -> memref<1x2000xf32, #tpu.memory_space<hbm>>
      %dma_wait3A_352 = tpu.memref_squeeze %dma_wait3A_351 : memref<1x2000xf32, #tpu.memory_space<hbm>> -> memref<2000xf32, #tpu.memory_space<hbm>>
      %dma_wait3A_353 = tpu.memref_slice %arg6[%dma_wait3A, %add3A_130] : memref<16x320000xf32, #tpu.memory_space<hbm>> -> memref<1x2000xf32, #tpu.memory_space<hbm>>
      %dma_wait3A_354 = tpu.memref_squeeze %dma_wait3A_353 : memref<1x2000xf32, #tpu.memory_space<hbm>> -> memref<2000xf32, #tpu.memory_space<hbm>>
      %dma_wait3A_355 = arith.constant 0 : i32
      %dma_wait3A_356 = tpu.memref_slice %arg9[%dma_wait3A_355] : memref<32000xf32, #tpu.memory_space<vmem>> -> memref<2000xf32, #tpu.memory_space<vmem>>
      tpu.wait_dma2 semaphore(%arg11 : memref<!tpu.dma_semaphore, #tpu.memory_space<semaphore_mem>>) src(%dma_wait3A_356 : memref<2000xf32, #tpu.memory_space<vmem>>) dst(%dma_wait3A_354 : memref<2000xf32, #tpu.memory_space<hbm>>)
      %dma_wait3A_357 = arith.constant 1 : i32
      %dma_wait3A_358 = arith.constant 2000 : i32
      %dma_wait3A_359 = tpu.memref_slice %arg9[%dma_wait3A_358] : memref<32000xf32, #tpu.memory_space<vmem>> -> memref<2000xf32, #tpu.memory_space<vmem>>
      %dma_wait3A_360 = tpu.memref_slice %arg6[%dma_wait3A_357, %add3A_143] : memref<16x320000xf32, #tpu.memory_space<hbm>> -> memref<1x2000xf32, #tpu.memory_space<hbm>>
      %dma_wait3A_361 = tpu.memref_squeeze %dma_wait3A_360 : memref<1x2000xf32, #tpu.memory_space<hbm>> -> memref<2000xf32, #tpu.memory_space<hbm>>
      %dma_wait3A_362 = tpu.memref_slice %arg6[%dma_wait3A_357, %add3A_143] : memref<16x320000xf32, #tpu.memory_space<hbm>> -> memref<1x2000xf32, #tpu.memory_space<hbm>>
      %dma_wait3A_363 = tpu.memref_squeeze %dma_wait3A_362 : memref<1x2000xf32, #tpu.memory_space<hbm>> -> memref<2000xf32, #tpu.memory_space<hbm>>
      %dma_wait3A_364 = arith.constant 2000 : i32
      %dma_wait3A_365 = tpu.memref_slice %arg9[%dma_wait3A_364] : memref<32000xf32, #tpu.memory_space<vmem>> -> memref<2000xf32, #tpu.memory_space<vmem>>
      tpu.wait_dma2 semaphore(%arg11 : memref<!tpu.dma_semaphore, #tpu.memory_space<semaphore_mem>>) src(%dma_wait3A_365 : memref<2000xf32, #tpu.memory_space<vmem>>) dst(%dma_wait3A_363 : memref<2000xf32, #tpu.memory_space<hbm>>)
      %dma_wait3A_366 = arith.constant 2 : i32
      %dma_wait3A_367 = arith.constant 4000 : i32
      %dma_wait3A_368 = tpu.memref_slice %arg9[%dma_wait3A_367] : memref<32000xf32, #tpu.memory_space<vmem>> -> memref<2000xf32, #tpu.memory_space<vmem>>
      %dma_wait3A_369 = tpu.memref_slice %arg6[%dma_wait3A_366, %add3A_157] : memref<16x320000xf32, #tpu.memory_space<hbm>> -> memref<1x2000xf32, #tpu.memory_space<hbm>>
      %dma_wait3A_370 = tpu.memref_squeeze %dma_wait3A_369 : memref<1x2000xf32, #tpu.memory_space<hbm>> -> memref<2000xf32, #tpu.memory_space<hbm>>
      %dma_wait3A_371 = tpu.memref_slice %arg6[%dma_wait3A_366, %add3A_157] : memref<16x320000xf32, #tpu.memory_space<hbm>> -> memref<1x2000xf32, #tpu.memory_space<hbm>>
      %dma_wait3A_372 = tpu.memref_squeeze %dma_wait3A_371 : memref<1x2000xf32, #tpu.memory_space<hbm>> -> memref<2000xf32, #tpu.memory_space<hbm>>
      %dma_wait3A_373 = arith.constant 4000 : i32
      %dma_wait3A_374 = tpu.memref_slice %arg9[%dma_wait3A_373] : memref<32000xf32, #tpu.memory_space<vmem>> -> memref<2000xf32, #tpu.memory_space<vmem>>
      tpu.wait_dma2 semaphore(%arg11 : memref<!tpu.dma_semaphore, #tpu.memory_space<semaphore_mem>>) src(%dma_wait3A_374 : memref<2000xf32, #tpu.memory_space<vmem>>) dst(%dma_wait3A_372 : memref<2000xf32, #tpu.memory_space<hbm>>)
      %dma_wait3A_375 = arith.constant 3 : i32
      %dma_wait3A_376 = arith.constant 6000 : i32
      %dma_wait3A_377 = tpu.memref_slice %arg9[%dma_wait3A_376] : memref<32000xf32, #tpu.memory_space<vmem>> -> memref<2000xf32, #tpu.memory_space<vmem>>
      %dma_wait3A_378 = tpu.memref_slice %arg6[%dma_wait3A_375, %add3A_171] : memref<16x320000xf32, #tpu.memory_space<hbm>> -> memref<1x2000xf32, #tpu.memory_space<hbm>>
      %dma_wait3A_379 = tpu.memref_squeeze %dma_wait3A_378 : memref<1x2000xf32, #tpu.memory_space<hbm>> -> memref<2000xf32, #tpu.memory_space<hbm>>
      %dma_wait3A_380 = tpu.memref_slice %arg6[%dma_wait3A_375, %add3A_171] : memref<16x320000xf32, #tpu.memory_space<hbm>> -> memref<1x2000xf32, #tpu.memory_space<hbm>>
      %dma_wait3A_381 = tpu.memref_squeeze %dma_wait3A_380 : memref<1x2000xf32, #tpu.memory_space<hbm>> -> memref<2000xf32, #tpu.memory_space<hbm>>
      %dma_wait3A_382 = arith.constant 6000 : i32
      %dma_wait3A_383 = tpu.memref_slice %arg9[%dma_wait3A_382] : memref<32000xf32, #tpu.memory_space<vmem>> -> memref<2000xf32, #tpu.memory_space<vmem>>
      tpu.wait_dma2 semaphore(%arg11 : memref<!tpu.dma_semaphore, #tpu.memory_space<semaphore_mem>>) src(%dma_wait3A_383 : memref<2000xf32, #tpu.memory_space<vmem>>) dst(%dma_wait3A_381 : memref<2000xf32, #tpu.memory_space<hbm>>)
      %dma_wait3A_384 = arith.constant 4 : i32
      %dma_wait3A_385 = arith.constant 8000 : i32
      %dma_wait3A_386 = tpu.memref_slice %arg9[%dma_wait3A_385] : memref<32000xf32, #tpu.memory_space<vmem>> -> memref<2000xf32, #tpu.memory_space<vmem>>
      %dma_wait3A_387 = tpu.memref_slice %arg6[%dma_wait3A_384, %add3A_185] : memref<16x320000xf32, #tpu.memory_space<hbm>> -> memref<1x2000xf32, #tpu.memory_space<hbm>>
      %dma_wait3A_388 = tpu.memref_squeeze %dma_wait3A_387 : memref<1x2000xf32, #tpu.memory_space<hbm>> -> memref<2000xf32, #tpu.memory_space<hbm>>
      %dma_wait3A_389 = tpu.memref_slice %arg6[%dma_wait3A_384, %add3A_185] : memref<16x320000xf32, #tpu.memory_space<hbm>> -> memref<1x2000xf32, #tpu.memory_space<hbm>>
      %dma_wait3A_390 = tpu.memref_squeeze %dma_wait3A_389 : memref<1x2000xf32, #tpu.memory_space<hbm>> -> memref<2000xf32, #tpu.memory_space<hbm>>
      %dma_wait3A_391 = arith.constant 8000 : i32
      %dma_wait3A_392 = tpu.memref_slice %arg9[%dma_wait3A_391] : memref<32000xf32, #tpu.memory_space<vmem>> -> memref<2000xf32, #tpu.memory_space<vmem>>
      tpu.wait_dma2 semaphore(%arg11 : memref<!tpu.dma_semaphore, #tpu.memory_space<semaphore_mem>>) src(%dma_wait3A_392 : memref<2000xf32, #tpu.memory_space<vmem>>) dst(%dma_wait3A_390 : memref<2000xf32, #tpu.memory_space<hbm>>)
      %dma_wait3A_393 = arith.constant 5 : i32
      %dma_wait3A_394 = arith.constant 10000 : i32
      %dma_wait3A_395 = tpu.memref_slice %arg9[%dma_wait3A_394] : memref<32000xf32, #tpu.memory_space<vmem>> -> memref<2000xf32, #tpu.memory_space<vmem>>
      %dma_wait3A_396 = tpu.memref_slice %arg6[%dma_wait3A_393, %add3A_199] : memref<16x320000xf32, #tpu.memory_space<hbm>> -> memref<1x2000xf32, #tpu.memory_space<hbm>>
      %dma_wait3A_397 = tpu.memref_squeeze %dma_wait3A_396 : memref<1x2000xf32, #tpu.memory_space<hbm>> -> memref<2000xf32, #tpu.memory_space<hbm>>
      %dma_wait3A_398 = tpu.memref_slice %arg6[%dma_wait3A_393, %add3A_199] : memref<16x320000xf32, #tpu.memory_space<hbm>> -> memref<1x2000xf32, #tpu.memory_space<hbm>>
      %dma_wait3A_399 = tpu.memref_squeeze %dma_wait3A_398 : memref<1x2000xf32, #tpu.memory_space<hbm>> -> memref<2000xf32, #tpu.memory_space<hbm>>
      %dma_wait3A_400 = arith.constant 10000 : i32
      %dma_wait3A_401 = tpu.memref_slice %arg9[%dma_wait3A_400] : memref<32000xf32, #tpu.memory_space<vmem>> -> memref<2000xf32, #tpu.memory_space<vmem>>
      tpu.wait_dma2 semaphore(%arg11 : memref<!tpu.dma_semaphore, #tpu.memory_space<semaphore_mem>>) src(%dma_wait3A_401 : memref<2000xf32, #tpu.memory_space<vmem>>) dst(%dma_wait3A_399 : memref<2000xf32, #tpu.memory_space<hbm>>)
      %dma_wait3A_402 = arith.constant 6 : i32
      %dma_wait3A_403 = arith.constant 12000 : i32
      %dma_wait3A_404 = tpu.memref_slice %arg9[%dma_wait3A_403] : memref<32000xf32, #tpu.memory_space<vmem>> -> memref<2000xf32, #tpu.memory_space<vmem>>
      %dma_wait3A_405 = tpu.memref_slice %arg6[%dma_wait3A_402, %add3A_213] : memref<16x320000xf32, #tpu.memory_space<hbm>> -> memref<1x2000xf32, #tpu.memory_space<hbm>>
      %dma_wait3A_406 = tpu.memref_squeeze %dma_wait3A_405 : memref<1x2000xf32, #tpu.memory_space<hbm>> -> memref<2000xf32, #tpu.memory_space<hbm>>
      %dma_wait3A_407 = tpu.memref_slice %arg6[%dma_wait3A_402, %add3A_213] : memref<16x320000xf32, #tpu.memory_space<hbm>> -> memref<1x2000xf32, #tpu.memory_space<hbm>>
      %dma_wait3A_408 = tpu.memref_squeeze %dma_wait3A_407 : memref<1x2000xf32, #tpu.memory_space<hbm>> -> memref<2000xf32, #tpu.memory_space<hbm>>
      %dma_wait3A_409 = arith.constant 12000 : i32
      %dma_wait3A_410 = tpu.memref_slice %arg9[%dma_wait3A_409] : memref<32000xf32, #tpu.memory_space<vmem>> -> memref<2000xf32, #tpu.memory_space<vmem>>
      tpu.wait_dma2 semaphore(%arg11 : memref<!tpu.dma_semaphore, #tpu.memory_space<semaphore_mem>>) src(%dma_wait3A_410 : memref<2000xf32, #tpu.memory_space<vmem>>) dst(%dma_wait3A_408 : memref<2000xf32, #tpu.memory_space<hbm>>)
      %dma_wait3A_411 = arith.constant 7 : i32
      %dma_wait3A_412 = arith.constant 14000 : i32
      %dma_wait3A_413 = tpu.memref_slice %arg9[%dma_wait3A_412] : memref<32000xf32, #tpu.memory_space<vmem>> -> memref<2000xf32, #tpu.memory_space<vmem>>
      %dma_wait3A_414 = tpu.memref_slice %arg6[%dma_wait3A_411, %add3A_227] : memref<16x320000xf32, #tpu.memory_space<hbm>> -> memref<1x2000xf32, #tpu.memory_space<hbm>>
      %dma_wait3A_415 = tpu.memref_squeeze %dma_wait3A_414 : memref<1x2000xf32, #tpu.memory_space<hbm>> -> memref<2000xf32, #tpu.memory_space<hbm>>
      %dma_wait3A_416 = tpu.memref_slice %arg6[%dma_wait3A_411, %add3A_227] : memref<16x320000xf32, #tpu.memory_space<hbm>> -> memref<1x2000xf32, #tpu.memory_space<hbm>>
      %dma_wait3A_417 = tpu.memref_squeeze %dma_wait3A_416 : memref<1x2000xf32, #tpu.memory_space<hbm>> -> memref<2000xf32, #tpu.memory_space<hbm>>
      %dma_wait3A_418 = arith.constant 14000 : i32
      %dma_wait3A_419 = tpu.memref_slice %arg9[%dma_wait3A_418] : memref<32000xf32, #tpu.memory_space<vmem>> -> memref<2000xf32, #tpu.memory_space<vmem>>
      tpu.wait_dma2 semaphore(%arg11 : memref<!tpu.dma_semaphore, #tpu.memory_space<semaphore_mem>>) src(%dma_wait3A_419 : memref<2000xf32, #tpu.memory_space<vmem>>) dst(%dma_wait3A_417 : memref<2000xf32, #tpu.memory_space<hbm>>)
      %dma_wait3A_420 = arith.constant 8 : i32
      %dma_wait3A_421 = arith.constant 16000 : i32
      %dma_wait3A_422 = tpu.memref_slice %arg9[%dma_wait3A_421] : memref<32000xf32, #tpu.memory_space<vmem>> -> memref<2000xf32, #tpu.memory_space<vmem>>
      %dma_wait3A_423 = tpu.memref_slice %arg6[%dma_wait3A_420, %add3A_241] : memref<16x320000xf32, #tpu.memory_space<hbm>> -> memref<1x2000xf32, #tpu.memory_space<hbm>>
      %dma_wait3A_424 = tpu.memref_squeeze %dma_wait3A_423 : memref<1x2000xf32, #tpu.memory_space<hbm>> -> memref<2000xf32, #tpu.memory_space<hbm>>
      %dma_wait3A_425 = tpu.memref_slice %arg6[%dma_wait3A_420, %add3A_241] : memref<16x320000xf32, #tpu.memory_space<hbm>> -> memref<1x2000xf32, #tpu.memory_space<hbm>>
      %dma_wait3A_426 = tpu.memref_squeeze %dma_wait3A_425 : memref<1x2000xf32, #tpu.memory_space<hbm>> -> memref<2000xf32, #tpu.memory_space<hbm>>
      %dma_wait3A_427 = arith.constant 16000 : i32
      %dma_wait3A_428 = tpu.memref_slice %arg9[%dma_wait3A_427] : memref<32000xf32, #tpu.memory_space<vmem>> -> memref<2000xf32, #tpu.memory_space<vmem>>
      tpu.wait_dma2 semaphore(%arg11 : memref<!tpu.dma_semaphore, #tpu.memory_space<semaphore_mem>>) src(%dma_wait3A_428 : memref<2000xf32, #tpu.memory_space<vmem>>) dst(%dma_wait3A_426 : memref<2000xf32, #tpu.memory_space<hbm>>)
      %dma_wait3A_429 = arith.constant 9 : i32
      %dma_wait3A_430 = arith.constant 18000 : i32
      %dma_wait3A_431 = tpu.memref_slice %arg9[%dma_wait3A_430] : memref<32000xf32, #tpu.memory_space<vmem>> -> memref<2000xf32, #tpu.memory_space<vmem>>
      %dma_wait3A_432 = tpu.memref_slice %arg6[%dma_wait3A_429, %add3A_255] : memref<16x320000xf32, #tpu.memory_space<hbm>> -> memref<1x2000xf32, #tpu.memory_space<hbm>>
      %dma_wait3A_433 = tpu.memref_squeeze %dma_wait3A_432 : memref<1x2000xf32, #tpu.memory_space<hbm>> -> memref<2000xf32, #tpu.memory_space<hbm>>
      %dma_wait3A_434 = tpu.memref_slice %arg6[%dma_wait3A_429, %add3A_255] : memref<16x320000xf32, #tpu.memory_space<hbm>> -> memref<1x2000xf32, #tpu.memory_space<hbm>>
      %dma_wait3A_435 = tpu.memref_squeeze %dma_wait3A_434 : memref<1x2000xf32, #tpu.memory_space<hbm>> -> memref<2000xf32, #tpu.memory_space<hbm>>
      %dma_wait3A_436 = arith.constant 18000 : i32
      %dma_wait3A_437 = tpu.memref_slice %arg9[%dma_wait3A_436] : memref<32000xf32, #tpu.memory_space<vmem>> -> memref<2000xf32, #tpu.memory_space<vmem>>
      tpu.wait_dma2 semaphore(%arg11 : memref<!tpu.dma_semaphore, #tpu.memory_space<semaphore_mem>>) src(%dma_wait3A_437 : memref<2000xf32, #tpu.memory_space<vmem>>) dst(%dma_wait3A_435 : memref<2000xf32, #tpu.memory_space<hbm>>)
      %dma_wait3A_438 = arith.constant 10 : i32
      %dma_wait3A_439 = arith.constant 20000 : i32
      %dma_wait3A_440 = tpu.memref_slice %arg9[%dma_wait3A_439] : memref<32000xf32, #tpu.memory_space<vmem>> -> memref<2000xf32, #tpu.memory_space<vmem>>
      %dma_wait3A_441 = tpu.memref_slice %arg6[%dma_wait3A_438, %add3A_269] : memref<16x320000xf32, #tpu.memory_space<hbm>> -> memref<1x2000xf32, #tpu.memory_space<hbm>>
      %dma_wait3A_442 = tpu.memref_squeeze %dma_wait3A_441 : memref<1x2000xf32, #tpu.memory_space<hbm>> -> memref<2000xf32, #tpu.memory_space<hbm>>
      %dma_wait3A_443 = tpu.memref_slice %arg6[%dma_wait3A_438, %add3A_269] : memref<16x320000xf32, #tpu.memory_space<hbm>> -> memref<1x2000xf32, #tpu.memory_space<hbm>>
      %dma_wait3A_444 = tpu.memref_squeeze %dma_wait3A_443 : memref<1x2000xf32, #tpu.memory_space<hbm>> -> memref<2000xf32, #tpu.memory_space<hbm>>
      %dma_wait3A_445 = arith.constant 20000 : i32
      %dma_wait3A_446 = tpu.memref_slice %arg9[%dma_wait3A_445] : memref<32000xf32, #tpu.memory_space<vmem>> -> memref<2000xf32, #tpu.memory_space<vmem>>
      tpu.wait_dma2 semaphore(%arg11 : memref<!tpu.dma_semaphore, #tpu.memory_space<semaphore_mem>>) src(%dma_wait3A_446 : memref<2000xf32, #tpu.memory_space<vmem>>) dst(%dma_wait3A_444 : memref<2000xf32, #tpu.memory_space<hbm>>)
      %dma_wait3A_447 = arith.constant 11 : i32
      %dma_wait3A_448 = arith.constant 22000 : i32
      %dma_wait3A_449 = tpu.memref_slice %arg9[%dma_wait3A_448] : memref<32000xf32, #tpu.memory_space<vmem>> -> memref<2000xf32, #tpu.memory_space<vmem>>
      %dma_wait3A_450 = tpu.memref_slice %arg6[%dma_wait3A_447, %add3A_283] : memref<16x320000xf32, #tpu.memory_space<hbm>> -> memref<1x2000xf32, #tpu.memory_space<hbm>>
      %dma_wait3A_451 = tpu.memref_squeeze %dma_wait3A_450 : memref<1x2000xf32, #tpu.memory_space<hbm>> -> memref<2000xf32, #tpu.memory_space<hbm>>
      %dma_wait3A_452 = tpu.memref_slice %arg6[%dma_wait3A_447, %add3A_283] : memref<16x320000xf32, #tpu.memory_space<hbm>> -> memref<1x2000xf32, #tpu.memory_space<hbm>>
      %dma_wait3A_453 = tpu.memref_squeeze %dma_wait3A_452 : memref<1x2000xf32, #tpu.memory_space<hbm>> -> memref<2000xf32, #tpu.memory_space<hbm>>
      %dma_wait3A_454 = arith.constant 22000 : i32
      %dma_wait3A_455 = tpu.memref_slice %arg9[%dma_wait3A_454] : memref<32000xf32, #tpu.memory_space<vmem>> -> memref<2000xf32, #tpu.memory_space<vmem>>
      tpu.wait_dma2 semaphore(%arg11 : memref<!tpu.dma_semaphore, #tpu.memory_space<semaphore_mem>>) src(%dma_wait3A_455 : memref<2000xf32, #tpu.memory_space<vmem>>) dst(%dma_wait3A_453 : memref<2000xf32, #tpu.memory_space<hbm>>)
      %dma_wait3A_456 = arith.constant 12 : i32
      %dma_wait3A_457 = arith.constant 24000 : i32
      %dma_wait3A_458 = tpu.memref_slice %arg9[%dma_wait3A_457] : memref<32000xf32, #tpu.memory_space<vmem>> -> memref<2000xf32, #tpu.memory_space<vmem>>
      %dma_wait3A_459 = tpu.memref_slice %arg6[%dma_wait3A_456, %add3A_297] : memref<16x320000xf32, #tpu.memory_space<hbm>> -> memref<1x2000xf32, #tpu.memory_space<hbm>>
      %dma_wait3A_460 = tpu.memref_squeeze %dma_wait3A_459 : memref<1x2000xf32, #tpu.memory_space<hbm>> -> memref<2000xf32, #tpu.memory_space<hbm>>
      %dma_wait3A_461 = tpu.memref_slice %arg6[%dma_wait3A_456, %add3A_297] : memref<16x320000xf32, #tpu.memory_space<hbm>> -> memref<1x2000xf32, #tpu.memory_space<hbm>>
      %dma_wait3A_462 = tpu.memref_squeeze %dma_wait3A_461 : memref<1x2000xf32, #tpu.memory_space<hbm>> -> memref<2000xf32, #tpu.memory_space<hbm>>
      %dma_wait3A_463 = arith.constant 24000 : i32
      %dma_wait3A_464 = tpu.memref_slice %arg9[%dma_wait3A_463] : memref<32000xf32, #tpu.memory_space<vmem>> -> memref<2000xf32, #tpu.memory_space<vmem>>
      tpu.wait_dma2 semaphore(%arg11 : memref<!tpu.dma_semaphore, #tpu.memory_space<semaphore_mem>>) src(%dma_wait3A_464 : memref<2000xf32, #tpu.memory_space<vmem>>) dst(%dma_wait3A_462 : memref<2000xf32, #tpu.memory_space<hbm>>)
      %dma_wait3A_465 = arith.constant 13 : i32
      %dma_wait3A_466 = arith.constant 26000 : i32
      %dma_wait3A_467 = tpu.memref_slice %arg9[%dma_wait3A_466] : memref<32000xf32, #tpu.memory_space<vmem>> -> memref<2000xf32, #tpu.memory_space<vmem>>
      %dma_wait3A_468 = tpu.memref_slice %arg6[%dma_wait3A_465, %add3A_311] : memref<16x320000xf32, #tpu.memory_space<hbm>> -> memref<1x2000xf32, #tpu.memory_space<hbm>>
      %dma_wait3A_469 = tpu.memref_squeeze %dma_wait3A_468 : memref<1x2000xf32, #tpu.memory_space<hbm>> -> memref<2000xf32, #tpu.memory_space<hbm>>
      %dma_wait3A_470 = tpu.memref_slice %arg6[%dma_wait3A_465, %add3A_311] : memref<16x320000xf32, #tpu.memory_space<hbm>> -> memref<1x2000xf32, #tpu.memory_space<hbm>>
      %dma_wait3A_471 = tpu.memref_squeeze %dma_wait3A_470 : memref<1x2000xf32, #tpu.memory_space<hbm>> -> memref<2000xf32, #tpu.memory_space<hbm>>
      %dma_wait3A_472 = arith.constant 26000 : i32
      %dma_wait3A_473 = tpu.memref_slice %arg9[%dma_wait3A_472] : memref<32000xf32, #tpu.memory_space<vmem>> -> memref<2000xf32, #tpu.memory_space<vmem>>
      tpu.wait_dma2 semaphore(%arg11 : memref<!tpu.dma_semaphore, #tpu.memory_space<semaphore_mem>>) src(%dma_wait3A_473 : memref<2000xf32, #tpu.memory_space<vmem>>) dst(%dma_wait3A_471 : memref<2000xf32, #tpu.memory_space<hbm>>)
      %dma_wait3A_474 = arith.constant 14 : i32
      %dma_wait3A_475 = arith.constant 28000 : i32
      %dma_wait3A_476 = tpu.memref_slice %arg9[%dma_wait3A_475] : memref<32000xf32, #tpu.memory_space<vmem>> -> memref<2000xf32, #tpu.memory_space<vmem>>
      %dma_wait3A_477 = tpu.memref_slice %arg6[%dma_wait3A_474, %add3A_325] : memref<16x320000xf32, #tpu.memory_space<hbm>> -> memref<1x2000xf32, #tpu.memory_space<hbm>>
      %dma_wait3A_478 = tpu.memref_squeeze %dma_wait3A_477 : memref<1x2000xf32, #tpu.memory_space<hbm>> -> memref<2000xf32, #tpu.memory_space<hbm>>
      %dma_wait3A_479 = tpu.memref_slice %arg6[%dma_wait3A_474, %add3A_325] : memref<16x320000xf32, #tpu.memory_space<hbm>> -> memref<1x2000xf32, #tpu.memory_space<hbm>>
      %dma_wait3A_480 = tpu.memref_squeeze %dma_wait3A_479 : memref<1x2000xf32, #tpu.memory_space<hbm>> -> memref<2000xf32, #tpu.memory_space<hbm>>
      %dma_wait3A_481 = arith.constant 28000 : i32
      %dma_wait3A_482 = tpu.memref_slice %arg9[%dma_wait3A_481] : memref<32000xf32, #tpu.memory_space<vmem>> -> memref<2000xf32, #tpu.memory_space<vmem>>
      tpu.wait_dma2 semaphore(%arg11 : memref<!tpu.dma_semaphore, #tpu.memory_space<semaphore_mem>>) src(%dma_wait3A_482 : memref<2000xf32, #tpu.memory_space<vmem>>) dst(%dma_wait3A_480 : memref<2000xf32, #tpu.memory_space<hbm>>)
      %dma_wait3A_483 = arith.constant 15 : i32
      %dma_wait3A_484 = arith.constant 30000 : i32
      %dma_wait3A_485 = tpu.memref_slice %arg9[%dma_wait3A_484] : memref<32000xf32, #tpu.memory_space<vmem>> -> memref<2000xf32, #tpu.memory_space<vmem>>
      %dma_wait3A_486 = tpu.memref_slice %arg6[%dma_wait3A_483, %add3A_339] : memref<16x320000xf32, #tpu.memory_space<hbm>> -> memref<1x2000xf32, #tpu.memory_space<hbm>>
      %dma_wait3A_487 = tpu.memref_squeeze %dma_wait3A_486 : memref<1x2000xf32, #tpu.memory_space<hbm>> -> memref<2000xf32, #tpu.memory_space<hbm>>
      %dma_wait3A_488 = tpu.memref_slice %arg6[%dma_wait3A_483, %add3A_339] : memref<16x320000xf32, #tpu.memory_space<hbm>> -> memref<1x2000xf32, #tpu.memory_space<hbm>>
      %dma_wait3A_489 = tpu.memref_squeeze %dma_wait3A_488 : memref<1x2000xf32, #tpu.memory_space<hbm>> -> memref<2000xf32, #tpu.memory_space<hbm>>
      %dma_wait3A_490 = arith.constant 30000 : i32
      %dma_wait3A_491 = tpu.memref_slice %arg9[%dma_wait3A_490] : memref<32000xf32, #tpu.memory_space<vmem>> -> memref<2000xf32, #tpu.memory_space<vmem>>
      tpu.wait_dma2 semaphore(%arg11 : memref<!tpu.dma_semaphore, #tpu.memory_space<semaphore_mem>>) src(%dma_wait3A_491 : memref<2000xf32, #tpu.memory_space<vmem>>) dst(%dma_wait3A_489 : memref<2000xf32, #tpu.memory_space<hbm>>)
    }
    %scan3A_9 = arith.constant 5 : i32
    %barrier3A_10 = arith.constant 0 : index
    tpu.barrier barrier_id(%barrier3A_10)
    "tpu.region"() ({
      %run_scoped3A = tpu.sem_alloc : memref<!tpu.dma_semaphore, #tpu.memory_space<semaphore_mem>>
      %dma_start3A = arith.constant 0 : i32
      %dma_start3A_11 = tpu.memref_slice %arg5[%arg0, %mul3A_2, %dma_start3A] : memref<2x10000x16xf32, #tpu.memory_space<hbm>> -> memref<1x625x16xf32, #tpu.memory_space<hbm>>
      %dma_start3A_12 = tpu.memref_squeeze %dma_start3A_11 : memref<1x625x16xf32, #tpu.memory_space<hbm>> -> memref<625x16xf32, #tpu.memory_space<hbm>>
      %dma_start3A_13 = arith.constant 0 : i32
      %dma_start3A_14 = tpu.memref_slice %arg10[%mul3A_2, %dma_start3A_13] : memref<10000x16xf32, #tpu.memory_space<vmem_shared>> -> memref<625x16xf32, #tpu.memory_space<vmem_shared>>
      tpu.enqueue_dma source(%dma_start3A_14 : memref<625x16xf32, #tpu.memory_space<vmem_shared>>) target(%dma_start3A_12 : memref<625x16xf32, #tpu.memory_space<hbm>>) target_semaphore(%run_scoped3A : memref<!tpu.dma_semaphore, #tpu.memory_space<semaphore_mem>>)
      %dma_wait3A = arith.constant 0 : i32
      %dma_wait3A_15 = tpu.memref_slice %arg5[%arg0, %mul3A_2, %dma_wait3A] : memref<2x10000x16xf32, #tpu.memory_space<hbm>> -> memref<1x625x16xf32, #tpu.memory_space<hbm>>
      %dma_wait3A_16 = tpu.memref_squeeze %dma_wait3A_15 : memref<1x625x16xf32, #tpu.memory_space<hbm>> -> memref<625x16xf32, #tpu.memory_space<hbm>>
      %dma_wait3A_17 = arith.constant 0 : i32
      %dma_wait3A_18 = tpu.memref_slice %arg10[%mul3A_2, %dma_wait3A_17] : memref<10000x16xf32, #tpu.memory_space<vmem_shared>> -> memref<625x16xf32, #tpu.memory_space<vmem_shared>>
      tpu.wait_dma2 semaphore(%run_scoped3A : memref<!tpu.dma_semaphore, #tpu.memory_space<semaphore_mem>>) src(%dma_wait3A_18 : memref<625x16xf32, #tpu.memory_space<vmem_shared>>) dst(%dma_wait3A_16 : memref<625x16xf32, #tpu.memory_space<hbm>>)
      tpu.yield
    }) : () -> ()
    return
  }
}

#map = affine_map<(d0, d1) -> (0, 0)>
#map1 = affine_map<(d0, d1) -> (0)>
module attributes {stable_mosaic.version = 14 : i64} {
  func.func @_sc_gather_body(%arg0: i32, %arg1: i32, %arg2: memref<10000x16xf32, #tpu.memory_space<hbm>>, %arg3: memref<10000x16xf32, #tpu.memory_space<hbm>>, %arg4: memref<320000xi32, #tpu.memory_space<hbm>>, %arg5: memref<320000xi32, #tpu.memory_space<hbm>>, %arg6: memref<16x320000xf32, #tpu.memory_space<hbm>>, %arg7: memref<320000x16xf32, #tpu.memory_space<hbm>>, %arg8: memref<320000x16xf32, #tpu.memory_space<hbm>>, %arg9: memref<5120000xf32, #tpu.memory_space<hbm>>, %arg10: memref<10000xi32, #tpu.memory_space<vmem>>, %arg11: memref<10000xi32, #tpu.memory_space<vmem>>, %arg12: memref<2000x16xf32, #tpu.memory_space<vmem>>, %arg13: memref<32000xf32, #tpu.memory_space<vmem>>, %arg14: memref<32000xf32, #tpu.memory_space<vmem>>, %arg15: memref<!tpu.dma_semaphore, #tpu.memory_space<semaphore_mem>>) attributes {dimension_semantics = [#tpu.dimension_semantics<core_parallel>, #tpu.dimension_semantics<subcore_parallel>], iteration_bounds = array<i64: 2, 16>, scalar_prefetch = 0 : i64, scratch_operands = 6 : i64, tpu.core_type = #tpu.core_type<sc_vector_subcore>, window_params = [{transform_indices = #map}, {transform_indices = #map}, {transform_indices = #map1}, {transform_indices = #map1}, {transform_indices = #map}, {transform_indices = #map}, {transform_indices = #map}, {transform_indices = #map1}]} {
    %mul3A = arith.constant 2 : i32
    %mul3A_0 = arith.muli %arg1, %mul3A : i32
    %add3A = arith.addi %mul3A_0, %arg0 : i32
    %mul3A_1 = arith.constant 10000 : i32
    %mul3A_2 = arith.muli %add3A, %mul3A_1 : i32
    "tpu.region"() ({
      %run_scoped3A = tpu.sem_alloc : memref<!tpu.dma_semaphore, #tpu.memory_space<semaphore_mem>>
      %dma_start3A = tpu.memref_slice %arg4[%mul3A_2] : memref<320000xi32, #tpu.memory_space<hbm>> -> memref<10000xi32, #tpu.memory_space<hbm>>
      %dma_start3A_20 = tpu.memref_slice %arg4[%mul3A_2] : memref<320000xi32, #tpu.memory_space<hbm>> -> memref<10000xi32, #tpu.memory_space<hbm>>
      tpu.enqueue_dma source(%dma_start3A_20 : memref<10000xi32, #tpu.memory_space<hbm>>) target(%arg10 : memref<10000xi32, #tpu.memory_space<vmem>>) target_semaphore(%run_scoped3A : memref<!tpu.dma_semaphore, #tpu.memory_space<semaphore_mem>>)
      %dma_wait3A = tpu.memref_slice %arg4[%mul3A_2] : memref<320000xi32, #tpu.memory_space<hbm>> -> memref<10000xi32, #tpu.memory_space<hbm>>
      %dma_wait3A_21 = tpu.memref_slice %arg4[%mul3A_2] : memref<320000xi32, #tpu.memory_space<hbm>> -> memref<10000xi32, #tpu.memory_space<hbm>>
      tpu.wait_dma2 semaphore(%run_scoped3A : memref<!tpu.dma_semaphore, #tpu.memory_space<semaphore_mem>>) src(%dma_wait3A_21 : memref<10000xi32, #tpu.memory_space<hbm>>) dst(%arg10 : memref<10000xi32, #tpu.memory_space<vmem>>)
      tpu.yield
    }) : () -> ()
    "tpu.region"() ({
      %run_scoped3A = tpu.sem_alloc : memref<!tpu.dma_semaphore, #tpu.memory_space<semaphore_mem>>
      %dma_start3A = tpu.memref_slice %arg5[%mul3A_2] : memref<320000xi32, #tpu.memory_space<hbm>> -> memref<10000xi32, #tpu.memory_space<hbm>>
      %dma_start3A_20 = tpu.memref_slice %arg5[%mul3A_2] : memref<320000xi32, #tpu.memory_space<hbm>> -> memref<10000xi32, #tpu.memory_space<hbm>>
      tpu.enqueue_dma source(%dma_start3A_20 : memref<10000xi32, #tpu.memory_space<hbm>>) target(%arg11 : memref<10000xi32, #tpu.memory_space<vmem>>) target_semaphore(%run_scoped3A : memref<!tpu.dma_semaphore, #tpu.memory_space<semaphore_mem>>)
      %dma_wait3A = tpu.memref_slice %arg5[%mul3A_2] : memref<320000xi32, #tpu.memory_space<hbm>> -> memref<10000xi32, #tpu.memory_space<hbm>>
      %dma_wait3A_21 = tpu.memref_slice %arg5[%mul3A_2] : memref<320000xi32, #tpu.memory_space<hbm>> -> memref<10000xi32, #tpu.memory_space<hbm>>
      tpu.wait_dma2 semaphore(%run_scoped3A : memref<!tpu.dma_semaphore, #tpu.memory_space<semaphore_mem>>) src(%dma_wait3A_21 : memref<10000xi32, #tpu.memory_space<hbm>>) dst(%arg11 : memref<10000xi32, #tpu.memory_space<vmem>>)
      tpu.yield
    }) : () -> ()
    %iota3A = tpu.iota {dimensions = array<i32: 0>} : vector<16xi32>
    %scan3A = arith.constant 0 : i32
    %scan3A_3 = arith.constant 0 : i32
    %scan3A_4 = arith.constant 5 : i32
    %scan3A_5 = arith.addi %scan3A_3, %scan3A_4 : i32
    %scan3A_6 = arith.constant 1 : i32
    scf.for %scan3A_20 = %scan3A_3 to %scan3A_5 step %scan3A_6  : i32 {
      %mul3A_21 = arith.constant 2000 : i32
      %mul3A_22 = arith.muli %scan3A_20, %mul3A_21 : i32
      %add3A_23 = arith.constant 0 : i32
      %add3A_24 = arith.addi %mul3A_22, %add3A_23 : i32
      %dma_start3A = arith.constant 0 : i32
      %dma_start3A_25 = arith.constant 0 : i32
      %dma_start3A_26 = tpu.memref_slice %arg12[%dma_start3A, %dma_start3A_25] : memref<2000x16xf32, #tpu.memory_space<vmem>> -> memref<80x16xf32, #tpu.memory_space<vmem>>
      %dma_start3A_27 = tpu.memref_slice %arg10[%add3A_24] : memref<10000xi32, #tpu.memory_space<vmem>> -> memref<80xi32, #tpu.memory_space<vmem>>
      %dma_start3A_28 = arith.constant 0 : i32
      %dma_start3A_29 = arith.constant 0 : i32
      %dma_start3A_30 = tpu.memref_slice %arg2[%dma_start3A_28, %dma_start3A_29] : memref<10000x16xf32, #tpu.memory_space<hbm>> -> memref<10000x16xf32, #tpu.memory_space<hbm>>
      tpu.enqueue_indirect_dma source(%dma_start3A_30 : memref<10000x16xf32, #tpu.memory_space<hbm>>) target(%dma_start3A_26 : memref<80x16xf32, #tpu.memory_space<vmem>>) offsets(%dma_start3A_27 : memref<80xi32, #tpu.memory_space<vmem>>) semaphore(%arg15 : memref<!tpu.dma_semaphore, #tpu.memory_space<semaphore_mem>>)
      %mul3A_31 = arith.constant 2000 : i32
      %mul3A_32 = arith.muli %scan3A_20, %mul3A_31 : i32
      %add3A_33 = arith.constant 80 : i32
      %add3A_34 = arith.addi %mul3A_32, %add3A_33 : i32
      %dma_start3A_35 = arith.constant 80 : i32
      %dma_start3A_36 = arith.constant 0 : i32
      %dma_start3A_37 = tpu.memref_slice %arg12[%dma_start3A_35, %dma_start3A_36] : memref<2000x16xf32, #tpu.memory_space<vmem>> -> memref<80x16xf32, #tpu.memory_space<vmem>>
      %dma_start3A_38 = tpu.memref_slice %arg10[%add3A_34] : memref<10000xi32, #tpu.memory_space<vmem>> -> memref<80xi32, #tpu.memory_space<vmem>>
      %dma_start3A_39 = arith.constant 0 : i32
      %dma_start3A_40 = arith.constant 0 : i32
      %dma_start3A_41 = tpu.memref_slice %arg2[%dma_start3A_39, %dma_start3A_40] : memref<10000x16xf32, #tpu.memory_space<hbm>> -> memref<10000x16xf32, #tpu.memory_space<hbm>>
      tpu.enqueue_indirect_dma source(%dma_start3A_41 : memref<10000x16xf32, #tpu.memory_space<hbm>>) target(%dma_start3A_37 : memref<80x16xf32, #tpu.memory_space<vmem>>) offsets(%dma_start3A_38 : memref<80xi32, #tpu.memory_space<vmem>>) semaphore(%arg15 : memref<!tpu.dma_semaphore, #tpu.memory_space<semaphore_mem>>)
      %mul3A_42 = arith.constant 2000 : i32
      %mul3A_43 = arith.muli %scan3A_20, %mul3A_42 : i32
      %add3A_44 = arith.constant 160 : i32
      %add3A_45 = arith.addi %mul3A_43, %add3A_44 : i32
      %dma_start3A_46 = arith.constant 160 : i32
      %dma_start3A_47 = arith.constant 0 : i32
      %dma_start3A_48 = tpu.memref_slice %arg12[%dma_start3A_46, %dma_start3A_47] : memref<2000x16xf32, #tpu.memory_space<vmem>> -> memref<80x16xf32, #tpu.memory_space<vmem>>
      %dma_start3A_49 = tpu.memref_slice %arg10[%add3A_45] : memref<10000xi32, #tpu.memory_space<vmem>> -> memref<80xi32, #tpu.memory_space<vmem>>
      %dma_start3A_50 = arith.constant 0 : i32
      %dma_start3A_51 = arith.constant 0 : i32
      %dma_start3A_52 = tpu.memref_slice %arg2[%dma_start3A_50, %dma_start3A_51] : memref<10000x16xf32, #tpu.memory_space<hbm>> -> memref<10000x16xf32, #tpu.memory_space<hbm>>
      tpu.enqueue_indirect_dma source(%dma_start3A_52 : memref<10000x16xf32, #tpu.memory_space<hbm>>) target(%dma_start3A_48 : memref<80x16xf32, #tpu.memory_space<vmem>>) offsets(%dma_start3A_49 : memref<80xi32, #tpu.memory_space<vmem>>) semaphore(%arg15 : memref<!tpu.dma_semaphore, #tpu.memory_space<semaphore_mem>>)
      %mul3A_53 = arith.constant 2000 : i32
      %mul3A_54 = arith.muli %scan3A_20, %mul3A_53 : i32
      %add3A_55 = arith.constant 240 : i32
      %add3A_56 = arith.addi %mul3A_54, %add3A_55 : i32
      %dma_start3A_57 = arith.constant 240 : i32
      %dma_start3A_58 = arith.constant 0 : i32
      %dma_start3A_59 = tpu.memref_slice %arg12[%dma_start3A_57, %dma_start3A_58] : memref<2000x16xf32, #tpu.memory_space<vmem>> -> memref<80x16xf32, #tpu.memory_space<vmem>>
      %dma_start3A_60 = tpu.memref_slice %arg10[%add3A_56] : memref<10000xi32, #tpu.memory_space<vmem>> -> memref<80xi32, #tpu.memory_space<vmem>>
      %dma_start3A_61 = arith.constant 0 : i32
      %dma_start3A_62 = arith.constant 0 : i32
      %dma_start3A_63 = tpu.memref_slice %arg2[%dma_start3A_61, %dma_start3A_62] : memref<10000x16xf32, #tpu.memory_space<hbm>> -> memref<10000x16xf32, #tpu.memory_space<hbm>>
      tpu.enqueue_indirect_dma source(%dma_start3A_63 : memref<10000x16xf32, #tpu.memory_space<hbm>>) target(%dma_start3A_59 : memref<80x16xf32, #tpu.memory_space<vmem>>) offsets(%dma_start3A_60 : memref<80xi32, #tpu.memory_space<vmem>>) semaphore(%arg15 : memref<!tpu.dma_semaphore, #tpu.memory_space<semaphore_mem>>)
      %mul3A_64 = arith.constant 2000 : i32
      %mul3A_65 = arith.muli %scan3A_20, %mul3A_64 : i32
      %add3A_66 = arith.constant 320 : i32
      %add3A_67 = arith.addi %mul3A_65, %add3A_66 : i32
      %dma_start3A_68 = arith.constant 320 : i32
      %dma_start3A_69 = arith.constant 0 : i32
      %dma_start3A_70 = tpu.memref_slice %arg12[%dma_start3A_68, %dma_start3A_69] : memref<2000x16xf32, #tpu.memory_space<vmem>> -> memref<80x16xf32, #tpu.memory_space<vmem>>
      %dma_start3A_71 = tpu.memref_slice %arg10[%add3A_67] : memref<10000xi32, #tpu.memory_space<vmem>> -> memref<80xi32, #tpu.memory_space<vmem>>
      %dma_start3A_72 = arith.constant 0 : i32
      %dma_start3A_73 = arith.constant 0 : i32
      %dma_start3A_74 = tpu.memref_slice %arg2[%dma_start3A_72, %dma_start3A_73] : memref<10000x16xf32, #tpu.memory_space<hbm>> -> memref<10000x16xf32, #tpu.memory_space<hbm>>
      tpu.enqueue_indirect_dma source(%dma_start3A_74 : memref<10000x16xf32, #tpu.memory_space<hbm>>) target(%dma_start3A_70 : memref<80x16xf32, #tpu.memory_space<vmem>>) offsets(%dma_start3A_71 : memref<80xi32, #tpu.memory_space<vmem>>) semaphore(%arg15 : memref<!tpu.dma_semaphore, #tpu.memory_space<semaphore_mem>>)
      %mul3A_75 = arith.constant 2000 : i32
      %mul3A_76 = arith.muli %scan3A_20, %mul3A_75 : i32
      %add3A_77 = arith.constant 400 : i32
      %add3A_78 = arith.addi %mul3A_76, %add3A_77 : i32
      %dma_start3A_79 = arith.constant 400 : i32
      %dma_start3A_80 = arith.constant 0 : i32
      %dma_start3A_81 = tpu.memref_slice %arg12[%dma_start3A_79, %dma_start3A_80] : memref<2000x16xf32, #tpu.memory_space<vmem>> -> memref<80x16xf32, #tpu.memory_space<vmem>>
      %dma_start3A_82 = tpu.memref_slice %arg10[%add3A_78] : memref<10000xi32, #tpu.memory_space<vmem>> -> memref<80xi32, #tpu.memory_space<vmem>>
      %dma_start3A_83 = arith.constant 0 : i32
      %dma_start3A_84 = arith.constant 0 : i32
      %dma_start3A_85 = tpu.memref_slice %arg2[%dma_start3A_83, %dma_start3A_84] : memref<10000x16xf32, #tpu.memory_space<hbm>> -> memref<10000x16xf32, #tpu.memory_space<hbm>>
      tpu.enqueue_indirect_dma source(%dma_start3A_85 : memref<10000x16xf32, #tpu.memory_space<hbm>>) target(%dma_start3A_81 : memref<80x16xf32, #tpu.memory_space<vmem>>) offsets(%dma_start3A_82 : memref<80xi32, #tpu.memory_space<vmem>>) semaphore(%arg15 : memref<!tpu.dma_semaphore, #tpu.memory_space<semaphore_mem>>)
      %mul3A_86 = arith.constant 2000 : i32
      %mul3A_87 = arith.muli %scan3A_20, %mul3A_86 : i32
      %add3A_88 = arith.constant 480 : i32
      %add3A_89 = arith.addi %mul3A_87, %add3A_88 : i32
      %dma_start3A_90 = arith.constant 480 : i32
      %dma_start3A_91 = arith.constant 0 : i32
      %dma_start3A_92 = tpu.memref_slice %arg12[%dma_start3A_90, %dma_start3A_91] : memref<2000x16xf32, #tpu.memory_space<vmem>> -> memref<80x16xf32, #tpu.memory_space<vmem>>
      %dma_start3A_93 = tpu.memref_slice %arg10[%add3A_89] : memref<10000xi32, #tpu.memory_space<vmem>> -> memref<80xi32, #tpu.memory_space<vmem>>
      %dma_start3A_94 = arith.constant 0 : i32
      %dma_start3A_95 = arith.constant 0 : i32
      %dma_start3A_96 = tpu.memref_slice %arg2[%dma_start3A_94, %dma_start3A_95] : memref<10000x16xf32, #tpu.memory_space<hbm>> -> memref<10000x16xf32, #tpu.memory_space<hbm>>
      tpu.enqueue_indirect_dma source(%dma_start3A_96 : memref<10000x16xf32, #tpu.memory_space<hbm>>) target(%dma_start3A_92 : memref<80x16xf32, #tpu.memory_space<vmem>>) offsets(%dma_start3A_93 : memref<80xi32, #tpu.memory_space<vmem>>) semaphore(%arg15 : memref<!tpu.dma_semaphore, #tpu.memory_space<semaphore_mem>>)
      %mul3A_97 = arith.constant 2000 : i32
      %mul3A_98 = arith.muli %scan3A_20, %mul3A_97 : i32
      %add3A_99 = arith.constant 560 : i32
      %add3A_100 = arith.addi %mul3A_98, %add3A_99 : i32
      %dma_start3A_101 = arith.constant 560 : i32
      %dma_start3A_102 = arith.constant 0 : i32
      %dma_start3A_103 = tpu.memref_slice %arg12[%dma_start3A_101, %dma_start3A_102] : memref<2000x16xf32, #tpu.memory_space<vmem>> -> memref<80x16xf32, #tpu.memory_space<vmem>>
      %dma_start3A_104 = tpu.memref_slice %arg10[%add3A_100] : memref<10000xi32, #tpu.memory_space<vmem>> -> memref<80xi32, #tpu.memory_space<vmem>>
      %dma_start3A_105 = arith.constant 0 : i32
      %dma_start3A_106 = arith.constant 0 : i32
      %dma_start3A_107 = tpu.memref_slice %arg2[%dma_start3A_105, %dma_start3A_106] : memref<10000x16xf32, #tpu.memory_space<hbm>> -> memref<10000x16xf32, #tpu.memory_space<hbm>>
      tpu.enqueue_indirect_dma source(%dma_start3A_107 : memref<10000x16xf32, #tpu.memory_space<hbm>>) target(%dma_start3A_103 : memref<80x16xf32, #tpu.memory_space<vmem>>) offsets(%dma_start3A_104 : memref<80xi32, #tpu.memory_space<vmem>>) semaphore(%arg15 : memref<!tpu.dma_semaphore, #tpu.memory_space<semaphore_mem>>)
      %mul3A_108 = arith.constant 2000 : i32
      %mul3A_109 = arith.muli %scan3A_20, %mul3A_108 : i32
      %add3A_110 = arith.constant 640 : i32
      %add3A_111 = arith.addi %mul3A_109, %add3A_110 : i32
      %dma_start3A_112 = arith.constant 640 : i32
      %dma_start3A_113 = arith.constant 0 : i32
      %dma_start3A_114 = tpu.memref_slice %arg12[%dma_start3A_112, %dma_start3A_113] : memref<2000x16xf32, #tpu.memory_space<vmem>> -> memref<80x16xf32, #tpu.memory_space<vmem>>
      %dma_start3A_115 = tpu.memref_slice %arg10[%add3A_111] : memref<10000xi32, #tpu.memory_space<vmem>> -> memref<80xi32, #tpu.memory_space<vmem>>
      %dma_start3A_116 = arith.constant 0 : i32
      %dma_start3A_117 = arith.constant 0 : i32
      %dma_start3A_118 = tpu.memref_slice %arg2[%dma_start3A_116, %dma_start3A_117] : memref<10000x16xf32, #tpu.memory_space<hbm>> -> memref<10000x16xf32, #tpu.memory_space<hbm>>
      tpu.enqueue_indirect_dma source(%dma_start3A_118 : memref<10000x16xf32, #tpu.memory_space<hbm>>) target(%dma_start3A_114 : memref<80x16xf32, #tpu.memory_space<vmem>>) offsets(%dma_start3A_115 : memref<80xi32, #tpu.memory_space<vmem>>) semaphore(%arg15 : memref<!tpu.dma_semaphore, #tpu.memory_space<semaphore_mem>>)
      %mul3A_119 = arith.constant 2000 : i32
      %mul3A_120 = arith.muli %scan3A_20, %mul3A_119 : i32
      %add3A_121 = arith.constant 720 : i32
      %add3A_122 = arith.addi %mul3A_120, %add3A_121 : i32
      %dma_start3A_123 = arith.constant 720 : i32
      %dma_start3A_124 = arith.constant 0 : i32
      %dma_start3A_125 = tpu.memref_slice %arg12[%dma_start3A_123, %dma_start3A_124] : memref<2000x16xf32, #tpu.memory_space<vmem>> -> memref<80x16xf32, #tpu.memory_space<vmem>>
      %dma_start3A_126 = tpu.memref_slice %arg10[%add3A_122] : memref<10000xi32, #tpu.memory_space<vmem>> -> memref<80xi32, #tpu.memory_space<vmem>>
      %dma_start3A_127 = arith.constant 0 : i32
      %dma_start3A_128 = arith.constant 0 : i32
      %dma_start3A_129 = tpu.memref_slice %arg2[%dma_start3A_127, %dma_start3A_128] : memref<10000x16xf32, #tpu.memory_space<hbm>> -> memref<10000x16xf32, #tpu.memory_space<hbm>>
      tpu.enqueue_indirect_dma source(%dma_start3A_129 : memref<10000x16xf32, #tpu.memory_space<hbm>>) target(%dma_start3A_125 : memref<80x16xf32, #tpu.memory_space<vmem>>) offsets(%dma_start3A_126 : memref<80xi32, #tpu.memory_space<vmem>>) semaphore(%arg15 : memref<!tpu.dma_semaphore, #tpu.memory_space<semaphore_mem>>)
      %mul3A_130 = arith.constant 2000 : i32
      %mul3A_131 = arith.muli %scan3A_20, %mul3A_130 : i32
      %add3A_132 = arith.constant 800 : i32
      %add3A_133 = arith.addi %mul3A_131, %add3A_132 : i32
      %dma_start3A_134 = arith.constant 800 : i32
      %dma_start3A_135 = arith.constant 0 : i32
      %dma_start3A_136 = tpu.memref_slice %arg12[%dma_start3A_134, %dma_start3A_135] : memref<2000x16xf32, #tpu.memory_space<vmem>> -> memref<80x16xf32, #tpu.memory_space<vmem>>
      %dma_start3A_137 = tpu.memref_slice %arg10[%add3A_133] : memref<10000xi32, #tpu.memory_space<vmem>> -> memref<80xi32, #tpu.memory_space<vmem>>
      %dma_start3A_138 = arith.constant 0 : i32
      %dma_start3A_139 = arith.constant 0 : i32
      %dma_start3A_140 = tpu.memref_slice %arg2[%dma_start3A_138, %dma_start3A_139] : memref<10000x16xf32, #tpu.memory_space<hbm>> -> memref<10000x16xf32, #tpu.memory_space<hbm>>
      tpu.enqueue_indirect_dma source(%dma_start3A_140 : memref<10000x16xf32, #tpu.memory_space<hbm>>) target(%dma_start3A_136 : memref<80x16xf32, #tpu.memory_space<vmem>>) offsets(%dma_start3A_137 : memref<80xi32, #tpu.memory_space<vmem>>) semaphore(%arg15 : memref<!tpu.dma_semaphore, #tpu.memory_space<semaphore_mem>>)
      %mul3A_141 = arith.constant 2000 : i32
      %mul3A_142 = arith.muli %scan3A_20, %mul3A_141 : i32
      %add3A_143 = arith.constant 880 : i32
      %add3A_144 = arith.addi %mul3A_142, %add3A_143 : i32
      %dma_start3A_145 = arith.constant 880 : i32
      %dma_start3A_146 = arith.constant 0 : i32
      %dma_start3A_147 = tpu.memref_slice %arg12[%dma_start3A_145, %dma_start3A_146] : memref<2000x16xf32, #tpu.memory_space<vmem>> -> memref<80x16xf32, #tpu.memory_space<vmem>>
      %dma_start3A_148 = tpu.memref_slice %arg10[%add3A_144] : memref<10000xi32, #tpu.memory_space<vmem>> -> memref<80xi32, #tpu.memory_space<vmem>>
      %dma_start3A_149 = arith.constant 0 : i32
      %dma_start3A_150 = arith.constant 0 : i32
      %dma_start3A_151 = tpu.memref_slice %arg2[%dma_start3A_149, %dma_start3A_150] : memref<10000x16xf32, #tpu.memory_space<hbm>> -> memref<10000x16xf32, #tpu.memory_space<hbm>>
      tpu.enqueue_indirect_dma source(%dma_start3A_151 : memref<10000x16xf32, #tpu.memory_space<hbm>>) target(%dma_start3A_147 : memref<80x16xf32, #tpu.memory_space<vmem>>) offsets(%dma_start3A_148 : memref<80xi32, #tpu.memory_space<vmem>>) semaphore(%arg15 : memref<!tpu.dma_semaphore, #tpu.memory_space<semaphore_mem>>)
      %mul3A_152 = arith.constant 2000 : i32
      %mul3A_153 = arith.muli %scan3A_20, %mul3A_152 : i32
      %add3A_154 = arith.constant 960 : i32
      %add3A_155 = arith.addi %mul3A_153, %add3A_154 : i32
      %dma_start3A_156 = arith.constant 960 : i32
      %dma_start3A_157 = arith.constant 0 : i32
      %dma_start3A_158 = tpu.memref_slice %arg12[%dma_start3A_156, %dma_start3A_157] : memref<2000x16xf32, #tpu.memory_space<vmem>> -> memref<80x16xf32, #tpu.memory_space<vmem>>
      %dma_start3A_159 = tpu.memref_slice %arg10[%add3A_155] : memref<10000xi32, #tpu.memory_space<vmem>> -> memref<80xi32, #tpu.memory_space<vmem>>
      %dma_start3A_160 = arith.constant 0 : i32
      %dma_start3A_161 = arith.constant 0 : i32
      %dma_start3A_162 = tpu.memref_slice %arg2[%dma_start3A_160, %dma_start3A_161] : memref<10000x16xf32, #tpu.memory_space<hbm>> -> memref<10000x16xf32, #tpu.memory_space<hbm>>
      tpu.enqueue_indirect_dma source(%dma_start3A_162 : memref<10000x16xf32, #tpu.memory_space<hbm>>) target(%dma_start3A_158 : memref<80x16xf32, #tpu.memory_space<vmem>>) offsets(%dma_start3A_159 : memref<80xi32, #tpu.memory_space<vmem>>) semaphore(%arg15 : memref<!tpu.dma_semaphore, #tpu.memory_space<semaphore_mem>>)
      %mul3A_163 = arith.constant 2000 : i32
      %mul3A_164 = arith.muli %scan3A_20, %mul3A_163 : i32
      %add3A_165 = arith.constant 1040 : i32
      %add3A_166 = arith.addi %mul3A_164, %add3A_165 : i32
      %dma_start3A_167 = arith.constant 1040 : i32
      %dma_start3A_168 = arith.constant 0 : i32
      %dma_start3A_169 = tpu.memref_slice %arg12[%dma_start3A_167, %dma_start3A_168] : memref<2000x16xf32, #tpu.memory_space<vmem>> -> memref<80x16xf32, #tpu.memory_space<vmem>>
      %dma_start3A_170 = tpu.memref_slice %arg10[%add3A_166] : memref<10000xi32, #tpu.memory_space<vmem>> -> memref<80xi32, #tpu.memory_space<vmem>>
      %dma_start3A_171 = arith.constant 0 : i32
      %dma_start3A_172 = arith.constant 0 : i32
      %dma_start3A_173 = tpu.memref_slice %arg2[%dma_start3A_171, %dma_start3A_172] : memref<10000x16xf32, #tpu.memory_space<hbm>> -> memref<10000x16xf32, #tpu.memory_space<hbm>>
      tpu.enqueue_indirect_dma source(%dma_start3A_173 : memref<10000x16xf32, #tpu.memory_space<hbm>>) target(%dma_start3A_169 : memref<80x16xf32, #tpu.memory_space<vmem>>) offsets(%dma_start3A_170 : memref<80xi32, #tpu.memory_space<vmem>>) semaphore(%arg15 : memref<!tpu.dma_semaphore, #tpu.memory_space<semaphore_mem>>)
      %mul3A_174 = arith.constant 2000 : i32
      %mul3A_175 = arith.muli %scan3A_20, %mul3A_174 : i32
      %add3A_176 = arith.constant 1120 : i32
      %add3A_177 = arith.addi %mul3A_175, %add3A_176 : i32
      %dma_start3A_178 = arith.constant 1120 : i32
      %dma_start3A_179 = arith.constant 0 : i32
      %dma_start3A_180 = tpu.memref_slice %arg12[%dma_start3A_178, %dma_start3A_179] : memref<2000x16xf32, #tpu.memory_space<vmem>> -> memref<80x16xf32, #tpu.memory_space<vmem>>
      %dma_start3A_181 = tpu.memref_slice %arg10[%add3A_177] : memref<10000xi32, #tpu.memory_space<vmem>> -> memref<80xi32, #tpu.memory_space<vmem>>
      %dma_start3A_182 = arith.constant 0 : i32
      %dma_start3A_183 = arith.constant 0 : i32
      %dma_start3A_184 = tpu.memref_slice %arg2[%dma_start3A_182, %dma_start3A_183] : memref<10000x16xf32, #tpu.memory_space<hbm>> -> memref<10000x16xf32, #tpu.memory_space<hbm>>
      tpu.enqueue_indirect_dma source(%dma_start3A_184 : memref<10000x16xf32, #tpu.memory_space<hbm>>) target(%dma_start3A_180 : memref<80x16xf32, #tpu.memory_space<vmem>>) offsets(%dma_start3A_181 : memref<80xi32, #tpu.memory_space<vmem>>) semaphore(%arg15 : memref<!tpu.dma_semaphore, #tpu.memory_space<semaphore_mem>>)
      %mul3A_185 = arith.constant 2000 : i32
      %mul3A_186 = arith.muli %scan3A_20, %mul3A_185 : i32
      %add3A_187 = arith.constant 1200 : i32
      %add3A_188 = arith.addi %mul3A_186, %add3A_187 : i32
      %dma_start3A_189 = arith.constant 1200 : i32
      %dma_start3A_190 = arith.constant 0 : i32
      %dma_start3A_191 = tpu.memref_slice %arg12[%dma_start3A_189, %dma_start3A_190] : memref<2000x16xf32, #tpu.memory_space<vmem>> -> memref<80x16xf32, #tpu.memory_space<vmem>>
      %dma_start3A_192 = tpu.memref_slice %arg10[%add3A_188] : memref<10000xi32, #tpu.memory_space<vmem>> -> memref<80xi32, #tpu.memory_space<vmem>>
      %dma_start3A_193 = arith.constant 0 : i32
      %dma_start3A_194 = arith.constant 0 : i32
      %dma_start3A_195 = tpu.memref_slice %arg2[%dma_start3A_193, %dma_start3A_194] : memref<10000x16xf32, #tpu.memory_space<hbm>> -> memref<10000x16xf32, #tpu.memory_space<hbm>>
      tpu.enqueue_indirect_dma source(%dma_start3A_195 : memref<10000x16xf32, #tpu.memory_space<hbm>>) target(%dma_start3A_191 : memref<80x16xf32, #tpu.memory_space<vmem>>) offsets(%dma_start3A_192 : memref<80xi32, #tpu.memory_space<vmem>>) semaphore(%arg15 : memref<!tpu.dma_semaphore, #tpu.memory_space<semaphore_mem>>)
      %mul3A_196 = arith.constant 2000 : i32
      %mul3A_197 = arith.muli %scan3A_20, %mul3A_196 : i32
      %add3A_198 = arith.constant 1280 : i32
      %add3A_199 = arith.addi %mul3A_197, %add3A_198 : i32
      %dma_start3A_200 = arith.constant 1280 : i32
      %dma_start3A_201 = arith.constant 0 : i32
      %dma_start3A_202 = tpu.memref_slice %arg12[%dma_start3A_200, %dma_start3A_201] : memref<2000x16xf32, #tpu.memory_space<vmem>> -> memref<80x16xf32, #tpu.memory_space<vmem>>
      %dma_start3A_203 = tpu.memref_slice %arg10[%add3A_199] : memref<10000xi32, #tpu.memory_space<vmem>> -> memref<80xi32, #tpu.memory_space<vmem>>
      %dma_start3A_204 = arith.constant 0 : i32
      %dma_start3A_205 = arith.constant 0 : i32
      %dma_start3A_206 = tpu.memref_slice %arg2[%dma_start3A_204, %dma_start3A_205] : memref<10000x16xf32, #tpu.memory_space<hbm>> -> memref<10000x16xf32, #tpu.memory_space<hbm>>
      tpu.enqueue_indirect_dma source(%dma_start3A_206 : memref<10000x16xf32, #tpu.memory_space<hbm>>) target(%dma_start3A_202 : memref<80x16xf32, #tpu.memory_space<vmem>>) offsets(%dma_start3A_203 : memref<80xi32, #tpu.memory_space<vmem>>) semaphore(%arg15 : memref<!tpu.dma_semaphore, #tpu.memory_space<semaphore_mem>>)
      %mul3A_207 = arith.constant 2000 : i32
      %mul3A_208 = arith.muli %scan3A_20, %mul3A_207 : i32
      %add3A_209 = arith.constant 1360 : i32
      %add3A_210 = arith.addi %mul3A_208, %add3A_209 : i32
      %dma_start3A_211 = arith.constant 1360 : i32
      %dma_start3A_212 = arith.constant 0 : i32
      %dma_start3A_213 = tpu.memref_slice %arg12[%dma_start3A_211, %dma_start3A_212] : memref<2000x16xf32, #tpu.memory_space<vmem>> -> memref<80x16xf32, #tpu.memory_space<vmem>>
      %dma_start3A_214 = tpu.memref_slice %arg10[%add3A_210] : memref<10000xi32, #tpu.memory_space<vmem>> -> memref<80xi32, #tpu.memory_space<vmem>>
      %dma_start3A_215 = arith.constant 0 : i32
      %dma_start3A_216 = arith.constant 0 : i32
      %dma_start3A_217 = tpu.memref_slice %arg2[%dma_start3A_215, %dma_start3A_216] : memref<10000x16xf32, #tpu.memory_space<hbm>> -> memref<10000x16xf32, #tpu.memory_space<hbm>>
      tpu.enqueue_indirect_dma source(%dma_start3A_217 : memref<10000x16xf32, #tpu.memory_space<hbm>>) target(%dma_start3A_213 : memref<80x16xf32, #tpu.memory_space<vmem>>) offsets(%dma_start3A_214 : memref<80xi32, #tpu.memory_space<vmem>>) semaphore(%arg15 : memref<!tpu.dma_semaphore, #tpu.memory_space<semaphore_mem>>)
      %mul3A_218 = arith.constant 2000 : i32
      %mul3A_219 = arith.muli %scan3A_20, %mul3A_218 : i32
      %add3A_220 = arith.constant 1440 : i32
      %add3A_221 = arith.addi %mul3A_219, %add3A_220 : i32
      %dma_start3A_222 = arith.constant 1440 : i32
      %dma_start3A_223 = arith.constant 0 : i32
      %dma_start3A_224 = tpu.memref_slice %arg12[%dma_start3A_222, %dma_start3A_223] : memref<2000x16xf32, #tpu.memory_space<vmem>> -> memref<80x16xf32, #tpu.memory_space<vmem>>
      %dma_start3A_225 = tpu.memref_slice %arg10[%add3A_221] : memref<10000xi32, #tpu.memory_space<vmem>> -> memref<80xi32, #tpu.memory_space<vmem>>
      %dma_start3A_226 = arith.constant 0 : i32
      %dma_start3A_227 = arith.constant 0 : i32
      %dma_start3A_228 = tpu.memref_slice %arg2[%dma_start3A_226, %dma_start3A_227] : memref<10000x16xf32, #tpu.memory_space<hbm>> -> memref<10000x16xf32, #tpu.memory_space<hbm>>
      tpu.enqueue_indirect_dma source(%dma_start3A_228 : memref<10000x16xf32, #tpu.memory_space<hbm>>) target(%dma_start3A_224 : memref<80x16xf32, #tpu.memory_space<vmem>>) offsets(%dma_start3A_225 : memref<80xi32, #tpu.memory_space<vmem>>) semaphore(%arg15 : memref<!tpu.dma_semaphore, #tpu.memory_space<semaphore_mem>>)
      %mul3A_229 = arith.constant 2000 : i32
      %mul3A_230 = arith.muli %scan3A_20, %mul3A_229 : i32
      %add3A_231 = arith.constant 1520 : i32
      %add3A_232 = arith.addi %mul3A_230, %add3A_231 : i32
      %dma_start3A_233 = arith.constant 1520 : i32
      %dma_start3A_234 = arith.constant 0 : i32
      %dma_start3A_235 = tpu.memref_slice %arg12[%dma_start3A_233, %dma_start3A_234] : memref<2000x16xf32, #tpu.memory_space<vmem>> -> memref<80x16xf32, #tpu.memory_space<vmem>>
      %dma_start3A_236 = tpu.memref_slice %arg10[%add3A_232] : memref<10000xi32, #tpu.memory_space<vmem>> -> memref<80xi32, #tpu.memory_space<vmem>>
      %dma_start3A_237 = arith.constant 0 : i32
      %dma_start3A_238 = arith.constant 0 : i32
      %dma_start3A_239 = tpu.memref_slice %arg2[%dma_start3A_237, %dma_start3A_238] : memref<10000x16xf32, #tpu.memory_space<hbm>> -> memref<10000x16xf32, #tpu.memory_space<hbm>>
      tpu.enqueue_indirect_dma source(%dma_start3A_239 : memref<10000x16xf32, #tpu.memory_space<hbm>>) target(%dma_start3A_235 : memref<80x16xf32, #tpu.memory_space<vmem>>) offsets(%dma_start3A_236 : memref<80xi32, #tpu.memory_space<vmem>>) semaphore(%arg15 : memref<!tpu.dma_semaphore, #tpu.memory_space<semaphore_mem>>)
      %mul3A_240 = arith.constant 2000 : i32
      %mul3A_241 = arith.muli %scan3A_20, %mul3A_240 : i32
      %add3A_242 = arith.constant 1600 : i32
      %add3A_243 = arith.addi %mul3A_241, %add3A_242 : i32
      %dma_start3A_244 = arith.constant 1600 : i32
      %dma_start3A_245 = arith.constant 0 : i32
      %dma_start3A_246 = tpu.memref_slice %arg12[%dma_start3A_244, %dma_start3A_245] : memref<2000x16xf32, #tpu.memory_space<vmem>> -> memref<80x16xf32, #tpu.memory_space<vmem>>
      %dma_start3A_247 = tpu.memref_slice %arg10[%add3A_243] : memref<10000xi32, #tpu.memory_space<vmem>> -> memref<80xi32, #tpu.memory_space<vmem>>
      %dma_start3A_248 = arith.constant 0 : i32
      %dma_start3A_249 = arith.constant 0 : i32
      %dma_start3A_250 = tpu.memref_slice %arg2[%dma_start3A_248, %dma_start3A_249] : memref<10000x16xf32, #tpu.memory_space<hbm>> -> memref<10000x16xf32, #tpu.memory_space<hbm>>
      tpu.enqueue_indirect_dma source(%dma_start3A_250 : memref<10000x16xf32, #tpu.memory_space<hbm>>) target(%dma_start3A_246 : memref<80x16xf32, #tpu.memory_space<vmem>>) offsets(%dma_start3A_247 : memref<80xi32, #tpu.memory_space<vmem>>) semaphore(%arg15 : memref<!tpu.dma_semaphore, #tpu.memory_space<semaphore_mem>>)
      %mul3A_251 = arith.constant 2000 : i32
      %mul3A_252 = arith.muli %scan3A_20, %mul3A_251 : i32
      %add3A_253 = arith.constant 1680 : i32
      %add3A_254 = arith.addi %mul3A_252, %add3A_253 : i32
      %dma_start3A_255 = arith.constant 1680 : i32
      %dma_start3A_256 = arith.constant 0 : i32
      %dma_start3A_257 = tpu.memref_slice %arg12[%dma_start3A_255, %dma_start3A_256] : memref<2000x16xf32, #tpu.memory_space<vmem>> -> memref<80x16xf32, #tpu.memory_space<vmem>>
      %dma_start3A_258 = tpu.memref_slice %arg10[%add3A_254] : memref<10000xi32, #tpu.memory_space<vmem>> -> memref<80xi32, #tpu.memory_space<vmem>>
      %dma_start3A_259 = arith.constant 0 : i32
      %dma_start3A_260 = arith.constant 0 : i32
      %dma_start3A_261 = tpu.memref_slice %arg2[%dma_start3A_259, %dma_start3A_260] : memref<10000x16xf32, #tpu.memory_space<hbm>> -> memref<10000x16xf32, #tpu.memory_space<hbm>>
      tpu.enqueue_indirect_dma source(%dma_start3A_261 : memref<10000x16xf32, #tpu.memory_space<hbm>>) target(%dma_start3A_257 : memref<80x16xf32, #tpu.memory_space<vmem>>) offsets(%dma_start3A_258 : memref<80xi32, #tpu.memory_space<vmem>>) semaphore(%arg15 : memref<!tpu.dma_semaphore, #tpu.memory_space<semaphore_mem>>)
      %mul3A_262 = arith.constant 2000 : i32
      %mul3A_263 = arith.muli %scan3A_20, %mul3A_262 : i32
      %add3A_264 = arith.constant 1760 : i32
      %add3A_265 = arith.addi %mul3A_263, %add3A_264 : i32
      %dma_start3A_266 = arith.constant 1760 : i32
      %dma_start3A_267 = arith.constant 0 : i32
      %dma_start3A_268 = tpu.memref_slice %arg12[%dma_start3A_266, %dma_start3A_267] : memref<2000x16xf32, #tpu.memory_space<vmem>> -> memref<80x16xf32, #tpu.memory_space<vmem>>
      %dma_start3A_269 = tpu.memref_slice %arg10[%add3A_265] : memref<10000xi32, #tpu.memory_space<vmem>> -> memref<80xi32, #tpu.memory_space<vmem>>
      %dma_start3A_270 = arith.constant 0 : i32
      %dma_start3A_271 = arith.constant 0 : i32
      %dma_start3A_272 = tpu.memref_slice %arg2[%dma_start3A_270, %dma_start3A_271] : memref<10000x16xf32, #tpu.memory_space<hbm>> -> memref<10000x16xf32, #tpu.memory_space<hbm>>
      tpu.enqueue_indirect_dma source(%dma_start3A_272 : memref<10000x16xf32, #tpu.memory_space<hbm>>) target(%dma_start3A_268 : memref<80x16xf32, #tpu.memory_space<vmem>>) offsets(%dma_start3A_269 : memref<80xi32, #tpu.memory_space<vmem>>) semaphore(%arg15 : memref<!tpu.dma_semaphore, #tpu.memory_space<semaphore_mem>>)
      %mul3A_273 = arith.constant 2000 : i32
      %mul3A_274 = arith.muli %scan3A_20, %mul3A_273 : i32
      %add3A_275 = arith.constant 1840 : i32
      %add3A_276 = arith.addi %mul3A_274, %add3A_275 : i32
      %dma_start3A_277 = arith.constant 1840 : i32
      %dma_start3A_278 = arith.constant 0 : i32
      %dma_start3A_279 = tpu.memref_slice %arg12[%dma_start3A_277, %dma_start3A_278] : memref<2000x16xf32, #tpu.memory_space<vmem>> -> memref<80x16xf32, #tpu.memory_space<vmem>>
      %dma_start3A_280 = tpu.memref_slice %arg10[%add3A_276] : memref<10000xi32, #tpu.memory_space<vmem>> -> memref<80xi32, #tpu.memory_space<vmem>>
      %dma_start3A_281 = arith.constant 0 : i32
      %dma_start3A_282 = arith.constant 0 : i32
      %dma_start3A_283 = tpu.memref_slice %arg2[%dma_start3A_281, %dma_start3A_282] : memref<10000x16xf32, #tpu.memory_space<hbm>> -> memref<10000x16xf32, #tpu.memory_space<hbm>>
      tpu.enqueue_indirect_dma source(%dma_start3A_283 : memref<10000x16xf32, #tpu.memory_space<hbm>>) target(%dma_start3A_279 : memref<80x16xf32, #tpu.memory_space<vmem>>) offsets(%dma_start3A_280 : memref<80xi32, #tpu.memory_space<vmem>>) semaphore(%arg15 : memref<!tpu.dma_semaphore, #tpu.memory_space<semaphore_mem>>)
      %mul3A_284 = arith.constant 2000 : i32
      %mul3A_285 = arith.muli %scan3A_20, %mul3A_284 : i32
      %add3A_286 = arith.constant 1920 : i32
      %add3A_287 = arith.addi %mul3A_285, %add3A_286 : i32
      %dma_start3A_288 = arith.constant 1920 : i32
      %dma_start3A_289 = arith.constant 0 : i32
      %dma_start3A_290 = tpu.memref_slice %arg12[%dma_start3A_288, %dma_start3A_289] : memref<2000x16xf32, #tpu.memory_space<vmem>> -> memref<80x16xf32, #tpu.memory_space<vmem>>
      %dma_start3A_291 = tpu.memref_slice %arg10[%add3A_287] : memref<10000xi32, #tpu.memory_space<vmem>> -> memref<80xi32, #tpu.memory_space<vmem>>
      %dma_start3A_292 = arith.constant 0 : i32
      %dma_start3A_293 = arith.constant 0 : i32
      %dma_start3A_294 = tpu.memref_slice %arg2[%dma_start3A_292, %dma_start3A_293] : memref<10000x16xf32, #tpu.memory_space<hbm>> -> memref<10000x16xf32, #tpu.memory_space<hbm>>
      tpu.enqueue_indirect_dma source(%dma_start3A_294 : memref<10000x16xf32, #tpu.memory_space<hbm>>) target(%dma_start3A_290 : memref<80x16xf32, #tpu.memory_space<vmem>>) offsets(%dma_start3A_291 : memref<80xi32, #tpu.memory_space<vmem>>) semaphore(%arg15 : memref<!tpu.dma_semaphore, #tpu.memory_space<semaphore_mem>>)
      %dma_wait3A = arith.constant 0 : i32
      %dma_wait3A_295 = arith.constant 0 : i32
      %dma_wait3A_296 = tpu.memref_slice %arg12[%dma_wait3A, %dma_wait3A_295] : memref<2000x16xf32, #tpu.memory_space<vmem>> -> memref<80x16xf32, #tpu.memory_space<vmem>>
      %dma_wait3A_297 = tpu.memref_slice %arg10[%add3A_24] : memref<10000xi32, #tpu.memory_space<vmem>> -> memref<80xi32, #tpu.memory_space<vmem>>
      %dma_wait3A_298 = arith.constant 0 : i32
      %dma_wait3A_299 = arith.constant 0 : i32
      %dma_wait3A_300 = tpu.memref_slice %arg2[%dma_wait3A_298, %dma_wait3A_299] : memref<10000x16xf32, #tpu.memory_space<hbm>> -> memref<10000x16xf32, #tpu.memory_space<hbm>>
      tpu.wait_indirect_dma semaphore(%arg15 : memref<!tpu.dma_semaphore, #tpu.memory_space<semaphore_mem>>) src(%dma_wait3A_300 : memref<10000x16xf32, #tpu.memory_space<hbm>>) dst(%dma_wait3A_296 : memref<80x16xf32, #tpu.memory_space<vmem>>)
      %dma_wait3A_301 = arith.constant 80 : i32
      %dma_wait3A_302 = arith.constant 0 : i32
      %dma_wait3A_303 = tpu.memref_slice %arg12[%dma_wait3A_301, %dma_wait3A_302] : memref<2000x16xf32, #tpu.memory_space<vmem>> -> memref<80x16xf32, #tpu.memory_space<vmem>>
      %dma_wait3A_304 = tpu.memref_slice %arg10[%add3A_34] : memref<10000xi32, #tpu.memory_space<vmem>> -> memref<80xi32, #tpu.memory_space<vmem>>
      %dma_wait3A_305 = arith.constant 0 : i32
      %dma_wait3A_306 = arith.constant 0 : i32
      %dma_wait3A_307 = tpu.memref_slice %arg2[%dma_wait3A_305, %dma_wait3A_306] : memref<10000x16xf32, #tpu.memory_space<hbm>> -> memref<10000x16xf32, #tpu.memory_space<hbm>>
      tpu.wait_indirect_dma semaphore(%arg15 : memref<!tpu.dma_semaphore, #tpu.memory_space<semaphore_mem>>) src(%dma_wait3A_307 : memref<10000x16xf32, #tpu.memory_space<hbm>>) dst(%dma_wait3A_303 : memref<80x16xf32, #tpu.memory_space<vmem>>)
      %dma_wait3A_308 = arith.constant 160 : i32
      %dma_wait3A_309 = arith.constant 0 : i32
      %dma_wait3A_310 = tpu.memref_slice %arg12[%dma_wait3A_308, %dma_wait3A_309] : memref<2000x16xf32, #tpu.memory_space<vmem>> -> memref<80x16xf32, #tpu.memory_space<vmem>>
      %dma_wait3A_311 = tpu.memref_slice %arg10[%add3A_45] : memref<10000xi32, #tpu.memory_space<vmem>> -> memref<80xi32, #tpu.memory_space<vmem>>
      %dma_wait3A_312 = arith.constant 0 : i32
      %dma_wait3A_313 = arith.constant 0 : i32
      %dma_wait3A_314 = tpu.memref_slice %arg2[%dma_wait3A_312, %dma_wait3A_313] : memref<10000x16xf32, #tpu.memory_space<hbm>> -> memref<10000x16xf32, #tpu.memory_space<hbm>>
      tpu.wait_indirect_dma semaphore(%arg15 : memref<!tpu.dma_semaphore, #tpu.memory_space<semaphore_mem>>) src(%dma_wait3A_314 : memref<10000x16xf32, #tpu.memory_space<hbm>>) dst(%dma_wait3A_310 : memref<80x16xf32, #tpu.memory_space<vmem>>)
      %dma_wait3A_315 = arith.constant 240 : i32
      %dma_wait3A_316 = arith.constant 0 : i32
      %dma_wait3A_317 = tpu.memref_slice %arg12[%dma_wait3A_315, %dma_wait3A_316] : memref<2000x16xf32, #tpu.memory_space<vmem>> -> memref<80x16xf32, #tpu.memory_space<vmem>>
      %dma_wait3A_318 = tpu.memref_slice %arg10[%add3A_56] : memref<10000xi32, #tpu.memory_space<vmem>> -> memref<80xi32, #tpu.memory_space<vmem>>
      %dma_wait3A_319 = arith.constant 0 : i32
      %dma_wait3A_320 = arith.constant 0 : i32
      %dma_wait3A_321 = tpu.memref_slice %arg2[%dma_wait3A_319, %dma_wait3A_320] : memref<10000x16xf32, #tpu.memory_space<hbm>> -> memref<10000x16xf32, #tpu.memory_space<hbm>>
      tpu.wait_indirect_dma semaphore(%arg15 : memref<!tpu.dma_semaphore, #tpu.memory_space<semaphore_mem>>) src(%dma_wait3A_321 : memref<10000x16xf32, #tpu.memory_space<hbm>>) dst(%dma_wait3A_317 : memref<80x16xf32, #tpu.memory_space<vmem>>)
      %dma_wait3A_322 = arith.constant 320 : i32
      %dma_wait3A_323 = arith.constant 0 : i32
      %dma_wait3A_324 = tpu.memref_slice %arg12[%dma_wait3A_322, %dma_wait3A_323] : memref<2000x16xf32, #tpu.memory_space<vmem>> -> memref<80x16xf32, #tpu.memory_space<vmem>>
      %dma_wait3A_325 = tpu.memref_slice %arg10[%add3A_67] : memref<10000xi32, #tpu.memory_space<vmem>> -> memref<80xi32, #tpu.memory_space<vmem>>
      %dma_wait3A_326 = arith.constant 0 : i32
      %dma_wait3A_327 = arith.constant 0 : i32
      %dma_wait3A_328 = tpu.memref_slice %arg2[%dma_wait3A_326, %dma_wait3A_327] : memref<10000x16xf32, #tpu.memory_space<hbm>> -> memref<10000x16xf32, #tpu.memory_space<hbm>>
      tpu.wait_indirect_dma semaphore(%arg15 : memref<!tpu.dma_semaphore, #tpu.memory_space<semaphore_mem>>) src(%dma_wait3A_328 : memref<10000x16xf32, #tpu.memory_space<hbm>>) dst(%dma_wait3A_324 : memref<80x16xf32, #tpu.memory_space<vmem>>)
      %dma_wait3A_329 = arith.constant 400 : i32
      %dma_wait3A_330 = arith.constant 0 : i32
      %dma_wait3A_331 = tpu.memref_slice %arg12[%dma_wait3A_329, %dma_wait3A_330] : memref<2000x16xf32, #tpu.memory_space<vmem>> -> memref<80x16xf32, #tpu.memory_space<vmem>>
      %dma_wait3A_332 = tpu.memref_slice %arg10[%add3A_78] : memref<10000xi32, #tpu.memory_space<vmem>> -> memref<80xi32, #tpu.memory_space<vmem>>
      %dma_wait3A_333 = arith.constant 0 : i32
      %dma_wait3A_334 = arith.constant 0 : i32
      %dma_wait3A_335 = tpu.memref_slice %arg2[%dma_wait3A_333, %dma_wait3A_334] : memref<10000x16xf32, #tpu.memory_space<hbm>> -> memref<10000x16xf32, #tpu.memory_space<hbm>>
      tpu.wait_indirect_dma semaphore(%arg15 : memref<!tpu.dma_semaphore, #tpu.memory_space<semaphore_mem>>) src(%dma_wait3A_335 : memref<10000x16xf32, #tpu.memory_space<hbm>>) dst(%dma_wait3A_331 : memref<80x16xf32, #tpu.memory_space<vmem>>)
      %dma_wait3A_336 = arith.constant 480 : i32
      %dma_wait3A_337 = arith.constant 0 : i32
      %dma_wait3A_338 = tpu.memref_slice %arg12[%dma_wait3A_336, %dma_wait3A_337] : memref<2000x16xf32, #tpu.memory_space<vmem>> -> memref<80x16xf32, #tpu.memory_space<vmem>>
      %dma_wait3A_339 = tpu.memref_slice %arg10[%add3A_89] : memref<10000xi32, #tpu.memory_space<vmem>> -> memref<80xi32, #tpu.memory_space<vmem>>
      %dma_wait3A_340 = arith.constant 0 : i32
      %dma_wait3A_341 = arith.constant 0 : i32
      %dma_wait3A_342 = tpu.memref_slice %arg2[%dma_wait3A_340, %dma_wait3A_341] : memref<10000x16xf32, #tpu.memory_space<hbm>> -> memref<10000x16xf32, #tpu.memory_space<hbm>>
      tpu.wait_indirect_dma semaphore(%arg15 : memref<!tpu.dma_semaphore, #tpu.memory_space<semaphore_mem>>) src(%dma_wait3A_342 : memref<10000x16xf32, #tpu.memory_space<hbm>>) dst(%dma_wait3A_338 : memref<80x16xf32, #tpu.memory_space<vmem>>)
      %dma_wait3A_343 = arith.constant 560 : i32
      %dma_wait3A_344 = arith.constant 0 : i32
      %dma_wait3A_345 = tpu.memref_slice %arg12[%dma_wait3A_343, %dma_wait3A_344] : memref<2000x16xf32, #tpu.memory_space<vmem>> -> memref<80x16xf32, #tpu.memory_space<vmem>>
      %dma_wait3A_346 = tpu.memref_slice %arg10[%add3A_100] : memref<10000xi32, #tpu.memory_space<vmem>> -> memref<80xi32, #tpu.memory_space<vmem>>
      %dma_wait3A_347 = arith.constant 0 : i32
      %dma_wait3A_348 = arith.constant 0 : i32
      %dma_wait3A_349 = tpu.memref_slice %arg2[%dma_wait3A_347, %dma_wait3A_348] : memref<10000x16xf32, #tpu.memory_space<hbm>> -> memref<10000x16xf32, #tpu.memory_space<hbm>>
      tpu.wait_indirect_dma semaphore(%arg15 : memref<!tpu.dma_semaphore, #tpu.memory_space<semaphore_mem>>) src(%dma_wait3A_349 : memref<10000x16xf32, #tpu.memory_space<hbm>>) dst(%dma_wait3A_345 : memref<80x16xf32, #tpu.memory_space<vmem>>)
      %dma_wait3A_350 = arith.constant 640 : i32
      %dma_wait3A_351 = arith.constant 0 : i32
      %dma_wait3A_352 = tpu.memref_slice %arg12[%dma_wait3A_350, %dma_wait3A_351] : memref<2000x16xf32, #tpu.memory_space<vmem>> -> memref<80x16xf32, #tpu.memory_space<vmem>>
      %dma_wait3A_353 = tpu.memref_slice %arg10[%add3A_111] : memref<10000xi32, #tpu.memory_space<vmem>> -> memref<80xi32, #tpu.memory_space<vmem>>
      %dma_wait3A_354 = arith.constant 0 : i32
      %dma_wait3A_355 = arith.constant 0 : i32
      %dma_wait3A_356 = tpu.memref_slice %arg2[%dma_wait3A_354, %dma_wait3A_355] : memref<10000x16xf32, #tpu.memory_space<hbm>> -> memref<10000x16xf32, #tpu.memory_space<hbm>>
      tpu.wait_indirect_dma semaphore(%arg15 : memref<!tpu.dma_semaphore, #tpu.memory_space<semaphore_mem>>) src(%dma_wait3A_356 : memref<10000x16xf32, #tpu.memory_space<hbm>>) dst(%dma_wait3A_352 : memref<80x16xf32, #tpu.memory_space<vmem>>)
      %dma_wait3A_357 = arith.constant 720 : i32
      %dma_wait3A_358 = arith.constant 0 : i32
      %dma_wait3A_359 = tpu.memref_slice %arg12[%dma_wait3A_357, %dma_wait3A_358] : memref<2000x16xf32, #tpu.memory_space<vmem>> -> memref<80x16xf32, #tpu.memory_space<vmem>>
      %dma_wait3A_360 = tpu.memref_slice %arg10[%add3A_122] : memref<10000xi32, #tpu.memory_space<vmem>> -> memref<80xi32, #tpu.memory_space<vmem>>
      %dma_wait3A_361 = arith.constant 0 : i32
      %dma_wait3A_362 = arith.constant 0 : i32
      %dma_wait3A_363 = tpu.memref_slice %arg2[%dma_wait3A_361, %dma_wait3A_362] : memref<10000x16xf32, #tpu.memory_space<hbm>> -> memref<10000x16xf32, #tpu.memory_space<hbm>>
      tpu.wait_indirect_dma semaphore(%arg15 : memref<!tpu.dma_semaphore, #tpu.memory_space<semaphore_mem>>) src(%dma_wait3A_363 : memref<10000x16xf32, #tpu.memory_space<hbm>>) dst(%dma_wait3A_359 : memref<80x16xf32, #tpu.memory_space<vmem>>)
      %dma_wait3A_364 = arith.constant 800 : i32
      %dma_wait3A_365 = arith.constant 0 : i32
      %dma_wait3A_366 = tpu.memref_slice %arg12[%dma_wait3A_364, %dma_wait3A_365] : memref<2000x16xf32, #tpu.memory_space<vmem>> -> memref<80x16xf32, #tpu.memory_space<vmem>>
      %dma_wait3A_367 = tpu.memref_slice %arg10[%add3A_133] : memref<10000xi32, #tpu.memory_space<vmem>> -> memref<80xi32, #tpu.memory_space<vmem>>
      %dma_wait3A_368 = arith.constant 0 : i32
      %dma_wait3A_369 = arith.constant 0 : i32
      %dma_wait3A_370 = tpu.memref_slice %arg2[%dma_wait3A_368, %dma_wait3A_369] : memref<10000x16xf32, #tpu.memory_space<hbm>> -> memref<10000x16xf32, #tpu.memory_space<hbm>>
      tpu.wait_indirect_dma semaphore(%arg15 : memref<!tpu.dma_semaphore, #tpu.memory_space<semaphore_mem>>) src(%dma_wait3A_370 : memref<10000x16xf32, #tpu.memory_space<hbm>>) dst(%dma_wait3A_366 : memref<80x16xf32, #tpu.memory_space<vmem>>)
      %dma_wait3A_371 = arith.constant 880 : i32
      %dma_wait3A_372 = arith.constant 0 : i32
      %dma_wait3A_373 = tpu.memref_slice %arg12[%dma_wait3A_371, %dma_wait3A_372] : memref<2000x16xf32, #tpu.memory_space<vmem>> -> memref<80x16xf32, #tpu.memory_space<vmem>>
      %dma_wait3A_374 = tpu.memref_slice %arg10[%add3A_144] : memref<10000xi32, #tpu.memory_space<vmem>> -> memref<80xi32, #tpu.memory_space<vmem>>
      %dma_wait3A_375 = arith.constant 0 : i32
      %dma_wait3A_376 = arith.constant 0 : i32
      %dma_wait3A_377 = tpu.memref_slice %arg2[%dma_wait3A_375, %dma_wait3A_376] : memref<10000x16xf32, #tpu.memory_space<hbm>> -> memref<10000x16xf32, #tpu.memory_space<hbm>>
      tpu.wait_indirect_dma semaphore(%arg15 : memref<!tpu.dma_semaphore, #tpu.memory_space<semaphore_mem>>) src(%dma_wait3A_377 : memref<10000x16xf32, #tpu.memory_space<hbm>>) dst(%dma_wait3A_373 : memref<80x16xf32, #tpu.memory_space<vmem>>)
      %dma_wait3A_378 = arith.constant 960 : i32
      %dma_wait3A_379 = arith.constant 0 : i32
      %dma_wait3A_380 = tpu.memref_slice %arg12[%dma_wait3A_378, %dma_wait3A_379] : memref<2000x16xf32, #tpu.memory_space<vmem>> -> memref<80x16xf32, #tpu.memory_space<vmem>>
      %dma_wait3A_381 = tpu.memref_slice %arg10[%add3A_155] : memref<10000xi32, #tpu.memory_space<vmem>> -> memref<80xi32, #tpu.memory_space<vmem>>
      %dma_wait3A_382 = arith.constant 0 : i32
      %dma_wait3A_383 = arith.constant 0 : i32
      %dma_wait3A_384 = tpu.memref_slice %arg2[%dma_wait3A_382, %dma_wait3A_383] : memref<10000x16xf32, #tpu.memory_space<hbm>> -> memref<10000x16xf32, #tpu.memory_space<hbm>>
      tpu.wait_indirect_dma semaphore(%arg15 : memref<!tpu.dma_semaphore, #tpu.memory_space<semaphore_mem>>) src(%dma_wait3A_384 : memref<10000x16xf32, #tpu.memory_space<hbm>>) dst(%dma_wait3A_380 : memref<80x16xf32, #tpu.memory_space<vmem>>)
      %dma_wait3A_385 = arith.constant 1040 : i32
      %dma_wait3A_386 = arith.constant 0 : i32
      %dma_wait3A_387 = tpu.memref_slice %arg12[%dma_wait3A_385, %dma_wait3A_386] : memref<2000x16xf32, #tpu.memory_space<vmem>> -> memref<80x16xf32, #tpu.memory_space<vmem>>
      %dma_wait3A_388 = tpu.memref_slice %arg10[%add3A_166] : memref<10000xi32, #tpu.memory_space<vmem>> -> memref<80xi32, #tpu.memory_space<vmem>>
      %dma_wait3A_389 = arith.constant 0 : i32
      %dma_wait3A_390 = arith.constant 0 : i32
      %dma_wait3A_391 = tpu.memref_slice %arg2[%dma_wait3A_389, %dma_wait3A_390] : memref<10000x16xf32, #tpu.memory_space<hbm>> -> memref<10000x16xf32, #tpu.memory_space<hbm>>
      tpu.wait_indirect_dma semaphore(%arg15 : memref<!tpu.dma_semaphore, #tpu.memory_space<semaphore_mem>>) src(%dma_wait3A_391 : memref<10000x16xf32, #tpu.memory_space<hbm>>) dst(%dma_wait3A_387 : memref<80x16xf32, #tpu.memory_space<vmem>>)
      %dma_wait3A_392 = arith.constant 1120 : i32
      %dma_wait3A_393 = arith.constant 0 : i32
      %dma_wait3A_394 = tpu.memref_slice %arg12[%dma_wait3A_392, %dma_wait3A_393] : memref<2000x16xf32, #tpu.memory_space<vmem>> -> memref<80x16xf32, #tpu.memory_space<vmem>>
      %dma_wait3A_395 = tpu.memref_slice %arg10[%add3A_177] : memref<10000xi32, #tpu.memory_space<vmem>> -> memref<80xi32, #tpu.memory_space<vmem>>
      %dma_wait3A_396 = arith.constant 0 : i32
      %dma_wait3A_397 = arith.constant 0 : i32
      %dma_wait3A_398 = tpu.memref_slice %arg2[%dma_wait3A_396, %dma_wait3A_397] : memref<10000x16xf32, #tpu.memory_space<hbm>> -> memref<10000x16xf32, #tpu.memory_space<hbm>>
      tpu.wait_indirect_dma semaphore(%arg15 : memref<!tpu.dma_semaphore, #tpu.memory_space<semaphore_mem>>) src(%dma_wait3A_398 : memref<10000x16xf32, #tpu.memory_space<hbm>>) dst(%dma_wait3A_394 : memref<80x16xf32, #tpu.memory_space<vmem>>)
      %dma_wait3A_399 = arith.constant 1200 : i32
      %dma_wait3A_400 = arith.constant 0 : i32
      %dma_wait3A_401 = tpu.memref_slice %arg12[%dma_wait3A_399, %dma_wait3A_400] : memref<2000x16xf32, #tpu.memory_space<vmem>> -> memref<80x16xf32, #tpu.memory_space<vmem>>
      %dma_wait3A_402 = tpu.memref_slice %arg10[%add3A_188] : memref<10000xi32, #tpu.memory_space<vmem>> -> memref<80xi32, #tpu.memory_space<vmem>>
      %dma_wait3A_403 = arith.constant 0 : i32
      %dma_wait3A_404 = arith.constant 0 : i32
      %dma_wait3A_405 = tpu.memref_slice %arg2[%dma_wait3A_403, %dma_wait3A_404] : memref<10000x16xf32, #tpu.memory_space<hbm>> -> memref<10000x16xf32, #tpu.memory_space<hbm>>
      tpu.wait_indirect_dma semaphore(%arg15 : memref<!tpu.dma_semaphore, #tpu.memory_space<semaphore_mem>>) src(%dma_wait3A_405 : memref<10000x16xf32, #tpu.memory_space<hbm>>) dst(%dma_wait3A_401 : memref<80x16xf32, #tpu.memory_space<vmem>>)
      %dma_wait3A_406 = arith.constant 1280 : i32
      %dma_wait3A_407 = arith.constant 0 : i32
      %dma_wait3A_408 = tpu.memref_slice %arg12[%dma_wait3A_406, %dma_wait3A_407] : memref<2000x16xf32, #tpu.memory_space<vmem>> -> memref<80x16xf32, #tpu.memory_space<vmem>>
      %dma_wait3A_409 = tpu.memref_slice %arg10[%add3A_199] : memref<10000xi32, #tpu.memory_space<vmem>> -> memref<80xi32, #tpu.memory_space<vmem>>
      %dma_wait3A_410 = arith.constant 0 : i32
      %dma_wait3A_411 = arith.constant 0 : i32
      %dma_wait3A_412 = tpu.memref_slice %arg2[%dma_wait3A_410, %dma_wait3A_411] : memref<10000x16xf32, #tpu.memory_space<hbm>> -> memref<10000x16xf32, #tpu.memory_space<hbm>>
      tpu.wait_indirect_dma semaphore(%arg15 : memref<!tpu.dma_semaphore, #tpu.memory_space<semaphore_mem>>) src(%dma_wait3A_412 : memref<10000x16xf32, #tpu.memory_space<hbm>>) dst(%dma_wait3A_408 : memref<80x16xf32, #tpu.memory_space<vmem>>)
      %dma_wait3A_413 = arith.constant 1360 : i32
      %dma_wait3A_414 = arith.constant 0 : i32
      %dma_wait3A_415 = tpu.memref_slice %arg12[%dma_wait3A_413, %dma_wait3A_414] : memref<2000x16xf32, #tpu.memory_space<vmem>> -> memref<80x16xf32, #tpu.memory_space<vmem>>
      %dma_wait3A_416 = tpu.memref_slice %arg10[%add3A_210] : memref<10000xi32, #tpu.memory_space<vmem>> -> memref<80xi32, #tpu.memory_space<vmem>>
      %dma_wait3A_417 = arith.constant 0 : i32
      %dma_wait3A_418 = arith.constant 0 : i32
      %dma_wait3A_419 = tpu.memref_slice %arg2[%dma_wait3A_417, %dma_wait3A_418] : memref<10000x16xf32, #tpu.memory_space<hbm>> -> memref<10000x16xf32, #tpu.memory_space<hbm>>
      tpu.wait_indirect_dma semaphore(%arg15 : memref<!tpu.dma_semaphore, #tpu.memory_space<semaphore_mem>>) src(%dma_wait3A_419 : memref<10000x16xf32, #tpu.memory_space<hbm>>) dst(%dma_wait3A_415 : memref<80x16xf32, #tpu.memory_space<vmem>>)
      %dma_wait3A_420 = arith.constant 1440 : i32
      %dma_wait3A_421 = arith.constant 0 : i32
      %dma_wait3A_422 = tpu.memref_slice %arg12[%dma_wait3A_420, %dma_wait3A_421] : memref<2000x16xf32, #tpu.memory_space<vmem>> -> memref<80x16xf32, #tpu.memory_space<vmem>>
      %dma_wait3A_423 = tpu.memref_slice %arg10[%add3A_221] : memref<10000xi32, #tpu.memory_space<vmem>> -> memref<80xi32, #tpu.memory_space<vmem>>
      %dma_wait3A_424 = arith.constant 0 : i32
      %dma_wait3A_425 = arith.constant 0 : i32
      %dma_wait3A_426 = tpu.memref_slice %arg2[%dma_wait3A_424, %dma_wait3A_425] : memref<10000x16xf32, #tpu.memory_space<hbm>> -> memref<10000x16xf32, #tpu.memory_space<hbm>>
      tpu.wait_indirect_dma semaphore(%arg15 : memref<!tpu.dma_semaphore, #tpu.memory_space<semaphore_mem>>) src(%dma_wait3A_426 : memref<10000x16xf32, #tpu.memory_space<hbm>>) dst(%dma_wait3A_422 : memref<80x16xf32, #tpu.memory_space<vmem>>)
      %dma_wait3A_427 = arith.constant 1520 : i32
      %dma_wait3A_428 = arith.constant 0 : i32
      %dma_wait3A_429 = tpu.memref_slice %arg12[%dma_wait3A_427, %dma_wait3A_428] : memref<2000x16xf32, #tpu.memory_space<vmem>> -> memref<80x16xf32, #tpu.memory_space<vmem>>
      %dma_wait3A_430 = tpu.memref_slice %arg10[%add3A_232] : memref<10000xi32, #tpu.memory_space<vmem>> -> memref<80xi32, #tpu.memory_space<vmem>>
      %dma_wait3A_431 = arith.constant 0 : i32
      %dma_wait3A_432 = arith.constant 0 : i32
      %dma_wait3A_433 = tpu.memref_slice %arg2[%dma_wait3A_431, %dma_wait3A_432] : memref<10000x16xf32, #tpu.memory_space<hbm>> -> memref<10000x16xf32, #tpu.memory_space<hbm>>
      tpu.wait_indirect_dma semaphore(%arg15 : memref<!tpu.dma_semaphore, #tpu.memory_space<semaphore_mem>>) src(%dma_wait3A_433 : memref<10000x16xf32, #tpu.memory_space<hbm>>) dst(%dma_wait3A_429 : memref<80x16xf32, #tpu.memory_space<vmem>>)
      %dma_wait3A_434 = arith.constant 1600 : i32
      %dma_wait3A_435 = arith.constant 0 : i32
      %dma_wait3A_436 = tpu.memref_slice %arg12[%dma_wait3A_434, %dma_wait3A_435] : memref<2000x16xf32, #tpu.memory_space<vmem>> -> memref<80x16xf32, #tpu.memory_space<vmem>>
      %dma_wait3A_437 = tpu.memref_slice %arg10[%add3A_243] : memref<10000xi32, #tpu.memory_space<vmem>> -> memref<80xi32, #tpu.memory_space<vmem>>
      %dma_wait3A_438 = arith.constant 0 : i32
      %dma_wait3A_439 = arith.constant 0 : i32
      %dma_wait3A_440 = tpu.memref_slice %arg2[%dma_wait3A_438, %dma_wait3A_439] : memref<10000x16xf32, #tpu.memory_space<hbm>> -> memref<10000x16xf32, #tpu.memory_space<hbm>>
      tpu.wait_indirect_dma semaphore(%arg15 : memref<!tpu.dma_semaphore, #tpu.memory_space<semaphore_mem>>) src(%dma_wait3A_440 : memref<10000x16xf32, #tpu.memory_space<hbm>>) dst(%dma_wait3A_436 : memref<80x16xf32, #tpu.memory_space<vmem>>)
      %dma_wait3A_441 = arith.constant 1680 : i32
      %dma_wait3A_442 = arith.constant 0 : i32
      %dma_wait3A_443 = tpu.memref_slice %arg12[%dma_wait3A_441, %dma_wait3A_442] : memref<2000x16xf32, #tpu.memory_space<vmem>> -> memref<80x16xf32, #tpu.memory_space<vmem>>
      %dma_wait3A_444 = tpu.memref_slice %arg10[%add3A_254] : memref<10000xi32, #tpu.memory_space<vmem>> -> memref<80xi32, #tpu.memory_space<vmem>>
      %dma_wait3A_445 = arith.constant 0 : i32
      %dma_wait3A_446 = arith.constant 0 : i32
      %dma_wait3A_447 = tpu.memref_slice %arg2[%dma_wait3A_445, %dma_wait3A_446] : memref<10000x16xf32, #tpu.memory_space<hbm>> -> memref<10000x16xf32, #tpu.memory_space<hbm>>
      tpu.wait_indirect_dma semaphore(%arg15 : memref<!tpu.dma_semaphore, #tpu.memory_space<semaphore_mem>>) src(%dma_wait3A_447 : memref<10000x16xf32, #tpu.memory_space<hbm>>) dst(%dma_wait3A_443 : memref<80x16xf32, #tpu.memory_space<vmem>>)
      %dma_wait3A_448 = arith.constant 1760 : i32
      %dma_wait3A_449 = arith.constant 0 : i32
      %dma_wait3A_450 = tpu.memref_slice %arg12[%dma_wait3A_448, %dma_wait3A_449] : memref<2000x16xf32, #tpu.memory_space<vmem>> -> memref<80x16xf32, #tpu.memory_space<vmem>>
      %dma_wait3A_451 = tpu.memref_slice %arg10[%add3A_265] : memref<10000xi32, #tpu.memory_space<vmem>> -> memref<80xi32, #tpu.memory_space<vmem>>
      %dma_wait3A_452 = arith.constant 0 : i32
      %dma_wait3A_453 = arith.constant 0 : i32
      %dma_wait3A_454 = tpu.memref_slice %arg2[%dma_wait3A_452, %dma_wait3A_453] : memref<10000x16xf32, #tpu.memory_space<hbm>> -> memref<10000x16xf32, #tpu.memory_space<hbm>>
      tpu.wait_indirect_dma semaphore(%arg15 : memref<!tpu.dma_semaphore, #tpu.memory_space<semaphore_mem>>) src(%dma_wait3A_454 : memref<10000x16xf32, #tpu.memory_space<hbm>>) dst(%dma_wait3A_450 : memref<80x16xf32, #tpu.memory_space<vmem>>)
      %dma_wait3A_455 = arith.constant 1840 : i32
      %dma_wait3A_456 = arith.constant 0 : i32
      %dma_wait3A_457 = tpu.memref_slice %arg12[%dma_wait3A_455, %dma_wait3A_456] : memref<2000x16xf32, #tpu.memory_space<vmem>> -> memref<80x16xf32, #tpu.memory_space<vmem>>
      %dma_wait3A_458 = tpu.memref_slice %arg10[%add3A_276] : memref<10000xi32, #tpu.memory_space<vmem>> -> memref<80xi32, #tpu.memory_space<vmem>>
      %dma_wait3A_459 = arith.constant 0 : i32
      %dma_wait3A_460 = arith.constant 0 : i32
      %dma_wait3A_461 = tpu.memref_slice %arg2[%dma_wait3A_459, %dma_wait3A_460] : memref<10000x16xf32, #tpu.memory_space<hbm>> -> memref<10000x16xf32, #tpu.memory_space<hbm>>
      tpu.wait_indirect_dma semaphore(%arg15 : memref<!tpu.dma_semaphore, #tpu.memory_space<semaphore_mem>>) src(%dma_wait3A_461 : memref<10000x16xf32, #tpu.memory_space<hbm>>) dst(%dma_wait3A_457 : memref<80x16xf32, #tpu.memory_space<vmem>>)
      %dma_wait3A_462 = arith.constant 1920 : i32
      %dma_wait3A_463 = arith.constant 0 : i32
      %dma_wait3A_464 = tpu.memref_slice %arg12[%dma_wait3A_462, %dma_wait3A_463] : memref<2000x16xf32, #tpu.memory_space<vmem>> -> memref<80x16xf32, #tpu.memory_space<vmem>>
      %dma_wait3A_465 = tpu.memref_slice %arg10[%add3A_287] : memref<10000xi32, #tpu.memory_space<vmem>> -> memref<80xi32, #tpu.memory_space<vmem>>
      %dma_wait3A_466 = arith.constant 0 : i32
      %dma_wait3A_467 = arith.constant 0 : i32
      %dma_wait3A_468 = tpu.memref_slice %arg2[%dma_wait3A_466, %dma_wait3A_467] : memref<10000x16xf32, #tpu.memory_space<hbm>> -> memref<10000x16xf32, #tpu.memory_space<hbm>>
      tpu.wait_indirect_dma semaphore(%arg15 : memref<!tpu.dma_semaphore, #tpu.memory_space<semaphore_mem>>) src(%dma_wait3A_468 : memref<10000x16xf32, #tpu.memory_space<hbm>>) dst(%dma_wait3A_464 : memref<80x16xf32, #tpu.memory_space<vmem>>)
      %mul3A_469 = arith.constant 2000 : i32
      %mul3A_470 = arith.muli %scan3A_20, %mul3A_469 : i32
      %add3A_471 = arith.addi %mul3A_2, %mul3A_470 : i32
      "tpu.region"() ({
        %run_scoped3A = tpu.sem_alloc : memref<!tpu.dma_semaphore, #tpu.memory_space<semaphore_mem>>
        %dma_start3A_472 = arith.constant 0 : i32
        %dma_start3A_473 = tpu.memref_slice %arg7[%add3A_471, %dma_start3A_472] : memref<320000x16xf32, #tpu.memory_space<hbm>> -> memref<2000x16xf32, #tpu.memory_space<hbm>>
        %dma_start3A_474 = arith.constant 0 : i32
        %dma_start3A_475 = tpu.memref_slice %arg7[%add3A_471, %dma_start3A_474] : memref<320000x16xf32, #tpu.memory_space<hbm>> -> memref<2000x16xf32, #tpu.memory_space<hbm>>
        tpu.enqueue_dma source(%arg12 : memref<2000x16xf32, #tpu.memory_space<vmem>>) target(%dma_start3A_475 : memref<2000x16xf32, #tpu.memory_space<hbm>>) target_semaphore(%run_scoped3A : memref<!tpu.dma_semaphore, #tpu.memory_space<semaphore_mem>>)
        %dma_wait3A_476 = arith.constant 0 : i32
        %dma_wait3A_477 = tpu.memref_slice %arg7[%add3A_471, %dma_wait3A_476] : memref<320000x16xf32, #tpu.memory_space<hbm>> -> memref<2000x16xf32, #tpu.memory_space<hbm>>
        %dma_wait3A_478 = arith.constant 0 : i32
        %dma_wait3A_479 = tpu.memref_slice %arg7[%add3A_471, %dma_wait3A_478] : memref<320000x16xf32, #tpu.memory_space<hbm>> -> memref<2000x16xf32, #tpu.memory_space<hbm>>
        tpu.wait_dma2 semaphore(%run_scoped3A : memref<!tpu.dma_semaphore, #tpu.memory_space<semaphore_mem>>) src(%arg12 : memref<2000x16xf32, #tpu.memory_space<vmem>>) dst(%dma_wait3A_479 : memref<2000x16xf32, #tpu.memory_space<hbm>>)
        tpu.yield
      }) : () -> ()
    }
    %scan3A_7 = arith.constant 5 : i32
    %scan3A_8 = arith.constant 0 : i32
    %scan3A_9 = arith.constant 0 : i32
    %scan3A_10 = arith.constant 5 : i32
    %scan3A_11 = arith.addi %scan3A_9, %scan3A_10 : i32
    %scan3A_12 = arith.constant 1 : i32
    scf.for %scan3A_20 = %scan3A_9 to %scan3A_11 step %scan3A_12  : i32 {
      %mul3A_21 = arith.constant 2000 : i32
      %mul3A_22 = arith.muli %scan3A_20, %mul3A_21 : i32
      %add3A_23 = arith.constant 0 : i32
      %add3A_24 = arith.addi %mul3A_22, %add3A_23 : i32
      %dma_start3A = arith.constant 0 : i32
      %dma_start3A_25 = arith.constant 0 : i32
      %dma_start3A_26 = tpu.memref_slice %arg12[%dma_start3A, %dma_start3A_25] : memref<2000x16xf32, #tpu.memory_space<vmem>> -> memref<80x16xf32, #tpu.memory_space<vmem>>
      %dma_start3A_27 = tpu.memref_slice %arg11[%add3A_24] : memref<10000xi32, #tpu.memory_space<vmem>> -> memref<80xi32, #tpu.memory_space<vmem>>
      %dma_start3A_28 = arith.constant 0 : i32
      %dma_start3A_29 = arith.constant 0 : i32
      %dma_start3A_30 = tpu.memref_slice %arg3[%dma_start3A_28, %dma_start3A_29] : memref<10000x16xf32, #tpu.memory_space<hbm>> -> memref<10000x16xf32, #tpu.memory_space<hbm>>
      tpu.enqueue_indirect_dma source(%dma_start3A_30 : memref<10000x16xf32, #tpu.memory_space<hbm>>) target(%dma_start3A_26 : memref<80x16xf32, #tpu.memory_space<vmem>>) offsets(%dma_start3A_27 : memref<80xi32, #tpu.memory_space<vmem>>) semaphore(%arg15 : memref<!tpu.dma_semaphore, #tpu.memory_space<semaphore_mem>>)
      %mul3A_31 = arith.constant 2000 : i32
      %mul3A_32 = arith.muli %scan3A_20, %mul3A_31 : i32
      %add3A_33 = arith.constant 80 : i32
      %add3A_34 = arith.addi %mul3A_32, %add3A_33 : i32
      %dma_start3A_35 = arith.constant 80 : i32
      %dma_start3A_36 = arith.constant 0 : i32
      %dma_start3A_37 = tpu.memref_slice %arg12[%dma_start3A_35, %dma_start3A_36] : memref<2000x16xf32, #tpu.memory_space<vmem>> -> memref<80x16xf32, #tpu.memory_space<vmem>>
      %dma_start3A_38 = tpu.memref_slice %arg11[%add3A_34] : memref<10000xi32, #tpu.memory_space<vmem>> -> memref<80xi32, #tpu.memory_space<vmem>>
      %dma_start3A_39 = arith.constant 0 : i32
      %dma_start3A_40 = arith.constant 0 : i32
      %dma_start3A_41 = tpu.memref_slice %arg3[%dma_start3A_39, %dma_start3A_40] : memref<10000x16xf32, #tpu.memory_space<hbm>> -> memref<10000x16xf32, #tpu.memory_space<hbm>>
      tpu.enqueue_indirect_dma source(%dma_start3A_41 : memref<10000x16xf32, #tpu.memory_space<hbm>>) target(%dma_start3A_37 : memref<80x16xf32, #tpu.memory_space<vmem>>) offsets(%dma_start3A_38 : memref<80xi32, #tpu.memory_space<vmem>>) semaphore(%arg15 : memref<!tpu.dma_semaphore, #tpu.memory_space<semaphore_mem>>)
      %mul3A_42 = arith.constant 2000 : i32
      %mul3A_43 = arith.muli %scan3A_20, %mul3A_42 : i32
      %add3A_44 = arith.constant 160 : i32
      %add3A_45 = arith.addi %mul3A_43, %add3A_44 : i32
      %dma_start3A_46 = arith.constant 160 : i32
      %dma_start3A_47 = arith.constant 0 : i32
      %dma_start3A_48 = tpu.memref_slice %arg12[%dma_start3A_46, %dma_start3A_47] : memref<2000x16xf32, #tpu.memory_space<vmem>> -> memref<80x16xf32, #tpu.memory_space<vmem>>
      %dma_start3A_49 = tpu.memref_slice %arg11[%add3A_45] : memref<10000xi32, #tpu.memory_space<vmem>> -> memref<80xi32, #tpu.memory_space<vmem>>
      %dma_start3A_50 = arith.constant 0 : i32
      %dma_start3A_51 = arith.constant 0 : i32
      %dma_start3A_52 = tpu.memref_slice %arg3[%dma_start3A_50, %dma_start3A_51] : memref<10000x16xf32, #tpu.memory_space<hbm>> -> memref<10000x16xf32, #tpu.memory_space<hbm>>
      tpu.enqueue_indirect_dma source(%dma_start3A_52 : memref<10000x16xf32, #tpu.memory_space<hbm>>) target(%dma_start3A_48 : memref<80x16xf32, #tpu.memory_space<vmem>>) offsets(%dma_start3A_49 : memref<80xi32, #tpu.memory_space<vmem>>) semaphore(%arg15 : memref<!tpu.dma_semaphore, #tpu.memory_space<semaphore_mem>>)
      %mul3A_53 = arith.constant 2000 : i32
      %mul3A_54 = arith.muli %scan3A_20, %mul3A_53 : i32
      %add3A_55 = arith.constant 240 : i32
      %add3A_56 = arith.addi %mul3A_54, %add3A_55 : i32
      %dma_start3A_57 = arith.constant 240 : i32
      %dma_start3A_58 = arith.constant 0 : i32
      %dma_start3A_59 = tpu.memref_slice %arg12[%dma_start3A_57, %dma_start3A_58] : memref<2000x16xf32, #tpu.memory_space<vmem>> -> memref<80x16xf32, #tpu.memory_space<vmem>>
      %dma_start3A_60 = tpu.memref_slice %arg11[%add3A_56] : memref<10000xi32, #tpu.memory_space<vmem>> -> memref<80xi32, #tpu.memory_space<vmem>>
      %dma_start3A_61 = arith.constant 0 : i32
      %dma_start3A_62 = arith.constant 0 : i32
      %dma_start3A_63 = tpu.memref_slice %arg3[%dma_start3A_61, %dma_start3A_62] : memref<10000x16xf32, #tpu.memory_space<hbm>> -> memref<10000x16xf32, #tpu.memory_space<hbm>>
      tpu.enqueue_indirect_dma source(%dma_start3A_63 : memref<10000x16xf32, #tpu.memory_space<hbm>>) target(%dma_start3A_59 : memref<80x16xf32, #tpu.memory_space<vmem>>) offsets(%dma_start3A_60 : memref<80xi32, #tpu.memory_space<vmem>>) semaphore(%arg15 : memref<!tpu.dma_semaphore, #tpu.memory_space<semaphore_mem>>)
      %mul3A_64 = arith.constant 2000 : i32
      %mul3A_65 = arith.muli %scan3A_20, %mul3A_64 : i32
      %add3A_66 = arith.constant 320 : i32
      %add3A_67 = arith.addi %mul3A_65, %add3A_66 : i32
      %dma_start3A_68 = arith.constant 320 : i32
      %dma_start3A_69 = arith.constant 0 : i32
      %dma_start3A_70 = tpu.memref_slice %arg12[%dma_start3A_68, %dma_start3A_69] : memref<2000x16xf32, #tpu.memory_space<vmem>> -> memref<80x16xf32, #tpu.memory_space<vmem>>
      %dma_start3A_71 = tpu.memref_slice %arg11[%add3A_67] : memref<10000xi32, #tpu.memory_space<vmem>> -> memref<80xi32, #tpu.memory_space<vmem>>
      %dma_start3A_72 = arith.constant 0 : i32
      %dma_start3A_73 = arith.constant 0 : i32
      %dma_start3A_74 = tpu.memref_slice %arg3[%dma_start3A_72, %dma_start3A_73] : memref<10000x16xf32, #tpu.memory_space<hbm>> -> memref<10000x16xf32, #tpu.memory_space<hbm>>
      tpu.enqueue_indirect_dma source(%dma_start3A_74 : memref<10000x16xf32, #tpu.memory_space<hbm>>) target(%dma_start3A_70 : memref<80x16xf32, #tpu.memory_space<vmem>>) offsets(%dma_start3A_71 : memref<80xi32, #tpu.memory_space<vmem>>) semaphore(%arg15 : memref<!tpu.dma_semaphore, #tpu.memory_space<semaphore_mem>>)
      %mul3A_75 = arith.constant 2000 : i32
      %mul3A_76 = arith.muli %scan3A_20, %mul3A_75 : i32
      %add3A_77 = arith.constant 400 : i32
      %add3A_78 = arith.addi %mul3A_76, %add3A_77 : i32
      %dma_start3A_79 = arith.constant 400 : i32
      %dma_start3A_80 = arith.constant 0 : i32
      %dma_start3A_81 = tpu.memref_slice %arg12[%dma_start3A_79, %dma_start3A_80] : memref<2000x16xf32, #tpu.memory_space<vmem>> -> memref<80x16xf32, #tpu.memory_space<vmem>>
      %dma_start3A_82 = tpu.memref_slice %arg11[%add3A_78] : memref<10000xi32, #tpu.memory_space<vmem>> -> memref<80xi32, #tpu.memory_space<vmem>>
      %dma_start3A_83 = arith.constant 0 : i32
      %dma_start3A_84 = arith.constant 0 : i32
      %dma_start3A_85 = tpu.memref_slice %arg3[%dma_start3A_83, %dma_start3A_84] : memref<10000x16xf32, #tpu.memory_space<hbm>> -> memref<10000x16xf32, #tpu.memory_space<hbm>>
      tpu.enqueue_indirect_dma source(%dma_start3A_85 : memref<10000x16xf32, #tpu.memory_space<hbm>>) target(%dma_start3A_81 : memref<80x16xf32, #tpu.memory_space<vmem>>) offsets(%dma_start3A_82 : memref<80xi32, #tpu.memory_space<vmem>>) semaphore(%arg15 : memref<!tpu.dma_semaphore, #tpu.memory_space<semaphore_mem>>)
      %mul3A_86 = arith.constant 2000 : i32
      %mul3A_87 = arith.muli %scan3A_20, %mul3A_86 : i32
      %add3A_88 = arith.constant 480 : i32
      %add3A_89 = arith.addi %mul3A_87, %add3A_88 : i32
      %dma_start3A_90 = arith.constant 480 : i32
      %dma_start3A_91 = arith.constant 0 : i32
      %dma_start3A_92 = tpu.memref_slice %arg12[%dma_start3A_90, %dma_start3A_91] : memref<2000x16xf32, #tpu.memory_space<vmem>> -> memref<80x16xf32, #tpu.memory_space<vmem>>
      %dma_start3A_93 = tpu.memref_slice %arg11[%add3A_89] : memref<10000xi32, #tpu.memory_space<vmem>> -> memref<80xi32, #tpu.memory_space<vmem>>
      %dma_start3A_94 = arith.constant 0 : i32
      %dma_start3A_95 = arith.constant 0 : i32
      %dma_start3A_96 = tpu.memref_slice %arg3[%dma_start3A_94, %dma_start3A_95] : memref<10000x16xf32, #tpu.memory_space<hbm>> -> memref<10000x16xf32, #tpu.memory_space<hbm>>
      tpu.enqueue_indirect_dma source(%dma_start3A_96 : memref<10000x16xf32, #tpu.memory_space<hbm>>) target(%dma_start3A_92 : memref<80x16xf32, #tpu.memory_space<vmem>>) offsets(%dma_start3A_93 : memref<80xi32, #tpu.memory_space<vmem>>) semaphore(%arg15 : memref<!tpu.dma_semaphore, #tpu.memory_space<semaphore_mem>>)
      %mul3A_97 = arith.constant 2000 : i32
      %mul3A_98 = arith.muli %scan3A_20, %mul3A_97 : i32
      %add3A_99 = arith.constant 560 : i32
      %add3A_100 = arith.addi %mul3A_98, %add3A_99 : i32
      %dma_start3A_101 = arith.constant 560 : i32
      %dma_start3A_102 = arith.constant 0 : i32
      %dma_start3A_103 = tpu.memref_slice %arg12[%dma_start3A_101, %dma_start3A_102] : memref<2000x16xf32, #tpu.memory_space<vmem>> -> memref<80x16xf32, #tpu.memory_space<vmem>>
      %dma_start3A_104 = tpu.memref_slice %arg11[%add3A_100] : memref<10000xi32, #tpu.memory_space<vmem>> -> memref<80xi32, #tpu.memory_space<vmem>>
      %dma_start3A_105 = arith.constant 0 : i32
      %dma_start3A_106 = arith.constant 0 : i32
      %dma_start3A_107 = tpu.memref_slice %arg3[%dma_start3A_105, %dma_start3A_106] : memref<10000x16xf32, #tpu.memory_space<hbm>> -> memref<10000x16xf32, #tpu.memory_space<hbm>>
      tpu.enqueue_indirect_dma source(%dma_start3A_107 : memref<10000x16xf32, #tpu.memory_space<hbm>>) target(%dma_start3A_103 : memref<80x16xf32, #tpu.memory_space<vmem>>) offsets(%dma_start3A_104 : memref<80xi32, #tpu.memory_space<vmem>>) semaphore(%arg15 : memref<!tpu.dma_semaphore, #tpu.memory_space<semaphore_mem>>)
      %mul3A_108 = arith.constant 2000 : i32
      %mul3A_109 = arith.muli %scan3A_20, %mul3A_108 : i32
      %add3A_110 = arith.constant 640 : i32
      %add3A_111 = arith.addi %mul3A_109, %add3A_110 : i32
      %dma_start3A_112 = arith.constant 640 : i32
      %dma_start3A_113 = arith.constant 0 : i32
      %dma_start3A_114 = tpu.memref_slice %arg12[%dma_start3A_112, %dma_start3A_113] : memref<2000x16xf32, #tpu.memory_space<vmem>> -> memref<80x16xf32, #tpu.memory_space<vmem>>
      %dma_start3A_115 = tpu.memref_slice %arg11[%add3A_111] : memref<10000xi32, #tpu.memory_space<vmem>> -> memref<80xi32, #tpu.memory_space<vmem>>
      %dma_start3A_116 = arith.constant 0 : i32
      %dma_start3A_117 = arith.constant 0 : i32
      %dma_start3A_118 = tpu.memref_slice %arg3[%dma_start3A_116, %dma_start3A_117] : memref<10000x16xf32, #tpu.memory_space<hbm>> -> memref<10000x16xf32, #tpu.memory_space<hbm>>
      tpu.enqueue_indirect_dma source(%dma_start3A_118 : memref<10000x16xf32, #tpu.memory_space<hbm>>) target(%dma_start3A_114 : memref<80x16xf32, #tpu.memory_space<vmem>>) offsets(%dma_start3A_115 : memref<80xi32, #tpu.memory_space<vmem>>) semaphore(%arg15 : memref<!tpu.dma_semaphore, #tpu.memory_space<semaphore_mem>>)
      %mul3A_119 = arith.constant 2000 : i32
      %mul3A_120 = arith.muli %scan3A_20, %mul3A_119 : i32
      %add3A_121 = arith.constant 720 : i32
      %add3A_122 = arith.addi %mul3A_120, %add3A_121 : i32
      %dma_start3A_123 = arith.constant 720 : i32
      %dma_start3A_124 = arith.constant 0 : i32
      %dma_start3A_125 = tpu.memref_slice %arg12[%dma_start3A_123, %dma_start3A_124] : memref<2000x16xf32, #tpu.memory_space<vmem>> -> memref<80x16xf32, #tpu.memory_space<vmem>>
      %dma_start3A_126 = tpu.memref_slice %arg11[%add3A_122] : memref<10000xi32, #tpu.memory_space<vmem>> -> memref<80xi32, #tpu.memory_space<vmem>>
      %dma_start3A_127 = arith.constant 0 : i32
      %dma_start3A_128 = arith.constant 0 : i32
      %dma_start3A_129 = tpu.memref_slice %arg3[%dma_start3A_127, %dma_start3A_128] : memref<10000x16xf32, #tpu.memory_space<hbm>> -> memref<10000x16xf32, #tpu.memory_space<hbm>>
      tpu.enqueue_indirect_dma source(%dma_start3A_129 : memref<10000x16xf32, #tpu.memory_space<hbm>>) target(%dma_start3A_125 : memref<80x16xf32, #tpu.memory_space<vmem>>) offsets(%dma_start3A_126 : memref<80xi32, #tpu.memory_space<vmem>>) semaphore(%arg15 : memref<!tpu.dma_semaphore, #tpu.memory_space<semaphore_mem>>)
      %mul3A_130 = arith.constant 2000 : i32
      %mul3A_131 = arith.muli %scan3A_20, %mul3A_130 : i32
      %add3A_132 = arith.constant 800 : i32
      %add3A_133 = arith.addi %mul3A_131, %add3A_132 : i32
      %dma_start3A_134 = arith.constant 800 : i32
      %dma_start3A_135 = arith.constant 0 : i32
      %dma_start3A_136 = tpu.memref_slice %arg12[%dma_start3A_134, %dma_start3A_135] : memref<2000x16xf32, #tpu.memory_space<vmem>> -> memref<80x16xf32, #tpu.memory_space<vmem>>
      %dma_start3A_137 = tpu.memref_slice %arg11[%add3A_133] : memref<10000xi32, #tpu.memory_space<vmem>> -> memref<80xi32, #tpu.memory_space<vmem>>
      %dma_start3A_138 = arith.constant 0 : i32
      %dma_start3A_139 = arith.constant 0 : i32
      %dma_start3A_140 = tpu.memref_slice %arg3[%dma_start3A_138, %dma_start3A_139] : memref<10000x16xf32, #tpu.memory_space<hbm>> -> memref<10000x16xf32, #tpu.memory_space<hbm>>
      tpu.enqueue_indirect_dma source(%dma_start3A_140 : memref<10000x16xf32, #tpu.memory_space<hbm>>) target(%dma_start3A_136 : memref<80x16xf32, #tpu.memory_space<vmem>>) offsets(%dma_start3A_137 : memref<80xi32, #tpu.memory_space<vmem>>) semaphore(%arg15 : memref<!tpu.dma_semaphore, #tpu.memory_space<semaphore_mem>>)
      %mul3A_141 = arith.constant 2000 : i32
      %mul3A_142 = arith.muli %scan3A_20, %mul3A_141 : i32
      %add3A_143 = arith.constant 880 : i32
      %add3A_144 = arith.addi %mul3A_142, %add3A_143 : i32
      %dma_start3A_145 = arith.constant 880 : i32
      %dma_start3A_146 = arith.constant 0 : i32
      %dma_start3A_147 = tpu.memref_slice %arg12[%dma_start3A_145, %dma_start3A_146] : memref<2000x16xf32, #tpu.memory_space<vmem>> -> memref<80x16xf32, #tpu.memory_space<vmem>>
      %dma_start3A_148 = tpu.memref_slice %arg11[%add3A_144] : memref<10000xi32, #tpu.memory_space<vmem>> -> memref<80xi32, #tpu.memory_space<vmem>>
      %dma_start3A_149 = arith.constant 0 : i32
      %dma_start3A_150 = arith.constant 0 : i32
      %dma_start3A_151 = tpu.memref_slice %arg3[%dma_start3A_149, %dma_start3A_150] : memref<10000x16xf32, #tpu.memory_space<hbm>> -> memref<10000x16xf32, #tpu.memory_space<hbm>>
      tpu.enqueue_indirect_dma source(%dma_start3A_151 : memref<10000x16xf32, #tpu.memory_space<hbm>>) target(%dma_start3A_147 : memref<80x16xf32, #tpu.memory_space<vmem>>) offsets(%dma_start3A_148 : memref<80xi32, #tpu.memory_space<vmem>>) semaphore(%arg15 : memref<!tpu.dma_semaphore, #tpu.memory_space<semaphore_mem>>)
      %mul3A_152 = arith.constant 2000 : i32
      %mul3A_153 = arith.muli %scan3A_20, %mul3A_152 : i32
      %add3A_154 = arith.constant 960 : i32
      %add3A_155 = arith.addi %mul3A_153, %add3A_154 : i32
      %dma_start3A_156 = arith.constant 960 : i32
      %dma_start3A_157 = arith.constant 0 : i32
      %dma_start3A_158 = tpu.memref_slice %arg12[%dma_start3A_156, %dma_start3A_157] : memref<2000x16xf32, #tpu.memory_space<vmem>> -> memref<80x16xf32, #tpu.memory_space<vmem>>
      %dma_start3A_159 = tpu.memref_slice %arg11[%add3A_155] : memref<10000xi32, #tpu.memory_space<vmem>> -> memref<80xi32, #tpu.memory_space<vmem>>
      %dma_start3A_160 = arith.constant 0 : i32
      %dma_start3A_161 = arith.constant 0 : i32
      %dma_start3A_162 = tpu.memref_slice %arg3[%dma_start3A_160, %dma_start3A_161] : memref<10000x16xf32, #tpu.memory_space<hbm>> -> memref<10000x16xf32, #tpu.memory_space<hbm>>
      tpu.enqueue_indirect_dma source(%dma_start3A_162 : memref<10000x16xf32, #tpu.memory_space<hbm>>) target(%dma_start3A_158 : memref<80x16xf32, #tpu.memory_space<vmem>>) offsets(%dma_start3A_159 : memref<80xi32, #tpu.memory_space<vmem>>) semaphore(%arg15 : memref<!tpu.dma_semaphore, #tpu.memory_space<semaphore_mem>>)
      %mul3A_163 = arith.constant 2000 : i32
      %mul3A_164 = arith.muli %scan3A_20, %mul3A_163 : i32
      %add3A_165 = arith.constant 1040 : i32
      %add3A_166 = arith.addi %mul3A_164, %add3A_165 : i32
      %dma_start3A_167 = arith.constant 1040 : i32
      %dma_start3A_168 = arith.constant 0 : i32
      %dma_start3A_169 = tpu.memref_slice %arg12[%dma_start3A_167, %dma_start3A_168] : memref<2000x16xf32, #tpu.memory_space<vmem>> -> memref<80x16xf32, #tpu.memory_space<vmem>>
      %dma_start3A_170 = tpu.memref_slice %arg11[%add3A_166] : memref<10000xi32, #tpu.memory_space<vmem>> -> memref<80xi32, #tpu.memory_space<vmem>>
      %dma_start3A_171 = arith.constant 0 : i32
      %dma_start3A_172 = arith.constant 0 : i32
      %dma_start3A_173 = tpu.memref_slice %arg3[%dma_start3A_171, %dma_start3A_172] : memref<10000x16xf32, #tpu.memory_space<hbm>> -> memref<10000x16xf32, #tpu.memory_space<hbm>>
      tpu.enqueue_indirect_dma source(%dma_start3A_173 : memref<10000x16xf32, #tpu.memory_space<hbm>>) target(%dma_start3A_169 : memref<80x16xf32, #tpu.memory_space<vmem>>) offsets(%dma_start3A_170 : memref<80xi32, #tpu.memory_space<vmem>>) semaphore(%arg15 : memref<!tpu.dma_semaphore, #tpu.memory_space<semaphore_mem>>)
      %mul3A_174 = arith.constant 2000 : i32
      %mul3A_175 = arith.muli %scan3A_20, %mul3A_174 : i32
      %add3A_176 = arith.constant 1120 : i32
      %add3A_177 = arith.addi %mul3A_175, %add3A_176 : i32
      %dma_start3A_178 = arith.constant 1120 : i32
      %dma_start3A_179 = arith.constant 0 : i32
      %dma_start3A_180 = tpu.memref_slice %arg12[%dma_start3A_178, %dma_start3A_179] : memref<2000x16xf32, #tpu.memory_space<vmem>> -> memref<80x16xf32, #tpu.memory_space<vmem>>
      %dma_start3A_181 = tpu.memref_slice %arg11[%add3A_177] : memref<10000xi32, #tpu.memory_space<vmem>> -> memref<80xi32, #tpu.memory_space<vmem>>
      %dma_start3A_182 = arith.constant 0 : i32
      %dma_start3A_183 = arith.constant 0 : i32
      %dma_start3A_184 = tpu.memref_slice %arg3[%dma_start3A_182, %dma_start3A_183] : memref<10000x16xf32, #tpu.memory_space<hbm>> -> memref<10000x16xf32, #tpu.memory_space<hbm>>
      tpu.enqueue_indirect_dma source(%dma_start3A_184 : memref<10000x16xf32, #tpu.memory_space<hbm>>) target(%dma_start3A_180 : memref<80x16xf32, #tpu.memory_space<vmem>>) offsets(%dma_start3A_181 : memref<80xi32, #tpu.memory_space<vmem>>) semaphore(%arg15 : memref<!tpu.dma_semaphore, #tpu.memory_space<semaphore_mem>>)
      %mul3A_185 = arith.constant 2000 : i32
      %mul3A_186 = arith.muli %scan3A_20, %mul3A_185 : i32
      %add3A_187 = arith.constant 1200 : i32
      %add3A_188 = arith.addi %mul3A_186, %add3A_187 : i32
      %dma_start3A_189 = arith.constant 1200 : i32
      %dma_start3A_190 = arith.constant 0 : i32
      %dma_start3A_191 = tpu.memref_slice %arg12[%dma_start3A_189, %dma_start3A_190] : memref<2000x16xf32, #tpu.memory_space<vmem>> -> memref<80x16xf32, #tpu.memory_space<vmem>>
      %dma_start3A_192 = tpu.memref_slice %arg11[%add3A_188] : memref<10000xi32, #tpu.memory_space<vmem>> -> memref<80xi32, #tpu.memory_space<vmem>>
      %dma_start3A_193 = arith.constant 0 : i32
      %dma_start3A_194 = arith.constant 0 : i32
      %dma_start3A_195 = tpu.memref_slice %arg3[%dma_start3A_193, %dma_start3A_194] : memref<10000x16xf32, #tpu.memory_space<hbm>> -> memref<10000x16xf32, #tpu.memory_space<hbm>>
      tpu.enqueue_indirect_dma source(%dma_start3A_195 : memref<10000x16xf32, #tpu.memory_space<hbm>>) target(%dma_start3A_191 : memref<80x16xf32, #tpu.memory_space<vmem>>) offsets(%dma_start3A_192 : memref<80xi32, #tpu.memory_space<vmem>>) semaphore(%arg15 : memref<!tpu.dma_semaphore, #tpu.memory_space<semaphore_mem>>)
      %mul3A_196 = arith.constant 2000 : i32
      %mul3A_197 = arith.muli %scan3A_20, %mul3A_196 : i32
      %add3A_198 = arith.constant 1280 : i32
      %add3A_199 = arith.addi %mul3A_197, %add3A_198 : i32
      %dma_start3A_200 = arith.constant 1280 : i32
      %dma_start3A_201 = arith.constant 0 : i32
      %dma_start3A_202 = tpu.memref_slice %arg12[%dma_start3A_200, %dma_start3A_201] : memref<2000x16xf32, #tpu.memory_space<vmem>> -> memref<80x16xf32, #tpu.memory_space<vmem>>
      %dma_start3A_203 = tpu.memref_slice %arg11[%add3A_199] : memref<10000xi32, #tpu.memory_space<vmem>> -> memref<80xi32, #tpu.memory_space<vmem>>
      %dma_start3A_204 = arith.constant 0 : i32
      %dma_start3A_205 = arith.constant 0 : i32
      %dma_start3A_206 = tpu.memref_slice %arg3[%dma_start3A_204, %dma_start3A_205] : memref<10000x16xf32, #tpu.memory_space<hbm>> -> memref<10000x16xf32, #tpu.memory_space<hbm>>
      tpu.enqueue_indirect_dma source(%dma_start3A_206 : memref<10000x16xf32, #tpu.memory_space<hbm>>) target(%dma_start3A_202 : memref<80x16xf32, #tpu.memory_space<vmem>>) offsets(%dma_start3A_203 : memref<80xi32, #tpu.memory_space<vmem>>) semaphore(%arg15 : memref<!tpu.dma_semaphore, #tpu.memory_space<semaphore_mem>>)
      %mul3A_207 = arith.constant 2000 : i32
      %mul3A_208 = arith.muli %scan3A_20, %mul3A_207 : i32
      %add3A_209 = arith.constant 1360 : i32
      %add3A_210 = arith.addi %mul3A_208, %add3A_209 : i32
      %dma_start3A_211 = arith.constant 1360 : i32
      %dma_start3A_212 = arith.constant 0 : i32
      %dma_start3A_213 = tpu.memref_slice %arg12[%dma_start3A_211, %dma_start3A_212] : memref<2000x16xf32, #tpu.memory_space<vmem>> -> memref<80x16xf32, #tpu.memory_space<vmem>>
      %dma_start3A_214 = tpu.memref_slice %arg11[%add3A_210] : memref<10000xi32, #tpu.memory_space<vmem>> -> memref<80xi32, #tpu.memory_space<vmem>>
      %dma_start3A_215 = arith.constant 0 : i32
      %dma_start3A_216 = arith.constant 0 : i32
      %dma_start3A_217 = tpu.memref_slice %arg3[%dma_start3A_215, %dma_start3A_216] : memref<10000x16xf32, #tpu.memory_space<hbm>> -> memref<10000x16xf32, #tpu.memory_space<hbm>>
      tpu.enqueue_indirect_dma source(%dma_start3A_217 : memref<10000x16xf32, #tpu.memory_space<hbm>>) target(%dma_start3A_213 : memref<80x16xf32, #tpu.memory_space<vmem>>) offsets(%dma_start3A_214 : memref<80xi32, #tpu.memory_space<vmem>>) semaphore(%arg15 : memref<!tpu.dma_semaphore, #tpu.memory_space<semaphore_mem>>)
      %mul3A_218 = arith.constant 2000 : i32
      %mul3A_219 = arith.muli %scan3A_20, %mul3A_218 : i32
      %add3A_220 = arith.constant 1440 : i32
      %add3A_221 = arith.addi %mul3A_219, %add3A_220 : i32
      %dma_start3A_222 = arith.constant 1440 : i32
      %dma_start3A_223 = arith.constant 0 : i32
      %dma_start3A_224 = tpu.memref_slice %arg12[%dma_start3A_222, %dma_start3A_223] : memref<2000x16xf32, #tpu.memory_space<vmem>> -> memref<80x16xf32, #tpu.memory_space<vmem>>
      %dma_start3A_225 = tpu.memref_slice %arg11[%add3A_221] : memref<10000xi32, #tpu.memory_space<vmem>> -> memref<80xi32, #tpu.memory_space<vmem>>
      %dma_start3A_226 = arith.constant 0 : i32
      %dma_start3A_227 = arith.constant 0 : i32
      %dma_start3A_228 = tpu.memref_slice %arg3[%dma_start3A_226, %dma_start3A_227] : memref<10000x16xf32, #tpu.memory_space<hbm>> -> memref<10000x16xf32, #tpu.memory_space<hbm>>
      tpu.enqueue_indirect_dma source(%dma_start3A_228 : memref<10000x16xf32, #tpu.memory_space<hbm>>) target(%dma_start3A_224 : memref<80x16xf32, #tpu.memory_space<vmem>>) offsets(%dma_start3A_225 : memref<80xi32, #tpu.memory_space<vmem>>) semaphore(%arg15 : memref<!tpu.dma_semaphore, #tpu.memory_space<semaphore_mem>>)
      %mul3A_229 = arith.constant 2000 : i32
      %mul3A_230 = arith.muli %scan3A_20, %mul3A_229 : i32
      %add3A_231 = arith.constant 1520 : i32
      %add3A_232 = arith.addi %mul3A_230, %add3A_231 : i32
      %dma_start3A_233 = arith.constant 1520 : i32
      %dma_start3A_234 = arith.constant 0 : i32
      %dma_start3A_235 = tpu.memref_slice %arg12[%dma_start3A_233, %dma_start3A_234] : memref<2000x16xf32, #tpu.memory_space<vmem>> -> memref<80x16xf32, #tpu.memory_space<vmem>>
      %dma_start3A_236 = tpu.memref_slice %arg11[%add3A_232] : memref<10000xi32, #tpu.memory_space<vmem>> -> memref<80xi32, #tpu.memory_space<vmem>>
      %dma_start3A_237 = arith.constant 0 : i32
      %dma_start3A_238 = arith.constant 0 : i32
      %dma_start3A_239 = tpu.memref_slice %arg3[%dma_start3A_237, %dma_start3A_238] : memref<10000x16xf32, #tpu.memory_space<hbm>> -> memref<10000x16xf32, #tpu.memory_space<hbm>>
      tpu.enqueue_indirect_dma source(%dma_start3A_239 : memref<10000x16xf32, #tpu.memory_space<hbm>>) target(%dma_start3A_235 : memref<80x16xf32, #tpu.memory_space<vmem>>) offsets(%dma_start3A_236 : memref<80xi32, #tpu.memory_space<vmem>>) semaphore(%arg15 : memref<!tpu.dma_semaphore, #tpu.memory_space<semaphore_mem>>)
      %mul3A_240 = arith.constant 2000 : i32
      %mul3A_241 = arith.muli %scan3A_20, %mul3A_240 : i32
      %add3A_242 = arith.constant 1600 : i32
      %add3A_243 = arith.addi %mul3A_241, %add3A_242 : i32
      %dma_start3A_244 = arith.constant 1600 : i32
      %dma_start3A_245 = arith.constant 0 : i32
      %dma_start3A_246 = tpu.memref_slice %arg12[%dma_start3A_244, %dma_start3A_245] : memref<2000x16xf32, #tpu.memory_space<vmem>> -> memref<80x16xf32, #tpu.memory_space<vmem>>
      %dma_start3A_247 = tpu.memref_slice %arg11[%add3A_243] : memref<10000xi32, #tpu.memory_space<vmem>> -> memref<80xi32, #tpu.memory_space<vmem>>
      %dma_start3A_248 = arith.constant 0 : i32
      %dma_start3A_249 = arith.constant 0 : i32
      %dma_start3A_250 = tpu.memref_slice %arg3[%dma_start3A_248, %dma_start3A_249] : memref<10000x16xf32, #tpu.memory_space<hbm>> -> memref<10000x16xf32, #tpu.memory_space<hbm>>
      tpu.enqueue_indirect_dma source(%dma_start3A_250 : memref<10000x16xf32, #tpu.memory_space<hbm>>) target(%dma_start3A_246 : memref<80x16xf32, #tpu.memory_space<vmem>>) offsets(%dma_start3A_247 : memref<80xi32, #tpu.memory_space<vmem>>) semaphore(%arg15 : memref<!tpu.dma_semaphore, #tpu.memory_space<semaphore_mem>>)
      %mul3A_251 = arith.constant 2000 : i32
      %mul3A_252 = arith.muli %scan3A_20, %mul3A_251 : i32
      %add3A_253 = arith.constant 1680 : i32
      %add3A_254 = arith.addi %mul3A_252, %add3A_253 : i32
      %dma_start3A_255 = arith.constant 1680 : i32
      %dma_start3A_256 = arith.constant 0 : i32
      %dma_start3A_257 = tpu.memref_slice %arg12[%dma_start3A_255, %dma_start3A_256] : memref<2000x16xf32, #tpu.memory_space<vmem>> -> memref<80x16xf32, #tpu.memory_space<vmem>>
      %dma_start3A_258 = tpu.memref_slice %arg11[%add3A_254] : memref<10000xi32, #tpu.memory_space<vmem>> -> memref<80xi32, #tpu.memory_space<vmem>>
      %dma_start3A_259 = arith.constant 0 : i32
      %dma_start3A_260 = arith.constant 0 : i32
      %dma_start3A_261 = tpu.memref_slice %arg3[%dma_start3A_259, %dma_start3A_260] : memref<10000x16xf32, #tpu.memory_space<hbm>> -> memref<10000x16xf32, #tpu.memory_space<hbm>>
      tpu.enqueue_indirect_dma source(%dma_start3A_261 : memref<10000x16xf32, #tpu.memory_space<hbm>>) target(%dma_start3A_257 : memref<80x16xf32, #tpu.memory_space<vmem>>) offsets(%dma_start3A_258 : memref<80xi32, #tpu.memory_space<vmem>>) semaphore(%arg15 : memref<!tpu.dma_semaphore, #tpu.memory_space<semaphore_mem>>)
      %mul3A_262 = arith.constant 2000 : i32
      %mul3A_263 = arith.muli %scan3A_20, %mul3A_262 : i32
      %add3A_264 = arith.constant 1760 : i32
      %add3A_265 = arith.addi %mul3A_263, %add3A_264 : i32
      %dma_start3A_266 = arith.constant 1760 : i32
      %dma_start3A_267 = arith.constant 0 : i32
      %dma_start3A_268 = tpu.memref_slice %arg12[%dma_start3A_266, %dma_start3A_267] : memref<2000x16xf32, #tpu.memory_space<vmem>> -> memref<80x16xf32, #tpu.memory_space<vmem>>
      %dma_start3A_269 = tpu.memref_slice %arg11[%add3A_265] : memref<10000xi32, #tpu.memory_space<vmem>> -> memref<80xi32, #tpu.memory_space<vmem>>
      %dma_start3A_270 = arith.constant 0 : i32
      %dma_start3A_271 = arith.constant 0 : i32
      %dma_start3A_272 = tpu.memref_slice %arg3[%dma_start3A_270, %dma_start3A_271] : memref<10000x16xf32, #tpu.memory_space<hbm>> -> memref<10000x16xf32, #tpu.memory_space<hbm>>
      tpu.enqueue_indirect_dma source(%dma_start3A_272 : memref<10000x16xf32, #tpu.memory_space<hbm>>) target(%dma_start3A_268 : memref<80x16xf32, #tpu.memory_space<vmem>>) offsets(%dma_start3A_269 : memref<80xi32, #tpu.memory_space<vmem>>) semaphore(%arg15 : memref<!tpu.dma_semaphore, #tpu.memory_space<semaphore_mem>>)
      %mul3A_273 = arith.constant 2000 : i32
      %mul3A_274 = arith.muli %scan3A_20, %mul3A_273 : i32
      %add3A_275 = arith.constant 1840 : i32
      %add3A_276 = arith.addi %mul3A_274, %add3A_275 : i32
      %dma_start3A_277 = arith.constant 1840 : i32
      %dma_start3A_278 = arith.constant 0 : i32
      %dma_start3A_279 = tpu.memref_slice %arg12[%dma_start3A_277, %dma_start3A_278] : memref<2000x16xf32, #tpu.memory_space<vmem>> -> memref<80x16xf32, #tpu.memory_space<vmem>>
      %dma_start3A_280 = tpu.memref_slice %arg11[%add3A_276] : memref<10000xi32, #tpu.memory_space<vmem>> -> memref<80xi32, #tpu.memory_space<vmem>>
      %dma_start3A_281 = arith.constant 0 : i32
      %dma_start3A_282 = arith.constant 0 : i32
      %dma_start3A_283 = tpu.memref_slice %arg3[%dma_start3A_281, %dma_start3A_282] : memref<10000x16xf32, #tpu.memory_space<hbm>> -> memref<10000x16xf32, #tpu.memory_space<hbm>>
      tpu.enqueue_indirect_dma source(%dma_start3A_283 : memref<10000x16xf32, #tpu.memory_space<hbm>>) target(%dma_start3A_279 : memref<80x16xf32, #tpu.memory_space<vmem>>) offsets(%dma_start3A_280 : memref<80xi32, #tpu.memory_space<vmem>>) semaphore(%arg15 : memref<!tpu.dma_semaphore, #tpu.memory_space<semaphore_mem>>)
      %mul3A_284 = arith.constant 2000 : i32
      %mul3A_285 = arith.muli %scan3A_20, %mul3A_284 : i32
      %add3A_286 = arith.constant 1920 : i32
      %add3A_287 = arith.addi %mul3A_285, %add3A_286 : i32
      %dma_start3A_288 = arith.constant 1920 : i32
      %dma_start3A_289 = arith.constant 0 : i32
      %dma_start3A_290 = tpu.memref_slice %arg12[%dma_start3A_288, %dma_start3A_289] : memref<2000x16xf32, #tpu.memory_space<vmem>> -> memref<80x16xf32, #tpu.memory_space<vmem>>
      %dma_start3A_291 = tpu.memref_slice %arg11[%add3A_287] : memref<10000xi32, #tpu.memory_space<vmem>> -> memref<80xi32, #tpu.memory_space<vmem>>
      %dma_start3A_292 = arith.constant 0 : i32
      %dma_start3A_293 = arith.constant 0 : i32
      %dma_start3A_294 = tpu.memref_slice %arg3[%dma_start3A_292, %dma_start3A_293] : memref<10000x16xf32, #tpu.memory_space<hbm>> -> memref<10000x16xf32, #tpu.memory_space<hbm>>
      tpu.enqueue_indirect_dma source(%dma_start3A_294 : memref<10000x16xf32, #tpu.memory_space<hbm>>) target(%dma_start3A_290 : memref<80x16xf32, #tpu.memory_space<vmem>>) offsets(%dma_start3A_291 : memref<80xi32, #tpu.memory_space<vmem>>) semaphore(%arg15 : memref<!tpu.dma_semaphore, #tpu.memory_space<semaphore_mem>>)
      %dma_wait3A = arith.constant 0 : i32
      %dma_wait3A_295 = arith.constant 0 : i32
      %dma_wait3A_296 = tpu.memref_slice %arg12[%dma_wait3A, %dma_wait3A_295] : memref<2000x16xf32, #tpu.memory_space<vmem>> -> memref<80x16xf32, #tpu.memory_space<vmem>>
      %dma_wait3A_297 = tpu.memref_slice %arg11[%add3A_24] : memref<10000xi32, #tpu.memory_space<vmem>> -> memref<80xi32, #tpu.memory_space<vmem>>
      %dma_wait3A_298 = arith.constant 0 : i32
      %dma_wait3A_299 = arith.constant 0 : i32
      %dma_wait3A_300 = tpu.memref_slice %arg3[%dma_wait3A_298, %dma_wait3A_299] : memref<10000x16xf32, #tpu.memory_space<hbm>> -> memref<10000x16xf32, #tpu.memory_space<hbm>>
      tpu.wait_indirect_dma semaphore(%arg15 : memref<!tpu.dma_semaphore, #tpu.memory_space<semaphore_mem>>) src(%dma_wait3A_300 : memref<10000x16xf32, #tpu.memory_space<hbm>>) dst(%dma_wait3A_296 : memref<80x16xf32, #tpu.memory_space<vmem>>)
      %dma_wait3A_301 = arith.constant 80 : i32
      %dma_wait3A_302 = arith.constant 0 : i32
      %dma_wait3A_303 = tpu.memref_slice %arg12[%dma_wait3A_301, %dma_wait3A_302] : memref<2000x16xf32, #tpu.memory_space<vmem>> -> memref<80x16xf32, #tpu.memory_space<vmem>>
      %dma_wait3A_304 = tpu.memref_slice %arg11[%add3A_34] : memref<10000xi32, #tpu.memory_space<vmem>> -> memref<80xi32, #tpu.memory_space<vmem>>
      %dma_wait3A_305 = arith.constant 0 : i32
      %dma_wait3A_306 = arith.constant 0 : i32
      %dma_wait3A_307 = tpu.memref_slice %arg3[%dma_wait3A_305, %dma_wait3A_306] : memref<10000x16xf32, #tpu.memory_space<hbm>> -> memref<10000x16xf32, #tpu.memory_space<hbm>>
      tpu.wait_indirect_dma semaphore(%arg15 : memref<!tpu.dma_semaphore, #tpu.memory_space<semaphore_mem>>) src(%dma_wait3A_307 : memref<10000x16xf32, #tpu.memory_space<hbm>>) dst(%dma_wait3A_303 : memref<80x16xf32, #tpu.memory_space<vmem>>)
      %dma_wait3A_308 = arith.constant 160 : i32
      %dma_wait3A_309 = arith.constant 0 : i32
      %dma_wait3A_310 = tpu.memref_slice %arg12[%dma_wait3A_308, %dma_wait3A_309] : memref<2000x16xf32, #tpu.memory_space<vmem>> -> memref<80x16xf32, #tpu.memory_space<vmem>>
      %dma_wait3A_311 = tpu.memref_slice %arg11[%add3A_45] : memref<10000xi32, #tpu.memory_space<vmem>> -> memref<80xi32, #tpu.memory_space<vmem>>
      %dma_wait3A_312 = arith.constant 0 : i32
      %dma_wait3A_313 = arith.constant 0 : i32
      %dma_wait3A_314 = tpu.memref_slice %arg3[%dma_wait3A_312, %dma_wait3A_313] : memref<10000x16xf32, #tpu.memory_space<hbm>> -> memref<10000x16xf32, #tpu.memory_space<hbm>>
      tpu.wait_indirect_dma semaphore(%arg15 : memref<!tpu.dma_semaphore, #tpu.memory_space<semaphore_mem>>) src(%dma_wait3A_314 : memref<10000x16xf32, #tpu.memory_space<hbm>>) dst(%dma_wait3A_310 : memref<80x16xf32, #tpu.memory_space<vmem>>)
      %dma_wait3A_315 = arith.constant 240 : i32
      %dma_wait3A_316 = arith.constant 0 : i32
      %dma_wait3A_317 = tpu.memref_slice %arg12[%dma_wait3A_315, %dma_wait3A_316] : memref<2000x16xf32, #tpu.memory_space<vmem>> -> memref<80x16xf32, #tpu.memory_space<vmem>>
      %dma_wait3A_318 = tpu.memref_slice %arg11[%add3A_56] : memref<10000xi32, #tpu.memory_space<vmem>> -> memref<80xi32, #tpu.memory_space<vmem>>
      %dma_wait3A_319 = arith.constant 0 : i32
      %dma_wait3A_320 = arith.constant 0 : i32
      %dma_wait3A_321 = tpu.memref_slice %arg3[%dma_wait3A_319, %dma_wait3A_320] : memref<10000x16xf32, #tpu.memory_space<hbm>> -> memref<10000x16xf32, #tpu.memory_space<hbm>>
      tpu.wait_indirect_dma semaphore(%arg15 : memref<!tpu.dma_semaphore, #tpu.memory_space<semaphore_mem>>) src(%dma_wait3A_321 : memref<10000x16xf32, #tpu.memory_space<hbm>>) dst(%dma_wait3A_317 : memref<80x16xf32, #tpu.memory_space<vmem>>)
      %dma_wait3A_322 = arith.constant 320 : i32
      %dma_wait3A_323 = arith.constant 0 : i32
      %dma_wait3A_324 = tpu.memref_slice %arg12[%dma_wait3A_322, %dma_wait3A_323] : memref<2000x16xf32, #tpu.memory_space<vmem>> -> memref<80x16xf32, #tpu.memory_space<vmem>>
      %dma_wait3A_325 = tpu.memref_slice %arg11[%add3A_67] : memref<10000xi32, #tpu.memory_space<vmem>> -> memref<80xi32, #tpu.memory_space<vmem>>
      %dma_wait3A_326 = arith.constant 0 : i32
      %dma_wait3A_327 = arith.constant 0 : i32
      %dma_wait3A_328 = tpu.memref_slice %arg3[%dma_wait3A_326, %dma_wait3A_327] : memref<10000x16xf32, #tpu.memory_space<hbm>> -> memref<10000x16xf32, #tpu.memory_space<hbm>>
      tpu.wait_indirect_dma semaphore(%arg15 : memref<!tpu.dma_semaphore, #tpu.memory_space<semaphore_mem>>) src(%dma_wait3A_328 : memref<10000x16xf32, #tpu.memory_space<hbm>>) dst(%dma_wait3A_324 : memref<80x16xf32, #tpu.memory_space<vmem>>)
      %dma_wait3A_329 = arith.constant 400 : i32
      %dma_wait3A_330 = arith.constant 0 : i32
      %dma_wait3A_331 = tpu.memref_slice %arg12[%dma_wait3A_329, %dma_wait3A_330] : memref<2000x16xf32, #tpu.memory_space<vmem>> -> memref<80x16xf32, #tpu.memory_space<vmem>>
      %dma_wait3A_332 = tpu.memref_slice %arg11[%add3A_78] : memref<10000xi32, #tpu.memory_space<vmem>> -> memref<80xi32, #tpu.memory_space<vmem>>
      %dma_wait3A_333 = arith.constant 0 : i32
      %dma_wait3A_334 = arith.constant 0 : i32
      %dma_wait3A_335 = tpu.memref_slice %arg3[%dma_wait3A_333, %dma_wait3A_334] : memref<10000x16xf32, #tpu.memory_space<hbm>> -> memref<10000x16xf32, #tpu.memory_space<hbm>>
      tpu.wait_indirect_dma semaphore(%arg15 : memref<!tpu.dma_semaphore, #tpu.memory_space<semaphore_mem>>) src(%dma_wait3A_335 : memref<10000x16xf32, #tpu.memory_space<hbm>>) dst(%dma_wait3A_331 : memref<80x16xf32, #tpu.memory_space<vmem>>)
      %dma_wait3A_336 = arith.constant 480 : i32
      %dma_wait3A_337 = arith.constant 0 : i32
      %dma_wait3A_338 = tpu.memref_slice %arg12[%dma_wait3A_336, %dma_wait3A_337] : memref<2000x16xf32, #tpu.memory_space<vmem>> -> memref<80x16xf32, #tpu.memory_space<vmem>>
      %dma_wait3A_339 = tpu.memref_slice %arg11[%add3A_89] : memref<10000xi32, #tpu.memory_space<vmem>> -> memref<80xi32, #tpu.memory_space<vmem>>
      %dma_wait3A_340 = arith.constant 0 : i32
      %dma_wait3A_341 = arith.constant 0 : i32
      %dma_wait3A_342 = tpu.memref_slice %arg3[%dma_wait3A_340, %dma_wait3A_341] : memref<10000x16xf32, #tpu.memory_space<hbm>> -> memref<10000x16xf32, #tpu.memory_space<hbm>>
      tpu.wait_indirect_dma semaphore(%arg15 : memref<!tpu.dma_semaphore, #tpu.memory_space<semaphore_mem>>) src(%dma_wait3A_342 : memref<10000x16xf32, #tpu.memory_space<hbm>>) dst(%dma_wait3A_338 : memref<80x16xf32, #tpu.memory_space<vmem>>)
      %dma_wait3A_343 = arith.constant 560 : i32
      %dma_wait3A_344 = arith.constant 0 : i32
      %dma_wait3A_345 = tpu.memref_slice %arg12[%dma_wait3A_343, %dma_wait3A_344] : memref<2000x16xf32, #tpu.memory_space<vmem>> -> memref<80x16xf32, #tpu.memory_space<vmem>>
      %dma_wait3A_346 = tpu.memref_slice %arg11[%add3A_100] : memref<10000xi32, #tpu.memory_space<vmem>> -> memref<80xi32, #tpu.memory_space<vmem>>
      %dma_wait3A_347 = arith.constant 0 : i32
      %dma_wait3A_348 = arith.constant 0 : i32
      %dma_wait3A_349 = tpu.memref_slice %arg3[%dma_wait3A_347, %dma_wait3A_348] : memref<10000x16xf32, #tpu.memory_space<hbm>> -> memref<10000x16xf32, #tpu.memory_space<hbm>>
      tpu.wait_indirect_dma semaphore(%arg15 : memref<!tpu.dma_semaphore, #tpu.memory_space<semaphore_mem>>) src(%dma_wait3A_349 : memref<10000x16xf32, #tpu.memory_space<hbm>>) dst(%dma_wait3A_345 : memref<80x16xf32, #tpu.memory_space<vmem>>)
      %dma_wait3A_350 = arith.constant 640 : i32
      %dma_wait3A_351 = arith.constant 0 : i32
      %dma_wait3A_352 = tpu.memref_slice %arg12[%dma_wait3A_350, %dma_wait3A_351] : memref<2000x16xf32, #tpu.memory_space<vmem>> -> memref<80x16xf32, #tpu.memory_space<vmem>>
      %dma_wait3A_353 = tpu.memref_slice %arg11[%add3A_111] : memref<10000xi32, #tpu.memory_space<vmem>> -> memref<80xi32, #tpu.memory_space<vmem>>
      %dma_wait3A_354 = arith.constant 0 : i32
      %dma_wait3A_355 = arith.constant 0 : i32
      %dma_wait3A_356 = tpu.memref_slice %arg3[%dma_wait3A_354, %dma_wait3A_355] : memref<10000x16xf32, #tpu.memory_space<hbm>> -> memref<10000x16xf32, #tpu.memory_space<hbm>>
      tpu.wait_indirect_dma semaphore(%arg15 : memref<!tpu.dma_semaphore, #tpu.memory_space<semaphore_mem>>) src(%dma_wait3A_356 : memref<10000x16xf32, #tpu.memory_space<hbm>>) dst(%dma_wait3A_352 : memref<80x16xf32, #tpu.memory_space<vmem>>)
      %dma_wait3A_357 = arith.constant 720 : i32
      %dma_wait3A_358 = arith.constant 0 : i32
      %dma_wait3A_359 = tpu.memref_slice %arg12[%dma_wait3A_357, %dma_wait3A_358] : memref<2000x16xf32, #tpu.memory_space<vmem>> -> memref<80x16xf32, #tpu.memory_space<vmem>>
      %dma_wait3A_360 = tpu.memref_slice %arg11[%add3A_122] : memref<10000xi32, #tpu.memory_space<vmem>> -> memref<80xi32, #tpu.memory_space<vmem>>
      %dma_wait3A_361 = arith.constant 0 : i32
      %dma_wait3A_362 = arith.constant 0 : i32
      %dma_wait3A_363 = tpu.memref_slice %arg3[%dma_wait3A_361, %dma_wait3A_362] : memref<10000x16xf32, #tpu.memory_space<hbm>> -> memref<10000x16xf32, #tpu.memory_space<hbm>>
      tpu.wait_indirect_dma semaphore(%arg15 : memref<!tpu.dma_semaphore, #tpu.memory_space<semaphore_mem>>) src(%dma_wait3A_363 : memref<10000x16xf32, #tpu.memory_space<hbm>>) dst(%dma_wait3A_359 : memref<80x16xf32, #tpu.memory_space<vmem>>)
      %dma_wait3A_364 = arith.constant 800 : i32
      %dma_wait3A_365 = arith.constant 0 : i32
      %dma_wait3A_366 = tpu.memref_slice %arg12[%dma_wait3A_364, %dma_wait3A_365] : memref<2000x16xf32, #tpu.memory_space<vmem>> -> memref<80x16xf32, #tpu.memory_space<vmem>>
      %dma_wait3A_367 = tpu.memref_slice %arg11[%add3A_133] : memref<10000xi32, #tpu.memory_space<vmem>> -> memref<80xi32, #tpu.memory_space<vmem>>
      %dma_wait3A_368 = arith.constant 0 : i32
      %dma_wait3A_369 = arith.constant 0 : i32
      %dma_wait3A_370 = tpu.memref_slice %arg3[%dma_wait3A_368, %dma_wait3A_369] : memref<10000x16xf32, #tpu.memory_space<hbm>> -> memref<10000x16xf32, #tpu.memory_space<hbm>>
      tpu.wait_indirect_dma semaphore(%arg15 : memref<!tpu.dma_semaphore, #tpu.memory_space<semaphore_mem>>) src(%dma_wait3A_370 : memref<10000x16xf32, #tpu.memory_space<hbm>>) dst(%dma_wait3A_366 : memref<80x16xf32, #tpu.memory_space<vmem>>)
      %dma_wait3A_371 = arith.constant 880 : i32
      %dma_wait3A_372 = arith.constant 0 : i32
      %dma_wait3A_373 = tpu.memref_slice %arg12[%dma_wait3A_371, %dma_wait3A_372] : memref<2000x16xf32, #tpu.memory_space<vmem>> -> memref<80x16xf32, #tpu.memory_space<vmem>>
      %dma_wait3A_374 = tpu.memref_slice %arg11[%add3A_144] : memref<10000xi32, #tpu.memory_space<vmem>> -> memref<80xi32, #tpu.memory_space<vmem>>
      %dma_wait3A_375 = arith.constant 0 : i32
      %dma_wait3A_376 = arith.constant 0 : i32
      %dma_wait3A_377 = tpu.memref_slice %arg3[%dma_wait3A_375, %dma_wait3A_376] : memref<10000x16xf32, #tpu.memory_space<hbm>> -> memref<10000x16xf32, #tpu.memory_space<hbm>>
      tpu.wait_indirect_dma semaphore(%arg15 : memref<!tpu.dma_semaphore, #tpu.memory_space<semaphore_mem>>) src(%dma_wait3A_377 : memref<10000x16xf32, #tpu.memory_space<hbm>>) dst(%dma_wait3A_373 : memref<80x16xf32, #tpu.memory_space<vmem>>)
      %dma_wait3A_378 = arith.constant 960 : i32
      %dma_wait3A_379 = arith.constant 0 : i32
      %dma_wait3A_380 = tpu.memref_slice %arg12[%dma_wait3A_378, %dma_wait3A_379] : memref<2000x16xf32, #tpu.memory_space<vmem>> -> memref<80x16xf32, #tpu.memory_space<vmem>>
      %dma_wait3A_381 = tpu.memref_slice %arg11[%add3A_155] : memref<10000xi32, #tpu.memory_space<vmem>> -> memref<80xi32, #tpu.memory_space<vmem>>
      %dma_wait3A_382 = arith.constant 0 : i32
      %dma_wait3A_383 = arith.constant 0 : i32
      %dma_wait3A_384 = tpu.memref_slice %arg3[%dma_wait3A_382, %dma_wait3A_383] : memref<10000x16xf32, #tpu.memory_space<hbm>> -> memref<10000x16xf32, #tpu.memory_space<hbm>>
      tpu.wait_indirect_dma semaphore(%arg15 : memref<!tpu.dma_semaphore, #tpu.memory_space<semaphore_mem>>) src(%dma_wait3A_384 : memref<10000x16xf32, #tpu.memory_space<hbm>>) dst(%dma_wait3A_380 : memref<80x16xf32, #tpu.memory_space<vmem>>)
      %dma_wait3A_385 = arith.constant 1040 : i32
      %dma_wait3A_386 = arith.constant 0 : i32
      %dma_wait3A_387 = tpu.memref_slice %arg12[%dma_wait3A_385, %dma_wait3A_386] : memref<2000x16xf32, #tpu.memory_space<vmem>> -> memref<80x16xf32, #tpu.memory_space<vmem>>
      %dma_wait3A_388 = tpu.memref_slice %arg11[%add3A_166] : memref<10000xi32, #tpu.memory_space<vmem>> -> memref<80xi32, #tpu.memory_space<vmem>>
      %dma_wait3A_389 = arith.constant 0 : i32
      %dma_wait3A_390 = arith.constant 0 : i32
      %dma_wait3A_391 = tpu.memref_slice %arg3[%dma_wait3A_389, %dma_wait3A_390] : memref<10000x16xf32, #tpu.memory_space<hbm>> -> memref<10000x16xf32, #tpu.memory_space<hbm>>
      tpu.wait_indirect_dma semaphore(%arg15 : memref<!tpu.dma_semaphore, #tpu.memory_space<semaphore_mem>>) src(%dma_wait3A_391 : memref<10000x16xf32, #tpu.memory_space<hbm>>) dst(%dma_wait3A_387 : memref<80x16xf32, #tpu.memory_space<vmem>>)
      %dma_wait3A_392 = arith.constant 1120 : i32
      %dma_wait3A_393 = arith.constant 0 : i32
      %dma_wait3A_394 = tpu.memref_slice %arg12[%dma_wait3A_392, %dma_wait3A_393] : memref<2000x16xf32, #tpu.memory_space<vmem>> -> memref<80x16xf32, #tpu.memory_space<vmem>>
      %dma_wait3A_395 = tpu.memref_slice %arg11[%add3A_177] : memref<10000xi32, #tpu.memory_space<vmem>> -> memref<80xi32, #tpu.memory_space<vmem>>
      %dma_wait3A_396 = arith.constant 0 : i32
      %dma_wait3A_397 = arith.constant 0 : i32
      %dma_wait3A_398 = tpu.memref_slice %arg3[%dma_wait3A_396, %dma_wait3A_397] : memref<10000x16xf32, #tpu.memory_space<hbm>> -> memref<10000x16xf32, #tpu.memory_space<hbm>>
      tpu.wait_indirect_dma semaphore(%arg15 : memref<!tpu.dma_semaphore, #tpu.memory_space<semaphore_mem>>) src(%dma_wait3A_398 : memref<10000x16xf32, #tpu.memory_space<hbm>>) dst(%dma_wait3A_394 : memref<80x16xf32, #tpu.memory_space<vmem>>)
      %dma_wait3A_399 = arith.constant 1200 : i32
      %dma_wait3A_400 = arith.constant 0 : i32
      %dma_wait3A_401 = tpu.memref_slice %arg12[%dma_wait3A_399, %dma_wait3A_400] : memref<2000x16xf32, #tpu.memory_space<vmem>> -> memref<80x16xf32, #tpu.memory_space<vmem>>
      %dma_wait3A_402 = tpu.memref_slice %arg11[%add3A_188] : memref<10000xi32, #tpu.memory_space<vmem>> -> memref<80xi32, #tpu.memory_space<vmem>>
      %dma_wait3A_403 = arith.constant 0 : i32
      %dma_wait3A_404 = arith.constant 0 : i32
      %dma_wait3A_405 = tpu.memref_slice %arg3[%dma_wait3A_403, %dma_wait3A_404] : memref<10000x16xf32, #tpu.memory_space<hbm>> -> memref<10000x16xf32, #tpu.memory_space<hbm>>
      tpu.wait_indirect_dma semaphore(%arg15 : memref<!tpu.dma_semaphore, #tpu.memory_space<semaphore_mem>>) src(%dma_wait3A_405 : memref<10000x16xf32, #tpu.memory_space<hbm>>) dst(%dma_wait3A_401 : memref<80x16xf32, #tpu.memory_space<vmem>>)
      %dma_wait3A_406 = arith.constant 1280 : i32
      %dma_wait3A_407 = arith.constant 0 : i32
      %dma_wait3A_408 = tpu.memref_slice %arg12[%dma_wait3A_406, %dma_wait3A_407] : memref<2000x16xf32, #tpu.memory_space<vmem>> -> memref<80x16xf32, #tpu.memory_space<vmem>>
      %dma_wait3A_409 = tpu.memref_slice %arg11[%add3A_199] : memref<10000xi32, #tpu.memory_space<vmem>> -> memref<80xi32, #tpu.memory_space<vmem>>
      %dma_wait3A_410 = arith.constant 0 : i32
      %dma_wait3A_411 = arith.constant 0 : i32
      %dma_wait3A_412 = tpu.memref_slice %arg3[%dma_wait3A_410, %dma_wait3A_411] : memref<10000x16xf32, #tpu.memory_space<hbm>> -> memref<10000x16xf32, #tpu.memory_space<hbm>>
      tpu.wait_indirect_dma semaphore(%arg15 : memref<!tpu.dma_semaphore, #tpu.memory_space<semaphore_mem>>) src(%dma_wait3A_412 : memref<10000x16xf32, #tpu.memory_space<hbm>>) dst(%dma_wait3A_408 : memref<80x16xf32, #tpu.memory_space<vmem>>)
      %dma_wait3A_413 = arith.constant 1360 : i32
      %dma_wait3A_414 = arith.constant 0 : i32
      %dma_wait3A_415 = tpu.memref_slice %arg12[%dma_wait3A_413, %dma_wait3A_414] : memref<2000x16xf32, #tpu.memory_space<vmem>> -> memref<80x16xf32, #tpu.memory_space<vmem>>
      %dma_wait3A_416 = tpu.memref_slice %arg11[%add3A_210] : memref<10000xi32, #tpu.memory_space<vmem>> -> memref<80xi32, #tpu.memory_space<vmem>>
      %dma_wait3A_417 = arith.constant 0 : i32
      %dma_wait3A_418 = arith.constant 0 : i32
      %dma_wait3A_419 = tpu.memref_slice %arg3[%dma_wait3A_417, %dma_wait3A_418] : memref<10000x16xf32, #tpu.memory_space<hbm>> -> memref<10000x16xf32, #tpu.memory_space<hbm>>
      tpu.wait_indirect_dma semaphore(%arg15 : memref<!tpu.dma_semaphore, #tpu.memory_space<semaphore_mem>>) src(%dma_wait3A_419 : memref<10000x16xf32, #tpu.memory_space<hbm>>) dst(%dma_wait3A_415 : memref<80x16xf32, #tpu.memory_space<vmem>>)
      %dma_wait3A_420 = arith.constant 1440 : i32
      %dma_wait3A_421 = arith.constant 0 : i32
      %dma_wait3A_422 = tpu.memref_slice %arg12[%dma_wait3A_420, %dma_wait3A_421] : memref<2000x16xf32, #tpu.memory_space<vmem>> -> memref<80x16xf32, #tpu.memory_space<vmem>>
      %dma_wait3A_423 = tpu.memref_slice %arg11[%add3A_221] : memref<10000xi32, #tpu.memory_space<vmem>> -> memref<80xi32, #tpu.memory_space<vmem>>
      %dma_wait3A_424 = arith.constant 0 : i32
      %dma_wait3A_425 = arith.constant 0 : i32
      %dma_wait3A_426 = tpu.memref_slice %arg3[%dma_wait3A_424, %dma_wait3A_425] : memref<10000x16xf32, #tpu.memory_space<hbm>> -> memref<10000x16xf32, #tpu.memory_space<hbm>>
      tpu.wait_indirect_dma semaphore(%arg15 : memref<!tpu.dma_semaphore, #tpu.memory_space<semaphore_mem>>) src(%dma_wait3A_426 : memref<10000x16xf32, #tpu.memory_space<hbm>>) dst(%dma_wait3A_422 : memref<80x16xf32, #tpu.memory_space<vmem>>)
      %dma_wait3A_427 = arith.constant 1520 : i32
      %dma_wait3A_428 = arith.constant 0 : i32
      %dma_wait3A_429 = tpu.memref_slice %arg12[%dma_wait3A_427, %dma_wait3A_428] : memref<2000x16xf32, #tpu.memory_space<vmem>> -> memref<80x16xf32, #tpu.memory_space<vmem>>
      %dma_wait3A_430 = tpu.memref_slice %arg11[%add3A_232] : memref<10000xi32, #tpu.memory_space<vmem>> -> memref<80xi32, #tpu.memory_space<vmem>>
      %dma_wait3A_431 = arith.constant 0 : i32
      %dma_wait3A_432 = arith.constant 0 : i32
      %dma_wait3A_433 = tpu.memref_slice %arg3[%dma_wait3A_431, %dma_wait3A_432] : memref<10000x16xf32, #tpu.memory_space<hbm>> -> memref<10000x16xf32, #tpu.memory_space<hbm>>
      tpu.wait_indirect_dma semaphore(%arg15 : memref<!tpu.dma_semaphore, #tpu.memory_space<semaphore_mem>>) src(%dma_wait3A_433 : memref<10000x16xf32, #tpu.memory_space<hbm>>) dst(%dma_wait3A_429 : memref<80x16xf32, #tpu.memory_space<vmem>>)
      %dma_wait3A_434 = arith.constant 1600 : i32
      %dma_wait3A_435 = arith.constant 0 : i32
      %dma_wait3A_436 = tpu.memref_slice %arg12[%dma_wait3A_434, %dma_wait3A_435] : memref<2000x16xf32, #tpu.memory_space<vmem>> -> memref<80x16xf32, #tpu.memory_space<vmem>>
      %dma_wait3A_437 = tpu.memref_slice %arg11[%add3A_243] : memref<10000xi32, #tpu.memory_space<vmem>> -> memref<80xi32, #tpu.memory_space<vmem>>
      %dma_wait3A_438 = arith.constant 0 : i32
      %dma_wait3A_439 = arith.constant 0 : i32
      %dma_wait3A_440 = tpu.memref_slice %arg3[%dma_wait3A_438, %dma_wait3A_439] : memref<10000x16xf32, #tpu.memory_space<hbm>> -> memref<10000x16xf32, #tpu.memory_space<hbm>>
      tpu.wait_indirect_dma semaphore(%arg15 : memref<!tpu.dma_semaphore, #tpu.memory_space<semaphore_mem>>) src(%dma_wait3A_440 : memref<10000x16xf32, #tpu.memory_space<hbm>>) dst(%dma_wait3A_436 : memref<80x16xf32, #tpu.memory_space<vmem>>)
      %dma_wait3A_441 = arith.constant 1680 : i32
      %dma_wait3A_442 = arith.constant 0 : i32
      %dma_wait3A_443 = tpu.memref_slice %arg12[%dma_wait3A_441, %dma_wait3A_442] : memref<2000x16xf32, #tpu.memory_space<vmem>> -> memref<80x16xf32, #tpu.memory_space<vmem>>
      %dma_wait3A_444 = tpu.memref_slice %arg11[%add3A_254] : memref<10000xi32, #tpu.memory_space<vmem>> -> memref<80xi32, #tpu.memory_space<vmem>>
      %dma_wait3A_445 = arith.constant 0 : i32
      %dma_wait3A_446 = arith.constant 0 : i32
      %dma_wait3A_447 = tpu.memref_slice %arg3[%dma_wait3A_445, %dma_wait3A_446] : memref<10000x16xf32, #tpu.memory_space<hbm>> -> memref<10000x16xf32, #tpu.memory_space<hbm>>
      tpu.wait_indirect_dma semaphore(%arg15 : memref<!tpu.dma_semaphore, #tpu.memory_space<semaphore_mem>>) src(%dma_wait3A_447 : memref<10000x16xf32, #tpu.memory_space<hbm>>) dst(%dma_wait3A_443 : memref<80x16xf32, #tpu.memory_space<vmem>>)
      %dma_wait3A_448 = arith.constant 1760 : i32
      %dma_wait3A_449 = arith.constant 0 : i32
      %dma_wait3A_450 = tpu.memref_slice %arg12[%dma_wait3A_448, %dma_wait3A_449] : memref<2000x16xf32, #tpu.memory_space<vmem>> -> memref<80x16xf32, #tpu.memory_space<vmem>>
      %dma_wait3A_451 = tpu.memref_slice %arg11[%add3A_265] : memref<10000xi32, #tpu.memory_space<vmem>> -> memref<80xi32, #tpu.memory_space<vmem>>
      %dma_wait3A_452 = arith.constant 0 : i32
      %dma_wait3A_453 = arith.constant 0 : i32
      %dma_wait3A_454 = tpu.memref_slice %arg3[%dma_wait3A_452, %dma_wait3A_453] : memref<10000x16xf32, #tpu.memory_space<hbm>> -> memref<10000x16xf32, #tpu.memory_space<hbm>>
      tpu.wait_indirect_dma semaphore(%arg15 : memref<!tpu.dma_semaphore, #tpu.memory_space<semaphore_mem>>) src(%dma_wait3A_454 : memref<10000x16xf32, #tpu.memory_space<hbm>>) dst(%dma_wait3A_450 : memref<80x16xf32, #tpu.memory_space<vmem>>)
      %dma_wait3A_455 = arith.constant 1840 : i32
      %dma_wait3A_456 = arith.constant 0 : i32
      %dma_wait3A_457 = tpu.memref_slice %arg12[%dma_wait3A_455, %dma_wait3A_456] : memref<2000x16xf32, #tpu.memory_space<vmem>> -> memref<80x16xf32, #tpu.memory_space<vmem>>
      %dma_wait3A_458 = tpu.memref_slice %arg11[%add3A_276] : memref<10000xi32, #tpu.memory_space<vmem>> -> memref<80xi32, #tpu.memory_space<vmem>>
      %dma_wait3A_459 = arith.constant 0 : i32
      %dma_wait3A_460 = arith.constant 0 : i32
      %dma_wait3A_461 = tpu.memref_slice %arg3[%dma_wait3A_459, %dma_wait3A_460] : memref<10000x16xf32, #tpu.memory_space<hbm>> -> memref<10000x16xf32, #tpu.memory_space<hbm>>
      tpu.wait_indirect_dma semaphore(%arg15 : memref<!tpu.dma_semaphore, #tpu.memory_space<semaphore_mem>>) src(%dma_wait3A_461 : memref<10000x16xf32, #tpu.memory_space<hbm>>) dst(%dma_wait3A_457 : memref<80x16xf32, #tpu.memory_space<vmem>>)
      %dma_wait3A_462 = arith.constant 1920 : i32
      %dma_wait3A_463 = arith.constant 0 : i32
      %dma_wait3A_464 = tpu.memref_slice %arg12[%dma_wait3A_462, %dma_wait3A_463] : memref<2000x16xf32, #tpu.memory_space<vmem>> -> memref<80x16xf32, #tpu.memory_space<vmem>>
      %dma_wait3A_465 = tpu.memref_slice %arg11[%add3A_287] : memref<10000xi32, #tpu.memory_space<vmem>> -> memref<80xi32, #tpu.memory_space<vmem>>
      %dma_wait3A_466 = arith.constant 0 : i32
      %dma_wait3A_467 = arith.constant 0 : i32
      %dma_wait3A_468 = tpu.memref_slice %arg3[%dma_wait3A_466, %dma_wait3A_467] : memref<10000x16xf32, #tpu.memory_space<hbm>> -> memref<10000x16xf32, #tpu.memory_space<hbm>>
      tpu.wait_indirect_dma semaphore(%arg15 : memref<!tpu.dma_semaphore, #tpu.memory_space<semaphore_mem>>) src(%dma_wait3A_468 : memref<10000x16xf32, #tpu.memory_space<hbm>>) dst(%dma_wait3A_464 : memref<80x16xf32, #tpu.memory_space<vmem>>)
      %mul3A_469 = arith.constant 2000 : i32
      %mul3A_470 = arith.muli %scan3A_20, %mul3A_469 : i32
      %add3A_471 = arith.addi %mul3A_2, %mul3A_470 : i32
      "tpu.region"() ({
        %run_scoped3A = tpu.sem_alloc : memref<!tpu.dma_semaphore, #tpu.memory_space<semaphore_mem>>
        %dma_start3A_472 = arith.constant 0 : i32
        %dma_start3A_473 = tpu.memref_slice %arg8[%add3A_471, %dma_start3A_472] : memref<320000x16xf32, #tpu.memory_space<hbm>> -> memref<2000x16xf32, #tpu.memory_space<hbm>>
        %dma_start3A_474 = arith.constant 0 : i32
        %dma_start3A_475 = tpu.memref_slice %arg8[%add3A_471, %dma_start3A_474] : memref<320000x16xf32, #tpu.memory_space<hbm>> -> memref<2000x16xf32, #tpu.memory_space<hbm>>
        tpu.enqueue_dma source(%arg12 : memref<2000x16xf32, #tpu.memory_space<vmem>>) target(%dma_start3A_475 : memref<2000x16xf32, #tpu.memory_space<hbm>>) target_semaphore(%run_scoped3A : memref<!tpu.dma_semaphore, #tpu.memory_space<semaphore_mem>>)
        %dma_wait3A_476 = arith.constant 0 : i32
        %dma_wait3A_477 = tpu.memref_slice %arg8[%add3A_471, %dma_wait3A_476] : memref<320000x16xf32, #tpu.memory_space<hbm>> -> memref<2000x16xf32, #tpu.memory_space<hbm>>
        %dma_wait3A_478 = arith.constant 0 : i32
        %dma_wait3A_479 = tpu.memref_slice %arg8[%add3A_471, %dma_wait3A_478] : memref<320000x16xf32, #tpu.memory_space<hbm>> -> memref<2000x16xf32, #tpu.memory_space<hbm>>
        tpu.wait_dma2 semaphore(%run_scoped3A : memref<!tpu.dma_semaphore, #tpu.memory_space<semaphore_mem>>) src(%arg12 : memref<2000x16xf32, #tpu.memory_space<vmem>>) dst(%dma_wait3A_479 : memref<2000x16xf32, #tpu.memory_space<hbm>>)
        tpu.yield
      }) : () -> ()
    }
    %scan3A_13 = arith.constant 5 : i32
    %scan3A_14 = arith.constant 0 : i32
    %scan3A_15 = arith.constant 0 : i32
    %scan3A_16 = arith.constant 5 : i32
    %scan3A_17 = arith.addi %scan3A_15, %scan3A_16 : i32
    %scan3A_18 = arith.constant 1 : i32
    scf.for %scan3A_20 = %scan3A_15 to %scan3A_17 step %scan3A_18  : i32 {
      %mul3A_21 = arith.constant 2000 : i32
      %mul3A_22 = arith.muli %scan3A_20, %mul3A_21 : i32
      %add3A_23 = arith.addi %mul3A_2, %mul3A_22 : i32
      %dma_start3A = arith.constant 0 : i32
      %dma_start3A_24 = arith.constant 0 : i32
      %dma_start3A_25 = tpu.memref_slice %arg13[%dma_start3A_24] : memref<32000xf32, #tpu.memory_space<vmem>> -> memref<2000xf32, #tpu.memory_space<vmem>>
      %dma_start3A_26 = tpu.memref_slice %arg6[%dma_start3A, %add3A_23] : memref<16x320000xf32, #tpu.memory_space<hbm>> -> memref<1x2000xf32, #tpu.memory_space<hbm>>
      %dma_start3A_27 = tpu.memref_squeeze %dma_start3A_26 : memref<1x2000xf32, #tpu.memory_space<hbm>> -> memref<2000xf32, #tpu.memory_space<hbm>>
      %dma_start3A_28 = arith.constant 0 : i32
      %dma_start3A_29 = tpu.memref_slice %arg13[%dma_start3A_28] : memref<32000xf32, #tpu.memory_space<vmem>> -> memref<2000xf32, #tpu.memory_space<vmem>>
      %dma_start3A_30 = tpu.memref_slice %arg6[%dma_start3A, %add3A_23] : memref<16x320000xf32, #tpu.memory_space<hbm>> -> memref<1x2000xf32, #tpu.memory_space<hbm>>
      %dma_start3A_31 = tpu.memref_squeeze %dma_start3A_30 : memref<1x2000xf32, #tpu.memory_space<hbm>> -> memref<2000xf32, #tpu.memory_space<hbm>>
      tpu.enqueue_dma source(%dma_start3A_31 : memref<2000xf32, #tpu.memory_space<hbm>>) target(%dma_start3A_29 : memref<2000xf32, #tpu.memory_space<vmem>>) target_semaphore(%arg15 : memref<!tpu.dma_semaphore, #tpu.memory_space<semaphore_mem>>)
      %mul3A_32 = arith.constant 2000 : i32
      %mul3A_33 = arith.muli %scan3A_20, %mul3A_32 : i32
      %add3A_34 = arith.addi %mul3A_2, %mul3A_33 : i32
      %dma_start3A_35 = arith.constant 1 : i32
      %dma_start3A_36 = arith.constant 2000 : i32
      %dma_start3A_37 = tpu.memref_slice %arg13[%dma_start3A_36] : memref<32000xf32, #tpu.memory_space<vmem>> -> memref<2000xf32, #tpu.memory_space<vmem>>
      %dma_start3A_38 = tpu.memref_slice %arg6[%dma_start3A_35, %add3A_34] : memref<16x320000xf32, #tpu.memory_space<hbm>> -> memref<1x2000xf32, #tpu.memory_space<hbm>>
      %dma_start3A_39 = tpu.memref_squeeze %dma_start3A_38 : memref<1x2000xf32, #tpu.memory_space<hbm>> -> memref<2000xf32, #tpu.memory_space<hbm>>
      %dma_start3A_40 = arith.constant 2000 : i32
      %dma_start3A_41 = tpu.memref_slice %arg13[%dma_start3A_40] : memref<32000xf32, #tpu.memory_space<vmem>> -> memref<2000xf32, #tpu.memory_space<vmem>>
      %dma_start3A_42 = tpu.memref_slice %arg6[%dma_start3A_35, %add3A_34] : memref<16x320000xf32, #tpu.memory_space<hbm>> -> memref<1x2000xf32, #tpu.memory_space<hbm>>
      %dma_start3A_43 = tpu.memref_squeeze %dma_start3A_42 : memref<1x2000xf32, #tpu.memory_space<hbm>> -> memref<2000xf32, #tpu.memory_space<hbm>>
      tpu.enqueue_dma source(%dma_start3A_43 : memref<2000xf32, #tpu.memory_space<hbm>>) target(%dma_start3A_41 : memref<2000xf32, #tpu.memory_space<vmem>>) target_semaphore(%arg15 : memref<!tpu.dma_semaphore, #tpu.memory_space<semaphore_mem>>)
      %mul3A_44 = arith.constant 2000 : i32
      %mul3A_45 = arith.muli %scan3A_20, %mul3A_44 : i32
      %add3A_46 = arith.addi %mul3A_2, %mul3A_45 : i32
      %dma_start3A_47 = arith.constant 2 : i32
      %dma_start3A_48 = arith.constant 4000 : i32
      %dma_start3A_49 = tpu.memref_slice %arg13[%dma_start3A_48] : memref<32000xf32, #tpu.memory_space<vmem>> -> memref<2000xf32, #tpu.memory_space<vmem>>
      %dma_start3A_50 = tpu.memref_slice %arg6[%dma_start3A_47, %add3A_46] : memref<16x320000xf32, #tpu.memory_space<hbm>> -> memref<1x2000xf32, #tpu.memory_space<hbm>>
      %dma_start3A_51 = tpu.memref_squeeze %dma_start3A_50 : memref<1x2000xf32, #tpu.memory_space<hbm>> -> memref<2000xf32, #tpu.memory_space<hbm>>
      %dma_start3A_52 = arith.constant 4000 : i32
      %dma_start3A_53 = tpu.memref_slice %arg13[%dma_start3A_52] : memref<32000xf32, #tpu.memory_space<vmem>> -> memref<2000xf32, #tpu.memory_space<vmem>>
      %dma_start3A_54 = tpu.memref_slice %arg6[%dma_start3A_47, %add3A_46] : memref<16x320000xf32, #tpu.memory_space<hbm>> -> memref<1x2000xf32, #tpu.memory_space<hbm>>
      %dma_start3A_55 = tpu.memref_squeeze %dma_start3A_54 : memref<1x2000xf32, #tpu.memory_space<hbm>> -> memref<2000xf32, #tpu.memory_space<hbm>>
      tpu.enqueue_dma source(%dma_start3A_55 : memref<2000xf32, #tpu.memory_space<hbm>>) target(%dma_start3A_53 : memref<2000xf32, #tpu.memory_space<vmem>>) target_semaphore(%arg15 : memref<!tpu.dma_semaphore, #tpu.memory_space<semaphore_mem>>)
      %mul3A_56 = arith.constant 2000 : i32
      %mul3A_57 = arith.muli %scan3A_20, %mul3A_56 : i32
      %add3A_58 = arith.addi %mul3A_2, %mul3A_57 : i32
      %dma_start3A_59 = arith.constant 3 : i32
      %dma_start3A_60 = arith.constant 6000 : i32
      %dma_start3A_61 = tpu.memref_slice %arg13[%dma_start3A_60] : memref<32000xf32, #tpu.memory_space<vmem>> -> memref<2000xf32, #tpu.memory_space<vmem>>
      %dma_start3A_62 = tpu.memref_slice %arg6[%dma_start3A_59, %add3A_58] : memref<16x320000xf32, #tpu.memory_space<hbm>> -> memref<1x2000xf32, #tpu.memory_space<hbm>>
      %dma_start3A_63 = tpu.memref_squeeze %dma_start3A_62 : memref<1x2000xf32, #tpu.memory_space<hbm>> -> memref<2000xf32, #tpu.memory_space<hbm>>
      %dma_start3A_64 = arith.constant 6000 : i32
      %dma_start3A_65 = tpu.memref_slice %arg13[%dma_start3A_64] : memref<32000xf32, #tpu.memory_space<vmem>> -> memref<2000xf32, #tpu.memory_space<vmem>>
      %dma_start3A_66 = tpu.memref_slice %arg6[%dma_start3A_59, %add3A_58] : memref<16x320000xf32, #tpu.memory_space<hbm>> -> memref<1x2000xf32, #tpu.memory_space<hbm>>
      %dma_start3A_67 = tpu.memref_squeeze %dma_start3A_66 : memref<1x2000xf32, #tpu.memory_space<hbm>> -> memref<2000xf32, #tpu.memory_space<hbm>>
      tpu.enqueue_dma source(%dma_start3A_67 : memref<2000xf32, #tpu.memory_space<hbm>>) target(%dma_start3A_65 : memref<2000xf32, #tpu.memory_space<vmem>>) target_semaphore(%arg15 : memref<!tpu.dma_semaphore, #tpu.memory_space<semaphore_mem>>)
      %mul3A_68 = arith.constant 2000 : i32
      %mul3A_69 = arith.muli %scan3A_20, %mul3A_68 : i32
      %add3A_70 = arith.addi %mul3A_2, %mul3A_69 : i32
      %dma_start3A_71 = arith.constant 4 : i32
      %dma_start3A_72 = arith.constant 8000 : i32
      %dma_start3A_73 = tpu.memref_slice %arg13[%dma_start3A_72] : memref<32000xf32, #tpu.memory_space<vmem>> -> memref<2000xf32, #tpu.memory_space<vmem>>
      %dma_start3A_74 = tpu.memref_slice %arg6[%dma_start3A_71, %add3A_70] : memref<16x320000xf32, #tpu.memory_space<hbm>> -> memref<1x2000xf32, #tpu.memory_space<hbm>>
      %dma_start3A_75 = tpu.memref_squeeze %dma_start3A_74 : memref<1x2000xf32, #tpu.memory_space<hbm>> -> memref<2000xf32, #tpu.memory_space<hbm>>
      %dma_start3A_76 = arith.constant 8000 : i32
      %dma_start3A_77 = tpu.memref_slice %arg13[%dma_start3A_76] : memref<32000xf32, #tpu.memory_space<vmem>> -> memref<2000xf32, #tpu.memory_space<vmem>>
      %dma_start3A_78 = tpu.memref_slice %arg6[%dma_start3A_71, %add3A_70] : memref<16x320000xf32, #tpu.memory_space<hbm>> -> memref<1x2000xf32, #tpu.memory_space<hbm>>
      %dma_start3A_79 = tpu.memref_squeeze %dma_start3A_78 : memref<1x2000xf32, #tpu.memory_space<hbm>> -> memref<2000xf32, #tpu.memory_space<hbm>>
      tpu.enqueue_dma source(%dma_start3A_79 : memref<2000xf32, #tpu.memory_space<hbm>>) target(%dma_start3A_77 : memref<2000xf32, #tpu.memory_space<vmem>>) target_semaphore(%arg15 : memref<!tpu.dma_semaphore, #tpu.memory_space<semaphore_mem>>)
      %mul3A_80 = arith.constant 2000 : i32
      %mul3A_81 = arith.muli %scan3A_20, %mul3A_80 : i32
      %add3A_82 = arith.addi %mul3A_2, %mul3A_81 : i32
      %dma_start3A_83 = arith.constant 5 : i32
      %dma_start3A_84 = arith.constant 10000 : i32
      %dma_start3A_85 = tpu.memref_slice %arg13[%dma_start3A_84] : memref<32000xf32, #tpu.memory_space<vmem>> -> memref<2000xf32, #tpu.memory_space<vmem>>
      %dma_start3A_86 = tpu.memref_slice %arg6[%dma_start3A_83, %add3A_82] : memref<16x320000xf32, #tpu.memory_space<hbm>> -> memref<1x2000xf32, #tpu.memory_space<hbm>>
      %dma_start3A_87 = tpu.memref_squeeze %dma_start3A_86 : memref<1x2000xf32, #tpu.memory_space<hbm>> -> memref<2000xf32, #tpu.memory_space<hbm>>
      %dma_start3A_88 = arith.constant 10000 : i32
      %dma_start3A_89 = tpu.memref_slice %arg13[%dma_start3A_88] : memref<32000xf32, #tpu.memory_space<vmem>> -> memref<2000xf32, #tpu.memory_space<vmem>>
      %dma_start3A_90 = tpu.memref_slice %arg6[%dma_start3A_83, %add3A_82] : memref<16x320000xf32, #tpu.memory_space<hbm>> -> memref<1x2000xf32, #tpu.memory_space<hbm>>
      %dma_start3A_91 = tpu.memref_squeeze %dma_start3A_90 : memref<1x2000xf32, #tpu.memory_space<hbm>> -> memref<2000xf32, #tpu.memory_space<hbm>>
      tpu.enqueue_dma source(%dma_start3A_91 : memref<2000xf32, #tpu.memory_space<hbm>>) target(%dma_start3A_89 : memref<2000xf32, #tpu.memory_space<vmem>>) target_semaphore(%arg15 : memref<!tpu.dma_semaphore, #tpu.memory_space<semaphore_mem>>)
      %mul3A_92 = arith.constant 2000 : i32
      %mul3A_93 = arith.muli %scan3A_20, %mul3A_92 : i32
      %add3A_94 = arith.addi %mul3A_2, %mul3A_93 : i32
      %dma_start3A_95 = arith.constant 6 : i32
      %dma_start3A_96 = arith.constant 12000 : i32
      %dma_start3A_97 = tpu.memref_slice %arg13[%dma_start3A_96] : memref<32000xf32, #tpu.memory_space<vmem>> -> memref<2000xf32, #tpu.memory_space<vmem>>
      %dma_start3A_98 = tpu.memref_slice %arg6[%dma_start3A_95, %add3A_94] : memref<16x320000xf32, #tpu.memory_space<hbm>> -> memref<1x2000xf32, #tpu.memory_space<hbm>>
      %dma_start3A_99 = tpu.memref_squeeze %dma_start3A_98 : memref<1x2000xf32, #tpu.memory_space<hbm>> -> memref<2000xf32, #tpu.memory_space<hbm>>
      %dma_start3A_100 = arith.constant 12000 : i32
      %dma_start3A_101 = tpu.memref_slice %arg13[%dma_start3A_100] : memref<32000xf32, #tpu.memory_space<vmem>> -> memref<2000xf32, #tpu.memory_space<vmem>>
      %dma_start3A_102 = tpu.memref_slice %arg6[%dma_start3A_95, %add3A_94] : memref<16x320000xf32, #tpu.memory_space<hbm>> -> memref<1x2000xf32, #tpu.memory_space<hbm>>
      %dma_start3A_103 = tpu.memref_squeeze %dma_start3A_102 : memref<1x2000xf32, #tpu.memory_space<hbm>> -> memref<2000xf32, #tpu.memory_space<hbm>>
      tpu.enqueue_dma source(%dma_start3A_103 : memref<2000xf32, #tpu.memory_space<hbm>>) target(%dma_start3A_101 : memref<2000xf32, #tpu.memory_space<vmem>>) target_semaphore(%arg15 : memref<!tpu.dma_semaphore, #tpu.memory_space<semaphore_mem>>)
      %mul3A_104 = arith.constant 2000 : i32
      %mul3A_105 = arith.muli %scan3A_20, %mul3A_104 : i32
      %add3A_106 = arith.addi %mul3A_2, %mul3A_105 : i32
      %dma_start3A_107 = arith.constant 7 : i32
      %dma_start3A_108 = arith.constant 14000 : i32
      %dma_start3A_109 = tpu.memref_slice %arg13[%dma_start3A_108] : memref<32000xf32, #tpu.memory_space<vmem>> -> memref<2000xf32, #tpu.memory_space<vmem>>
      %dma_start3A_110 = tpu.memref_slice %arg6[%dma_start3A_107, %add3A_106] : memref<16x320000xf32, #tpu.memory_space<hbm>> -> memref<1x2000xf32, #tpu.memory_space<hbm>>
      %dma_start3A_111 = tpu.memref_squeeze %dma_start3A_110 : memref<1x2000xf32, #tpu.memory_space<hbm>> -> memref<2000xf32, #tpu.memory_space<hbm>>
      %dma_start3A_112 = arith.constant 14000 : i32
      %dma_start3A_113 = tpu.memref_slice %arg13[%dma_start3A_112] : memref<32000xf32, #tpu.memory_space<vmem>> -> memref<2000xf32, #tpu.memory_space<vmem>>
      %dma_start3A_114 = tpu.memref_slice %arg6[%dma_start3A_107, %add3A_106] : memref<16x320000xf32, #tpu.memory_space<hbm>> -> memref<1x2000xf32, #tpu.memory_space<hbm>>
      %dma_start3A_115 = tpu.memref_squeeze %dma_start3A_114 : memref<1x2000xf32, #tpu.memory_space<hbm>> -> memref<2000xf32, #tpu.memory_space<hbm>>
      tpu.enqueue_dma source(%dma_start3A_115 : memref<2000xf32, #tpu.memory_space<hbm>>) target(%dma_start3A_113 : memref<2000xf32, #tpu.memory_space<vmem>>) target_semaphore(%arg15 : memref<!tpu.dma_semaphore, #tpu.memory_space<semaphore_mem>>)
      %mul3A_116 = arith.constant 2000 : i32
      %mul3A_117 = arith.muli %scan3A_20, %mul3A_116 : i32
      %add3A_118 = arith.addi %mul3A_2, %mul3A_117 : i32
      %dma_start3A_119 = arith.constant 8 : i32
      %dma_start3A_120 = arith.constant 16000 : i32
      %dma_start3A_121 = tpu.memref_slice %arg13[%dma_start3A_120] : memref<32000xf32, #tpu.memory_space<vmem>> -> memref<2000xf32, #tpu.memory_space<vmem>>
      %dma_start3A_122 = tpu.memref_slice %arg6[%dma_start3A_119, %add3A_118] : memref<16x320000xf32, #tpu.memory_space<hbm>> -> memref<1x2000xf32, #tpu.memory_space<hbm>>
      %dma_start3A_123 = tpu.memref_squeeze %dma_start3A_122 : memref<1x2000xf32, #tpu.memory_space<hbm>> -> memref<2000xf32, #tpu.memory_space<hbm>>
      %dma_start3A_124 = arith.constant 16000 : i32
      %dma_start3A_125 = tpu.memref_slice %arg13[%dma_start3A_124] : memref<32000xf32, #tpu.memory_space<vmem>> -> memref<2000xf32, #tpu.memory_space<vmem>>
      %dma_start3A_126 = tpu.memref_slice %arg6[%dma_start3A_119, %add3A_118] : memref<16x320000xf32, #tpu.memory_space<hbm>> -> memref<1x2000xf32, #tpu.memory_space<hbm>>
      %dma_start3A_127 = tpu.memref_squeeze %dma_start3A_126 : memref<1x2000xf32, #tpu.memory_space<hbm>> -> memref<2000xf32, #tpu.memory_space<hbm>>
      tpu.enqueue_dma source(%dma_start3A_127 : memref<2000xf32, #tpu.memory_space<hbm>>) target(%dma_start3A_125 : memref<2000xf32, #tpu.memory_space<vmem>>) target_semaphore(%arg15 : memref<!tpu.dma_semaphore, #tpu.memory_space<semaphore_mem>>)
      %mul3A_128 = arith.constant 2000 : i32
      %mul3A_129 = arith.muli %scan3A_20, %mul3A_128 : i32
      %add3A_130 = arith.addi %mul3A_2, %mul3A_129 : i32
      %dma_start3A_131 = arith.constant 9 : i32
      %dma_start3A_132 = arith.constant 18000 : i32
      %dma_start3A_133 = tpu.memref_slice %arg13[%dma_start3A_132] : memref<32000xf32, #tpu.memory_space<vmem>> -> memref<2000xf32, #tpu.memory_space<vmem>>
      %dma_start3A_134 = tpu.memref_slice %arg6[%dma_start3A_131, %add3A_130] : memref<16x320000xf32, #tpu.memory_space<hbm>> -> memref<1x2000xf32, #tpu.memory_space<hbm>>
      %dma_start3A_135 = tpu.memref_squeeze %dma_start3A_134 : memref<1x2000xf32, #tpu.memory_space<hbm>> -> memref<2000xf32, #tpu.memory_space<hbm>>
      %dma_start3A_136 = arith.constant 18000 : i32
      %dma_start3A_137 = tpu.memref_slice %arg13[%dma_start3A_136] : memref<32000xf32, #tpu.memory_space<vmem>> -> memref<2000xf32, #tpu.memory_space<vmem>>
      %dma_start3A_138 = tpu.memref_slice %arg6[%dma_start3A_131, %add3A_130] : memref<16x320000xf32, #tpu.memory_space<hbm>> -> memref<1x2000xf32, #tpu.memory_space<hbm>>
      %dma_start3A_139 = tpu.memref_squeeze %dma_start3A_138 : memref<1x2000xf32, #tpu.memory_space<hbm>> -> memref<2000xf32, #tpu.memory_space<hbm>>
      tpu.enqueue_dma source(%dma_start3A_139 : memref<2000xf32, #tpu.memory_space<hbm>>) target(%dma_start3A_137 : memref<2000xf32, #tpu.memory_space<vmem>>) target_semaphore(%arg15 : memref<!tpu.dma_semaphore, #tpu.memory_space<semaphore_mem>>)
      %mul3A_140 = arith.constant 2000 : i32
      %mul3A_141 = arith.muli %scan3A_20, %mul3A_140 : i32
      %add3A_142 = arith.addi %mul3A_2, %mul3A_141 : i32
      %dma_start3A_143 = arith.constant 10 : i32
      %dma_start3A_144 = arith.constant 20000 : i32
      %dma_start3A_145 = tpu.memref_slice %arg13[%dma_start3A_144] : memref<32000xf32, #tpu.memory_space<vmem>> -> memref<2000xf32, #tpu.memory_space<vmem>>
      %dma_start3A_146 = tpu.memref_slice %arg6[%dma_start3A_143, %add3A_142] : memref<16x320000xf32, #tpu.memory_space<hbm>> -> memref<1x2000xf32, #tpu.memory_space<hbm>>
      %dma_start3A_147 = tpu.memref_squeeze %dma_start3A_146 : memref<1x2000xf32, #tpu.memory_space<hbm>> -> memref<2000xf32, #tpu.memory_space<hbm>>
      %dma_start3A_148 = arith.constant 20000 : i32
      %dma_start3A_149 = tpu.memref_slice %arg13[%dma_start3A_148] : memref<32000xf32, #tpu.memory_space<vmem>> -> memref<2000xf32, #tpu.memory_space<vmem>>
      %dma_start3A_150 = tpu.memref_slice %arg6[%dma_start3A_143, %add3A_142] : memref<16x320000xf32, #tpu.memory_space<hbm>> -> memref<1x2000xf32, #tpu.memory_space<hbm>>
      %dma_start3A_151 = tpu.memref_squeeze %dma_start3A_150 : memref<1x2000xf32, #tpu.memory_space<hbm>> -> memref<2000xf32, #tpu.memory_space<hbm>>
      tpu.enqueue_dma source(%dma_start3A_151 : memref<2000xf32, #tpu.memory_space<hbm>>) target(%dma_start3A_149 : memref<2000xf32, #tpu.memory_space<vmem>>) target_semaphore(%arg15 : memref<!tpu.dma_semaphore, #tpu.memory_space<semaphore_mem>>)
      %mul3A_152 = arith.constant 2000 : i32
      %mul3A_153 = arith.muli %scan3A_20, %mul3A_152 : i32
      %add3A_154 = arith.addi %mul3A_2, %mul3A_153 : i32
      %dma_start3A_155 = arith.constant 11 : i32
      %dma_start3A_156 = arith.constant 22000 : i32
      %dma_start3A_157 = tpu.memref_slice %arg13[%dma_start3A_156] : memref<32000xf32, #tpu.memory_space<vmem>> -> memref<2000xf32, #tpu.memory_space<vmem>>
      %dma_start3A_158 = tpu.memref_slice %arg6[%dma_start3A_155, %add3A_154] : memref<16x320000xf32, #tpu.memory_space<hbm>> -> memref<1x2000xf32, #tpu.memory_space<hbm>>
      %dma_start3A_159 = tpu.memref_squeeze %dma_start3A_158 : memref<1x2000xf32, #tpu.memory_space<hbm>> -> memref<2000xf32, #tpu.memory_space<hbm>>
      %dma_start3A_160 = arith.constant 22000 : i32
      %dma_start3A_161 = tpu.memref_slice %arg13[%dma_start3A_160] : memref<32000xf32, #tpu.memory_space<vmem>> -> memref<2000xf32, #tpu.memory_space<vmem>>
      %dma_start3A_162 = tpu.memref_slice %arg6[%dma_start3A_155, %add3A_154] : memref<16x320000xf32, #tpu.memory_space<hbm>> -> memref<1x2000xf32, #tpu.memory_space<hbm>>
      %dma_start3A_163 = tpu.memref_squeeze %dma_start3A_162 : memref<1x2000xf32, #tpu.memory_space<hbm>> -> memref<2000xf32, #tpu.memory_space<hbm>>
      tpu.enqueue_dma source(%dma_start3A_163 : memref<2000xf32, #tpu.memory_space<hbm>>) target(%dma_start3A_161 : memref<2000xf32, #tpu.memory_space<vmem>>) target_semaphore(%arg15 : memref<!tpu.dma_semaphore, #tpu.memory_space<semaphore_mem>>)
      %mul3A_164 = arith.constant 2000 : i32
      %mul3A_165 = arith.muli %scan3A_20, %mul3A_164 : i32
      %add3A_166 = arith.addi %mul3A_2, %mul3A_165 : i32
      %dma_start3A_167 = arith.constant 12 : i32
      %dma_start3A_168 = arith.constant 24000 : i32
      %dma_start3A_169 = tpu.memref_slice %arg13[%dma_start3A_168] : memref<32000xf32, #tpu.memory_space<vmem>> -> memref<2000xf32, #tpu.memory_space<vmem>>
      %dma_start3A_170 = tpu.memref_slice %arg6[%dma_start3A_167, %add3A_166] : memref<16x320000xf32, #tpu.memory_space<hbm>> -> memref<1x2000xf32, #tpu.memory_space<hbm>>
      %dma_start3A_171 = tpu.memref_squeeze %dma_start3A_170 : memref<1x2000xf32, #tpu.memory_space<hbm>> -> memref<2000xf32, #tpu.memory_space<hbm>>
      %dma_start3A_172 = arith.constant 24000 : i32
      %dma_start3A_173 = tpu.memref_slice %arg13[%dma_start3A_172] : memref<32000xf32, #tpu.memory_space<vmem>> -> memref<2000xf32, #tpu.memory_space<vmem>>
      %dma_start3A_174 = tpu.memref_slice %arg6[%dma_start3A_167, %add3A_166] : memref<16x320000xf32, #tpu.memory_space<hbm>> -> memref<1x2000xf32, #tpu.memory_space<hbm>>
      %dma_start3A_175 = tpu.memref_squeeze %dma_start3A_174 : memref<1x2000xf32, #tpu.memory_space<hbm>> -> memref<2000xf32, #tpu.memory_space<hbm>>
      tpu.enqueue_dma source(%dma_start3A_175 : memref<2000xf32, #tpu.memory_space<hbm>>) target(%dma_start3A_173 : memref<2000xf32, #tpu.memory_space<vmem>>) target_semaphore(%arg15 : memref<!tpu.dma_semaphore, #tpu.memory_space<semaphore_mem>>)
      %mul3A_176 = arith.constant 2000 : i32
      %mul3A_177 = arith.muli %scan3A_20, %mul3A_176 : i32
      %add3A_178 = arith.addi %mul3A_2, %mul3A_177 : i32
      %dma_start3A_179 = arith.constant 13 : i32
      %dma_start3A_180 = arith.constant 26000 : i32
      %dma_start3A_181 = tpu.memref_slice %arg13[%dma_start3A_180] : memref<32000xf32, #tpu.memory_space<vmem>> -> memref<2000xf32, #tpu.memory_space<vmem>>
      %dma_start3A_182 = tpu.memref_slice %arg6[%dma_start3A_179, %add3A_178] : memref<16x320000xf32, #tpu.memory_space<hbm>> -> memref<1x2000xf32, #tpu.memory_space<hbm>>
      %dma_start3A_183 = tpu.memref_squeeze %dma_start3A_182 : memref<1x2000xf32, #tpu.memory_space<hbm>> -> memref<2000xf32, #tpu.memory_space<hbm>>
      %dma_start3A_184 = arith.constant 26000 : i32
      %dma_start3A_185 = tpu.memref_slice %arg13[%dma_start3A_184] : memref<32000xf32, #tpu.memory_space<vmem>> -> memref<2000xf32, #tpu.memory_space<vmem>>
      %dma_start3A_186 = tpu.memref_slice %arg6[%dma_start3A_179, %add3A_178] : memref<16x320000xf32, #tpu.memory_space<hbm>> -> memref<1x2000xf32, #tpu.memory_space<hbm>>
      %dma_start3A_187 = tpu.memref_squeeze %dma_start3A_186 : memref<1x2000xf32, #tpu.memory_space<hbm>> -> memref<2000xf32, #tpu.memory_space<hbm>>
      tpu.enqueue_dma source(%dma_start3A_187 : memref<2000xf32, #tpu.memory_space<hbm>>) target(%dma_start3A_185 : memref<2000xf32, #tpu.memory_space<vmem>>) target_semaphore(%arg15 : memref<!tpu.dma_semaphore, #tpu.memory_space<semaphore_mem>>)
      %mul3A_188 = arith.constant 2000 : i32
      %mul3A_189 = arith.muli %scan3A_20, %mul3A_188 : i32
      %add3A_190 = arith.addi %mul3A_2, %mul3A_189 : i32
      %dma_start3A_191 = arith.constant 14 : i32
      %dma_start3A_192 = arith.constant 28000 : i32
      %dma_start3A_193 = tpu.memref_slice %arg13[%dma_start3A_192] : memref<32000xf32, #tpu.memory_space<vmem>> -> memref<2000xf32, #tpu.memory_space<vmem>>
      %dma_start3A_194 = tpu.memref_slice %arg6[%dma_start3A_191, %add3A_190] : memref<16x320000xf32, #tpu.memory_space<hbm>> -> memref<1x2000xf32, #tpu.memory_space<hbm>>
      %dma_start3A_195 = tpu.memref_squeeze %dma_start3A_194 : memref<1x2000xf32, #tpu.memory_space<hbm>> -> memref<2000xf32, #tpu.memory_space<hbm>>
      %dma_start3A_196 = arith.constant 28000 : i32
      %dma_start3A_197 = tpu.memref_slice %arg13[%dma_start3A_196] : memref<32000xf32, #tpu.memory_space<vmem>> -> memref<2000xf32, #tpu.memory_space<vmem>>
      %dma_start3A_198 = tpu.memref_slice %arg6[%dma_start3A_191, %add3A_190] : memref<16x320000xf32, #tpu.memory_space<hbm>> -> memref<1x2000xf32, #tpu.memory_space<hbm>>
      %dma_start3A_199 = tpu.memref_squeeze %dma_start3A_198 : memref<1x2000xf32, #tpu.memory_space<hbm>> -> memref<2000xf32, #tpu.memory_space<hbm>>
      tpu.enqueue_dma source(%dma_start3A_199 : memref<2000xf32, #tpu.memory_space<hbm>>) target(%dma_start3A_197 : memref<2000xf32, #tpu.memory_space<vmem>>) target_semaphore(%arg15 : memref<!tpu.dma_semaphore, #tpu.memory_space<semaphore_mem>>)
      %mul3A_200 = arith.constant 2000 : i32
      %mul3A_201 = arith.muli %scan3A_20, %mul3A_200 : i32
      %add3A_202 = arith.addi %mul3A_2, %mul3A_201 : i32
      %dma_start3A_203 = arith.constant 15 : i32
      %dma_start3A_204 = arith.constant 30000 : i32
      %dma_start3A_205 = tpu.memref_slice %arg13[%dma_start3A_204] : memref<32000xf32, #tpu.memory_space<vmem>> -> memref<2000xf32, #tpu.memory_space<vmem>>
      %dma_start3A_206 = tpu.memref_slice %arg6[%dma_start3A_203, %add3A_202] : memref<16x320000xf32, #tpu.memory_space<hbm>> -> memref<1x2000xf32, #tpu.memory_space<hbm>>
      %dma_start3A_207 = tpu.memref_squeeze %dma_start3A_206 : memref<1x2000xf32, #tpu.memory_space<hbm>> -> memref<2000xf32, #tpu.memory_space<hbm>>
      %dma_start3A_208 = arith.constant 30000 : i32
      %dma_start3A_209 = tpu.memref_slice %arg13[%dma_start3A_208] : memref<32000xf32, #tpu.memory_space<vmem>> -> memref<2000xf32, #tpu.memory_space<vmem>>
      %dma_start3A_210 = tpu.memref_slice %arg6[%dma_start3A_203, %add3A_202] : memref<16x320000xf32, #tpu.memory_space<hbm>> -> memref<1x2000xf32, #tpu.memory_space<hbm>>
      %dma_start3A_211 = tpu.memref_squeeze %dma_start3A_210 : memref<1x2000xf32, #tpu.memory_space<hbm>> -> memref<2000xf32, #tpu.memory_space<hbm>>
      tpu.enqueue_dma source(%dma_start3A_211 : memref<2000xf32, #tpu.memory_space<hbm>>) target(%dma_start3A_209 : memref<2000xf32, #tpu.memory_space<vmem>>) target_semaphore(%arg15 : memref<!tpu.dma_semaphore, #tpu.memory_space<semaphore_mem>>)
      %dma_wait3A = arith.constant 0 : i32
      %dma_wait3A_212 = arith.constant 0 : i32
      %dma_wait3A_213 = tpu.memref_slice %arg13[%dma_wait3A_212] : memref<32000xf32, #tpu.memory_space<vmem>> -> memref<2000xf32, #tpu.memory_space<vmem>>
      %dma_wait3A_214 = tpu.memref_slice %arg6[%dma_wait3A, %add3A_23] : memref<16x320000xf32, #tpu.memory_space<hbm>> -> memref<1x2000xf32, #tpu.memory_space<hbm>>
      %dma_wait3A_215 = tpu.memref_squeeze %dma_wait3A_214 : memref<1x2000xf32, #tpu.memory_space<hbm>> -> memref<2000xf32, #tpu.memory_space<hbm>>
      %dma_wait3A_216 = arith.constant 0 : i32
      %dma_wait3A_217 = tpu.memref_slice %arg13[%dma_wait3A_216] : memref<32000xf32, #tpu.memory_space<vmem>> -> memref<2000xf32, #tpu.memory_space<vmem>>
      %dma_wait3A_218 = tpu.memref_slice %arg6[%dma_wait3A, %add3A_23] : memref<16x320000xf32, #tpu.memory_space<hbm>> -> memref<1x2000xf32, #tpu.memory_space<hbm>>
      %dma_wait3A_219 = tpu.memref_squeeze %dma_wait3A_218 : memref<1x2000xf32, #tpu.memory_space<hbm>> -> memref<2000xf32, #tpu.memory_space<hbm>>
      tpu.wait_dma2 semaphore(%arg15 : memref<!tpu.dma_semaphore, #tpu.memory_space<semaphore_mem>>) src(%dma_wait3A_219 : memref<2000xf32, #tpu.memory_space<hbm>>) dst(%dma_wait3A_217 : memref<2000xf32, #tpu.memory_space<vmem>>)
      %dma_wait3A_220 = arith.constant 1 : i32
      %dma_wait3A_221 = arith.constant 2000 : i32
      %dma_wait3A_222 = tpu.memref_slice %arg13[%dma_wait3A_221] : memref<32000xf32, #tpu.memory_space<vmem>> -> memref<2000xf32, #tpu.memory_space<vmem>>
      %dma_wait3A_223 = tpu.memref_slice %arg6[%dma_wait3A_220, %add3A_34] : memref<16x320000xf32, #tpu.memory_space<hbm>> -> memref<1x2000xf32, #tpu.memory_space<hbm>>
      %dma_wait3A_224 = tpu.memref_squeeze %dma_wait3A_223 : memref<1x2000xf32, #tpu.memory_space<hbm>> -> memref<2000xf32, #tpu.memory_space<hbm>>
      %dma_wait3A_225 = arith.constant 2000 : i32
      %dma_wait3A_226 = tpu.memref_slice %arg13[%dma_wait3A_225] : memref<32000xf32, #tpu.memory_space<vmem>> -> memref<2000xf32, #tpu.memory_space<vmem>>
      %dma_wait3A_227 = tpu.memref_slice %arg6[%dma_wait3A_220, %add3A_34] : memref<16x320000xf32, #tpu.memory_space<hbm>> -> memref<1x2000xf32, #tpu.memory_space<hbm>>
      %dma_wait3A_228 = tpu.memref_squeeze %dma_wait3A_227 : memref<1x2000xf32, #tpu.memory_space<hbm>> -> memref<2000xf32, #tpu.memory_space<hbm>>
      tpu.wait_dma2 semaphore(%arg15 : memref<!tpu.dma_semaphore, #tpu.memory_space<semaphore_mem>>) src(%dma_wait3A_228 : memref<2000xf32, #tpu.memory_space<hbm>>) dst(%dma_wait3A_226 : memref<2000xf32, #tpu.memory_space<vmem>>)
      %dma_wait3A_229 = arith.constant 2 : i32
      %dma_wait3A_230 = arith.constant 4000 : i32
      %dma_wait3A_231 = tpu.memref_slice %arg13[%dma_wait3A_230] : memref<32000xf32, #tpu.memory_space<vmem>> -> memref<2000xf32, #tpu.memory_space<vmem>>
      %dma_wait3A_232 = tpu.memref_slice %arg6[%dma_wait3A_229, %add3A_46] : memref<16x320000xf32, #tpu.memory_space<hbm>> -> memref<1x2000xf32, #tpu.memory_space<hbm>>
      %dma_wait3A_233 = tpu.memref_squeeze %dma_wait3A_232 : memref<1x2000xf32, #tpu.memory_space<hbm>> -> memref<2000xf32, #tpu.memory_space<hbm>>
      %dma_wait3A_234 = arith.constant 4000 : i32
      %dma_wait3A_235 = tpu.memref_slice %arg13[%dma_wait3A_234] : memref<32000xf32, #tpu.memory_space<vmem>> -> memref<2000xf32, #tpu.memory_space<vmem>>
      %dma_wait3A_236 = tpu.memref_slice %arg6[%dma_wait3A_229, %add3A_46] : memref<16x320000xf32, #tpu.memory_space<hbm>> -> memref<1x2000xf32, #tpu.memory_space<hbm>>
      %dma_wait3A_237 = tpu.memref_squeeze %dma_wait3A_236 : memref<1x2000xf32, #tpu.memory_space<hbm>> -> memref<2000xf32, #tpu.memory_space<hbm>>
      tpu.wait_dma2 semaphore(%arg15 : memref<!tpu.dma_semaphore, #tpu.memory_space<semaphore_mem>>) src(%dma_wait3A_237 : memref<2000xf32, #tpu.memory_space<hbm>>) dst(%dma_wait3A_235 : memref<2000xf32, #tpu.memory_space<vmem>>)
      %dma_wait3A_238 = arith.constant 3 : i32
      %dma_wait3A_239 = arith.constant 6000 : i32
      %dma_wait3A_240 = tpu.memref_slice %arg13[%dma_wait3A_239] : memref<32000xf32, #tpu.memory_space<vmem>> -> memref<2000xf32, #tpu.memory_space<vmem>>
      %dma_wait3A_241 = tpu.memref_slice %arg6[%dma_wait3A_238, %add3A_58] : memref<16x320000xf32, #tpu.memory_space<hbm>> -> memref<1x2000xf32, #tpu.memory_space<hbm>>
      %dma_wait3A_242 = tpu.memref_squeeze %dma_wait3A_241 : memref<1x2000xf32, #tpu.memory_space<hbm>> -> memref<2000xf32, #tpu.memory_space<hbm>>
      %dma_wait3A_243 = arith.constant 6000 : i32
      %dma_wait3A_244 = tpu.memref_slice %arg13[%dma_wait3A_243] : memref<32000xf32, #tpu.memory_space<vmem>> -> memref<2000xf32, #tpu.memory_space<vmem>>
      %dma_wait3A_245 = tpu.memref_slice %arg6[%dma_wait3A_238, %add3A_58] : memref<16x320000xf32, #tpu.memory_space<hbm>> -> memref<1x2000xf32, #tpu.memory_space<hbm>>
      %dma_wait3A_246 = tpu.memref_squeeze %dma_wait3A_245 : memref<1x2000xf32, #tpu.memory_space<hbm>> -> memref<2000xf32, #tpu.memory_space<hbm>>
      tpu.wait_dma2 semaphore(%arg15 : memref<!tpu.dma_semaphore, #tpu.memory_space<semaphore_mem>>) src(%dma_wait3A_246 : memref<2000xf32, #tpu.memory_space<hbm>>) dst(%dma_wait3A_244 : memref<2000xf32, #tpu.memory_space<vmem>>)
      %dma_wait3A_247 = arith.constant 4 : i32
      %dma_wait3A_248 = arith.constant 8000 : i32
      %dma_wait3A_249 = tpu.memref_slice %arg13[%dma_wait3A_248] : memref<32000xf32, #tpu.memory_space<vmem>> -> memref<2000xf32, #tpu.memory_space<vmem>>
      %dma_wait3A_250 = tpu.memref_slice %arg6[%dma_wait3A_247, %add3A_70] : memref<16x320000xf32, #tpu.memory_space<hbm>> -> memref<1x2000xf32, #tpu.memory_space<hbm>>
      %dma_wait3A_251 = tpu.memref_squeeze %dma_wait3A_250 : memref<1x2000xf32, #tpu.memory_space<hbm>> -> memref<2000xf32, #tpu.memory_space<hbm>>
      %dma_wait3A_252 = arith.constant 8000 : i32
      %dma_wait3A_253 = tpu.memref_slice %arg13[%dma_wait3A_252] : memref<32000xf32, #tpu.memory_space<vmem>> -> memref<2000xf32, #tpu.memory_space<vmem>>
      %dma_wait3A_254 = tpu.memref_slice %arg6[%dma_wait3A_247, %add3A_70] : memref<16x320000xf32, #tpu.memory_space<hbm>> -> memref<1x2000xf32, #tpu.memory_space<hbm>>
      %dma_wait3A_255 = tpu.memref_squeeze %dma_wait3A_254 : memref<1x2000xf32, #tpu.memory_space<hbm>> -> memref<2000xf32, #tpu.memory_space<hbm>>
      tpu.wait_dma2 semaphore(%arg15 : memref<!tpu.dma_semaphore, #tpu.memory_space<semaphore_mem>>) src(%dma_wait3A_255 : memref<2000xf32, #tpu.memory_space<hbm>>) dst(%dma_wait3A_253 : memref<2000xf32, #tpu.memory_space<vmem>>)
      %dma_wait3A_256 = arith.constant 5 : i32
      %dma_wait3A_257 = arith.constant 10000 : i32
      %dma_wait3A_258 = tpu.memref_slice %arg13[%dma_wait3A_257] : memref<32000xf32, #tpu.memory_space<vmem>> -> memref<2000xf32, #tpu.memory_space<vmem>>
      %dma_wait3A_259 = tpu.memref_slice %arg6[%dma_wait3A_256, %add3A_82] : memref<16x320000xf32, #tpu.memory_space<hbm>> -> memref<1x2000xf32, #tpu.memory_space<hbm>>
      %dma_wait3A_260 = tpu.memref_squeeze %dma_wait3A_259 : memref<1x2000xf32, #tpu.memory_space<hbm>> -> memref<2000xf32, #tpu.memory_space<hbm>>
      %dma_wait3A_261 = arith.constant 10000 : i32
      %dma_wait3A_262 = tpu.memref_slice %arg13[%dma_wait3A_261] : memref<32000xf32, #tpu.memory_space<vmem>> -> memref<2000xf32, #tpu.memory_space<vmem>>
      %dma_wait3A_263 = tpu.memref_slice %arg6[%dma_wait3A_256, %add3A_82] : memref<16x320000xf32, #tpu.memory_space<hbm>> -> memref<1x2000xf32, #tpu.memory_space<hbm>>
      %dma_wait3A_264 = tpu.memref_squeeze %dma_wait3A_263 : memref<1x2000xf32, #tpu.memory_space<hbm>> -> memref<2000xf32, #tpu.memory_space<hbm>>
      tpu.wait_dma2 semaphore(%arg15 : memref<!tpu.dma_semaphore, #tpu.memory_space<semaphore_mem>>) src(%dma_wait3A_264 : memref<2000xf32, #tpu.memory_space<hbm>>) dst(%dma_wait3A_262 : memref<2000xf32, #tpu.memory_space<vmem>>)
      %dma_wait3A_265 = arith.constant 6 : i32
      %dma_wait3A_266 = arith.constant 12000 : i32
      %dma_wait3A_267 = tpu.memref_slice %arg13[%dma_wait3A_266] : memref<32000xf32, #tpu.memory_space<vmem>> -> memref<2000xf32, #tpu.memory_space<vmem>>
      %dma_wait3A_268 = tpu.memref_slice %arg6[%dma_wait3A_265, %add3A_94] : memref<16x320000xf32, #tpu.memory_space<hbm>> -> memref<1x2000xf32, #tpu.memory_space<hbm>>
      %dma_wait3A_269 = tpu.memref_squeeze %dma_wait3A_268 : memref<1x2000xf32, #tpu.memory_space<hbm>> -> memref<2000xf32, #tpu.memory_space<hbm>>
      %dma_wait3A_270 = arith.constant 12000 : i32
      %dma_wait3A_271 = tpu.memref_slice %arg13[%dma_wait3A_270] : memref<32000xf32, #tpu.memory_space<vmem>> -> memref<2000xf32, #tpu.memory_space<vmem>>
      %dma_wait3A_272 = tpu.memref_slice %arg6[%dma_wait3A_265, %add3A_94] : memref<16x320000xf32, #tpu.memory_space<hbm>> -> memref<1x2000xf32, #tpu.memory_space<hbm>>
      %dma_wait3A_273 = tpu.memref_squeeze %dma_wait3A_272 : memref<1x2000xf32, #tpu.memory_space<hbm>> -> memref<2000xf32, #tpu.memory_space<hbm>>
      tpu.wait_dma2 semaphore(%arg15 : memref<!tpu.dma_semaphore, #tpu.memory_space<semaphore_mem>>) src(%dma_wait3A_273 : memref<2000xf32, #tpu.memory_space<hbm>>) dst(%dma_wait3A_271 : memref<2000xf32, #tpu.memory_space<vmem>>)
      %dma_wait3A_274 = arith.constant 7 : i32
      %dma_wait3A_275 = arith.constant 14000 : i32
      %dma_wait3A_276 = tpu.memref_slice %arg13[%dma_wait3A_275] : memref<32000xf32, #tpu.memory_space<vmem>> -> memref<2000xf32, #tpu.memory_space<vmem>>
      %dma_wait3A_277 = tpu.memref_slice %arg6[%dma_wait3A_274, %add3A_106] : memref<16x320000xf32, #tpu.memory_space<hbm>> -> memref<1x2000xf32, #tpu.memory_space<hbm>>
      %dma_wait3A_278 = tpu.memref_squeeze %dma_wait3A_277 : memref<1x2000xf32, #tpu.memory_space<hbm>> -> memref<2000xf32, #tpu.memory_space<hbm>>
      %dma_wait3A_279 = arith.constant 14000 : i32
      %dma_wait3A_280 = tpu.memref_slice %arg13[%dma_wait3A_279] : memref<32000xf32, #tpu.memory_space<vmem>> -> memref<2000xf32, #tpu.memory_space<vmem>>
      %dma_wait3A_281 = tpu.memref_slice %arg6[%dma_wait3A_274, %add3A_106] : memref<16x320000xf32, #tpu.memory_space<hbm>> -> memref<1x2000xf32, #tpu.memory_space<hbm>>
      %dma_wait3A_282 = tpu.memref_squeeze %dma_wait3A_281 : memref<1x2000xf32, #tpu.memory_space<hbm>> -> memref<2000xf32, #tpu.memory_space<hbm>>
      tpu.wait_dma2 semaphore(%arg15 : memref<!tpu.dma_semaphore, #tpu.memory_space<semaphore_mem>>) src(%dma_wait3A_282 : memref<2000xf32, #tpu.memory_space<hbm>>) dst(%dma_wait3A_280 : memref<2000xf32, #tpu.memory_space<vmem>>)
      %dma_wait3A_283 = arith.constant 8 : i32
      %dma_wait3A_284 = arith.constant 16000 : i32
      %dma_wait3A_285 = tpu.memref_slice %arg13[%dma_wait3A_284] : memref<32000xf32, #tpu.memory_space<vmem>> -> memref<2000xf32, #tpu.memory_space<vmem>>
      %dma_wait3A_286 = tpu.memref_slice %arg6[%dma_wait3A_283, %add3A_118] : memref<16x320000xf32, #tpu.memory_space<hbm>> -> memref<1x2000xf32, #tpu.memory_space<hbm>>
      %dma_wait3A_287 = tpu.memref_squeeze %dma_wait3A_286 : memref<1x2000xf32, #tpu.memory_space<hbm>> -> memref<2000xf32, #tpu.memory_space<hbm>>
      %dma_wait3A_288 = arith.constant 16000 : i32
      %dma_wait3A_289 = tpu.memref_slice %arg13[%dma_wait3A_288] : memref<32000xf32, #tpu.memory_space<vmem>> -> memref<2000xf32, #tpu.memory_space<vmem>>
      %dma_wait3A_290 = tpu.memref_slice %arg6[%dma_wait3A_283, %add3A_118] : memref<16x320000xf32, #tpu.memory_space<hbm>> -> memref<1x2000xf32, #tpu.memory_space<hbm>>
      %dma_wait3A_291 = tpu.memref_squeeze %dma_wait3A_290 : memref<1x2000xf32, #tpu.memory_space<hbm>> -> memref<2000xf32, #tpu.memory_space<hbm>>
      tpu.wait_dma2 semaphore(%arg15 : memref<!tpu.dma_semaphore, #tpu.memory_space<semaphore_mem>>) src(%dma_wait3A_291 : memref<2000xf32, #tpu.memory_space<hbm>>) dst(%dma_wait3A_289 : memref<2000xf32, #tpu.memory_space<vmem>>)
      %dma_wait3A_292 = arith.constant 9 : i32
      %dma_wait3A_293 = arith.constant 18000 : i32
      %dma_wait3A_294 = tpu.memref_slice %arg13[%dma_wait3A_293] : memref<32000xf32, #tpu.memory_space<vmem>> -> memref<2000xf32, #tpu.memory_space<vmem>>
      %dma_wait3A_295 = tpu.memref_slice %arg6[%dma_wait3A_292, %add3A_130] : memref<16x320000xf32, #tpu.memory_space<hbm>> -> memref<1x2000xf32, #tpu.memory_space<hbm>>
      %dma_wait3A_296 = tpu.memref_squeeze %dma_wait3A_295 : memref<1x2000xf32, #tpu.memory_space<hbm>> -> memref<2000xf32, #tpu.memory_space<hbm>>
      %dma_wait3A_297 = arith.constant 18000 : i32
      %dma_wait3A_298 = tpu.memref_slice %arg13[%dma_wait3A_297] : memref<32000xf32, #tpu.memory_space<vmem>> -> memref<2000xf32, #tpu.memory_space<vmem>>
      %dma_wait3A_299 = tpu.memref_slice %arg6[%dma_wait3A_292, %add3A_130] : memref<16x320000xf32, #tpu.memory_space<hbm>> -> memref<1x2000xf32, #tpu.memory_space<hbm>>
      %dma_wait3A_300 = tpu.memref_squeeze %dma_wait3A_299 : memref<1x2000xf32, #tpu.memory_space<hbm>> -> memref<2000xf32, #tpu.memory_space<hbm>>
      tpu.wait_dma2 semaphore(%arg15 : memref<!tpu.dma_semaphore, #tpu.memory_space<semaphore_mem>>) src(%dma_wait3A_300 : memref<2000xf32, #tpu.memory_space<hbm>>) dst(%dma_wait3A_298 : memref<2000xf32, #tpu.memory_space<vmem>>)
      %dma_wait3A_301 = arith.constant 10 : i32
      %dma_wait3A_302 = arith.constant 20000 : i32
      %dma_wait3A_303 = tpu.memref_slice %arg13[%dma_wait3A_302] : memref<32000xf32, #tpu.memory_space<vmem>> -> memref<2000xf32, #tpu.memory_space<vmem>>
      %dma_wait3A_304 = tpu.memref_slice %arg6[%dma_wait3A_301, %add3A_142] : memref<16x320000xf32, #tpu.memory_space<hbm>> -> memref<1x2000xf32, #tpu.memory_space<hbm>>
      %dma_wait3A_305 = tpu.memref_squeeze %dma_wait3A_304 : memref<1x2000xf32, #tpu.memory_space<hbm>> -> memref<2000xf32, #tpu.memory_space<hbm>>
      %dma_wait3A_306 = arith.constant 20000 : i32
      %dma_wait3A_307 = tpu.memref_slice %arg13[%dma_wait3A_306] : memref<32000xf32, #tpu.memory_space<vmem>> -> memref<2000xf32, #tpu.memory_space<vmem>>
      %dma_wait3A_308 = tpu.memref_slice %arg6[%dma_wait3A_301, %add3A_142] : memref<16x320000xf32, #tpu.memory_space<hbm>> -> memref<1x2000xf32, #tpu.memory_space<hbm>>
      %dma_wait3A_309 = tpu.memref_squeeze %dma_wait3A_308 : memref<1x2000xf32, #tpu.memory_space<hbm>> -> memref<2000xf32, #tpu.memory_space<hbm>>
      tpu.wait_dma2 semaphore(%arg15 : memref<!tpu.dma_semaphore, #tpu.memory_space<semaphore_mem>>) src(%dma_wait3A_309 : memref<2000xf32, #tpu.memory_space<hbm>>) dst(%dma_wait3A_307 : memref<2000xf32, #tpu.memory_space<vmem>>)
      %dma_wait3A_310 = arith.constant 11 : i32
      %dma_wait3A_311 = arith.constant 22000 : i32
      %dma_wait3A_312 = tpu.memref_slice %arg13[%dma_wait3A_311] : memref<32000xf32, #tpu.memory_space<vmem>> -> memref<2000xf32, #tpu.memory_space<vmem>>
      %dma_wait3A_313 = tpu.memref_slice %arg6[%dma_wait3A_310, %add3A_154] : memref<16x320000xf32, #tpu.memory_space<hbm>> -> memref<1x2000xf32, #tpu.memory_space<hbm>>
      %dma_wait3A_314 = tpu.memref_squeeze %dma_wait3A_313 : memref<1x2000xf32, #tpu.memory_space<hbm>> -> memref<2000xf32, #tpu.memory_space<hbm>>
      %dma_wait3A_315 = arith.constant 22000 : i32
      %dma_wait3A_316 = tpu.memref_slice %arg13[%dma_wait3A_315] : memref<32000xf32, #tpu.memory_space<vmem>> -> memref<2000xf32, #tpu.memory_space<vmem>>
      %dma_wait3A_317 = tpu.memref_slice %arg6[%dma_wait3A_310, %add3A_154] : memref<16x320000xf32, #tpu.memory_space<hbm>> -> memref<1x2000xf32, #tpu.memory_space<hbm>>
      %dma_wait3A_318 = tpu.memref_squeeze %dma_wait3A_317 : memref<1x2000xf32, #tpu.memory_space<hbm>> -> memref<2000xf32, #tpu.memory_space<hbm>>
      tpu.wait_dma2 semaphore(%arg15 : memref<!tpu.dma_semaphore, #tpu.memory_space<semaphore_mem>>) src(%dma_wait3A_318 : memref<2000xf32, #tpu.memory_space<hbm>>) dst(%dma_wait3A_316 : memref<2000xf32, #tpu.memory_space<vmem>>)
      %dma_wait3A_319 = arith.constant 12 : i32
      %dma_wait3A_320 = arith.constant 24000 : i32
      %dma_wait3A_321 = tpu.memref_slice %arg13[%dma_wait3A_320] : memref<32000xf32, #tpu.memory_space<vmem>> -> memref<2000xf32, #tpu.memory_space<vmem>>
      %dma_wait3A_322 = tpu.memref_slice %arg6[%dma_wait3A_319, %add3A_166] : memref<16x320000xf32, #tpu.memory_space<hbm>> -> memref<1x2000xf32, #tpu.memory_space<hbm>>
      %dma_wait3A_323 = tpu.memref_squeeze %dma_wait3A_322 : memref<1x2000xf32, #tpu.memory_space<hbm>> -> memref<2000xf32, #tpu.memory_space<hbm>>
      %dma_wait3A_324 = arith.constant 24000 : i32
      %dma_wait3A_325 = tpu.memref_slice %arg13[%dma_wait3A_324] : memref<32000xf32, #tpu.memory_space<vmem>> -> memref<2000xf32, #tpu.memory_space<vmem>>
      %dma_wait3A_326 = tpu.memref_slice %arg6[%dma_wait3A_319, %add3A_166] : memref<16x320000xf32, #tpu.memory_space<hbm>> -> memref<1x2000xf32, #tpu.memory_space<hbm>>
      %dma_wait3A_327 = tpu.memref_squeeze %dma_wait3A_326 : memref<1x2000xf32, #tpu.memory_space<hbm>> -> memref<2000xf32, #tpu.memory_space<hbm>>
      tpu.wait_dma2 semaphore(%arg15 : memref<!tpu.dma_semaphore, #tpu.memory_space<semaphore_mem>>) src(%dma_wait3A_327 : memref<2000xf32, #tpu.memory_space<hbm>>) dst(%dma_wait3A_325 : memref<2000xf32, #tpu.memory_space<vmem>>)
      %dma_wait3A_328 = arith.constant 13 : i32
      %dma_wait3A_329 = arith.constant 26000 : i32
      %dma_wait3A_330 = tpu.memref_slice %arg13[%dma_wait3A_329] : memref<32000xf32, #tpu.memory_space<vmem>> -> memref<2000xf32, #tpu.memory_space<vmem>>
      %dma_wait3A_331 = tpu.memref_slice %arg6[%dma_wait3A_328, %add3A_178] : memref<16x320000xf32, #tpu.memory_space<hbm>> -> memref<1x2000xf32, #tpu.memory_space<hbm>>
      %dma_wait3A_332 = tpu.memref_squeeze %dma_wait3A_331 : memref<1x2000xf32, #tpu.memory_space<hbm>> -> memref<2000xf32, #tpu.memory_space<hbm>>
      %dma_wait3A_333 = arith.constant 26000 : i32
      %dma_wait3A_334 = tpu.memref_slice %arg13[%dma_wait3A_333] : memref<32000xf32, #tpu.memory_space<vmem>> -> memref<2000xf32, #tpu.memory_space<vmem>>
      %dma_wait3A_335 = tpu.memref_slice %arg6[%dma_wait3A_328, %add3A_178] : memref<16x320000xf32, #tpu.memory_space<hbm>> -> memref<1x2000xf32, #tpu.memory_space<hbm>>
      %dma_wait3A_336 = tpu.memref_squeeze %dma_wait3A_335 : memref<1x2000xf32, #tpu.memory_space<hbm>> -> memref<2000xf32, #tpu.memory_space<hbm>>
      tpu.wait_dma2 semaphore(%arg15 : memref<!tpu.dma_semaphore, #tpu.memory_space<semaphore_mem>>) src(%dma_wait3A_336 : memref<2000xf32, #tpu.memory_space<hbm>>) dst(%dma_wait3A_334 : memref<2000xf32, #tpu.memory_space<vmem>>)
      %dma_wait3A_337 = arith.constant 14 : i32
      %dma_wait3A_338 = arith.constant 28000 : i32
      %dma_wait3A_339 = tpu.memref_slice %arg13[%dma_wait3A_338] : memref<32000xf32, #tpu.memory_space<vmem>> -> memref<2000xf32, #tpu.memory_space<vmem>>
      %dma_wait3A_340 = tpu.memref_slice %arg6[%dma_wait3A_337, %add3A_190] : memref<16x320000xf32, #tpu.memory_space<hbm>> -> memref<1x2000xf32, #tpu.memory_space<hbm>>
      %dma_wait3A_341 = tpu.memref_squeeze %dma_wait3A_340 : memref<1x2000xf32, #tpu.memory_space<hbm>> -> memref<2000xf32, #tpu.memory_space<hbm>>
      %dma_wait3A_342 = arith.constant 28000 : i32
      %dma_wait3A_343 = tpu.memref_slice %arg13[%dma_wait3A_342] : memref<32000xf32, #tpu.memory_space<vmem>> -> memref<2000xf32, #tpu.memory_space<vmem>>
      %dma_wait3A_344 = tpu.memref_slice %arg6[%dma_wait3A_337, %add3A_190] : memref<16x320000xf32, #tpu.memory_space<hbm>> -> memref<1x2000xf32, #tpu.memory_space<hbm>>
      %dma_wait3A_345 = tpu.memref_squeeze %dma_wait3A_344 : memref<1x2000xf32, #tpu.memory_space<hbm>> -> memref<2000xf32, #tpu.memory_space<hbm>>
      tpu.wait_dma2 semaphore(%arg15 : memref<!tpu.dma_semaphore, #tpu.memory_space<semaphore_mem>>) src(%dma_wait3A_345 : memref<2000xf32, #tpu.memory_space<hbm>>) dst(%dma_wait3A_343 : memref<2000xf32, #tpu.memory_space<vmem>>)
      %dma_wait3A_346 = arith.constant 15 : i32
      %dma_wait3A_347 = arith.constant 30000 : i32
      %dma_wait3A_348 = tpu.memref_slice %arg13[%dma_wait3A_347] : memref<32000xf32, #tpu.memory_space<vmem>> -> memref<2000xf32, #tpu.memory_space<vmem>>
      %dma_wait3A_349 = tpu.memref_slice %arg6[%dma_wait3A_346, %add3A_202] : memref<16x320000xf32, #tpu.memory_space<hbm>> -> memref<1x2000xf32, #tpu.memory_space<hbm>>
      %dma_wait3A_350 = tpu.memref_squeeze %dma_wait3A_349 : memref<1x2000xf32, #tpu.memory_space<hbm>> -> memref<2000xf32, #tpu.memory_space<hbm>>
      %dma_wait3A_351 = arith.constant 30000 : i32
      %dma_wait3A_352 = tpu.memref_slice %arg13[%dma_wait3A_351] : memref<32000xf32, #tpu.memory_space<vmem>> -> memref<2000xf32, #tpu.memory_space<vmem>>
      %dma_wait3A_353 = tpu.memref_slice %arg6[%dma_wait3A_346, %add3A_202] : memref<16x320000xf32, #tpu.memory_space<hbm>> -> memref<1x2000xf32, #tpu.memory_space<hbm>>
      %dma_wait3A_354 = tpu.memref_squeeze %dma_wait3A_353 : memref<1x2000xf32, #tpu.memory_space<hbm>> -> memref<2000xf32, #tpu.memory_space<hbm>>
      tpu.wait_dma2 semaphore(%arg15 : memref<!tpu.dma_semaphore, #tpu.memory_space<semaphore_mem>>) src(%dma_wait3A_354 : memref<2000xf32, #tpu.memory_space<hbm>>) dst(%dma_wait3A_352 : memref<2000xf32, #tpu.memory_space<vmem>>)
      %scan3A_355 = arith.constant 0 : i32
      %scan3A_356 = arith.constant 0 : i32
      %scan3A_357 = arith.constant 125 : i32
      %scan3A_358 = arith.addi %scan3A_356, %scan3A_357 : i32
      %scan3A_359 = arith.constant 1 : i32
      scf.for %scan3A_366 = %scan3A_356 to %scan3A_358 step %scan3A_359  : i32 {
        %mul3A_367 = arith.constant 16 : i32
        %mul3A_368 = arith.muli %mul3A_367, %scan3A_366 : i32
        %add3A_369 = arith.constant 0 : i32
        %add3A_370 = arith.addi %add3A_369, %mul3A_368 : i32
        %get3A = arith.index_cast %add3A_370 : i32 to index
        %get3A_371 = tpu.vector_load %arg13[%get3A] {strides = array<i32>} : memref<32000xf32, #tpu.memory_space<vmem>>, vector<16xf32>,
        %mul3A_372 = arith.constant 16 : i32
        %mul3A_373 = vector.broadcast %mul3A_372 : i32 to vector<16xi32>
        %mul3A_374 = arith.muli %iota3A, %mul3A_373 : vector<16xi32>
        %mul3A_375 = arith.constant 256 : i32
        %mul3A_376 = arith.muli %mul3A_375, %scan3A_366 : i32
        %add3A_377 = arith.constant 0 : i32
        %add3A_378 = arith.addi %mul3A_376, %add3A_377 : i32
        %add3A_379 = vector.broadcast %add3A_378 : i32 to vector<16xi32>
        %add3A_380 = arith.addi %mul3A_374, %add3A_379 : vector<16xi32>
        tpu.vector_store_idx %arg14[%add3A_380], %get3A_371 : memref<32000xf32, #tpu.memory_space<vmem>>[vector<16xi32>], vector<16xf32>,
        %mul3A_381 = arith.constant 16 : i32
        %mul3A_382 = arith.muli %mul3A_381, %scan3A_366 : i32
        %add3A_383 = arith.constant 2000 : i32
        %add3A_384 = arith.addi %add3A_383, %mul3A_382 : i32
        %get3A_385 = arith.index_cast %add3A_384 : i32 to index
        %get3A_386 = tpu.vector_load %arg13[%get3A_385] {strides = array<i32>} : memref<32000xf32, #tpu.memory_space<vmem>>, vector<16xf32>,
        %mul3A_387 = arith.constant 16 : i32
        %mul3A_388 = vector.broadcast %mul3A_387 : i32 to vector<16xi32>
        %mul3A_389 = arith.muli %iota3A, %mul3A_388 : vector<16xi32>
        %mul3A_390 = arith.constant 256 : i32
        %mul3A_391 = arith.muli %mul3A_390, %scan3A_366 : i32
        %add3A_392 = arith.constant 1 : i32
        %add3A_393 = arith.addi %mul3A_391, %add3A_392 : i32
        %add3A_394 = vector.broadcast %add3A_393 : i32 to vector<16xi32>
        %add3A_395 = arith.addi %mul3A_389, %add3A_394 : vector<16xi32>
        tpu.vector_store_idx %arg14[%add3A_395], %get3A_386 : memref<32000xf32, #tpu.memory_space<vmem>>[vector<16xi32>], vector<16xf32>,
        %mul3A_396 = arith.constant 16 : i32
        %mul3A_397 = arith.muli %mul3A_396, %scan3A_366 : i32
        %add3A_398 = arith.constant 4000 : i32
        %add3A_399 = arith.addi %add3A_398, %mul3A_397 : i32
        %get3A_400 = arith.index_cast %add3A_399 : i32 to index
        %get3A_401 = tpu.vector_load %arg13[%get3A_400] {strides = array<i32>} : memref<32000xf32, #tpu.memory_space<vmem>>, vector<16xf32>,
        %mul3A_402 = arith.constant 16 : i32
        %mul3A_403 = vector.broadcast %mul3A_402 : i32 to vector<16xi32>
        %mul3A_404 = arith.muli %iota3A, %mul3A_403 : vector<16xi32>
        %mul3A_405 = arith.constant 256 : i32
        %mul3A_406 = arith.muli %mul3A_405, %scan3A_366 : i32
        %add3A_407 = arith.constant 2 : i32
        %add3A_408 = arith.addi %mul3A_406, %add3A_407 : i32
        %add3A_409 = vector.broadcast %add3A_408 : i32 to vector<16xi32>
        %add3A_410 = arith.addi %mul3A_404, %add3A_409 : vector<16xi32>
        tpu.vector_store_idx %arg14[%add3A_410], %get3A_401 : memref<32000xf32, #tpu.memory_space<vmem>>[vector<16xi32>], vector<16xf32>,
        %mul3A_411 = arith.constant 16 : i32
        %mul3A_412 = arith.muli %mul3A_411, %scan3A_366 : i32
        %add3A_413 = arith.constant 6000 : i32
        %add3A_414 = arith.addi %add3A_413, %mul3A_412 : i32
        %get3A_415 = arith.index_cast %add3A_414 : i32 to index
        %get3A_416 = tpu.vector_load %arg13[%get3A_415] {strides = array<i32>} : memref<32000xf32, #tpu.memory_space<vmem>>, vector<16xf32>,
        %mul3A_417 = arith.constant 16 : i32
        %mul3A_418 = vector.broadcast %mul3A_417 : i32 to vector<16xi32>
        %mul3A_419 = arith.muli %iota3A, %mul3A_418 : vector<16xi32>
        %mul3A_420 = arith.constant 256 : i32
        %mul3A_421 = arith.muli %mul3A_420, %scan3A_366 : i32
        %add3A_422 = arith.constant 3 : i32
        %add3A_423 = arith.addi %mul3A_421, %add3A_422 : i32
        %add3A_424 = vector.broadcast %add3A_423 : i32 to vector<16xi32>
        %add3A_425 = arith.addi %mul3A_419, %add3A_424 : vector<16xi32>
        tpu.vector_store_idx %arg14[%add3A_425], %get3A_416 : memref<32000xf32, #tpu.memory_space<vmem>>[vector<16xi32>], vector<16xf32>,
        %mul3A_426 = arith.constant 16 : i32
        %mul3A_427 = arith.muli %mul3A_426, %scan3A_366 : i32
        %add3A_428 = arith.constant 8000 : i32
        %add3A_429 = arith.addi %add3A_428, %mul3A_427 : i32
        %get3A_430 = arith.index_cast %add3A_429 : i32 to index
        %get3A_431 = tpu.vector_load %arg13[%get3A_430] {strides = array<i32>} : memref<32000xf32, #tpu.memory_space<vmem>>, vector<16xf32>,
        %mul3A_432 = arith.constant 16 : i32
        %mul3A_433 = vector.broadcast %mul3A_432 : i32 to vector<16xi32>
        %mul3A_434 = arith.muli %iota3A, %mul3A_433 : vector<16xi32>
        %mul3A_435 = arith.constant 256 : i32
        %mul3A_436 = arith.muli %mul3A_435, %scan3A_366 : i32
        %add3A_437 = arith.constant 4 : i32
        %add3A_438 = arith.addi %mul3A_436, %add3A_437 : i32
        %add3A_439 = vector.broadcast %add3A_438 : i32 to vector<16xi32>
        %add3A_440 = arith.addi %mul3A_434, %add3A_439 : vector<16xi32>
        tpu.vector_store_idx %arg14[%add3A_440], %get3A_431 : memref<32000xf32, #tpu.memory_space<vmem>>[vector<16xi32>], vector<16xf32>,
        %mul3A_441 = arith.constant 16 : i32
        %mul3A_442 = arith.muli %mul3A_441, %scan3A_366 : i32
        %add3A_443 = arith.constant 10000 : i32
        %add3A_444 = arith.addi %add3A_443, %mul3A_442 : i32
        %get3A_445 = arith.index_cast %add3A_444 : i32 to index
        %get3A_446 = tpu.vector_load %arg13[%get3A_445] {strides = array<i32>} : memref<32000xf32, #tpu.memory_space<vmem>>, vector<16xf32>,
        %mul3A_447 = arith.constant 16 : i32
        %mul3A_448 = vector.broadcast %mul3A_447 : i32 to vector<16xi32>
        %mul3A_449 = arith.muli %iota3A, %mul3A_448 : vector<16xi32>
        %mul3A_450 = arith.constant 256 : i32
        %mul3A_451 = arith.muli %mul3A_450, %scan3A_366 : i32
        %add3A_452 = arith.constant 5 : i32
        %add3A_453 = arith.addi %mul3A_451, %add3A_452 : i32
        %add3A_454 = vector.broadcast %add3A_453 : i32 to vector<16xi32>
        %add3A_455 = arith.addi %mul3A_449, %add3A_454 : vector<16xi32>
        tpu.vector_store_idx %arg14[%add3A_455], %get3A_446 : memref<32000xf32, #tpu.memory_space<vmem>>[vector<16xi32>], vector<16xf32>,
        %mul3A_456 = arith.constant 16 : i32
        %mul3A_457 = arith.muli %mul3A_456, %scan3A_366 : i32
        %add3A_458 = arith.constant 12000 : i32
        %add3A_459 = arith.addi %add3A_458, %mul3A_457 : i32
        %get3A_460 = arith.index_cast %add3A_459 : i32 to index
        %get3A_461 = tpu.vector_load %arg13[%get3A_460] {strides = array<i32>} : memref<32000xf32, #tpu.memory_space<vmem>>, vector<16xf32>,
        %mul3A_462 = arith.constant 16 : i32
        %mul3A_463 = vector.broadcast %mul3A_462 : i32 to vector<16xi32>
        %mul3A_464 = arith.muli %iota3A, %mul3A_463 : vector<16xi32>
        %mul3A_465 = arith.constant 256 : i32
        %mul3A_466 = arith.muli %mul3A_465, %scan3A_366 : i32
        %add3A_467 = arith.constant 6 : i32
        %add3A_468 = arith.addi %mul3A_466, %add3A_467 : i32
        %add3A_469 = vector.broadcast %add3A_468 : i32 to vector<16xi32>
        %add3A_470 = arith.addi %mul3A_464, %add3A_469 : vector<16xi32>
        tpu.vector_store_idx %arg14[%add3A_470], %get3A_461 : memref<32000xf32, #tpu.memory_space<vmem>>[vector<16xi32>], vector<16xf32>,
        %mul3A_471 = arith.constant 16 : i32
        %mul3A_472 = arith.muli %mul3A_471, %scan3A_366 : i32
        %add3A_473 = arith.constant 14000 : i32
        %add3A_474 = arith.addi %add3A_473, %mul3A_472 : i32
        %get3A_475 = arith.index_cast %add3A_474 : i32 to index
        %get3A_476 = tpu.vector_load %arg13[%get3A_475] {strides = array<i32>} : memref<32000xf32, #tpu.memory_space<vmem>>, vector<16xf32>,
        %mul3A_477 = arith.constant 16 : i32
        %mul3A_478 = vector.broadcast %mul3A_477 : i32 to vector<16xi32>
        %mul3A_479 = arith.muli %iota3A, %mul3A_478 : vector<16xi32>
        %mul3A_480 = arith.constant 256 : i32
        %mul3A_481 = arith.muli %mul3A_480, %scan3A_366 : i32
        %add3A_482 = arith.constant 7 : i32
        %add3A_483 = arith.addi %mul3A_481, %add3A_482 : i32
        %add3A_484 = vector.broadcast %add3A_483 : i32 to vector<16xi32>
        %add3A_485 = arith.addi %mul3A_479, %add3A_484 : vector<16xi32>
        tpu.vector_store_idx %arg14[%add3A_485], %get3A_476 : memref<32000xf32, #tpu.memory_space<vmem>>[vector<16xi32>], vector<16xf32>,
        %mul3A_486 = arith.constant 16 : i32
        %mul3A_487 = arith.muli %mul3A_486, %scan3A_366 : i32
        %add3A_488 = arith.constant 16000 : i32
        %add3A_489 = arith.addi %add3A_488, %mul3A_487 : i32
        %get3A_490 = arith.index_cast %add3A_489 : i32 to index
        %get3A_491 = tpu.vector_load %arg13[%get3A_490] {strides = array<i32>} : memref<32000xf32, #tpu.memory_space<vmem>>, vector<16xf32>,
        %mul3A_492 = arith.constant 16 : i32
        %mul3A_493 = vector.broadcast %mul3A_492 : i32 to vector<16xi32>
        %mul3A_494 = arith.muli %iota3A, %mul3A_493 : vector<16xi32>
        %mul3A_495 = arith.constant 256 : i32
        %mul3A_496 = arith.muli %mul3A_495, %scan3A_366 : i32
        %add3A_497 = arith.constant 8 : i32
        %add3A_498 = arith.addi %mul3A_496, %add3A_497 : i32
        %add3A_499 = vector.broadcast %add3A_498 : i32 to vector<16xi32>
        %add3A_500 = arith.addi %mul3A_494, %add3A_499 : vector<16xi32>
        tpu.vector_store_idx %arg14[%add3A_500], %get3A_491 : memref<32000xf32, #tpu.memory_space<vmem>>[vector<16xi32>], vector<16xf32>,
        %mul3A_501 = arith.constant 16 : i32
        %mul3A_502 = arith.muli %mul3A_501, %scan3A_366 : i32
        %add3A_503 = arith.constant 18000 : i32
        %add3A_504 = arith.addi %add3A_503, %mul3A_502 : i32
        %get3A_505 = arith.index_cast %add3A_504 : i32 to index
        %get3A_506 = tpu.vector_load %arg13[%get3A_505] {strides = array<i32>} : memref<32000xf32, #tpu.memory_space<vmem>>, vector<16xf32>,
        %mul3A_507 = arith.constant 16 : i32
        %mul3A_508 = vector.broadcast %mul3A_507 : i32 to vector<16xi32>
        %mul3A_509 = arith.muli %iota3A, %mul3A_508 : vector<16xi32>
        %mul3A_510 = arith.constant 256 : i32
        %mul3A_511 = arith.muli %mul3A_510, %scan3A_366 : i32
        %add3A_512 = arith.constant 9 : i32
        %add3A_513 = arith.addi %mul3A_511, %add3A_512 : i32
        %add3A_514 = vector.broadcast %add3A_513 : i32 to vector<16xi32>
        %add3A_515 = arith.addi %mul3A_509, %add3A_514 : vector<16xi32>
        tpu.vector_store_idx %arg14[%add3A_515], %get3A_506 : memref<32000xf32, #tpu.memory_space<vmem>>[vector<16xi32>], vector<16xf32>,
        %mul3A_516 = arith.constant 16 : i32
        %mul3A_517 = arith.muli %mul3A_516, %scan3A_366 : i32
        %add3A_518 = arith.constant 20000 : i32
        %add3A_519 = arith.addi %add3A_518, %mul3A_517 : i32
        %get3A_520 = arith.index_cast %add3A_519 : i32 to index
        %get3A_521 = tpu.vector_load %arg13[%get3A_520] {strides = array<i32>} : memref<32000xf32, #tpu.memory_space<vmem>>, vector<16xf32>,
        %mul3A_522 = arith.constant 16 : i32
        %mul3A_523 = vector.broadcast %mul3A_522 : i32 to vector<16xi32>
        %mul3A_524 = arith.muli %iota3A, %mul3A_523 : vector<16xi32>
        %mul3A_525 = arith.constant 256 : i32
        %mul3A_526 = arith.muli %mul3A_525, %scan3A_366 : i32
        %add3A_527 = arith.constant 10 : i32
        %add3A_528 = arith.addi %mul3A_526, %add3A_527 : i32
        %add3A_529 = vector.broadcast %add3A_528 : i32 to vector<16xi32>
        %add3A_530 = arith.addi %mul3A_524, %add3A_529 : vector<16xi32>
        tpu.vector_store_idx %arg14[%add3A_530], %get3A_521 : memref<32000xf32, #tpu.memory_space<vmem>>[vector<16xi32>], vector<16xf32>,
        %mul3A_531 = arith.constant 16 : i32
        %mul3A_532 = arith.muli %mul3A_531, %scan3A_366 : i32
        %add3A_533 = arith.constant 22000 : i32
        %add3A_534 = arith.addi %add3A_533, %mul3A_532 : i32
        %get3A_535 = arith.index_cast %add3A_534 : i32 to index
        %get3A_536 = tpu.vector_load %arg13[%get3A_535] {strides = array<i32>} : memref<32000xf32, #tpu.memory_space<vmem>>, vector<16xf32>,
        %mul3A_537 = arith.constant 16 : i32
        %mul3A_538 = vector.broadcast %mul3A_537 : i32 to vector<16xi32>
        %mul3A_539 = arith.muli %iota3A, %mul3A_538 : vector<16xi32>
        %mul3A_540 = arith.constant 256 : i32
        %mul3A_541 = arith.muli %mul3A_540, %scan3A_366 : i32
        %add3A_542 = arith.constant 11 : i32
        %add3A_543 = arith.addi %mul3A_541, %add3A_542 : i32
        %add3A_544 = vector.broadcast %add3A_543 : i32 to vector<16xi32>
        %add3A_545 = arith.addi %mul3A_539, %add3A_544 : vector<16xi32>
        tpu.vector_store_idx %arg14[%add3A_545], %get3A_536 : memref<32000xf32, #tpu.memory_space<vmem>>[vector<16xi32>], vector<16xf32>,
        %mul3A_546 = arith.constant 16 : i32
        %mul3A_547 = arith.muli %mul3A_546, %scan3A_366 : i32
        %add3A_548 = arith.constant 24000 : i32
        %add3A_549 = arith.addi %add3A_548, %mul3A_547 : i32
        %get3A_550 = arith.index_cast %add3A_549 : i32 to index
        %get3A_551 = tpu.vector_load %arg13[%get3A_550] {strides = array<i32>} : memref<32000xf32, #tpu.memory_space<vmem>>, vector<16xf32>,
        %mul3A_552 = arith.constant 16 : i32
        %mul3A_553 = vector.broadcast %mul3A_552 : i32 to vector<16xi32>
        %mul3A_554 = arith.muli %iota3A, %mul3A_553 : vector<16xi32>
        %mul3A_555 = arith.constant 256 : i32
        %mul3A_556 = arith.muli %mul3A_555, %scan3A_366 : i32
        %add3A_557 = arith.constant 12 : i32
        %add3A_558 = arith.addi %mul3A_556, %add3A_557 : i32
        %add3A_559 = vector.broadcast %add3A_558 : i32 to vector<16xi32>
        %add3A_560 = arith.addi %mul3A_554, %add3A_559 : vector<16xi32>
        tpu.vector_store_idx %arg14[%add3A_560], %get3A_551 : memref<32000xf32, #tpu.memory_space<vmem>>[vector<16xi32>], vector<16xf32>,
        %mul3A_561 = arith.constant 16 : i32
        %mul3A_562 = arith.muli %mul3A_561, %scan3A_366 : i32
        %add3A_563 = arith.constant 26000 : i32
        %add3A_564 = arith.addi %add3A_563, %mul3A_562 : i32
        %get3A_565 = arith.index_cast %add3A_564 : i32 to index
        %get3A_566 = tpu.vector_load %arg13[%get3A_565] {strides = array<i32>} : memref<32000xf32, #tpu.memory_space<vmem>>, vector<16xf32>,
        %mul3A_567 = arith.constant 16 : i32
        %mul3A_568 = vector.broadcast %mul3A_567 : i32 to vector<16xi32>
        %mul3A_569 = arith.muli %iota3A, %mul3A_568 : vector<16xi32>
        %mul3A_570 = arith.constant 256 : i32
        %mul3A_571 = arith.muli %mul3A_570, %scan3A_366 : i32
        %add3A_572 = arith.constant 13 : i32
        %add3A_573 = arith.addi %mul3A_571, %add3A_572 : i32
        %add3A_574 = vector.broadcast %add3A_573 : i32 to vector<16xi32>
        %add3A_575 = arith.addi %mul3A_569, %add3A_574 : vector<16xi32>
        tpu.vector_store_idx %arg14[%add3A_575], %get3A_566 : memref<32000xf32, #tpu.memory_space<vmem>>[vector<16xi32>], vector<16xf32>,
        %mul3A_576 = arith.constant 16 : i32
        %mul3A_577 = arith.muli %mul3A_576, %scan3A_366 : i32
        %add3A_578 = arith.constant 28000 : i32
        %add3A_579 = arith.addi %add3A_578, %mul3A_577 : i32
        %get3A_580 = arith.index_cast %add3A_579 : i32 to index
        %get3A_581 = tpu.vector_load %arg13[%get3A_580] {strides = array<i32>} : memref<32000xf32, #tpu.memory_space<vmem>>, vector<16xf32>,
        %mul3A_582 = arith.constant 16 : i32
        %mul3A_583 = vector.broadcast %mul3A_582 : i32 to vector<16xi32>
        %mul3A_584 = arith.muli %iota3A, %mul3A_583 : vector<16xi32>
        %mul3A_585 = arith.constant 256 : i32
        %mul3A_586 = arith.muli %mul3A_585, %scan3A_366 : i32
        %add3A_587 = arith.constant 14 : i32
        %add3A_588 = arith.addi %mul3A_586, %add3A_587 : i32
        %add3A_589 = vector.broadcast %add3A_588 : i32 to vector<16xi32>
        %add3A_590 = arith.addi %mul3A_584, %add3A_589 : vector<16xi32>
        tpu.vector_store_idx %arg14[%add3A_590], %get3A_581 : memref<32000xf32, #tpu.memory_space<vmem>>[vector<16xi32>], vector<16xf32>,
        %mul3A_591 = arith.constant 16 : i32
        %mul3A_592 = arith.muli %mul3A_591, %scan3A_366 : i32
        %add3A_593 = arith.constant 30000 : i32
        %add3A_594 = arith.addi %add3A_593, %mul3A_592 : i32
        %get3A_595 = arith.index_cast %add3A_594 : i32 to index
        %get3A_596 = tpu.vector_load %arg13[%get3A_595] {strides = array<i32>} : memref<32000xf32, #tpu.memory_space<vmem>>, vector<16xf32>,
        %mul3A_597 = arith.constant 16 : i32
        %mul3A_598 = vector.broadcast %mul3A_597 : i32 to vector<16xi32>
        %mul3A_599 = arith.muli %iota3A, %mul3A_598 : vector<16xi32>
        %mul3A_600 = arith.constant 256 : i32
        %mul3A_601 = arith.muli %mul3A_600, %scan3A_366 : i32
        %add3A_602 = arith.constant 15 : i32
        %add3A_603 = arith.addi %mul3A_601, %add3A_602 : i32
        %add3A_604 = vector.broadcast %add3A_603 : i32 to vector<16xi32>
        %add3A_605 = arith.addi %mul3A_599, %add3A_604 : vector<16xi32>
        tpu.vector_store_idx %arg14[%add3A_605], %get3A_596 : memref<32000xf32, #tpu.memory_space<vmem>>[vector<16xi32>], vector<16xf32>,
      }
      %scan3A_360 = arith.constant 125 : i32
      %mul3A_361 = arith.constant 2000 : i32
      %mul3A_362 = arith.muli %scan3A_20, %mul3A_361 : i32
      %add3A_363 = arith.addi %mul3A_2, %mul3A_362 : i32
      %mul3A_364 = arith.constant 16 : i32
      %mul3A_365 = arith.muli %add3A_363, %mul3A_364 : i32
      "tpu.region"() ({
        %run_scoped3A = tpu.sem_alloc : memref<!tpu.dma_semaphore, #tpu.memory_space<semaphore_mem>>
        %dma_start3A_366 = tpu.memref_slice %arg9[%mul3A_365] : memref<5120000xf32, #tpu.memory_space<hbm>> -> memref<32000xf32, #tpu.memory_space<hbm>>
        %dma_start3A_367 = tpu.memref_slice %arg9[%mul3A_365] : memref<5120000xf32, #tpu.memory_space<hbm>> -> memref<32000xf32, #tpu.memory_space<hbm>>
        tpu.enqueue_dma source(%arg14 : memref<32000xf32, #tpu.memory_space<vmem>>) target(%dma_start3A_367 : memref<32000xf32, #tpu.memory_space<hbm>>) target_semaphore(%run_scoped3A : memref<!tpu.dma_semaphore, #tpu.memory_space<semaphore_mem>>)
        %dma_wait3A_368 = tpu.memref_slice %arg9[%mul3A_365] : memref<5120000xf32, #tpu.memory_space<hbm>> -> memref<32000xf32, #tpu.memory_space<hbm>>
        %dma_wait3A_369 = tpu.memref_slice %arg9[%mul3A_365] : memref<5120000xf32, #tpu.memory_space<hbm>> -> memref<32000xf32, #tpu.memory_space<hbm>>
        tpu.wait_dma2 semaphore(%run_scoped3A : memref<!tpu.dma_semaphore, #tpu.memory_space<semaphore_mem>>) src(%arg14 : memref<32000xf32, #tpu.memory_space<vmem>>) dst(%dma_wait3A_369 : memref<32000xf32, #tpu.memory_space<hbm>>)
        tpu.yield
      }) : () -> ()
    }
    %scan3A_19 = arith.constant 5 : i32
    return
  }
}

module attributes {stable_mosaic.version = 14 : i64} {
  func.func @_prep_body(%arg0: i32, %arg1: memref<2000x128xf32, #tpu.memory_space<vmem>>, %arg2: memref<128x16xf32, #tpu.memory_space<vmem>>, %arg3: memref<128x16xf32, #tpu.memory_space<vmem>>, %arg4: memref<2000x16xf32, #tpu.memory_space<vmem>>, %arg5: memref<2000x16xf32, #tpu.memory_space<vmem>>) attributes {dimension_semantics = [#tpu.dimension_semantics<arbitrary>], iteration_bounds = array<i64: 5>, scalar_prefetch = 0 : i64, scratch_operands = 0 : i64, tpu.core_type = #tpu.core_type<tc>, window_params = [{transform_indices = @transform_0, window_bounds = array<i64: 2000, 128>}, {pipeline_mode = #tpu.pipeline_mode<synchronous>, transform_indices = @transform_1, window_bounds = array<i64: 128, 16>}, {pipeline_mode = #tpu.pipeline_mode<synchronous>, transform_indices = @transform_2, window_bounds = array<i64: 128, 16>}, {transform_indices = @transform_3, window_bounds = array<i64: 2000, 16>}, {transform_indices = @transform_4, window_bounds = array<i64: 2000, 16>}]} {
    %get3A = arith.constant 0 : index
    %get3A_0 = arith.constant 0 : index
    %get3A_1 = vector.load %arg1[%get3A, %get3A_0] : memref<2000x128xf32, #tpu.memory_space<vmem>>, vector<2000x128xf32>
    %get3A_2 = arith.constant 0 : index
    %get3A_3 = arith.constant 0 : index
    %get3A_4 = vector.load %arg2[%get3A_2, %get3A_3] : memref<128x16xf32, #tpu.memory_space<vmem>>, vector<128x16xf32>
    %dot_general3A = arith.constant dense<0.000000e+00> : vector<2000x16xf32>
    %dot_general3A_5 = tpu.matmul %get3A_1, %get3A_4, %dot_general3A {dimension_numbers = #tpu.dot_dimension_numbers<[1], [0], [0], [1], [0, 0, 1, 1], [], []>, transpose_lhs_hint = false} : vector<2000x128xf32>, vector<128x16xf32>, vector<2000x16xf32> -> vector<2000x16xf32>
    %swap3A = arith.constant 0 : index
    %swap3A_6 = arith.constant 0 : index
    %swap3A_7 = vector.load %arg4[%swap3A, %swap3A_6] : memref<2000x16xf32, #tpu.memory_space<vmem>>, vector<2000x16xf32>
    tpu.vector_store %arg4[%swap3A, %swap3A_6], %dot_general3A_5 {strides = array<i32>} : memref<2000x16xf32, #tpu.memory_space<vmem>>, vector<2000x16xf32>,
    %get3A_8 = arith.constant 0 : index
    %get3A_9 = arith.constant 0 : index
    %get3A_10 = vector.load %arg3[%get3A_8, %get3A_9] : memref<128x16xf32, #tpu.memory_space<vmem>>, vector<128x16xf32>
    %dot_general3A_11 = arith.constant dense<0.000000e+00> : vector<2000x16xf32>
    %dot_general3A_12 = tpu.matmul %get3A_1, %get3A_10, %dot_general3A_11 {dimension_numbers = #tpu.dot_dimension_numbers<[1], [0], [0], [1], [0, 0, 1, 1], [], []>, transpose_lhs_hint = false} : vector<2000x128xf32>, vector<128x16xf32>, vector<2000x16xf32> -> vector<2000x16xf32>
    %swap3A_13 = arith.constant 0 : index
    %swap3A_14 = arith.constant 0 : index
    %swap3A_15 = vector.load %arg5[%swap3A_13, %swap3A_14] : memref<2000x16xf32, #tpu.memory_space<vmem>>, vector<2000x16xf32>
    tpu.vector_store %arg5[%swap3A_13, %swap3A_14], %dot_general3A_12 {strides = array<i32>} : memref<2000x16xf32, #tpu.memory_space<vmem>>, vector<2000x16xf32>,
    return
  }
  func.func @transform_0(%arg0: i32) -> (i32, i32) {
    %c0_i32 = arith.constant 0 : i32
    %c0_i32_0 = arith.constant 0 : i32
    return %arg0, %c0_i32 : i32, i32
  }
  func.func @transform_1(%arg0: i32) -> (i32, i32) {
    %c0_i32 = arith.constant 0 : i32
    %c0_i32_0 = arith.constant 0 : i32
    %c0_i32_1 = arith.constant 0 : i32
    return %c0_i32, %c0_i32_0 : i32, i32
  }
  func.func @transform_2(%arg0: i32) -> (i32, i32) {
    %c0_i32 = arith.constant 0 : i32
    %c0_i32_0 = arith.constant 0 : i32
    %c0_i32_1 = arith.constant 0 : i32
    return %c0_i32, %c0_i32_0 : i32, i32
  }
  func.func @transform_3(%arg0: i32) -> (i32, i32) {
    %c0_i32 = arith.constant 0 : i32
    %c0_i32_0 = arith.constant 0 : i32
    return %arg0, %c0_i32 : i32, i32
  }
  func.func @transform_4(%arg0: i32) -> (i32, i32) {
    %c0_i32 = arith.constant 0 : i32
    %c0_i32_0 = arith.constant 0 : i32
    return %arg0, %c0_i32 : i32, i32
  }
}

module attributes {stable_mosaic.version = 14 : i64} {
  func.func @_edge_body(%arg0: i32, %arg1: memref<2000x128xf32, #tpu.memory_space<vmem>>, %arg2: memref<2000x128xf32, #tpu.memory_space<vmem>>, %arg3: memref<2000x128xf32, #tpu.memory_space<vmem>>, %arg4: memref<128x128xf32, #tpu.memory_space<vmem>>, %arg5: memref<1x128xf32, #tpu.memory_space<vmem>>, %arg6: memref<128x128xf32, #tpu.memory_space<vmem>>, %arg7: memref<1x128xf32, #tpu.memory_space<vmem>>, %arg8: memref<128x128xf32, #tpu.memory_space<vmem>>, %arg9: memref<1x128xf32, #tpu.memory_space<vmem>>, %arg10: memref<128x128xf32, #tpu.memory_space<vmem>>, %arg11: memref<1x128xf32, #tpu.memory_space<vmem>>, %arg12: memref<1x128xf32, #tpu.memory_space<vmem>>, %arg13: memref<2000x128xf32, #tpu.memory_space<vmem>>) attributes {dimension_semantics = [#tpu.dimension_semantics<arbitrary>], iteration_bounds = array<i64: 20>, scalar_prefetch = 0 : i64, scratch_operands = 0 : i64, tpu.core_type = #tpu.core_type<tc>, window_params = [{transform_indices = @transform_0, window_bounds = array<i64: 2000, 128>}, {transform_indices = @transform_1, window_bounds = array<i64: 2000, 128>}, {transform_indices = @transform_2, window_bounds = array<i64: 2000, 128>}, {pipeline_mode = #tpu.pipeline_mode<synchronous>, transform_indices = @transform_3, window_bounds = array<i64: 128, 128>}, {pipeline_mode = #tpu.pipeline_mode<synchronous>, transform_indices = @transform_4, window_bounds = array<i64: 1, 128>}, {pipeline_mode = #tpu.pipeline_mode<synchronous>, transform_indices = @transform_5, window_bounds = array<i64: 128, 128>}, {pipeline_mode = #tpu.pipeline_mode<synchronous>, transform_indices = @transform_6, window_bounds = array<i64: 1, 128>}, {pipeline_mode = #tpu.pipeline_mode<synchronous>, transform_indices = @transform_7, window_bounds = array<i64: 128, 128>}, {pipeline_mode = #tpu.pipeline_mode<synchronous>, transform_indices = @transform_8, window_bounds = array<i64: 1, 128>}, {pipeline_mode = #tpu.pipeline_mode<synchronous>, transform_indices = @transform_9, window_bounds = array<i64: 128, 128>}, {pipeline_mode = #tpu.pipeline_mode<synchronous>, transform_indices = @transform_10, window_bounds = array<i64: 1, 128>}, {pipeline_mode = #tpu.pipeline_mode<synchronous>, transform_indices = @transform_11, window_bounds = array<i64: 1, 128>}, {transform_indices = @transform_12, window_bounds = array<i64: 2000, 128>}]} {
    %get3A = arith.constant 0 : index
    %get3A_0 = arith.constant 0 : index
    %get3A_1 = vector.load %arg3[%get3A, %get3A_0] : memref<2000x128xf32, #tpu.memory_space<vmem>>, vector<2000x128xf32>
    %get3A_2 = arith.constant 0 : index
    %get3A_3 = arith.constant 0 : index
    %get3A_4 = vector.load %arg1[%get3A_2, %get3A_3] : memref<2000x128xf32, #tpu.memory_space<vmem>>, vector<2000x128xf32>
    %get3A_5 = arith.constant 0 : index
    %get3A_6 = arith.constant 0 : index
    %get3A_7 = vector.load %arg2[%get3A_5, %get3A_6] : memref<2000x128xf32, #tpu.memory_space<vmem>>, vector<2000x128xf32>
    %add3A = arith.addf %get3A_4, %get3A_7 : vector<2000x128xf32>
    %get3A_8 = arith.constant 0 : index
    %get3A_9 = arith.constant 0 : index
    %get3A_10 = vector.load %arg4[%get3A_8, %get3A_9] : memref<128x128xf32, #tpu.memory_space<vmem>>, vector<128x128xf32>
    %dot_general3A = arith.constant dense<0.000000e+00> : vector<2000x128xf32>
    %dot_general3A_11 = tpu.matmul %get3A_1, %get3A_10, %dot_general3A {dimension_numbers = #tpu.dot_dimension_numbers<[1], [0], [0], [1], [0, 0, 1, 1], [], []>, transpose_lhs_hint = false} : vector<2000x128xf32>, vector<128x128xf32>, vector<2000x128xf32> -> vector<2000x128xf32>
    %add3A_12 = arith.addf %add3A, %dot_general3A_11 : vector<2000x128xf32>
    %get3A_13 = arith.constant 0 : index
    %get3A_14 = arith.constant 0 : index
    %get3A_15 = vector.load %arg5[%get3A_13, %get3A_14] : memref<1x128xf32, #tpu.memory_space<vmem>>, vector<1x128xf32>
    %add3A_16 = vector.broadcast %get3A_15 : vector<1x128xf32> to vector<2000x128xf32>
    %add3A_17 = arith.addf %add3A_12, %add3A_16 : vector<2000x128xf32>
    %logistic3A = arith.negf %add3A_17 : vector<2000x128xf32>
    %logistic3A_18 = math.exp %logistic3A : vector<2000x128xf32>
    %logistic3A_19 = arith.constant 1.000000e+00 : f32
    %logistic3A_20 = vector.broadcast %logistic3A_19 : f32 to vector<2000x128xf32>
    %logistic3A_21 = arith.addf %logistic3A_20, %logistic3A_18 : vector<2000x128xf32>
    %logistic3A_22 = arith.divf %logistic3A_20, %logistic3A_21 : vector<2000x128xf32>
    %mul3A = arith.mulf %add3A_17, %logistic3A_22 : vector<2000x128xf32>
    %get3A_23 = arith.constant 0 : index
    %get3A_24 = arith.constant 0 : index
    %get3A_25 = vector.load %arg6[%get3A_23, %get3A_24] : memref<128x128xf32, #tpu.memory_space<vmem>>, vector<128x128xf32>
    %dot_general3A_26 = arith.constant dense<0.000000e+00> : vector<2000x128xf32>
    %dot_general3A_27 = tpu.matmul %mul3A, %get3A_25, %dot_general3A_26 {dimension_numbers = #tpu.dot_dimension_numbers<[1], [0], [0], [1], [0, 0, 1, 1], [], []>, transpose_lhs_hint = false} : vector<2000x128xf32>, vector<128x128xf32>, vector<2000x128xf32> -> vector<2000x128xf32>
    %get3A_28 = arith.constant 0 : index
    %get3A_29 = arith.constant 0 : index
    %get3A_30 = vector.load %arg7[%get3A_28, %get3A_29] : memref<1x128xf32, #tpu.memory_space<vmem>>, vector<1x128xf32>
    %add3A_31 = vector.broadcast %get3A_30 : vector<1x128xf32> to vector<2000x128xf32>
    %add3A_32 = arith.addf %dot_general3A_27, %add3A_31 : vector<2000x128xf32>
    %logistic3A_33 = arith.negf %add3A_32 : vector<2000x128xf32>
    %logistic3A_34 = math.exp %logistic3A_33 : vector<2000x128xf32>
    %logistic3A_35 = arith.constant 1.000000e+00 : f32
    %logistic3A_36 = vector.broadcast %logistic3A_35 : f32 to vector<2000x128xf32>
    %logistic3A_37 = arith.addf %logistic3A_36, %logistic3A_34 : vector<2000x128xf32>
    %logistic3A_38 = arith.divf %logistic3A_36, %logistic3A_37 : vector<2000x128xf32>
    %mul3A_39 = arith.mulf %add3A_32, %logistic3A_38 : vector<2000x128xf32>
    %get3A_40 = arith.constant 0 : index
    %get3A_41 = arith.constant 0 : index
    %get3A_42 = vector.load %arg8[%get3A_40, %get3A_41] : memref<128x128xf32, #tpu.memory_space<vmem>>, vector<128x128xf32>
    %dot_general3A_43 = arith.constant dense<0.000000e+00> : vector<2000x128xf32>
    %dot_general3A_44 = tpu.matmul %mul3A_39, %get3A_42, %dot_general3A_43 {dimension_numbers = #tpu.dot_dimension_numbers<[1], [0], [0], [1], [0, 0, 1, 1], [], []>, transpose_lhs_hint = false} : vector<2000x128xf32>, vector<128x128xf32>, vector<2000x128xf32> -> vector<2000x128xf32>
    %get3A_45 = arith.constant 0 : index
    %get3A_46 = arith.constant 0 : index
    %get3A_47 = vector.load %arg9[%get3A_45, %get3A_46] : memref<1x128xf32, #tpu.memory_space<vmem>>, vector<1x128xf32>
    %add3A_48 = vector.broadcast %get3A_47 : vector<1x128xf32> to vector<2000x128xf32>
    %add3A_49 = arith.addf %dot_general3A_44, %add3A_48 : vector<2000x128xf32>
    %get3A_50 = arith.constant 0 : index
    %get3A_51 = arith.constant 0 : index
    %get3A_52 = vector.load %arg10[%get3A_50, %get3A_51] : memref<128x128xf32, #tpu.memory_space<vmem>>, vector<128x128xf32>
    %dot_general3A_53 = arith.constant dense<0.000000e+00> : vector<2000x128xf32>
    %dot_general3A_54 = tpu.matmul %add3A_49, %get3A_52, %dot_general3A_53 {dimension_numbers = #tpu.dot_dimension_numbers<[1], [0], [0], [1], [0, 0, 1, 1], [], []>, transpose_lhs_hint = false} : vector<2000x128xf32>, vector<128x128xf32>, vector<2000x128xf32> -> vector<2000x128xf32>
    %sub3A = arith.subf %add3A_49, %dot_general3A_54 : vector<2000x128xf32>
    %mul3A_55 = arith.mulf %sub3A, %sub3A : vector<2000x128xf32>
    %dot_general3A_56 = arith.constant dense<0.000000e+00> : vector<2000x128xf32>
    %dot_general3A_57 = tpu.matmul %mul3A_55, %get3A_52, %dot_general3A_56 {dimension_numbers = #tpu.dot_dimension_numbers<[1], [0], [0], [1], [0, 0, 1, 1], [], []>, transpose_lhs_hint = false} : vector<2000x128xf32>, vector<128x128xf32>, vector<2000x128xf32> -> vector<2000x128xf32>
    %add3A_58 = arith.constant 9.99999974E-6 : f32
    %add3A_59 = vector.broadcast %add3A_58 : f32 to vector<2000x128xf32>
    %add3A_60 = arith.addf %dot_general3A_57, %add3A_59 : vector<2000x128xf32>
    %rsqrt3A = math.rsqrt %add3A_60 : vector<2000x128xf32>
    %mul3A_61 = arith.mulf %sub3A, %rsqrt3A : vector<2000x128xf32>
    %get3A_62 = arith.constant 0 : index
    %get3A_63 = arith.constant 0 : index
    %get3A_64 = vector.load %arg11[%get3A_62, %get3A_63] : memref<1x128xf32, #tpu.memory_space<vmem>>, vector<1x128xf32>
    %mul3A_65 = vector.broadcast %get3A_64 : vector<1x128xf32> to vector<2000x128xf32>
    %mul3A_66 = arith.mulf %mul3A_61, %mul3A_65 : vector<2000x128xf32>
    %add3A_67 = arith.addf %get3A_1, %mul3A_66 : vector<2000x128xf32>
    %get3A_68 = arith.constant 0 : index
    %get3A_69 = arith.constant 0 : index
    %get3A_70 = vector.load %arg12[%get3A_68, %get3A_69] : memref<1x128xf32, #tpu.memory_space<vmem>>, vector<1x128xf32>
    %add3A_71 = vector.broadcast %get3A_70 : vector<1x128xf32> to vector<2000x128xf32>
    %add3A_72 = arith.addf %add3A_67, %add3A_71 : vector<2000x128xf32>
    %swap3A = arith.constant 0 : index
    %swap3A_73 = arith.constant 0 : index
    %swap3A_74 = vector.load %arg13[%swap3A, %swap3A_73] : memref<2000x128xf32, #tpu.memory_space<vmem>>, vector<2000x128xf32>
    tpu.vector_store %arg13[%swap3A, %swap3A_73], %add3A_72 {strides = array<i32>} : memref<2000x128xf32, #tpu.memory_space<vmem>>, vector<2000x128xf32>,
    return
  }
  func.func @transform_0(%arg0: i32) -> (i32, i32) {
    %c0_i32 = arith.constant 0 : i32
    %c0_i32_0 = arith.constant 0 : i32
    return %arg0, %c0_i32 : i32, i32
  }
  func.func @transform_1(%arg0: i32) -> (i32, i32) {
    %c0_i32 = arith.constant 0 : i32
    %c0_i32_0 = arith.constant 0 : i32
    return %arg0, %c0_i32 : i32, i32
  }
  func.func @transform_2(%arg0: i32) -> (i32, i32) {
    %c0_i32 = arith.constant 0 : i32
    %c0_i32_0 = arith.constant 0 : i32
    return %arg0, %c0_i32 : i32, i32
  }
  func.func @transform_3(%arg0: i32) -> (i32, i32) {
    %c0_i32 = arith.constant 0 : i32
    %c0_i32_0 = arith.constant 0 : i32
    %c0_i32_1 = arith.constant 0 : i32
    return %c0_i32, %c0_i32_0 : i32, i32
  }
  func.func @transform_4(%arg0: i32) -> (i32, i32) {
    %c0_i32 = arith.constant 0 : i32
    %c0_i32_0 = arith.constant 0 : i32
    %c0_i32_1 = arith.constant 0 : i32
    return %c0_i32, %c0_i32_0 : i32, i32
  }
  func.func @transform_5(%arg0: i32) -> (i32, i32) {
    %c0_i32 = arith.constant 0 : i32
    %c0_i32_0 = arith.constant 0 : i32
    %c0_i32_1 = arith.constant 0 : i32
    return %c0_i32, %c0_i32_0 : i32, i32
  }
  func.func @transform_6(%arg0: i32) -> (i32, i32) {
    %c0_i32 = arith.constant 0 : i32
    %c0_i32_0 = arith.constant 0 : i32
    %c0_i32_1 = arith.constant 0 : i32
    return %c0_i32, %c0_i32_0 : i32, i32
  }
  func.func @transform_7(%arg0: i32) -> (i32, i32) {
    %c0_i32 = arith.constant 0 : i32
    %c0_i32_0 = arith.constant 0 : i32
    %c0_i32_1 = arith.constant 0 : i32
    return %c0_i32, %c0_i32_0 : i32, i32
  }
  func.func @transform_8(%arg0: i32) -> (i32, i32) {
    %c0_i32 = arith.constant 0 : i32
    %c0_i32_0 = arith.constant 0 : i32
    %c0_i32_1 = arith.constant 0 : i32
    return %c0_i32, %c0_i32_0 : i32, i32
  }
  func.func @transform_9(%arg0: i32) -> (i32, i32) {
    %c0_i32 = arith.constant 0 : i32
    %c0_i32_0 = arith.constant 0 : i32
    %c0_i32_1 = arith.constant 0 : i32
    return %c0_i32, %c0_i32_0 : i32, i32
  }
  func.func @transform_10(%arg0: i32) -> (i32, i32) {
    %c0_i32 = arith.constant 0 : i32
    %c0_i32_0 = arith.constant 0 : i32
    %c0_i32_1 = arith.constant 0 : i32
    return %c0_i32, %c0_i32_0 : i32, i32
  }
  func.func @transform_11(%arg0: i32) -> (i32, i32) {
    %c0_i32 = arith.constant 0 : i32
    %c0_i32_0 = arith.constant 0 : i32
    %c0_i32_1 = arith.constant 0 : i32
    return %c0_i32, %c0_i32_0 : i32, i32
  }
  func.func @transform_12(%arg0: i32) -> (i32, i32) {
    %c0_i32 = arith.constant 0 : i32
    %c0_i32_0 = arith.constant 0 : i32
    return %arg0, %c0_i32 : i32, i32
  }
}

module attributes {stable_mosaic.version = 14 : i64} {
  func.func @_node_body(%arg0: i32, %arg1: memref<2000x128xf32, #tpu.memory_space<vmem>>, %arg2: memref<2000x16xf32, #tpu.memory_space<vmem>>, %arg3: memref<2000x16xf32, #tpu.memory_space<vmem>>, %arg4: memref<128x128xf32, #tpu.memory_space<vmem>>, %arg5: memref<16x128xf32, #tpu.memory_space<vmem>>, %arg6: memref<1x128xf32, #tpu.memory_space<vmem>>, %arg7: memref<128x128xf32, #tpu.memory_space<vmem>>, %arg8: memref<1x128xf32, #tpu.memory_space<vmem>>, %arg9: memref<128x128xf32, #tpu.memory_space<vmem>>, %arg10: memref<1x128xf32, #tpu.memory_space<vmem>>, %arg11: memref<1x128xf32, #tpu.memory_space<vmem>>, %arg12: memref<1x128xf32, #tpu.memory_space<vmem>>, %arg13: memref<2000x128xf32, #tpu.memory_space<vmem>>) attributes {dimension_semantics = [#tpu.dimension_semantics<arbitrary>], iteration_bounds = array<i64: 5>, scalar_prefetch = 0 : i64, scratch_operands = 0 : i64, tpu.core_type = #tpu.core_type<tc>, window_params = [{transform_indices = @transform_0, window_bounds = array<i64: 2000, 128>}, {transform_indices = @transform_1, window_bounds = array<i64: 2000, 16>}, {transform_indices = @transform_2, window_bounds = array<i64: 2000, 16>}, {pipeline_mode = #tpu.pipeline_mode<synchronous>, transform_indices = @transform_3, window_bounds = array<i64: 128, 128>}, {pipeline_mode = #tpu.pipeline_mode<synchronous>, transform_indices = @transform_4, window_bounds = array<i64: 16, 128>}, {pipeline_mode = #tpu.pipeline_mode<synchronous>, transform_indices = @transform_5, window_bounds = array<i64: 1, 128>}, {pipeline_mode = #tpu.pipeline_mode<synchronous>, transform_indices = @transform_6, window_bounds = array<i64: 128, 128>}, {pipeline_mode = #tpu.pipeline_mode<synchronous>, transform_indices = @transform_7, window_bounds = array<i64: 1, 128>}, {pipeline_mode = #tpu.pipeline_mode<synchronous>, transform_indices = @transform_8, window_bounds = array<i64: 128, 128>}, {pipeline_mode = #tpu.pipeline_mode<synchronous>, transform_indices = @transform_9, window_bounds = array<i64: 1, 128>}, {pipeline_mode = #tpu.pipeline_mode<synchronous>, transform_indices = @transform_10, window_bounds = array<i64: 1, 128>}, {pipeline_mode = #tpu.pipeline_mode<synchronous>, transform_indices = @transform_11, window_bounds = array<i64: 1, 128>}, {transform_indices = @transform_12, window_bounds = array<i64: 2000, 128>}]} {
    %get3A = arith.constant 0 : index
    %get3A_0 = arith.constant 0 : index
    %get3A_1 = vector.load %arg1[%get3A, %get3A_0] : memref<2000x128xf32, #tpu.memory_space<vmem>>, vector<2000x128xf32>
    %get3A_2 = arith.constant 0 : index
    %get3A_3 = arith.constant 0 : index
    %get3A_4 = vector.load %arg2[%get3A_2, %get3A_3] : memref<2000x16xf32, #tpu.memory_space<vmem>>, vector<2000x16xf32>
    %get3A_5 = arith.constant 0 : index
    %get3A_6 = arith.constant 0 : index
    %get3A_7 = vector.load %arg3[%get3A_5, %get3A_6] : memref<2000x16xf32, #tpu.memory_space<vmem>>, vector<2000x16xf32>
    %add3A = arith.addf %get3A_4, %get3A_7 : vector<2000x16xf32>
    %get3A_8 = arith.constant 0 : index
    %get3A_9 = arith.constant 0 : index
    %get3A_10 = vector.load %arg4[%get3A_8, %get3A_9] : memref<128x128xf32, #tpu.memory_space<vmem>>, vector<128x128xf32>
    %dot_general3A = arith.constant dense<0.000000e+00> : vector<2000x128xf32>
    %dot_general3A_11 = tpu.matmul %get3A_1, %get3A_10, %dot_general3A {dimension_numbers = #tpu.dot_dimension_numbers<[1], [0], [0], [1], [0, 0, 1, 1], [], []>, transpose_lhs_hint = false} : vector<2000x128xf32>, vector<128x128xf32>, vector<2000x128xf32> -> vector<2000x128xf32>
    %get3A_12 = arith.constant 0 : index
    %get3A_13 = arith.constant 0 : index
    %get3A_14 = vector.load %arg5[%get3A_12, %get3A_13] : memref<16x128xf32, #tpu.memory_space<vmem>>, vector<16x128xf32>
    %dot_general3A_15 = arith.constant dense<0.000000e+00> : vector<2000x128xf32>
    %dot_general3A_16 = tpu.matmul %add3A, %get3A_14, %dot_general3A_15 {dimension_numbers = #tpu.dot_dimension_numbers<[1], [0], [0], [1], [0, 0, 1, 1], [], []>, transpose_lhs_hint = false} : vector<2000x16xf32>, vector<16x128xf32>, vector<2000x128xf32> -> vector<2000x128xf32>
    %add3A_17 = arith.addf %dot_general3A_11, %dot_general3A_16 : vector<2000x128xf32>
    %get3A_18 = arith.constant 0 : index
    %get3A_19 = arith.constant 0 : index
    %get3A_20 = vector.load %arg6[%get3A_18, %get3A_19] : memref<1x128xf32, #tpu.memory_space<vmem>>, vector<1x128xf32>
    %add3A_21 = vector.broadcast %get3A_20 : vector<1x128xf32> to vector<2000x128xf32>
    %add3A_22 = arith.addf %add3A_17, %add3A_21 : vector<2000x128xf32>
    %logistic3A = arith.negf %add3A_22 : vector<2000x128xf32>
    %logistic3A_23 = math.exp %logistic3A : vector<2000x128xf32>
    %logistic3A_24 = arith.constant 1.000000e+00 : f32
    %logistic3A_25 = vector.broadcast %logistic3A_24 : f32 to vector<2000x128xf32>
    %logistic3A_26 = arith.addf %logistic3A_25, %logistic3A_23 : vector<2000x128xf32>
    %logistic3A_27 = arith.divf %logistic3A_25, %logistic3A_26 : vector<2000x128xf32>
    %mul3A = arith.mulf %add3A_22, %logistic3A_27 : vector<2000x128xf32>
    %get3A_28 = arith.constant 0 : index
    %get3A_29 = arith.constant 0 : index
    %get3A_30 = vector.load %arg7[%get3A_28, %get3A_29] : memref<128x128xf32, #tpu.memory_space<vmem>>, vector<128x128xf32>
    %dot_general3A_31 = arith.constant dense<0.000000e+00> : vector<2000x128xf32>
    %dot_general3A_32 = tpu.matmul %mul3A, %get3A_30, %dot_general3A_31 {dimension_numbers = #tpu.dot_dimension_numbers<[1], [0], [0], [1], [0, 0, 1, 1], [], []>, transpose_lhs_hint = false} : vector<2000x128xf32>, vector<128x128xf32>, vector<2000x128xf32> -> vector<2000x128xf32>
    %get3A_33 = arith.constant 0 : index
    %get3A_34 = arith.constant 0 : index
    %get3A_35 = vector.load %arg8[%get3A_33, %get3A_34] : memref<1x128xf32, #tpu.memory_space<vmem>>, vector<1x128xf32>
    %add3A_36 = vector.broadcast %get3A_35 : vector<1x128xf32> to vector<2000x128xf32>
    %add3A_37 = arith.addf %dot_general3A_32, %add3A_36 : vector<2000x128xf32>
    %logistic3A_38 = arith.negf %add3A_37 : vector<2000x128xf32>
    %logistic3A_39 = math.exp %logistic3A_38 : vector<2000x128xf32>
    %logistic3A_40 = arith.constant 1.000000e+00 : f32
    %logistic3A_41 = vector.broadcast %logistic3A_40 : f32 to vector<2000x128xf32>
    %logistic3A_42 = arith.addf %logistic3A_41, %logistic3A_39 : vector<2000x128xf32>
    %logistic3A_43 = arith.divf %logistic3A_41, %logistic3A_42 : vector<2000x128xf32>
    %mul3A_44 = arith.mulf %add3A_37, %logistic3A_43 : vector<2000x128xf32>
    %get3A_45 = arith.constant 0 : index
    %get3A_46 = arith.constant 0 : index
    %get3A_47 = vector.load %arg9[%get3A_45, %get3A_46] : memref<128x128xf32, #tpu.memory_space<vmem>>, vector<128x128xf32>
    %dot_general3A_48 = arith.constant dense<0.000000e+00> : vector<2000x128xf32>
    %dot_general3A_49 = tpu.matmul %mul3A_44, %get3A_47, %dot_general3A_48 {dimension_numbers = #tpu.dot_dimension_numbers<[1], [0], [0], [1], [0, 0, 1, 1], [], []>, transpose_lhs_hint = false} : vector<2000x128xf32>, vector<128x128xf32>, vector<2000x128xf32> -> vector<2000x128xf32>
    %get3A_50 = arith.constant 0 : index
    %get3A_51 = arith.constant 0 : index
    %get3A_52 = vector.load %arg10[%get3A_50, %get3A_51] : memref<1x128xf32, #tpu.memory_space<vmem>>, vector<1x128xf32>
    %add3A_53 = vector.broadcast %get3A_52 : vector<1x128xf32> to vector<2000x128xf32>
    %add3A_54 = arith.addf %dot_general3A_49, %add3A_53 : vector<2000x128xf32>
    %reduce_sum3A = arith.constant dense<0.000000e+00> : vector<2000xf32>
    %reduce_sum3A_55 = vector.multi_reduction <add>, %add3A_54, %reduce_sum3A [1] : vector<2000x128xf32> to vector<2000xf32>
    %broadcast_in_dim3A = vector.shape_cast %reduce_sum3A_55 : vector<2000xf32> to vector<2000x1xf32>
    %div3A = arith.constant 1.280000e+02 : f32
    %div3A_56 = vector.broadcast %div3A : f32 to vector<2000x1xf32>
    %div3A_57 = arith.divf %broadcast_in_dim3A, %div3A_56 : vector<2000x1xf32>
    %sub3A = vector.broadcast %div3A_57 : vector<2000x1xf32> to vector<2000x128xf32>
    %sub3A_58 = arith.subf %add3A_54, %sub3A : vector<2000x128xf32>
    %mul3A_59 = arith.mulf %sub3A_58, %sub3A_58 : vector<2000x128xf32>
    %reduce_sum3A_60 = arith.constant dense<0.000000e+00> : vector<2000xf32>
    %reduce_sum3A_61 = vector.multi_reduction <add>, %mul3A_59, %reduce_sum3A_60 [1] : vector<2000x128xf32> to vector<2000xf32>
    %broadcast_in_dim3A_62 = vector.shape_cast %reduce_sum3A_61 : vector<2000xf32> to vector<2000x1xf32>
    %div3A_63 = arith.constant 1.280000e+02 : f32
    %div3A_64 = vector.broadcast %div3A_63 : f32 to vector<2000x1xf32>
    %div3A_65 = arith.divf %broadcast_in_dim3A_62, %div3A_64 : vector<2000x1xf32>
    %add3A_66 = arith.constant 9.99999974E-6 : f32
    %add3A_67 = vector.broadcast %add3A_66 : f32 to vector<2000x1xf32>
    %add3A_68 = arith.addf %div3A_65, %add3A_67 : vector<2000x1xf32>
    %rsqrt3A = math.rsqrt %add3A_68 : vector<2000x1xf32>
    %mul3A_69 = vector.broadcast %rsqrt3A : vector<2000x1xf32> to vector<2000x128xf32>
    %mul3A_70 = arith.mulf %sub3A_58, %mul3A_69 : vector<2000x128xf32>
    %get3A_71 = arith.constant 0 : index
    %get3A_72 = arith.constant 0 : index
    %get3A_73 = vector.load %arg11[%get3A_71, %get3A_72] : memref<1x128xf32, #tpu.memory_space<vmem>>, vector<1x128xf32>
    %mul3A_74 = vector.broadcast %get3A_73 : vector<1x128xf32> to vector<2000x128xf32>
    %mul3A_75 = arith.mulf %mul3A_70, %mul3A_74 : vector<2000x128xf32>
    %add3A_76 = arith.addf %get3A_1, %mul3A_75 : vector<2000x128xf32>
    %get3A_77 = arith.constant 0 : index
    %get3A_78 = arith.constant 0 : index
    %get3A_79 = vector.load %arg12[%get3A_77, %get3A_78] : memref<1x128xf32, #tpu.memory_space<vmem>>, vector<1x128xf32>
    %add3A_80 = vector.broadcast %get3A_79 : vector<1x128xf32> to vector<2000x128xf32>
    %add3A_81 = arith.addf %add3A_76, %add3A_80 : vector<2000x128xf32>
    %swap3A = arith.constant 0 : index
    %swap3A_82 = arith.constant 0 : index
    %swap3A_83 = vector.load %arg13[%swap3A, %swap3A_82] : memref<2000x128xf32, #tpu.memory_space<vmem>>, vector<2000x128xf32>
    tpu.vector_store %arg13[%swap3A, %swap3A_82], %add3A_81 {strides = array<i32>} : memref<2000x128xf32, #tpu.memory_space<vmem>>, vector<2000x128xf32>,
    return
  }
  func.func @transform_0(%arg0: i32) -> (i32, i32) {
    %c0_i32 = arith.constant 0 : i32
    %c0_i32_0 = arith.constant 0 : i32
    return %arg0, %c0_i32 : i32, i32
  }
  func.func @transform_1(%arg0: i32) -> (i32, i32) {
    %c0_i32 = arith.constant 0 : i32
    %c0_i32_0 = arith.constant 0 : i32
    return %arg0, %c0_i32 : i32, i32
  }
  func.func @transform_2(%arg0: i32) -> (i32, i32) {
    %c0_i32 = arith.constant 0 : i32
    %c0_i32_0 = arith.constant 0 : i32
    return %arg0, %c0_i32 : i32, i32
  }
  func.func @transform_3(%arg0: i32) -> (i32, i32) {
    %c0_i32 = arith.constant 0 : i32
    %c0_i32_0 = arith.constant 0 : i32
    %c0_i32_1 = arith.constant 0 : i32
    return %c0_i32, %c0_i32_0 : i32, i32
  }
  func.func @transform_4(%arg0: i32) -> (i32, i32) {
    %c0_i32 = arith.constant 0 : i32
    %c0_i32_0 = arith.constant 0 : i32
    %c0_i32_1 = arith.constant 0 : i32
    return %c0_i32, %c0_i32_0 : i32, i32
  }
  func.func @transform_5(%arg0: i32) -> (i32, i32) {
    %c0_i32 = arith.constant 0 : i32
    %c0_i32_0 = arith.constant 0 : i32
    %c0_i32_1 = arith.constant 0 : i32
    return %c0_i32, %c0_i32_0 : i32, i32
  }
  func.func @transform_6(%arg0: i32) -> (i32, i32) {
    %c0_i32 = arith.constant 0 : i32
    %c0_i32_0 = arith.constant 0 : i32
    %c0_i32_1 = arith.constant 0 : i32
    return %c0_i32, %c0_i32_0 : i32, i32
  }
  func.func @transform_7(%arg0: i32) -> (i32, i32) {
    %c0_i32 = arith.constant 0 : i32
    %c0_i32_0 = arith.constant 0 : i32
    %c0_i32_1 = arith.constant 0 : i32
    return %c0_i32, %c0_i32_0 : i32, i32
  }
  func.func @transform_8(%arg0: i32) -> (i32, i32) {
    %c0_i32 = arith.constant 0 : i32
    %c0_i32_0 = arith.constant 0 : i32
    %c0_i32_1 = arith.constant 0 : i32
    return %c0_i32, %c0_i32_0 : i32, i32
  }
  func.func @transform_9(%arg0: i32) -> (i32, i32) {
    %c0_i32 = arith.constant 0 : i32
    %c0_i32_0 = arith.constant 0 : i32
    %c0_i32_1 = arith.constant 0 : i32
    return %c0_i32, %c0_i32_0 : i32, i32
  }
  func.func @transform_10(%arg0: i32) -> (i32, i32) {
    %c0_i32 = arith.constant 0 : i32
    %c0_i32_0 = arith.constant 0 : i32
    %c0_i32_1 = arith.constant 0 : i32
    return %c0_i32, %c0_i32_0 : i32, i32
  }
  func.func @transform_11(%arg0: i32) -> (i32, i32) {
    %c0_i32 = arith.constant 0 : i32
    %c0_i32_0 = arith.constant 0 : i32
    %c0_i32_1 = arith.constant 0 : i32
    return %c0_i32, %c0_i32_0 : i32, i32
  }
  func.func @transform_12(%arg0: i32) -> (i32, i32) {
    %c0_i32 = arith.constant 0 : i32
    %c0_i32_0 = arith.constant 0 : i32
    return %arg0, %c0_i32 : i32, i32
  }
}

</mosaic_0001>

<sc_bundles>
// kernel: kernel.10.cloned.1.call-start
scs
__scs_entry_jumppad:
0x0: {  	(pc) =	sbr.rel $0x88, $3  }
0x1: {  	(tag) =	ssettag $0x0;
	lr =	simm.s32 $0x1  }
0x2: {  	[smem:$0x3F8E] =	sst lr;
	_ =	strace $0xD0000000  }
0x3: {  	_ = 	snop  }
0x4: {  	_ = 	snop  }
0x5: {  	_ = 	snop  }
0x6: {  	_ = 	snop  }
0x7: {  	_ = 	snop  }
__scs_overlays_trampoline_lowered:
0x8: {  	[smem:$0x3F9D] =	sst s0  }
0x9: {  	[smem:$0x3F9E] =	sst s1  }
0xa: {  	[smem:$0x3F9F] =	sst s2  }
0xb: {  	[smem:$0x3FA0] =	sst s3  }
0xc: {  	[smem:$0x3FA1] =	sst s4  }
0xd: {  	[smem:$0x3FA2] =	sst s5  }
0xe: {  	[smem:$0x3FA3] =	sst s6  }
0xf: {  	[smem:$0x3FA4] =	sst s7  }
0x10: {  	[smem:$0x3FA5] =	sst s8  }
0x11: {  	[smem:$0x3FA6] =	sst s9;
	s0 =	simm.s32 @!p0 $0x0  }
0x12: {  	s1 =	sld [smem:$0x3F8C];
	s0 =	simm.s32 @p0 $0x1  }
0x13: {  	[smem:$0x3FA7] =	sst s0;
	s0 =	simm.s32 @!p1 $0x0  }
0x14: {  	s2 =	sld [smem:$0x3F8B];
	s0 =	simm.s32 @p1 $0x1  }
0x15: {  	[smem:$0x3FA8] =	sst s0;
	s0 =	simm.s32 @!p2 $0x0  }
0x16: {  	s3 =	sld [smem:$0x3FDB];
	s0 =	simm.s32 @p2 $0x1  }
0x17: {  	s4 =	simm.s32 $0x1BF5;
	[smem:$0x3FAA] =	sst s0  }
0x18: {  	s0 =	sld [smem:$0x3F8D];
	_ =	swait.ge [sflag:s4], $0x0  }
0x19: {  	s7 =	sld [smem:$0x3F8E]  }
0x1a: {  	s8 =	sadd.s32 $0xFFFFE003, lr  }
0x1b: {  	s9 =	sadd.s32 $0xFFFFFEF7, lr;
	s5 =	simm.s32 $0xFFFFFFFF;
	p2 =	slt.u32 s8, $0xFFFFF086  }
0x1c: {  	p1 =	slt.u32 s9, $0xF7A;
	s5 =	simm.s32 @!p2 $0x0  }
0x1d: {  	s5 =	simm.s32 @p1 $0x1;
	p0 =	seq.s32 s7, s2  }
0x1e: {  	s7 =	smul.u32 @!p0 $0xF7A, s2;
	p2 =	seq.s32 @!p0 s5, $0x0  }
0x1f: {  	s9 =	smul.u32 $0xF7A, s1;
	s8 =	simm.s32 @!p0 $0x1BF5;
	p2 =	por !p2, p0  }
0x20: {  	[sflag:s8] =	ssyncset.s32 @!p0 $0xFFFFF086;
	s6 =	sadd.s32 @!p0 s3, s7;
	s7 =	simm.s32 @!p0 $0x108  }
0x21: {  	s3 =	sadd.s32 s3, s9;
	s6 =	sadd.s32 @!p0 $0x88, s6;
	s7 =	simm.s32 @p2 $0x1082  }
0x22: {  	[simem:s7], [sflag:s8] =	dma.local @!p0 [hbm:s6], $0xF7A  }
0x23: {  	s9 =	sor.u32 $0xD0000000, s2;
	s6 =	simm.s32 $0x108;
	_ =	swait.ge @!p0 [sflag:s8], $0x0  }
0x24: {  	s3 =	sadd.s32 $0x88, s3;
	s6 =	simm.s32 @!p1 $0x1082;
	[sflag:s4] =	ssyncset.s32 $0xFFFFF086  }
0x25: {  	[simem:s6], [sflag:s4] =	dma.local [hbm:s3], $0xF7A  }
0x26: {  	[smem:$0x3F8E] =	sst s1;
	(tag) =	ssettag s2;
	_ =	strace s9  }
0x27: {  	s1 =	sld [smem:$0x3F9E]  }
0x28: {  	s2 =	sld [smem:$0x3F9F]  }
0x29: {  	s4 =	sld [smem:$0x3FA1]  }
0x2a: {  	p0 =	seq.s32 s5, $0x0;
	s5 =	sld [smem:$0x3FA2]  }
0x2b: {  	s6 =	sld [smem:$0x3FA3]  }
0x2c: {  	s7 =	sld [smem:$0x3FA4]  }
0x2d: {  	s3 =	simm.s32 $0x108;
	s8 =	sld [smem:$0x3FA5]  }
0x2e: {  	s3 =	simm.s32 @!p0 $0x1082;
	s9 =	sld [smem:$0x3FA6]  }
0x2f: {  	lr =	sadd.s32 s0, s3;
	s0 =	sld [smem:$0x3F9D]  }
0x30: {  	s3 =	sld [smem:$0x3FA0]  }
0x31: {  	[smem:$0x3FA9] =	sst s10  }
0x32: {  	s10 =	sld [smem:$0x3FA7];
	_ =	sdelay $0x3  }
0x33: {  	p0 =	seq.s32 s10, $0x1;
	s10 =	sld [smem:$0x3FA9];
	_ =	sdelay $0x3  }
0x34: {  	[smem:$0x3FA9] =	sst s10  }
0x35: {  	s10 =	sld [smem:$0x3FA8];
	_ =	sdelay $0x3  }
0x36: {  	p1 =	seq.s32 s10, $0x1;
	s10 =	sld [smem:$0x3FA9];
	_ =	sdelay $0x3  }
0x37: {  	[smem:$0x3FA9] =	sst s10  }
0x38: {  	s10 =	sld [smem:$0x3FAA]  }
0x39: {  	_ = 	snop;
	(pc) =	sbr.ind lr, $3  }
0x3a: {  	_ = 	snop  }
0x3b: {  	_ = 	snop  }
0x3c: {  	p2 =	seq.s32 s10, $0x1;
	s10 =	sld [smem:$0x3FA9]  }
0x3d: {  	_ =	shalt  }
0x3e: {  	_ =	shalt  }
0x3f: {  	_ =	shalt  }
0x40: {  	_ =	shalt  }
0x41: {  	_ =	shalt  }
0x42: {  	_ =	shalt  }
0x43: {  	_ =	shalt  }
0x44: {  	_ =	shalt  }
0x45: {  	_ =	shalt  }
0x46: {  	_ =	shalt  }
0x47: {  	_ =	shalt  }
0x48: {  	_ =	shalt  }
0x49: {  	_ =	shalt  }
0x4a: {  	_ =	shalt  }
0x4b: {  	_ =	shalt  }
0x4c: {  	_ =	shalt  }
0x4d: {  	_ =	shalt  }
0x4e: {  	_ =	shalt  }
0x4f: {  	_ =	shalt  }
0x50: {  	_ =	shalt  }
0x51: {  	_ =	shalt  }
0x52: {  	_ =	shalt  }
0x53: {  	_ =	shalt  }
0x54: {  	_ =	shalt  }
0x55: {  	_ =	shalt  }
0x56: {  	_ =	shalt  }
0x57: {  	_ =	shalt  }
0x58: {  	_ =	shalt  }
0x59: {  	_ =	shalt  }
0x5a: {  	_ =	shalt  }
0x5b: {  	_ =	shalt  }
0x5c: {  	_ =	shalt  }
0x5d: {  	_ =	shalt  }
0x5e: {  	_ =	shalt  }
0x5f: {  	_ =	shalt  }
0x60: {  	_ =	shalt  }
0x61: {  	_ =	shalt  }
0x62: {  	_ =	shalt  }
0x63: {  	_ =	shalt  }
0x64: {  	_ =	shalt  }
0x65: {  	_ =	shalt  }
0x66: {  	_ =	shalt  }
0x67: {  	_ =	shalt  }
0x68: {  	_ =	shalt  }
0x69: {  	_ =	shalt  }
0x6a: {  	_ =	shalt  }
0x6b: {  	_ =	shalt  }
0x6c: {  	_ =	shalt  }
0x6d: {  	_ =	shalt  }
0x6e: {  	_ =	shalt  }
0x6f: {  	_ =	shalt  }
0x70: {  	_ =	shalt  }
0x71: {  	_ =	shalt  }
0x72: {  	_ =	shalt  }
0x73: {  	_ =	shalt  }
0x74: {  	_ =	shalt  }
0x75: {  	_ =	shalt  }
0x76: {  	_ =	shalt  }
0x77: {  	_ =	shalt  }
0x78: {  	_ =	shalt  }
0x79: {  	_ =	shalt  }
0x7a: {  	_ =	shalt  }
0x7b: {  	_ =	shalt  }
0x7c: {  	_ =	shalt  }
0x7d: {  	_ =	shalt  }
0x7e: {  	_ =	shalt  }
0x7f: {  	_ =	shalt  }
0x80: {  	_ =	shalt  }
0x81: {  	_ =	shalt  }
0x82: {  	_ =	shalt  }
0x83: {  	_ =	shalt  }
0x84: {  	_ =	shalt  }
0x85: {  	_ =	shalt  }
0x86: {  	_ =	shalt  }
0x87: {  	_ =	shalt  }
.Lfunc_end0:
.L_simem_size_0:
called_computation.1_lowered:
.L_overlay_start_0:
0x88: {  	s2 =	sld [smem:$0x3FD9]  }
0x89: {  	s3 =	sld [smem:$0x3FFE];
	_ =	sdelay $0x1  }
0x8a: {  	s1 =	srdreg.scid  }
0x8b: {  	s0 =	sand.u32 $0x1, s1  }
0x8c: {  	s14 =	sshll.u32 s0, $0xA;
	s2 =	sadd.s32 s3, s2  }
0x8d: {  	s2 =	sadd.s32 s2, s14  }
0x8e: {  	[smem:$0x3FB5] =	sst s2  }
0x8f: {  	_ = 	snop  }
0x90: {  	s2 =	sld [smem:$0x3FD0];
	_ =	sdelay $0x2  }
0x91: {  	s15 =	simm.s32 $0xA;
	s4 =	simm.s32 $0x10  }
0x92: {  	[smem:s4], [sflag:s15] =	dma.local [hbm:s2], $0x1  }
0x93: {  	_ =	swait.eq [sflag:s15], $0x1  }
0x94: {  	[sflag:s15] =	ssyncset.done $0x0  }
0x95: {  	s16 =	sld [smem:$0x10];
	[sflag:s15] =	ssyncadd.s32 $0xFFFFFFFF  }
0x96: {  	s17 =	sld [smem:$0x11];
	(tm) =	ssettm $0x1  }
0x97: {  	s18 =	sld [smem:$0x3FFB];
	_ =	sdelay $0x3  }
0x98: {  	_ =	strace s18  }
0x99: {  	s4 =	sld [smem:$0x3FFC];
	_ =	sdelay $0x3  }
0x9a: {  	_ =	strace s4  }
0x9b: {  	s4 =	sld [smem:$0x3FFD];
	_ =	sdelay $0x3  }
0x9c: {  	_ =	strace s4  }
0x9d: {  	_ =	strace $0x8FFFFFFF  }
0x9e: {  	s19 =	sld [smem:$0x3FDB];
	_ =	sdelay $0x1  }
0x9f: {  	s5 =	simm.s32 $_scs_section_size  }
0xa0: {  	s6 =	simm.s32 $_size__tile_overlayer_lowered;
	s7 =	simm.s32 $_tile_overlayer_lowered  }
0xa1: {  	s22 =	simm.s32 $0x1BFF;
	s21 =	sshll.u32 s7, $0x1;
	s4 =	sadd.s32 s5, s19  }
0xa2: {  	s8 =	simm.s32 $0x0;
	s20 =	sshll.u32 s6, $0x1;
	s6 =	sadd.s32 s21, s4  }
0xa3: {  	[timem:s8], [sflag:s22] =	dma.local [hbm:s6], s20  }
0xa4: {  	_ =	swait.ge [sflag:s22], s20  }
0xa5: {  	s5 =	ssub.s32 $0x0, s20;
	[sflag:s22] =	ssyncset.done $0x0  }
0xa6: {  	[sflag:s22] =	ssyncadd.s32 s5;
	_ =	sdelay $0x1  }
0xa7: {  	s23 =	simm.s32 $0x1B8B  }
0xa8: {  	_ =	swait.ge [sflag:s23], $0x1  }
0xa9: {  	[sflag:s23] =	ssyncset.done $0x0  }
0xaa: {  	s25 =	simm.s32 $0x1B8E;
	s24 =	sld [smem:$0x3FFE];
	[sflag:s23] =	ssyncadd.s32 $0xFFFFFFFF  }
0xab: {  	s26 =	simm.s32 $execute0_lowered;
	[smem:$0x3FD2] =	sst s25  }
0xac: {  	s6 =	sshll.u32 s26, $0x1;
	_ =	strace $0x80000049;
	[dreg:$0x1] =	wrdreg $0xFFFFFFFF  }
0xad: {  	s28 =	simm.s32 $_size_execute0_lowered;
	s4 =	sadd.s32 s4, s6;
	[dreg:$0x0] =	wrdreg $0x0  }
0xae: {  	s6 =	sshll.u32 s28, $0x1;
	[dreg:$0x2] =	wrdreg s4  }
0xaf: {  	[dreg:$0x3] =	wrdreg s6  }
0xb0: {  	[dreg:$0x4] =	wrdreg $0xC0  }
0xb1: {  	_ =	task [dreg:s8], $0x5FFFF  }
0xb2: {  	[dreg:$0x1] =	wrdreg $0xFFFFFFFF  }
0xb3: {  	[dreg:$0x0] =	wrdreg $0x60  }
0xb4: {  	[dreg:$0x2] =	wrdreg s17  }
0xb5: {  	[dreg:$0x3] =	wrdreg s16  }
0xb6: {  	[dreg:$0x4] =	wrdreg s24  }
0xb7: {  	[dreg:$0x5] =	wrdreg $0x121100  }
0xb8: {  	[dreg:$0x6] =	wrdreg $0x9  }
0xb9: {  	_ =	task.clear_ibuf [dreg:s8], $0x7FFFF;
	_ =	strace $0x90000049  }
0xba: {  	s29 =	simm.s32 $0x9;
	_ =	strace $0x8000004B  }
0xbb: {  	_ =	swait.ge [sflag:s29], $0x1  }
0xbc: {  	[sflag:s29] =	ssyncadd.s32 $0xFFFFFFFF  }
0xbd: {  	_ =	strace $0x9000004B  }
0xbe: {  	_ =	sfence  }
0xbf: {  	s30 =	sld [smem:$0x0];
	_ =	sdelay $0x2  }
0xc0: {  	s31 =	sshll.u32 s1, $0xD;
	s1 =	sshrl.u32 s1, $0x2  }
0xc1: {  	s3 =	sand.u32 $0x4000, s31;
	s1 =	sadd.s32 s1, s30  }
0xc2: {  	s0 =	sor.u32 s3, s0;
	s1 =	sshll.u32 s1, $0x11  }
0xc3: {  	s0 =	sor.u32 s1, s0  }
0xc4: {  	s0 =	sadd.s32 $0x8F2B, s0  }
0xc5: {  	[sflag:s0] =	ssyncadd.remote.s32 $0x1  }
0xc6: {  	_ =	sfence.sel $0xFFFF  }
0xc7: {  	[dreg:$0x0] =	wrdreg $0xFFFFFFFF;
	(pc) =	sbr.abs _section_cstart, $3  }
0xc8: {  	[dreg:$0x1] =	wrdreg $0xFFFFFFFF  }
0xc9: {  	_ =	task.clear_ibuf [dreg:s8], $0x2FFFF;
	_ =	strace $0x9FFFFFFF  }
0xca: {  	(tm) =	ssettm $0x7FFFFFFF  }
0xcb: {  	_ =	shalt  }
tec
execute0_lowered:
.L_overlay_start_1:
0x0: {  	(tag) =	ssettag $0x1  }
0x1: {  	s0 =	rddreg [dreg:$0x1]  }
0x2: {  	s1 =	rddreg [dreg:$0x2];
	s12 =	stileid.u32  }
0x3: {  	s2 =	srdreg.scid;
	s3 =	rddreg [dreg:$0x3];
	s4 =	simm.s32 $0x0  }
0x4: {  	s13 =	simm.s32 $0x2;
	s14 =	simm.s32 $0x2710;
	s15 =	simm.s32 $0x50  }
0x5: {  	s16 =	simm.s32 $0xA410;
	s17 =	simm.s32 $0xABE0;
	s18 =	simm.s32 $0xB3B0  }
0x6: {  	s19 =	simm.s32 $0xBB80;
	s20 =	simm.s32 $0xC350;
	s21 =	simm.s32 $0xCB20  }
0x7: {  	s28 =	simm.s32 $0xFA00;
	s29 =	simm.s32 $0x101D0;
	s30 =	simm.s32 $0x109A0  }
0x8: {  	s31 =	simm.s32 $0x11170;
	s6 =	smul.u32 $0x2710, s12;
	s2 =	sand.u32 $0x1, s2  }
0x9: {  	[smem:$0x7FF] =	sst s4;
	s9 =	sshll.u32 s12, $0x1;
	s24 =	sshll.u32 s12, $0x6  }
0xa: {  	s5 =	smul.u32 $0x27100, s2;
	s8 =	ssub.s32 $0x2, s2;
	s2 =	sor.u32 s2, s9  }
0xb: {  	_ =	strace $0x8000004A;
	s7 =	sshrl.u32 s6, $0x3;
	s23 =	smul.u32 $0x4E2, s2  }
0xc: {  	s11 =	sshrl.u32 s8, $0x1;
	s9 =	smul.u32 $0x2710, s2;
	s2 =	simm.s32 $0x11940  }
0xd: {  	s7 =	sadd.s32 s7, s1;
	s5 =	sadd.s32 s6, s5;
	s22 =	ssub.s32 s8, s11  }
0xe: {  	s6 =	sadd.s32 s6, s3;
	s5 =	sshrl.u32 s5, $0x3;
	s7 =	sadd.s32 $0x4000, s7  }
0xf: {  	s0 =	sadd.s32 s0, s23;
	s26 =	smax.u32 s22, $0x1;
	s8 =	sshrl.u32 s6, $0x3  }
0x10: {  	s22 =	simm.s32 $0xD2F0;
	s23 =	simm.s32 $0xDAC0;
	[dreg:$0x5] =	wrdreg s7  }
0x11: {  	s10 =	sadd.s32 s5, s1;
	s5 =	sadd.s32 $0x12E00, s1;
	[dreg:$0x7] =	wrdreg s0  }
0x12: {  	s7 =	sor.u32 $0x1C02, s24;
	[dreg:$0x9] =	wrdreg s26;
	s1 =	simm.s32 $0x9F10  }
0x13: {  	v0 =	vlaneseq.u32;
	s24 =	simm.s32 $0xE290;
	s26 =	simm.s32 $0xF230;
	[dreg:$0xa] =	wrdreg s8  }
0x14: {  	v0 =	vmul.u32 $0x7D0, v0;
	s0 =	simm.s32 $0x1;
	s25 =	sadd.s32 $0x9000, s10;
	[dreg:$0x6] =	wrdreg s7  }
0x15: {  	s10 =	simm.s32 $0x0;
	[dreg:$0x8] =	wrdreg s25;
	s25 =	simm.s32 $0xEA60  }
.LBB2_1:
0x16: {  	[dreg:$0xb] =	wrdreg s10  }
0x17: {  	s6 =	rddreg [dreg:$0x5]  }
0x18: {  	[spmem:s8], [sflag:s7] =	dma.local [hbm:s6], $0x4E2  }
0x19: {  	_ =	swait.ge [sflag:s13], $0x4E2  }
0x1a: {  	[sflag:s13] =	ssyncset.done $0x0  }
0x1b: {  	[sflag:s13] =	ssyncadd.s32 $0xFFFFFB1E  }
0x1c: {  	[bflag:$0x0] =	sbarrier.arrive $0xFFFF  }
0x1d: {  	s12 =	rddreg [dreg:$0x7]  }
0x1e: {  	[tilespmem:s4], [sflag:$0x2] =	stream.linear.gather [hbm4b:s12+s4], $0x2710, $0x38;
	[tilespmem:$0x14820] =	vst v63  }
0x1f: {  	_ =	swait.ge [sflag:s13], $0x2710  }
0x20: {  	[sflag:s13] =	ssyncset.done $0x0  }
0x21: {  	s6 =	simm.s32 $0x0;
	[sflag:s13] =	ssyncadd.s32 $0xFFFFD8F0  }
.LBB2_2:
0x22: {  	s7 =	smul.u32 $0x7D0, s6;
	_ =	sdelay $0x1  }
0x23: {  	s8 =	sadd.s32 s9, s7  }
0x24: {  	s10 =	rddreg [dreg:$0x0];
	s7 =	sshll.u32 s8, $0x1  }
0x25: {  	s7 =	sadd.s32 s10, s7  }
0x26: {  	[tilespmem:s14], [sflag:$0x2] =	stream.linear.gather [hbm4b:s7+s4], $0x7D00, $0x38;
	[tilespmem:$0x14820] =	vst v63  }
0x27: {  	s10 =	smul.u32 $0x1F40, s6;
	_ =	swait.ge [sflag:s13], $0x7D00  }
0x28: {  	[sflag:s13] =	ssyncset.done $0x0  }
0x29: {  	s10 =	sshra.s32 s10, $0x2;
	[sflag:s13] =	ssyncadd.s32 $0xFFFF8300  }
0x2a: {  	[spmem:s3] =	stream.indirect.scatter.add.f32 [tilespmem:s14], [sflag:$0x2], $0x10, s10, s15, $0xb8;
	[tilespmem:$0x14820] =	vst v63  }
0x2b: {  	_ =	swait.ge [sflag:s13], $0x500  }
0x2c: {  	[sflag:s13] =	ssyncset.done $0x0  }
0x2d: {  	s11 =	simm.s32 $0x2C10;
	s7 =	sadd.s32 $0x50, s10;
	[sflag:s13] =	ssyncadd.s32 $0xFFFFFB00  }
0x2e: {  	[spmem:s3] =	stream.indirect.scatter.add.f32 [tilespmem:s11], [sflag:$0x2], $0x10, s7, s15, $0xb8;
	[tilespmem:$0x14820] =	vst v63  }
0x2f: {  	_ =	swait.ge [sflag:s13], $0x500  }
0x30: {  	[sflag:s13] =	ssyncset.done $0x0  }
0x31: {  	s12 =	simm.s32 $0x3110;
	s11 =	sadd.s32 $0xA0, s10;
	[sflag:s13] =	ssyncadd.s32 $0xFFFFFB00  }
0x32: {  	[spmem:s3] =	stream.indirect.scatter.add.f32 [tilespmem:s12], [sflag:$0x2], $0x10, s11, s15, $0xb8;
	[tilespmem:$0x14820] =	vst v63  }
0x33: {  	_ =	swait.ge [sflag:s13], $0x500  }
0x34: {  	[sflag:s13] =	ssyncset.done $0x0  }
0x35: {  	s11 =	sadd.s32 $0xF0, s10;
	s12 =	simm.s32 $0x3610;
	[sflag:s13] =	ssyncadd.s32 $0xFFFFFB00  }
0x36: {  	[spmem:s3] =	stream.indirect.scatter.add.f32 [tilespmem:s12], [sflag:$0x2], $0x10, s11, s15, $0xb8;
	[tilespmem:$0x14820] =	vst v63  }
0x37: {  	_ =	swait.ge [sflag:s13], $0x500  }
0x38: {  	[sflag:s13] =	ssyncset.done $0x0  }
0x39: {  	s11 =	sadd.s32 $0x140, s10;
	s12 =	simm.s32 $0x3B10;
	[sflag:s13] =	ssyncadd.s32 $0xFFFFFB00  }
0x3a: {  	[spmem:s3] =	stream.indirect.scatter.add.f32 [tilespmem:s12], [sflag:$0x2], $0x10, s11, s15, $0xb8;
	[tilespmem:$0x14820] =	vst v63  }
0x3b: {  	_ =	swait.ge [sflag:s13], $0x500  }
0x3c: {  	[sflag:s13] =	ssyncset.done $0x0  }
0x3d: {  	s11 =	sadd.s32 $0x190, s10;
	s12 =	simm.s32 $0x4010;
	[sflag:s13] =	ssyncadd.s32 $0xFFFFFB00  }
0x3e: {  	[spmem:s3] =	stream.indirect.scatter.add.f32 [tilespmem:s12], [sflag:$0x2], $0x10, s11, s15, $0xb8;
	[tilespmem:$0x14820] =	vst v63  }
0x3f: {  	_ =	swait.ge [sflag:s13], $0x500  }
0x40: {  	[sflag:s13] =	ssyncset.done $0x0  }
0x41: {  	s11 =	sadd.s32 $0x1E0, s10;
	s12 =	simm.s32 $0x4510;
	[sflag:s13] =	ssyncadd.s32 $0xFFFFFB00  }
0x42: {  	[spmem:s3] =	stream.indirect.scatter.add.f32 [tilespmem:s12], [sflag:$0x2], $0x10, s11, s15, $0xb8;
	[tilespmem:$0x14820] =	vst v63  }
0x43: {  	_ =	swait.ge [sflag:s13], $0x500  }
0x44: {  	[sflag:s13] =	ssyncset.done $0x0  }
0x45: {  	s11 =	sadd.s32 $0x230, s10;
	s12 =	simm.s32 $0x4A10;
	[sflag:s13] =	ssyncadd.s32 $0xFFFFFB00  }
0x46: {  	[spmem:s3] =	stream.indirect.scatter.add.f32 [tilespmem:s12], [sflag:$0x2], $0x10, s11, s15, $0xb8;
	[tilespmem:$0x14820] =	vst v63  }
0x47: {  	_ =	swait.ge [sflag:s13], $0x500  }
0x48: {  	[sflag:s13] =	ssyncset.done $0x0  }
0x49: {  	s11 =	sadd.s32 $0x280, s10;
	s12 =	simm.s32 $0x4F10;
	[sflag:s13] =	ssyncadd.s32 $0xFFFFFB00  }
0x4a: {  	[spmem:s3] =	stream.indirect.scatter.add.f32 [tilespmem:s12], [sflag:$0x2], $0x10, s11, s15, $0xb8;
	[tilespmem:$0x14820] =	vst v63  }
0x4b: {  	_ =	swait.ge [sflag:s13], $0x500  }
0x4c: {  	[sflag:s13] =	ssyncset.done $0x0  }
0x4d: {  	s11 =	sadd.s32 $0x2D0, s10;
	s12 =	simm.s32 $0x5410;
	[sflag:s13] =	ssyncadd.s32 $0xFFFFFB00  }
0x4e: {  	[spmem:s3] =	stream.indirect.scatter.add.f32 [tilespmem:s12], [sflag:$0x2], $0x10, s11, s15, $0xb8;
	[tilespmem:$0x14820] =	vst v63  }
0x4f: {  	_ =	swait.ge [sflag:s13], $0x500  }
0x50: {  	[sflag:s13] =	ssyncset.done $0x0  }
0x51: {  	s11 =	sadd.s32 $0x320, s10;
	s12 =	simm.s32 $0x5910;
	[sflag:s13] =	ssyncadd.s32 $0xFFFFFB00  }
0x52: {  	[spmem:s3] =	stream.indirect.scatter.add.f32 [tilespmem:s12], [sflag:$0x2], $0x10, s11, s15, $0xb8;
	[tilespmem:$0x14820] =	vst v63  }
0x53: {  	_ =	swait.ge [sflag:s13], $0x500  }
0x54: {  	[sflag:s13] =	ssyncset.done $0x0  }
0x55: {  	s11 =	sadd.s32 $0x370, s10;
	s12 =	simm.s32 $0x5E10;
	[sflag:s13] =	ssyncadd.s32 $0xFFFFFB00  }
0x56: {  	[spmem:s3] =	stream.indirect.scatter.add.f32 [tilespmem:s12], [sflag:$0x2], $0x10, s11, s15, $0xb8;
	[tilespmem:$0x14820] =	vst v63  }
0x57: {  	_ =	swait.ge [sflag:s13], $0x500  }
0x58: {  	[sflag:s13] =	ssyncset.done $0x0  }
0x59: {  	s11 =	sadd.s32 $0x3C0, s10;
	s12 =	simm.s32 $0x6310;
	[sflag:s13] =	ssyncadd.s32 $0xFFFFFB00  }
0x5a: {  	[spmem:s3] =	stream.indirect.scatter.add.f32 [tilespmem:s12], [sflag:$0x2], $0x10, s11, s15, $0xb8;
	[tilespmem:$0x14820] =	vst v63  }
0x5b: {  	_ =	swait.ge [sflag:s13], $0x500  }
0x5c: {  	[sflag:s13] =	ssyncset.done $0x0  }
0x5d: {  	s11 =	sadd.s32 $0x410, s10;
	s12 =	simm.s32 $0x6810;
	[sflag:s13] =	ssyncadd.s32 $0xFFFFFB00  }
0x5e: {  	[spmem:s3] =	stream.indirect.scatter.add.f32 [tilespmem:s12], [sflag:$0x2], $0x10, s11, s15, $0xb8;
	[tilespmem:$0x14820] =	vst v63  }
0x5f: {  	_ =	swait.ge [sflag:s13], $0x500  }
0x60: {  	[sflag:s13] =	ssyncset.done $0x0  }
0x61: {  	s11 =	sadd.s32 $0x460, s10;
	s12 =	simm.s32 $0x6D10;
	[sflag:s13] =	ssyncadd.s32 $0xFFFFFB00  }
0x62: {  	[spmem:s3] =	stream.indirect.scatter.add.f32 [tilespmem:s12], [sflag:$0x2], $0x10, s11, s15, $0xb8;
	[tilespmem:$0x14820] =	vst v63  }
0x63: {  	_ =	swait.ge [sflag:s13], $0x500  }
0x64: {  	[sflag:s13] =	ssyncset.done $0x0  }
0x65: {  	s11 =	sadd.s32 $0x4B0, s10;
	s12 =	simm.s32 $0x7210;
	[sflag:s13] =	ssyncadd.s32 $0xFFFFFB00  }
0x66: {  	[spmem:s3] =	stream.indirect.scatter.add.f32 [tilespmem:s12], [sflag:$0x2], $0x10, s11, s15, $0xb8;
	[tilespmem:$0x14820] =	vst v63  }
0x67: {  	_ =	swait.ge [sflag:s13], $0x500  }
0x68: {  	[sflag:s13] =	ssyncset.done $0x0  }
0x69: {  	s11 =	sadd.s32 $0x500, s10;
	s12 =	simm.s32 $0x7710;
	[sflag:s13] =	ssyncadd.s32 $0xFFFFFB00  }
0x6a: {  	[spmem:s3] =	stream.indirect.scatter.add.f32 [tilespmem:s12], [sflag:$0x2], $0x10, s11, s15, $0xb8;
	[tilespmem:$0x14820] =	vst v63  }
0x6b: {  	_ =	swait.ge [sflag:s13], $0x500  }
0x6c: {  	[sflag:s13] =	ssyncset.done $0x0  }
0x6d: {  	s11 =	sadd.s32 $0x550, s10;
	s12 =	simm.s32 $0x7C10;
	[sflag:s13] =	ssyncadd.s32 $0xFFFFFB00  }
0x6e: {  	[spmem:s3] =	stream.indirect.scatter.add.f32 [tilespmem:s12], [sflag:$0x2], $0x10, s11, s15, $0xb8;
	[tilespmem:$0x14820] =	vst v63  }
0x6f: {  	_ =	swait.ge [sflag:s13], $0x500  }
0x70: {  	[sflag:s13] =	ssyncset.done $0x0  }
0x71: {  	s11 =	sadd.s32 $0x5A0, s10;
	s12 =	simm.s32 $0x8110;
	[sflag:s13] =	ssyncadd.s32 $0xFFFFFB00  }
0x72: {  	[spmem:s3] =	stream.indirect.scatter.add.f32 [tilespmem:s12], [sflag:$0x2], $0x10, s11, s15, $0xb8;
	[tilespmem:$0x14820] =	vst v63  }
0x73: {  	_ =	swait.ge [sflag:s13], $0x500  }
0x74: {  	[sflag:s13] =	ssyncset.done $0x0  }
0x75: {  	s11 =	sadd.s32 $0x5F0, s10;
	s12 =	simm.s32 $0x8610;
	[sflag:s13] =	ssyncadd.s32 $0xFFFFFB00  }
0x76: {  	[spmem:s3] =	stream.indirect.scatter.add.f32 [tilespmem:s12], [sflag:$0x2], $0x10, s11, s15, $0xb8;
	[tilespmem:$0x14820] =	vst v63  }
0x77: {  	_ =	swait.ge [sflag:s13], $0x500  }
0x78: {  	[sflag:s13] =	ssyncset.done $0x0  }
0x79: {  	s11 =	sadd.s32 $0x640, s10;
	s12 =	simm.s32 $0x8B10;
	[sflag:s13] =	ssyncadd.s32 $0xFFFFFB00  }
0x7a: {  	[spmem:s3] =	stream.indirect.scatter.add.f32 [tilespmem:s12], [sflag:$0x2], $0x10, s11, s15, $0xb8;
	[tilespmem:$0x14820] =	vst v63  }
0x7b: {  	_ =	swait.ge [sflag:s13], $0x500  }
0x7c: {  	[sflag:s13] =	ssyncset.done $0x0  }
0x7d: {  	s11 =	sadd.s32 $0x690, s10;
	s12 =	simm.s32 $0x9010;
	[sflag:s13] =	ssyncadd.s32 $0xFFFFFB00  }
0x7e: {  	[spmem:s3] =	stream.indirect.scatter.add.f32 [tilespmem:s12], [sflag:$0x2], $0x10, s11, s15, $0xb8;
	[tilespmem:$0x14820] =	vst v63  }
0x7f: {  	_ =	swait.ge [sflag:s13], $0x500  }
0x80: {  	[sflag:s13] =	ssyncset.done $0x0  }
0x81: {  	s11 =	sadd.s32 $0x6E0, s10;
	s12 =	simm.s32 $0x9510;
	[sflag:s13] =	ssyncadd.s32 $0xFFFFFB00  }
0x82: {  	[spmem:s3] =	stream.indirect.scatter.add.f32 [tilespmem:s12], [sflag:$0x2], $0x10, s11, s15, $0xb8;
	[tilespmem:$0x14820] =	vst v63  }
0x83: {  	_ =	swait.ge [sflag:s13], $0x500  }
0x84: {  	[sflag:s13] =	ssyncset.done $0x0  }
0x85: {  	s11 =	sadd.s32 $0x730, s10;
	s12 =	simm.s32 $0x9A10;
	[sflag:s13] =	ssyncadd.s32 $0xFFFFFB00  }
0x86: {  	[spmem:s3] =	stream.indirect.scatter.add.f32 [tilespmem:s12], [sflag:$0x2], $0x10, s11, s15, $0xb8;
	[tilespmem:$0x14820] =	vst v63  }
0x87: {  	_ =	swait.ge [sflag:s13], $0x500  }
0x88: {  	[sflag:s13] =	ssyncset.done $0x0  }
0x89: {  	s12 =	sadd.s32 $0x780, s10;
	[sflag:s13] =	ssyncadd.s32 $0xFFFFFB00  }
0x8a: {  	[spmem:s3] =	stream.indirect.scatter.add.f32 [tilespmem:s1], [sflag:$0x2], $0x10, s12, s15, $0xb8;
	[tilespmem:$0x14820] =	vst v63  }
0x8b: {  	_ =	swait.ge [sflag:s13], $0x500  }
0x8c: {  	s7 =	simm.s32 $0xF;
	s11 =	simm.s32 $0x7;
	[sflag:s13] =	ssyncset.done $0x0  }
0x8d: {  	s10 =	simm.s32 $0x2750;
	s12 =	simm.s32 $0x0;
	[sflag:s13] =	ssyncadd.s32 $0xFFFFFB00  }
.LBB2_3:
0x8e: {  	p0 =	sne.s32 s7, $0x7CF;
	v1 =	vadd.s32 s12, v0;
	v2 =	vld [tilespmem:s10+$0xFFFFFFC0];
	_ =	sdelay $0x4  }
0x8f: {  	s12 =	sadd.s32 $0xFFFFFFFA, s11;
	[tilespmem:v1+s16+$0x0] =	vst.idx.msk $0xffff, v2  }
0x90: {  	v1 =	vadd.s32 s12, v0;
	v2 =	vld [tilespmem:s10+$0xFFFFFFD0];
	_ =	sdelay $0x4  }
0x91: {  	s12 =	sadd.s32 $0xFFFFFFFB, s11;
	[tilespmem:v1+s16+$0x0] =	vst.idx.msk $0xffff, v2  }
0x92: {  	v1 =	vadd.s32 s12, v0;
	v2 =	vld [tilespmem:s10+$0xFFFFFFE0];
	_ =	sdelay $0x4  }
0x93: {  	s12 =	sadd.s32 $0xFFFFFFFC, s11;
	[tilespmem:v1+s16+$0x0] =	vst.idx.msk $0xffff, v2  }
0x94: {  	v1 =	vadd.s32 s12, v0;
	v2 =	vld [tilespmem:s10+$0xFFFFFFF0];
	_ =	sdelay $0x4  }
0x95: {  	s12 =	sadd.s32 $0xFFFFFFFD, s11;
	[tilespmem:v1+s16+$0x0] =	vst.idx.msk $0xffff, v2  }
0x96: {  	v1 =	vadd.s32 s12, v0;
	v2 =	vld [tilespmem:s10+$0x0];
	_ =	sdelay $0x4  }
0x97: {  	s12 =	sadd.s32 $0xFFFFFFFE, s11;
	[tilespmem:v1+s16+$0x0] =	vst.idx.msk $0xffff, v2  }
0x98: {  	v1 =	vadd.s32 s12, v0;
	v2 =	vld [tilespmem:s10+$0x10];
	_ =	sdelay $0x4  }
0x99: {  	s12 =	sadd.s32 $0xFFFFFFFF, s11;
	[tilespmem:v1+s16+$0x0] =	vst.idx.msk $0xffff, v2  }
0x9a: {  	v1 =	vadd.s32 s12, v0;
	v2 =	vld [tilespmem:s10+$0x20];
	_ =	sdelay $0x4  }
0x9b: {  	[tilespmem:v1+s16+$0x0] =	vst.idx.msk $0xffff, v2  }
0x9c: {  	v1 =	vadd.s32 s11, v0;
	s11 =	smov.u32 s7;
	v2 =	vld [tilespmem:s10+$0x30]  }
.Ltmp0:
0x9d: {  	(pc) =	sbr.rel @p0 .LBB2_3-.Ltmp0, $2  }
0x9e: {  	_ =	sdelay $0x2  }
0x9f: {  	s7 =	sadd.s32 $0x8, s7;
	s12 =	sadd.s32 $0xFFFFFFF9, s11;
	s10 =	sadd.s32 $0x80, s10;
	[tilespmem:v1+s16+$0x0] =	vst.idx.msk $0xffff, v2  }
0xa0: {  	v1 =	vadd.s32 s12, v0;
	v2 =	vld [tilespmem:s10+$0xFFFFFFC0];
	_ =	sdelay $0x4  }
0xa1: {  	s7 =	sadd.s32 $0xFFFFFFFA, s11;
	[tilespmem:v1+s16+$0x0] =	vst.idx.msk $0xffff, v2  }
0xa2: {  	v1 =	vadd.s32 s7, v0;
	v2 =	vld [tilespmem:s10+$0xFFFFFFD0];
	_ =	sdelay $0x4  }
0xa3: {  	s12 =	sadd.s32 $0xFFFFFFFB, s11;
	[tilespmem:v1+s16+$0x0] =	vst.idx.msk $0xffff, v2  }
0xa4: {  	v1 =	vadd.s32 s12, v0;
	v2 =	vld [tilespmem:s10+$0xFFFFFFE0];
	_ =	sdelay $0x4  }
0xa5: {  	s12 =	sadd.s32 $0xFFFFFFFC, s11;
	[tilespmem:v1+s16+$0x0] =	vst.idx.msk $0xffff, v2  }
0xa6: {  	v1 =	vadd.s32 s12, v0;
	v2 =	vld [tilespmem:s10+$0xFFFFFFF0];
	_ =	sdelay $0x4  }
0xa7: {  	s12 =	sadd.s32 $0xFFFFFFFD, s11;
	[tilespmem:v1+s16+$0x0] =	vst.idx.msk $0xffff, v2  }
0xa8: {  	v1 =	vadd.s32 s12, v0;
	v2 =	vld [tilespmem:s10+$0x0];
	_ =	sdelay $0x4  }
0xa9: {  	s12 =	sadd.s32 $0xFFFFFFFE, s11;
	[tilespmem:v1+s16+$0x0] =	vst.idx.msk $0xffff, v2  }
0xaa: {  	v1 =	vadd.s32 s12, v0;
	v2 =	vld [tilespmem:s10+$0x10];
	_ =	sdelay $0x4  }
0xab: {  	s12 =	sadd.s32 $0xFFFFFFFF, s11;
	[tilespmem:v1+s16+$0x0] =	vst.idx.msk $0xffff, v2  }
0xac: {  	v1 =	vadd.s32 s12, v0;
	v2 =	vld [tilespmem:s10+$0x20];
	_ =	sdelay $0x4  }
0xad: {  	[tilespmem:v1+s16+$0x0] =	vst.idx.msk $0xffff, v2  }
0xae: {  	v1 =	vadd.s32 s11, v0;
	v2 =	vld [tilespmem:s10+$0x30];
	_ =	sdelay $0x3  }
0xaf: {  	s10 =	sshrl.u32 s8, $0x3  }
0xb0: {  	s7 =	sadd.s32 s5, s10;
	[tilespmem:v1+s16+$0x0] =	vst.idx.msk $0xffff, v2  }
0xb1: {  	[hbm4b:s7+s4] =	stream.linear.scatter [tilespmem:s16], [sflag:$0x1], $0x7D0, $0x38;
	[tilespmem:$0x14820] =	vst v63  }
0xb2: {  	s11 =	sadd.s32 $0x9C40, s7  }
0xb3: {  	[hbm4b:s11+s4] =	stream.linear.scatter [tilespmem:s17], [sflag:$0x1], $0x7D0, $0x38;
	[tilespmem:$0x14820] =	vst v63  }
0xb4: {  	s12 =	sadd.s32 $0x13880, s7  }
0xb5: {  	[hbm4b:s12+s4] =	stream.linear.scatter [tilespmem:s18], [sflag:$0x1], $0x7D0, $0x38;
	[tilespmem:$0x14820] =	vst v63  }
0xb6: {  	s10 =	sadd.s32 $0x1D4C0, s7  }
0xb7: {  	[hbm4b:s10+s4] =	stream.linear.scatter [tilespmem:s19], [sflag:$0x1], $0x7D0, $0x38;
	[tilespmem:$0x14820] =	vst v63  }
0xb8: {  	s11 =	sadd.s32 $0x27100, s7  }
0xb9: {  	[hbm4b:s11+s4] =	stream.linear.scatter [tilespmem:s20], [sflag:$0x1], $0x7D0, $0x38;
	[tilespmem:$0x14820] =	vst v63  }
0xba: {  	s12 =	sadd.s32 $0x30D40, s7  }
0xbb: {  	[hbm4b:s12+s4] =	stream.linear.scatter [tilespmem:s21], [sflag:$0x1], $0x7D0, $0x38;
	[tilespmem:$0x14820] =	vst v63  }
0xbc: {  	s10 =	sadd.s32 $0x3A980, s7  }
0xbd: {  	[hbm4b:s10+s4] =	stream.linear.scatter [tilespmem:s22], [sflag:$0x1], $0x7D0, $0x38;
	[tilespmem:$0x14820] =	vst v63  }
0xbe: {  	s11 =	sadd.s32 $0x445C0, s7  }
0xbf: {  	[hbm4b:s11+s4] =	stream.linear.scatter [tilespmem:s23], [sflag:$0x1], $0x7D0, $0x38;
	[tilespmem:$0x14820] =	vst v63  }
0xc0: {  	s12 =	sadd.s32 $0x4E200, s7  }
0xc1: {  	[hbm4b:s12+s4] =	stream.linear.scatter [tilespmem:s24], [sflag:$0x1], $0x7D0, $0x38;
	[tilespmem:$0x14820] =	vst v63  }
0xc2: {  	s10 =	sadd.s32 $0x57E40, s7  }
0xc3: {  	[hbm4b:s10+s4] =	stream.linear.scatter [tilespmem:s25], [sflag:$0x1], $0x7D0, $0x38;
	[tilespmem:$0x14820] =	vst v63  }
0xc4: {  	s11 =	sadd.s32 $0x61A80, s7  }
0xc5: {  	[hbm4b:s11+s4] =	stream.linear.scatter [tilespmem:s26], [sflag:$0x1], $0x7D0, $0x38;
	[tilespmem:$0x14820] =	vst v63  }
0xc6: {  	s12 =	sadd.s32 $0x6B6C0, s7  }
0xc7: {  	[hbm4b:s12+s4] =	stream.linear.scatter [tilespmem:s28], [sflag:$0x1], $0x7D0, $0x38;
	[tilespmem:$0x14820] =	vst v63  }
0xc8: {  	s10 =	sadd.s32 $0x75300, s7  }
0xc9: {  	[hbm4b:s10+s4] =	stream.linear.scatter [tilespmem:s29], [sflag:$0x1], $0x7D0, $0x38;
	[tilespmem:$0x14820] =	vst v63  }
0xca: {  	s11 =	sadd.s32 $0x7EF40, s7  }
0xcb: {  	[hbm4b:s11+s4] =	stream.linear.scatter [tilespmem:s30], [sflag:$0x1], $0x7D0, $0x38;
	[tilespmem:$0x14820] =	vst v63  }
0xcc: {  	s12 =	sadd.s32 $0x88B80, s7  }
0xcd: {  	[hbm4b:s12+s4] =	stream.linear.scatter [tilespmem:s31], [sflag:$0x1], $0x7D0, $0x38;
	[tilespmem:$0x14820] =	vst v63  }
0xce: {  	s7 =	sadd.s32 $0x927C0, s7  }
0xcf: {  	[hbm4b:s7+s4] =	stream.linear.scatter [tilespmem:s2], [sflag:$0x1], $0x7D0, $0x38;
	[tilespmem:$0x14820] =	vst v63  }
0xd0: {  	_ =	swait.ge [sflag:s0], $0x7D0  }
0xd1: {  	[sflag:s0] =	ssyncset.done $0x0  }
0xd2: {  	[sflag:s0] =	ssyncadd.s32 $0xFFFFF830  }
0xd3: {  	_ =	swait.ge [sflag:s0], $0x7D0  }
0xd4: {  	[sflag:s0] =	ssyncset.done $0x0  }
0xd5: {  	[sflag:s0] =	ssyncadd.s32 $0xFFFFF830  }
0xd6: {  	_ =	swait.ge [sflag:s0], $0x7D0  }
0xd7: {  	[sflag:s0] =	ssyncset.done $0x0  }
0xd8: {  	[sflag:s0] =	ssyncadd.s32 $0xFFFFF830  }
0xd9: {  	_ =	swait.ge [sflag:s0], $0x7D0  }
0xda: {  	[sflag:s0] =	ssyncset.done $0x0  }
0xdb: {  	[sflag:s0] =	ssyncadd.s32 $0xFFFFF830  }
0xdc: {  	_ =	swait.ge [sflag:s0], $0x7D0  }
0xdd: {  	[sflag:s0] =	ssyncset.done $0x0  }
0xde: {  	[sflag:s0] =	ssyncadd.s32 $0xFFFFF830  }
0xdf: {  	_ =	swait.ge [sflag:s0], $0x7D0  }
0xe0: {  	[sflag:s0] =	ssyncset.done $0x0  }
0xe1: {  	[sflag:s0] =	ssyncadd.s32 $0xFFFFF830  }
0xe2: {  	_ =	swait.ge [sflag:s0], $0x7D0  }
0xe3: {  	[sflag:s0] =	ssyncset.done $0x0  }
0xe4: {  	[sflag:s0] =	ssyncadd.s32 $0xFFFFF830  }
0xe5: {  	_ =	swait.ge [sflag:s0], $0x7D0  }
0xe6: {  	[sflag:s0] =	ssyncset.done $0x0  }
0xe7: {  	[sflag:s0] =	ssyncadd.s32 $0xFFFFF830  }
0xe8: {  	_ =	swait.ge [sflag:s0], $0x7D0  }
0xe9: {  	[sflag:s0] =	ssyncset.done $0x0  }
0xea: {  	[sflag:s0] =	ssyncadd.s32 $0xFFFFF830  }
0xeb: {  	_ =	swait.ge [sflag:s0], $0x7D0  }
0xec: {  	[sflag:s0] =	ssyncset.done $0x0  }
0xed: {  	[sflag:s0] =	ssyncadd.s32 $0xFFFFF830  }
0xee: {  	_ =	swait.ge [sflag:s0], $0x7D0  }
0xef: {  	[sflag:s0] =	ssyncset.done $0x0  }
0xf0: {  	[sflag:s0] =	ssyncadd.s32 $0xFFFFF830  }
0xf1: {  	_ =	swait.ge [sflag:s0], $0x7D0  }
0xf2: {  	[sflag:s0] =	ssyncset.done $0x0  }
0xf3: {  	[sflag:s0] =	ssyncadd.s32 $0xFFFFF830  }
0xf4: {  	_ =	swait.ge [sflag:s0], $0x7D0  }
0xf5: {  	[sflag:s0] =	ssyncset.done $0x0  }
0xf6: {  	[sflag:s0] =	ssyncadd.s32 $0xFFFFF830  }
0xf7: {  	_ =	swait.ge [sflag:s0], $0x7D0  }
0xf8: {  	[sflag:s0] =	ssyncset.done $0x0  }
0xf9: {  	s6 =	sadd.s32 $0x1, s6;
	[sflag:s0] =	ssyncadd.s32 $0xFFFFF830  }
0xfa: {  	p0 =	sne.s32 s6, $0x5;
	_ =	swait.ge [sflag:s0], $0x7D0  }
.Ltmp1:
0xfb: {  	[sflag:s0] =	ssyncset.done $0x0;
	(pc) =	sbr.rel @p0 .LBB2_2-.Ltmp1, $4  }
0xfc: {  	[sflag:s0] =	ssyncadd.s32 $0xFFFFF830  }
0xfd: {  	_ =	swait.ge [sflag:s0], $0x7D0  }
0xfe: {  	[sflag:s0] =	ssyncset.done $0x0  }
0xff: {  	[sflag:s0] =	ssyncadd.s32 $0xFFFFF830  }
0x100: {  	[bflag:$0x0] =	sbarrier.arrive $0xFFFF  }
0x101: {  	s7 =	rddreg [dreg:$0x6]  }
0x102: {  	s6 =	rddreg [dreg:$0x8]  }
0x103: {  	s8 =	rddreg [dreg:$0xa]  }
0x104: {  	[hbm:s6], [sflag:s7] =	dma.local [spmem:s8], $0x4E2  }
0x105: {  	_ =	swait.ge [sflag:s13], $0x4E2  }
0x106: {  	s10 =	rddreg [dreg:$0xb]  }
0x107: {  	s12 =	rddreg [dreg:$0x9];
	s10 =	sadd.s32 $0x1, s10  }
0x108: {  	p0 =	sne.s32 s10, s12  }
.Ltmp2:
0x109: {  	_ = 	snop;
	(pc) =	sbr.rel @p0 .LBB2_1-.Ltmp2, $3  }
0x10a: {  	_ =	sdelay $0x1  }
0x10b: {  	[sflag:s13] =	ssyncset.done $0x0  }
0x10c: {  	[sflag:s13] =	ssyncadd.s32 $0xFFFFFB1E  }
0x10d: {  	_ =	sfence.sel $0x180000  }
0x10e: {  	[bflag:$0x0] =	sbarrier.arrive $0xFFFF  }
0x10f: {  	_ =	strace $0x9000004A  }
0x110: {  	s0 =	stileid.u32;
	[bflag:$0x2] =	sbarrier.arrive $0xFFFF  }
0x111: {  	p0 =	sne.s32 s0, $0x0;
	s0 =	rddreg [dreg:$0x4]  }
0x112: {  	s0 =	sadd.s32 @!p0 $0x100000, s0  }
0x113: {  	[sflag:s0] =	ssyncadd.tile.s32 @!p0 $0x1;
	_ =	shalt  }
.Lfunc_end2:
_tile_overlayer_lowered:
.L_overlay_start_2:
0x114: {  	(tag) =	ssettag $0x2  }
0x115: {  	s0 =	rddreg [dreg:$0x0];
	s2 =	stileid.u32  }
0x116: {  	s1 =	rddreg [dreg:$0x1];
	p0 =	sne.s32 s2, $0x0  }
0x117: {  	s3 =	rddreg [dreg:$0x2];
	[bflag:$0x3] =	sbarrier.arrive $0xFFFF;
	s2 =	simm.s32 @!p0 $0x1C02  }
0x118: {  	[timem:s3], [sflag:s2] =	dma.local @!p0 [hbm:s0], s1  }
0x119: {  	s0 =	simm.s32 @!p0 $0x2  }
0x11a: {  	_ =	swait.ge @!p0 [sflag:s0], s1  }
0x11b: {  	s1 =	ssub.s32 @!p0 $0x0, s1;
	[sflag:s0] =	ssyncset.done @!p0 $0x0  }
0x11c: {  	[sflag:s0] =	ssyncadd.s32 @!p0 s1  }
0x11d: {  	[bflag:$0x3] =	sbarrier.arrive $0xFFFF  }
0x11e: {  	_ =	shalt  }

// kernel: kernel.7.cloned.1.call-start
scs
__scs_entry_jumppad:
0x0: {  	(pc) =	sbr.rel $0x88, $3  }
0x1: {  	(tag) =	ssettag $0x0;
	lr =	simm.s32 $0x1  }
0x2: {  	[smem:$0x3F8E] =	sst lr;
	_ =	strace $0xD0000000  }
0x3: {  	_ = 	snop  }
0x4: {  	_ = 	snop  }
0x5: {  	_ = 	snop  }
0x6: {  	_ = 	snop  }
0x7: {  	_ = 	snop  }
__scs_overlays_trampoline_lowered:
0x8: {  	[smem:$0x3F9D] =	sst s0  }
0x9: {  	[smem:$0x3F9E] =	sst s1  }
0xa: {  	[smem:$0x3F9F] =	sst s2  }
0xb: {  	[smem:$0x3FA0] =	sst s3  }
0xc: {  	[smem:$0x3FA1] =	sst s4  }
0xd: {  	[smem:$0x3FA2] =	sst s5  }
0xe: {  	[smem:$0x3FA3] =	sst s6  }
0xf: {  	[smem:$0x3FA4] =	sst s7  }
0x10: {  	[smem:$0x3FA5] =	sst s8  }
0x11: {  	[smem:$0x3FA6] =	sst s9;
	s0 =	simm.s32 @!p0 $0x0  }
0x12: {  	s1 =	sld [smem:$0x3F8C];
	s0 =	simm.s32 @p0 $0x1  }
0x13: {  	[smem:$0x3FA7] =	sst s0;
	s0 =	simm.s32 @!p1 $0x0  }
0x14: {  	s2 =	sld [smem:$0x3F8B];
	s0 =	simm.s32 @p1 $0x1  }
0x15: {  	[smem:$0x3FA8] =	sst s0;
	s0 =	simm.s32 @!p2 $0x0  }
0x16: {  	s3 =	sld [smem:$0x3FDB];
	s0 =	simm.s32 @p2 $0x1  }
0x17: {  	s4 =	simm.s32 $0x1BF5;
	[smem:$0x3FAA] =	sst s0  }
0x18: {  	s0 =	sld [smem:$0x3F8D];
	_ =	swait.ge [sflag:s4], $0x0  }
0x19: {  	s7 =	sld [smem:$0x3F8E]  }
0x1a: {  	s8 =	sadd.s32 $0xFFFFE003, lr  }
0x1b: {  	s9 =	sadd.s32 $0xFFFFFEF7, lr;
	s5 =	simm.s32 $0xFFFFFFFF;
	p2 =	slt.u32 s8, $0xFFFFF086  }
0x1c: {  	p1 =	slt.u32 s9, $0xF7A;
	s5 =	simm.s32 @!p2 $0x0  }
0x1d: {  	s5 =	simm.s32 @p1 $0x1;
	p0 =	seq.s32 s7, s2  }
0x1e: {  	s7 =	smul.u32 @!p0 $0xF7A, s2;
	p2 =	seq.s32 @!p0 s5, $0x0  }
0x1f: {  	s9 =	smul.u32 $0xF7A, s1;
	s8 =	simm.s32 @!p0 $0x1BF5;
	p2 =	por !p2, p0  }
0x20: {  	[sflag:s8] =	ssyncset.s32 @!p0 $0xFFFFF086;
	s6 =	sadd.s32 @!p0 s3, s7;
	s7 =	simm.s32 @!p0 $0x108  }
0x21: {  	s3 =	sadd.s32 s3, s9;
	s6 =	sadd.s32 @!p0 $0x88, s6;
	s7 =	simm.s32 @p2 $0x1082  }
0x22: {  	[simem:s7], [sflag:s8] =	dma.local @!p0 [hbm:s6], $0xF7A  }
0x23: {  	s9 =	sor.u32 $0xD0000000, s2;
	s6 =	simm.s32 $0x108;
	_ =	swait.ge @!p0 [sflag:s8], $0x0  }
0x24: {  	s3 =	sadd.s32 $0x88, s3;
	s6 =	simm.s32 @!p1 $0x1082;
	[sflag:s4] =	ssyncset.s32 $0xFFFFF086  }
0x25: {  	[simem:s6], [sflag:s4] =	dma.local [hbm:s3], $0xF7A  }
0x26: {  	[smem:$0x3F8E] =	sst s1;
	(tag) =	ssettag s2;
	_ =	strace s9  }
0x27: {  	s1 =	sld [smem:$0x3F9E]  }
0x28: {  	s2 =	sld [smem:$0x3F9F]  }
0x29: {  	s4 =	sld [smem:$0x3FA1]  }
0x2a: {  	p0 =	seq.s32 s5, $0x0;
	s5 =	sld [smem:$0x3FA2]  }
0x2b: {  	s6 =	sld [smem:$0x3FA3]  }
0x2c: {  	s7 =	sld [smem:$0x3FA4]  }
0x2d: {  	s3 =	simm.s32 $0x108;
	s8 =	sld [smem:$0x3FA5]  }
0x2e: {  	s3 =	simm.s32 @!p0 $0x1082;
	s9 =	sld [smem:$0x3FA6]  }
0x2f: {  	lr =	sadd.s32 s0, s3;
	s0 =	sld [smem:$0x3F9D]  }
0x30: {  	s3 =	sld [smem:$0x3FA0]  }
0x31: {  	[smem:$0x3FA9] =	sst s10  }
0x32: {  	s10 =	sld [smem:$0x3FA7];
	_ =	sdelay $0x3  }
0x33: {  	p0 =	seq.s32 s10, $0x1;
	s10 =	sld [smem:$0x3FA9];
	_ =	sdelay $0x3  }
0x34: {  	[smem:$0x3FA9] =	sst s10  }
0x35: {  	s10 =	sld [smem:$0x3FA8];
	_ =	sdelay $0x3  }
0x36: {  	p1 =	seq.s32 s10, $0x1;
	s10 =	sld [smem:$0x3FA9];
	_ =	sdelay $0x3  }
0x37: {  	[smem:$0x3FA9] =	sst s10  }
0x38: {  	s10 =	sld [smem:$0x3FAA]  }
0x39: {  	_ = 	snop;
	(pc) =	sbr.ind lr, $3  }
0x3a: {  	_ = 	snop  }
0x3b: {  	_ = 	snop  }
0x3c: {  	p2 =	seq.s32 s10, $0x1;
	s10 =	sld [smem:$0x3FA9]  }
0x3d: {  	_ =	shalt  }
0x3e: {  	_ =	shalt  }
0x3f: {  	_ =	shalt  }
0x40: {  	_ =	shalt  }
0x41: {  	_ =	shalt  }
0x42: {  	_ =	shalt  }
0x43: {  	_ =	shalt  }
0x44: {  	_ =	shalt  }
0x45: {  	_ =	shalt  }
0x46: {  	_ =	shalt  }
0x47: {  	_ =	shalt  }
0x48: {  	_ =	shalt  }
0x49: {  	_ =	shalt  }
0x4a: {  	_ =	shalt  }
0x4b: {  	_ =	shalt  }
0x4c: {  	_ =	shalt  }
0x4d: {  	_ =	shalt  }
0x4e: {  	_ =	shalt  }
0x4f: {  	_ =	shalt  }
0x50: {  	_ =	shalt  }
0x51: {  	_ =	shalt  }
0x52: {  	_ =	shalt  }
0x53: {  	_ =	shalt  }
0x54: {  	_ =	shalt  }
0x55: {  	_ =	shalt  }
0x56: {  	_ =	shalt  }
0x57: {  	_ =	shalt  }
0x58: {  	_ =	shalt  }
0x59: {  	_ =	shalt  }
0x5a: {  	_ =	shalt  }
0x5b: {  	_ =	shalt  }
0x5c: {  	_ =	shalt  }
0x5d: {  	_ =	shalt  }
0x5e: {  	_ =	shalt  }
0x5f: {  	_ =	shalt  }
0x60: {  	_ =	shalt  }
0x61: {  	_ =	shalt  }
0x62: {  	_ =	shalt  }
0x63: {  	_ =	shalt  }
0x64: {  	_ =	shalt  }
0x65: {  	_ =	shalt  }
0x66: {  	_ =	shalt  }
0x67: {  	_ =	shalt  }
0x68: {  	_ =	shalt  }
0x69: {  	_ =	shalt  }
0x6a: {  	_ =	shalt  }
0x6b: {  	_ =	shalt  }
0x6c: {  	_ =	shalt  }
0x6d: {  	_ =	shalt  }
0x6e: {  	_ =	shalt  }
0x6f: {  	_ =	shalt  }
0x70: {  	_ =	shalt  }
0x71: {  	_ =	shalt  }
0x72: {  	_ =	shalt  }
0x73: {  	_ =	shalt  }
0x74: {  	_ =	shalt  }
0x75: {  	_ =	shalt  }
0x76: {  	_ =	shalt  }
0x77: {  	_ =	shalt  }
0x78: {  	_ =	shalt  }
0x79: {  	_ =	shalt  }
0x7a: {  	_ =	shalt  }
0x7b: {  	_ =	shalt  }
0x7c: {  	_ =	shalt  }
0x7d: {  	_ =	shalt  }
0x7e: {  	_ =	shalt  }
0x7f: {  	_ =	shalt  }
0x80: {  	_ =	shalt  }
0x81: {  	_ =	shalt  }
0x82: {  	_ =	shalt  }
0x83: {  	_ =	shalt  }
0x84: {  	_ =	shalt  }
0x85: {  	_ =	shalt  }
0x86: {  	_ =	shalt  }
0x87: {  	_ =	shalt  }
.Lfunc_end0:
.L_simem_size_0:
called_computation_lowered:
.L_overlay_start_0:
0x88: {  	s2 =	sld [smem:$0x3FD9]  }
0x89: {  	s3 =	sld [smem:$0x3FFE];
	_ =	sdelay $0x1  }
0x8a: {  	s1 =	srdreg.scid  }
0x8b: {  	s0 =	sand.u32 $0x1, s1  }
0x8c: {  	s14 =	sshll.u32 s0, $0xA;
	s2 =	sadd.s32 s3, s2  }
0x8d: {  	s2 =	sadd.s32 s2, s14  }
0x8e: {  	[smem:$0x3FB5] =	sst s2  }
0x8f: {  	_ = 	snop  }
0x90: {  	s2 =	sld [smem:$0x3FD0];
	_ =	sdelay $0x2  }
0x91: {  	s15 =	simm.s32 $0xA;
	s4 =	simm.s32 $0x10  }
0x92: {  	[smem:s4], [sflag:s15] =	dma.local [hbm:s2], $0x1  }
0x93: {  	_ =	swait.eq [sflag:s15], $0x1  }
0x94: {  	[sflag:s15] =	ssyncset.done $0x0  }
0x95: {  	s16 =	sld [smem:$0x10];
	[sflag:s15] =	ssyncadd.s32 $0xFFFFFFFF  }
0x96: {  	s17 =	sld [smem:$0x11];
	(tm) =	ssettm $0x1  }
0x97: {  	s18 =	sld [smem:$0x3FFB];
	_ =	sdelay $0x3  }
0x98: {  	_ =	strace s18  }
0x99: {  	s4 =	sld [smem:$0x3FFC];
	_ =	sdelay $0x3  }
0x9a: {  	_ =	strace s4  }
0x9b: {  	s4 =	sld [smem:$0x3FFD];
	_ =	sdelay $0x3  }
0x9c: {  	_ =	strace s4  }
0x9d: {  	_ =	strace $0x8FFFFFFF  }
0x9e: {  	s19 =	sld [smem:$0x3FDB];
	_ =	sdelay $0x1  }
0x9f: {  	s5 =	simm.s32 $_scs_section_size  }
0xa0: {  	s6 =	simm.s32 $_size__tile_overlayer_lowered;
	s7 =	simm.s32 $_tile_overlayer_lowered  }
0xa1: {  	s22 =	simm.s32 $0x1BFF;
	s21 =	sshll.u32 s7, $0x1;
	s4 =	sadd.s32 s5, s19  }
0xa2: {  	s8 =	simm.s32 $0x0;
	s20 =	sshll.u32 s6, $0x1;
	s6 =	sadd.s32 s21, s4  }
0xa3: {  	[timem:s8], [sflag:s22] =	dma.local [hbm:s6], s20  }
0xa4: {  	_ =	swait.ge [sflag:s22], s20  }
0xa5: {  	s5 =	ssub.s32 $0x0, s20;
	[sflag:s22] =	ssyncset.done $0x0  }
0xa6: {  	[sflag:s22] =	ssyncadd.s32 s5;
	_ =	sdelay $0x1  }
0xa7: {  	s23 =	simm.s32 $0x1B8B  }
0xa8: {  	_ =	swait.ge [sflag:s23], $0x1  }
0xa9: {  	[sflag:s23] =	ssyncset.done $0x0  }
0xaa: {  	s25 =	simm.s32 $0x1B8E;
	s24 =	sld [smem:$0x3FFE];
	[sflag:s23] =	ssyncadd.s32 $0xFFFFFFFF  }
0xab: {  	s26 =	simm.s32 $execute0_lowered;
	[smem:$0x3FD2] =	sst s25  }
0xac: {  	s6 =	sshll.u32 s26, $0x1;
	_ =	strace $0x80000046;
	[dreg:$0x1] =	wrdreg $0xFFFFFFFF  }
0xad: {  	s28 =	simm.s32 $_size_execute0_lowered;
	s4 =	sadd.s32 s4, s6;
	[dreg:$0x0] =	wrdreg $0x0  }
0xae: {  	s6 =	sshll.u32 s28, $0x1;
	[dreg:$0x2] =	wrdreg s4  }
0xaf: {  	[dreg:$0x3] =	wrdreg s6  }
0xb0: {  	[dreg:$0x4] =	wrdreg $0xC0  }
0xb1: {  	_ =	task [dreg:s8], $0x5FFFF  }
0xb2: {  	[dreg:$0x1] =	wrdreg $0xFFFFFFFF  }
0xb3: {  	[dreg:$0x0] =	wrdreg $0x60  }
0xb4: {  	[dreg:$0x2] =	wrdreg s24  }
0xb5: {  	[dreg:$0x3] =	wrdreg s16  }
0xb6: {  	[dreg:$0x4] =	wrdreg s17  }
0xb7: {  	[dreg:$0x5] =	wrdreg $0x9  }
0xb8: {  	_ =	task.clear_ibuf [dreg:s8], $0x6FFFF;
	_ =	strace $0x90000046  }
0xb9: {  	s29 =	simm.s32 $0x9;
	_ =	strace $0x80000048  }
0xba: {  	_ =	swait.ge [sflag:s29], $0x1  }
0xbb: {  	[sflag:s29] =	ssyncadd.s32 $0xFFFFFFFF  }
0xbc: {  	_ =	strace $0x90000048  }
0xbd: {  	_ =	sfence  }
0xbe: {  	s30 =	sld [smem:$0x0];
	_ =	sdelay $0x2  }
0xbf: {  	s31 =	sshll.u32 s1, $0xD;
	s1 =	sshrl.u32 s1, $0x2  }
0xc0: {  	s3 =	sand.u32 $0x4000, s31;
	s1 =	sadd.s32 s1, s30  }
0xc1: {  	s0 =	sor.u32 s3, s0;
	s1 =	sshll.u32 s1, $0x11  }
0xc2: {  	s0 =	sor.u32 s1, s0  }
0xc3: {  	s0 =	sadd.s32 $0x8F2B, s0  }
0xc4: {  	[sflag:s0] =	ssyncadd.remote.s32 $0x1  }
0xc5: {  	_ =	sfence.sel $0xFFFF  }
0xc6: {  	[dreg:$0x0] =	wrdreg $0xFFFFFFFF;
	(pc) =	sbr.abs _section_cstart, $3  }
0xc7: {  	[dreg:$0x1] =	wrdreg $0xFFFFFFFF  }
0xc8: {  	_ =	task.clear_ibuf [dreg:s8], $0x2FFFF;
	_ =	strace $0x9FFFFFFF  }
0xc9: {  	(tm) =	ssettm $0x7FFFFFFF  }
tec
execute0_lowered:
.L_overlay_start_1:
0x0: {  	(tag) =	ssettag $0x1  }
0x1: {  	s0 =	rddreg [dreg:$0x0]  }
0x2: {  	s1 =	rddreg [dreg:$0x1]  }
0x3: {  	s2 =	srdreg.scid;
	s4 =	stileid.u32  }
0x4: {  	s23 =	simm.s32 $0x0;
	s13 =	simm.s32 $0x2;
	s15 =	simm.s32 $0x50  }
0x5: {  	s16 =	simm.s32 $0x4E20;
	s19 =	simm.s32 $0x5320;
	s24 =	simm.s32 $0x5820  }
0x6: {  	s28 =	simm.s32 $0x6720;
	s29 =	simm.s32 $0x6C20;
	s30 =	simm.s32 $0x7120  }
0x7: {  	s14 =	simm.s32 $0x8020;
	s10 =	simm.s32 $0x8F20;
	s11 =	simm.s32 $0x9420  }
0x8: {  	s12 =	simm.s32 $0x9920;
	s22 =	simm.s32 $0xA820;
	s20 =	simm.s32 $0xAD20  }
0x9: {  	s21 =	simm.s32 $0xB220;
	s18 =	simm.s32 $0x0;
	s2 =	sand.u32 $0x1, s2  }
0xa: {  	s3 =	sshll.u32 s4, $0x1;
	[smem:$0x7FF] =	sst s23;
	s5 =	sadd.s32 $0x9000, s0  }
0xb: {  	s4 =	smul.u32 $0x9C40, s4;
	s6 =	sadd.s32 $0x4000, s0;
	s3 =	sor.u32 s2, s3  }
0xc: {  	_ =	strace $0x80000047;
	s8 =	ssub.s32 $0x2, s2;
	s2 =	smul.u32 $0x4E20, s2  }
0xd: {  	s3 =	smul.u32 $0x2710, s3;
	s4 =	sadd.s32 s4, s0;
	s9 =	sshrl.u32 s8, $0x1  }
0xe: {  	s25 =	ssub.s32 s8, s9;
	s26 =	sadd.s32 s2, s4;
	s8 =	simm.s32 $0x8520  }
0xf: {  	s9 =	simm.s32 $0x8A20;
	s2 =	simm.s32 $0x9E20;
	s4 =	simm.s32 $0xA320  }
0x10: {  	[dreg:$0x4] =	wrdreg s3;
	s3 =	sshrl.u32 s3, $0x3;
	s31 =	sadd.s32 $0x17E00, s26  }
0x11: {  	v0 =	vlaneseq.u32;
	s7 =	sadd.s32 s3, s0;
	s0 =	sadd.s32 $0x150600, s0;
	[dreg:$0x9] =	wrdreg s31  }
0x12: {  	v0 =	vmul.u32 $0x10, v0;
	s1 =	sadd.s32 s1, s3;
	s3 =	simm.s32 $0x14820;
	[dreg:$0x5] =	wrdreg s0  }
0x13: {  	s7 =	sadd.s32 $0xE000, s7;
	[dreg:$0x7] =	wrdreg s1;
	s0 =	smax.u32 s25, $0x1  }
0x14: {  	v1 =	vor.u32 $0x1, v0;
	s25 =	simm.s32 $0x5D20;
	s1 =	simm.s32 $0x7620;
	[dreg:$0x6] =	wrdreg s7  }
0x15: {  	v2 =	vor.u32 $0x2, v0;
	v3 =	vor.u32 $0x3, v0;
	v4 =	vor.u32 $0x4, v0;
	[dreg:$0x8] =	wrdreg s0;
	s0 =	sadd.s32 $0xB4200, s26;
	s26 =	simm.s32 $0x6220  }
0x16: {  	v5 =	vor.u32 $0x5, v0;
	v6 =	vor.u32 $0x6, v0;
	v7 =	vor.u32 $0x7, v0;
	s7 =	simm.s32 $0x1;
	[dreg:$0xa] =	wrdreg s0;
	s0 =	simm.s32 $0x7B20  }
.LBB2_1:
0x17: {  	[dreg:$0xb] =	wrdreg s18  }
0x18: {  	s17 =	rddreg [dreg:$0x6]  }
0x19: {  	[tilespmem:s23], [sflag:$0x2] =	stream.linear.gather [hbm4b:s17+s23], $0x2710, $0x38;
	[tilespmem:$0x1C520] =	vst v63  }
0x1a: {  	_ =	swait.ge [sflag:s13], $0x2710  }
0x1b: {  	[sflag:s13] =	ssyncset.done $0x0  }
0x1c: {  	s18 =	simm.s32 $0x2710;
	s17 =	rddreg [dreg:$0x7];
	[sflag:s13] =	ssyncadd.s32 $0xFFFFD8F0  }
0x1d: {  	[tilespmem:s18], [sflag:$0x2] =	stream.linear.gather [hbm4b:s17+s23], $0x2710, $0x38;
	[tilespmem:$0x1C520] =	vst v63  }
0x1e: {  	_ =	swait.ge [sflag:s13], $0x2710  }
0x1f: {  	[sflag:s13] =	ssyncset.done $0x0  }
0x20: {  	s18 =	simm.s32 $0x0;
	[sflag:s13] =	ssyncadd.s32 $0xFFFFD8F0  }
0x21: {  	[tilespmem:s16], [sflag:$0x1] =	stream.indirect.gather [hbm4b:s5+s15], $0x10, s18, s15, $0xb8;
	[tilespmem:$0x1C520] =	vst v63  }
0x22: {  	s18 =	simm.s32 $0x50  }
0x23: {  	[tilespmem:s19], [sflag:$0x1] =	stream.indirect.gather [hbm4b:s5+s15], $0x10, s18, s15, $0xb8;
	[tilespmem:$0x1C520] =	vst v63  }
0x24: {  	s19 =	simm.s32 $0xA0  }
0x25: {  	[tilespmem:s24], [sflag:$0x1] =	stream.indirect.gather [hbm4b:s5+s15], $0x10, s19, s15, $0xb8;
	[tilespmem:$0x1C520] =	vst v63  }
0x26: {  	s24 =	simm.s32 $0xF0  }
0x27: {  	[tilespmem:s25], [sflag:$0x1] =	stream.indirect.gather [hbm4b:s5+s15], $0x10, s24, s15, $0xb8;
	[tilespmem:$0x1C520] =	vst v63  }
0x28: {  	s25 =	simm.s32 $0x140  }
0x29: {  	[tilespmem:s26], [sflag:$0x1] =	stream.indirect.gather [hbm4b:s5+s15], $0x10, s25, s15, $0xb8;
	[tilespmem:$0x1C520] =	vst v63  }
0x2a: {  	s18 =	simm.s32 $0x190  }
0x2b: {  	[tilespmem:s28], [sflag:$0x1] =	stream.indirect.gather [hbm4b:s5+s15], $0x10, s18, s15, $0xb8;
	[tilespmem:$0x1C520] =	vst v63  }
0x2c: {  	s19 =	simm.s32 $0x1E0  }
0x2d: {  	[tilespmem:s29], [sflag:$0x1] =	stream.indirect.gather [hbm4b:s5+s15], $0x10, s19, s15, $0xb8;
	[tilespmem:$0x1C520] =	vst v63  }
0x2e: {  	s24 =	simm.s32 $0x230  }
0x2f: {  	[tilespmem:s30], [sflag:$0x1] =	stream.indirect.gather [hbm4b:s5+s15], $0x10, s24, s15, $0xb8;
	[tilespmem:$0x1C520] =	vst v63  }
0x30: {  	s25 =	simm.s32 $0x280  }
0x31: {  	[tilespmem:s1], [sflag:$0x1] =	stream.indirect.gather [hbm4b:s5+s15], $0x10, s25, s15, $0xb8;
	[tilespmem:$0x1C520] =	vst v63  }
0x32: {  	s26 =	simm.s32 $0x2D0  }
0x33: {  	[tilespmem:s0], [sflag:$0x1] =	stream.indirect.gather [hbm4b:s5+s15], $0x10, s26, s15, $0xb8;
	[tilespmem:$0x1C520] =	vst v63  }
0x34: {  	s1 =	simm.s32 $0x320  }
0x35: {  	[tilespmem:s14], [sflag:$0x1] =	stream.indirect.gather [hbm4b:s5+s15], $0x10, s1, s15, $0xb8;
	[tilespmem:$0x1C520] =	vst v63  }
0x36: {  	s18 =	simm.s32 $0x370  }
0x37: {  	[tilespmem:s8], [sflag:$0x1] =	stream.indirect.gather [hbm4b:s5+s15], $0x10, s18, s15, $0xb8;
	[tilespmem:$0x1C520] =	vst v63  }
0x38: {  	s19 =	simm.s32 $0x3C0  }
0x39: {  	[tilespmem:s9], [sflag:$0x1] =	stream.indirect.gather [hbm4b:s5+s15], $0x10, s19, s15, $0xb8;
	[tilespmem:$0x1C520] =	vst v63  }
0x3a: {  	s24 =	simm.s32 $0x410  }
0x3b: {  	[tilespmem:s10], [sflag:$0x1] =	stream.indirect.gather [hbm4b:s5+s15], $0x10, s24, s15, $0xb8;
	[tilespmem:$0x1C520] =	vst v63  }
0x3c: {  	s25 =	simm.s32 $0x460  }
0x3d: {  	[tilespmem:s11], [sflag:$0x1] =	stream.indirect.gather [hbm4b:s5+s15], $0x10, s25, s15, $0xb8;
	[tilespmem:$0x1C520] =	vst v63  }
0x3e: {  	s26 =	simm.s32 $0x4B0  }
0x3f: {  	[tilespmem:s12], [sflag:$0x1] =	stream.indirect.gather [hbm4b:s5+s15], $0x10, s26, s15, $0xb8;
	[tilespmem:$0x1C520] =	vst v63  }
0x40: {  	s0 =	simm.s32 $0x500  }
0x41: {  	[tilespmem:s2], [sflag:$0x1] =	stream.indirect.gather [hbm4b:s5+s15], $0x10, s0, s15, $0xb8;
	[tilespmem:$0x1C520] =	vst v63  }
0x42: {  	s1 =	simm.s32 $0x550  }
0x43: {  	[tilespmem:s4], [sflag:$0x1] =	stream.indirect.gather [hbm4b:s5+s15], $0x10, s1, s15, $0xb8;
	[tilespmem:$0x1C520] =	vst v63  }
0x44: {  	s2 =	simm.s32 $0x5A0  }
0x45: {  	[tilespmem:s22], [sflag:$0x1] =	stream.indirect.gather [hbm4b:s5+s15], $0x10, s2, s15, $0xb8;
	[tilespmem:$0x1C520] =	vst v63  }
0x46: {  	s4 =	simm.s32 $0x5F0  }
0x47: {  	[tilespmem:s20], [sflag:$0x1] =	stream.indirect.gather [hbm4b:s5+s15], $0x10, s4, s15, $0xb8;
	[tilespmem:$0x1C520] =	vst v63  }
0x48: {  	s8 =	simm.s32 $0x640  }
0x49: {  	[tilespmem:s21], [sflag:$0x1] =	stream.indirect.gather [hbm4b:s5+s15], $0x10, s8, s15, $0xb8;
	[tilespmem:$0x1C520] =	vst v63  }
0x4a: {  	s9 =	simm.s32 $0x690;
	s10 =	simm.s32 $0xB720  }
0x4b: {  	[tilespmem:s10], [sflag:$0x1] =	stream.indirect.gather [hbm4b:s5+s15], $0x10, s9, s15, $0xb8;
	[tilespmem:$0x1C520] =	vst v63  }
0x4c: {  	s11 =	simm.s32 $0x6E0;
	s12 =	simm.s32 $0xBC20  }
0x4d: {  	[tilespmem:s12], [sflag:$0x1] =	stream.indirect.gather [hbm4b:s5+s15], $0x10, s11, s15, $0xb8;
	[tilespmem:$0x1C520] =	vst v63  }
0x4e: {  	s14 =	simm.s32 $0x730;
	s22 =	simm.s32 $0xC120  }
0x4f: {  	[tilespmem:s22], [sflag:$0x1] =	stream.indirect.gather [hbm4b:s5+s15], $0x10, s14, s15, $0xb8;
	[tilespmem:$0x1C520] =	vst v63  }
0x50: {  	s18 =	simm.s32 $0x780;
	s19 =	simm.s32 $0xC620  }
0x51: {  	[tilespmem:s19], [sflag:$0x1] =	stream.indirect.gather [hbm4b:s5+s15], $0x10, s18, s15, $0xb8;
	[tilespmem:$0x1C520] =	vst v63  }
0x52: {  	_ =	swait.ge [sflag:s7], $0x500  }
0x53: {  	[sflag:s7] =	ssyncset.done $0x0  }
0x54: {  	[sflag:s7] =	ssyncadd.s32 $0xFFFFFB00  }
0x55: {  	_ =	swait.ge [sflag:s7], $0x500  }
0x56: {  	[sflag:s7] =	ssyncset.done $0x0  }
0x57: {  	[sflag:s7] =	ssyncadd.s32 $0xFFFFFB00  }
0x58: {  	_ =	swait.ge [sflag:s7], $0x500  }
0x59: {  	[sflag:s7] =	ssyncset.done $0x0  }
0x5a: {  	[sflag:s7] =	ssyncadd.s32 $0xFFFFFB00  }
0x5b: {  	_ =	swait.ge [sflag:s7], $0x500  }
0x5c: {  	[sflag:s7] =	ssyncset.done $0x0  }
0x5d: {  	[sflag:s7] =	ssyncadd.s32 $0xFFFFFB00  }
0x5e: {  	_ =	swait.ge [sflag:s7], $0x500  }
0x5f: {  	[sflag:s7] =	ssyncset.done $0x0  }
0x60: {  	[sflag:s7] =	ssyncadd.s32 $0xFFFFFB00  }
0x61: {  	_ =	swait.ge [sflag:s7], $0x500  }
0x62: {  	[sflag:s7] =	ssyncset.done $0x0  }
0x63: {  	[sflag:s7] =	ssyncadd.s32 $0xFFFFFB00  }
0x64: {  	_ =	swait.ge [sflag:s7], $0x500  }
0x65: {  	[sflag:s7] =	ssyncset.done $0x0  }
0x66: {  	[sflag:s7] =	ssyncadd.s32 $0xFFFFFB00  }
0x67: {  	_ =	swait.ge [sflag:s7], $0x500  }
0x68: {  	[sflag:s7] =	ssyncset.done $0x0  }
0x69: {  	[sflag:s7] =	ssyncadd.s32 $0xFFFFFB00  }
0x6a: {  	_ =	swait.ge [sflag:s7], $0x500  }
0x6b: {  	[sflag:s7] =	ssyncset.done $0x0  }
0x6c: {  	[sflag:s7] =	ssyncadd.s32 $0xFFFFFB00  }
0x6d: {  	_ =	swait.ge [sflag:s7], $0x500  }
0x6e: {  	[sflag:s7] =	ssyncset.done $0x0  }
0x6f: {  	[sflag:s7] =	ssyncadd.s32 $0xFFFFFB00  }
0x70: {  	_ =	swait.ge [sflag:s7], $0x500  }
0x71: {  	[sflag:s7] =	ssyncset.done $0x0  }
0x72: {  	[sflag:s7] =	ssyncadd.s32 $0xFFFFFB00  }
0x73: {  	_ =	swait.ge [sflag:s7], $0x500  }
0x74: {  	[sflag:s7] =	ssyncset.done $0x0  }
0x75: {  	[sflag:s7] =	ssyncadd.s32 $0xFFFFFB00  }
0x76: {  	_ =	swait.ge [sflag:s7], $0x500  }
0x77: {  	[sflag:s7] =	ssyncset.done $0x0  }
0x78: {  	[sflag:s7] =	ssyncadd.s32 $0xFFFFFB00  }
0x79: {  	_ =	swait.ge [sflag:s7], $0x500  }
0x7a: {  	[sflag:s7] =	ssyncset.done $0x0  }
0x7b: {  	[sflag:s7] =	ssyncadd.s32 $0xFFFFFB00  }
0x7c: {  	_ =	swait.ge [sflag:s7], $0x500  }
0x7d: {  	[sflag:s7] =	ssyncset.done $0x0  }
0x7e: {  	[sflag:s7] =	ssyncadd.s32 $0xFFFFFB00  }
0x7f: {  	_ =	swait.ge [sflag:s7], $0x500  }
0x80: {  	[sflag:s7] =	ssyncset.done $0x0  }
0x81: {  	[sflag:s7] =	ssyncadd.s32 $0xFFFFFB00  }
0x82: {  	_ =	swait.ge [sflag:s7], $0x500  }
0x83: {  	[sflag:s7] =	ssyncset.done $0x0  }
0x84: {  	[sflag:s7] =	ssyncadd.s32 $0xFFFFFB00  }
0x85: {  	_ =	swait.ge [sflag:s7], $0x500  }
0x86: {  	[sflag:s7] =	ssyncset.done $0x0  }
0x87: {  	[sflag:s7] =	ssyncadd.s32 $0xFFFFFB00  }
0x88: {  	_ =	swait.ge [sflag:s7], $0x500  }
0x89: {  	[sflag:s7] =	ssyncset.done $0x0  }
0x8a: {  	[sflag:s7] =	ssyncadd.s32 $0xFFFFFB00  }
0x8b: {  	_ =	swait.ge [sflag:s7], $0x500  }
0x8c: {  	[sflag:s7] =	ssyncset.done $0x0  }
0x8d: {  	[sflag:s7] =	ssyncadd.s32 $0xFFFFFB00  }
0x8e: {  	_ =	swait.ge [sflag:s7], $0x500  }
0x8f: {  	[sflag:s7] =	ssyncset.done $0x0  }
0x90: {  	[sflag:s7] =	ssyncadd.s32 $0xFFFFFB00  }
0x91: {  	_ =	swait.ge [sflag:s7], $0x500  }
0x92: {  	[sflag:s7] =	ssyncset.done $0x0  }
0x93: {  	[sflag:s7] =	ssyncadd.s32 $0xFFFFFB00  }
0x94: {  	s31 =	simm.s32 $0x7620;
	_ =	swait.ge [sflag:s7], $0x500  }
0x95: {  	s28 =	simm.s32 $0x6720;
	s29 =	simm.s32 $0x6C20;
	[sflag:s7] =	ssyncset.done $0x0  }
0x96: {  	s30 =	simm.s32 $0x7120;
	s24 =	simm.s32 $0x5820;
	[sflag:s7] =	ssyncadd.s32 $0xFFFFFB00  }
0x97: {  	s25 =	simm.s32 $0x5D20;
	s26 =	simm.s32 $0x6220;
	_ =	swait.ge [sflag:s7], $0x500  }
0x98: {  	s0 =	simm.s32 $0x8020;
	s1 =	simm.s32 $0x7B20;
	[sflag:s7] =	ssyncset.done $0x0  }
0x99: {  	s4 =	simm.s32 $0x9E20;
	s8 =	simm.s32 $0x8A20;
	[sflag:s7] =	ssyncadd.s32 $0xFFFFFB00  }
0x9a: {  	s21 =	simm.s32 $0x3E80;
	s9 =	simm.s32 $0x8F20;
	_ =	swait.ge [sflag:s7], $0x500  }
0x9b: {  	s10 =	simm.s32 $0x9420;
	s11 =	simm.s32 $0x9920;
	[sflag:s7] =	ssyncset.done $0x0  }
0x9c: {  	s12 =	simm.s32 $0xAD20;
	s20 =	rddreg [dreg:$0x9];
	[sflag:s7] =	ssyncadd.s32 $0xFFFFFB00  }
0x9d: {  	[hbm4b:s20+s23] =	stream.linear.scatter [tilespmem:s16], [sflag:$0x2], $0x7D00, $0x38;
	[tilespmem:$0x1C520] =	vst v63  }
0x9e: {  	s14 =	simm.s32 $0x8520;
	s19 =	simm.s32 $0x1F40;
	_ =	swait.ge [sflag:s13], $0x7D00  }
0x9f: {  	s18 =	sadd.s32 $0xFA0, s20;
	s23 =	simm.s32 $0xA820;
	[sflag:s13] =	ssyncset.done $0x0  }
.LBB2_2:
0xa0: {  	s17 =	sshra.s32 s19, $0x2  }
0xa1: {  	[sflag:s13] =	ssyncadd.s32 $0xFFFF8300;
	s19 =	smov.u32 s21;
	s20 =	sadd.s32 $0x1F40, s21  }
0xa2: {  	[tilespmem:s16], [sflag:$0x1] =	stream.indirect.gather [hbm4b:s5+s15], $0x10, s17, s15, $0xb8;
	[tilespmem:$0x1C520] =	vst v63  }
0xa3: {  	p0 =	sne.s32 s21, $0x7D00;
	s2 =	simm.s32 $0x5320;
	s21 =	sadd.s32 $0x50, s17  }
0xa4: {  	[tilespmem:s2], [sflag:$0x1] =	stream.indirect.gather [hbm4b:s5+s15], $0x10, s21, s15, $0xb8;
	[tilespmem:$0x1C520] =	vst v63  }
0xa5: {  	s21 =	sadd.s32 $0xA0, s17  }
0xa6: {  	[tilespmem:s24], [sflag:$0x1] =	stream.indirect.gather [hbm4b:s5+s15], $0x10, s21, s15, $0xb8;
	[tilespmem:$0x1C520] =	vst v63  }
0xa7: {  	s21 =	sadd.s32 $0xF0, s17  }
0xa8: {  	[tilespmem:s25], [sflag:$0x1] =	stream.indirect.gather [hbm4b:s5+s15], $0x10, s21, s15, $0xb8;
	[tilespmem:$0x1C520] =	vst v63  }
0xa9: {  	s21 =	sadd.s32 $0x140, s17  }
0xaa: {  	[tilespmem:s26], [sflag:$0x1] =	stream.indirect.gather [hbm4b:s5+s15], $0x10, s21, s15, $0xb8;
	[tilespmem:$0x1C520] =	vst v63  }
0xab: {  	s21 =	sadd.s32 $0x190, s17  }
0xac: {  	[tilespmem:s28], [sflag:$0x1] =	stream.indirect.gather [hbm4b:s5+s15], $0x10, s21, s15, $0xb8;
	[tilespmem:$0x1C520] =	vst v63  }
0xad: {  	s21 =	sadd.s32 $0x1E0, s17  }
0xae: {  	[tilespmem:s29], [sflag:$0x1] =	stream.indirect.gather [hbm4b:s5+s15], $0x10, s21, s15, $0xb8;
	[tilespmem:$0x1C520] =	vst v63  }
0xaf: {  	s21 =	sadd.s32 $0x230, s17  }
0xb0: {  	[tilespmem:s30], [sflag:$0x1] =	stream.indirect.gather [hbm4b:s5+s15], $0x10, s21, s15, $0xb8;
	[tilespmem:$0x1C520] =	vst v63  }
0xb1: {  	s21 =	sadd.s32 $0x280, s17  }
0xb2: {  	[tilespmem:s31], [sflag:$0x1] =	stream.indirect.gather [hbm4b:s5+s15], $0x10, s21, s15, $0xb8;
	[tilespmem:$0x1C520] =	vst v63  }
0xb3: {  	s21 =	sadd.s32 $0x2D0, s17  }
0xb4: {  	[tilespmem:s1], [sflag:$0x1] =	stream.indirect.gather [hbm4b:s5+s15], $0x10, s21, s15, $0xb8;
	[tilespmem:$0x1C520] =	vst v63  }
0xb5: {  	s21 =	sadd.s32 $0x320, s17  }
0xb6: {  	[tilespmem:s0], [sflag:$0x1] =	stream.indirect.gather [hbm4b:s5+s15], $0x10, s21, s15, $0xb8;
	[tilespmem:$0x1C520] =	vst v63  }
0xb7: {  	s21 =	sadd.s32 $0x370, s17  }
0xb8: {  	[tilespmem:s14], [sflag:$0x1] =	stream.indirect.gather [hbm4b:s5+s15], $0x10, s21, s15, $0xb8;
	[tilespmem:$0x1C520] =	vst v63  }
0xb9: {  	s21 =	sadd.s32 $0x3C0, s17  }
0xba: {  	[tilespmem:s8], [sflag:$0x1] =	stream.indirect.gather [hbm4b:s5+s15], $0x10, s21, s15, $0xb8;
	[tilespmem:$0x1C520] =	vst v63  }
0xbb: {  	s21 =	sadd.s32 $0x410, s17  }
0xbc: {  	[tilespmem:s9], [sflag:$0x1] =	stream.indirect.gather [hbm4b:s5+s15], $0x10, s21, s15, $0xb8;
	[tilespmem:$0x1C520] =	vst v63  }
0xbd: {  	s21 =	sadd.s32 $0x460, s17  }
0xbe: {  	[tilespmem:s10], [sflag:$0x1] =	stream.indirect.gather [hbm4b:s5+s15], $0x10, s21, s15, $0xb8;
	[tilespmem:$0x1C520] =	vst v63  }
0xbf: {  	s21 =	sadd.s32 $0x4B0, s17  }
0xc0: {  	[tilespmem:s11], [sflag:$0x1] =	stream.indirect.gather [hbm4b:s5+s15], $0x10, s21, s15, $0xb8;
	[tilespmem:$0x1C520] =	vst v63  }
0xc1: {  	s21 =	sadd.s32 $0x500, s17  }
0xc2: {  	[tilespmem:s4], [sflag:$0x1] =	stream.indirect.gather [hbm4b:s5+s15], $0x10, s21, s15, $0xb8;
	[tilespmem:$0x1C520] =	vst v63  }
0xc3: {  	s21 =	sadd.s32 $0x550, s17;
	s4 =	simm.s32 $0xA320  }
0xc4: {  	[tilespmem:s4], [sflag:$0x1] =	stream.indirect.gather [hbm4b:s5+s15], $0x10, s21, s15, $0xb8;
	[tilespmem:$0x1C520] =	vst v63  }
0xc5: {  	s4 =	simm.s32 $0x9E20  }
0xc6: {  	s21 =	sadd.s32 $0x5A0, s17  }
0xc7: {  	[tilespmem:s23], [sflag:$0x1] =	stream.indirect.gather [hbm4b:s5+s15], $0x10, s21, s15, $0xb8;
	[tilespmem:$0x1C520] =	vst v63  }
0xc8: {  	s21 =	sadd.s32 $0x5F0, s17  }
0xc9: {  	[tilespmem:s12], [sflag:$0x1] =	stream.indirect.gather [hbm4b:s5+s15], $0x10, s21, s15, $0xb8;
	[tilespmem:$0x1C520] =	vst v63  }
0xca: {  	s23 =	simm.s32 $0xB220;
	s21 =	sadd.s32 $0x640, s17  }
0xcb: {  	[tilespmem:s23], [sflag:$0x1] =	stream.indirect.gather [hbm4b:s5+s15], $0x10, s21, s15, $0xb8;
	[tilespmem:$0x1C520] =	vst v63  }
0xcc: {  	s21 =	sadd.s32 $0x690, s17;
	s23 =	simm.s32 $0xB720  }
0xcd: {  	[tilespmem:s23], [sflag:$0x1] =	stream.indirect.gather [hbm4b:s5+s15], $0x10, s21, s15, $0xb8;
	[tilespmem:$0x1C520] =	vst v63  }
0xce: {  	s21 =	sadd.s32 $0x6E0, s17;
	s23 =	simm.s32 $0xBC20  }
0xcf: {  	[tilespmem:s23], [sflag:$0x1] =	stream.indirect.gather [hbm4b:s5+s15], $0x10, s21, s15, $0xb8;
	[tilespmem:$0x1C520] =	vst v63  }
0xd0: {  	s23 =	simm.s32 $0xA820  }
0xd1: {  	s21 =	sadd.s32 $0x730, s17  }
0xd2: {  	[tilespmem:s22], [sflag:$0x1] =	stream.indirect.gather [hbm4b:s5+s15], $0x10, s21, s15, $0xb8;
	[tilespmem:$0x1C520] =	vst v63  }
0xd3: {  	s2 =	simm.s32 $0xC620;
	s17 =	sadd.s32 $0x780, s17  }
0xd4: {  	[tilespmem:s2], [sflag:$0x1] =	stream.indirect.gather [hbm4b:s5+s15], $0x10, s17, s15, $0xb8;
	[tilespmem:$0x1C520] =	vst v63  }
0xd5: {  	_ =	swait.ge [sflag:s7], $0x500  }
0xd6: {  	[sflag:s7] =	ssyncset.done $0x0  }
0xd7: {  	[sflag:s7] =	ssyncadd.s32 $0xFFFFFB00  }
0xd8: {  	_ =	swait.ge [sflag:s7], $0x500  }
0xd9: {  	[sflag:s7] =	ssyncset.done $0x0  }
0xda: {  	[sflag:s7] =	ssyncadd.s32 $0xFFFFFB00  }
0xdb: {  	_ =	swait.ge [sflag:s7], $0x500  }
0xdc: {  	[sflag:s7] =	ssyncset.done $0x0  }
0xdd: {  	[sflag:s7] =	ssyncadd.s32 $0xFFFFFB00  }
0xde: {  	_ =	swait.ge [sflag:s7], $0x500  }
0xdf: {  	[sflag:s7] =	ssyncset.done $0x0  }
0xe0: {  	[sflag:s7] =	ssyncadd.s32 $0xFFFFFB00  }
0xe1: {  	_ =	swait.ge [sflag:s7], $0x500  }
0xe2: {  	[sflag:s7] =	ssyncset.done $0x0  }
0xe3: {  	[sflag:s7] =	ssyncadd.s32 $0xFFFFFB00  }
0xe4: {  	_ =	swait.ge [sflag:s7], $0x500  }
0xe5: {  	[sflag:s7] =	ssyncset.done $0x0  }
0xe6: {  	[sflag:s7] =	ssyncadd.s32 $0xFFFFFB00  }
0xe7: {  	_ =	swait.ge [sflag:s7], $0x500  }
0xe8: {  	[sflag:s7] =	ssyncset.done $0x0  }
0xe9: {  	[sflag:s7] =	ssyncadd.s32 $0xFFFFFB00  }
0xea: {  	_ =	swait.ge [sflag:s7], $0x500  }
0xeb: {  	[sflag:s7] =	ssyncset.done $0x0  }
0xec: {  	[sflag:s7] =	ssyncadd.s32 $0xFFFFFB00  }
0xed: {  	_ =	swait.ge [sflag:s7], $0x500  }
0xee: {  	[sflag:s7] =	ssyncset.done $0x0  }
0xef: {  	[sflag:s7] =	ssyncadd.s32 $0xFFFFFB00  }
0xf0: {  	_ =	swait.ge [sflag:s7], $0x500  }
0xf1: {  	[sflag:s7] =	ssyncset.done $0x0  }
0xf2: {  	[sflag:s7] =	ssyncadd.s32 $0xFFFFFB00  }
0xf3: {  	_ =	swait.ge [sflag:s7], $0x500  }
0xf4: {  	[sflag:s7] =	ssyncset.done $0x0  }
0xf5: {  	[sflag:s7] =	ssyncadd.s32 $0xFFFFFB00  }
0xf6: {  	_ =	swait.ge [sflag:s7], $0x500  }
0xf7: {  	[sflag:s7] =	ssyncset.done $0x0  }
0xf8: {  	[sflag:s7] =	ssyncadd.s32 $0xFFFFFB00  }
0xf9: {  	_ =	swait.ge [sflag:s7], $0x500  }
0xfa: {  	[sflag:s7] =	ssyncset.done $0x0  }
0xfb: {  	[sflag:s7] =	ssyncadd.s32 $0xFFFFFB00  }
0xfc: {  	_ =	swait.ge [sflag:s7], $0x500  }
0xfd: {  	[sflag:s7] =	ssyncset.done $0x0  }
0xfe: {  	[sflag:s7] =	ssyncadd.s32 $0xFFFFFB00  }
0xff: {  	_ =	swait.ge [sflag:s7], $0x500  }
0x100: {  	[sflag:s7] =	ssyncset.done $0x0  }
0x101: {  	[sflag:s7] =	ssyncadd.s32 $0xFFFFFB00  }
0x102: {  	_ =	swait.ge [sflag:s7], $0x500  }
0x103: {  	[sflag:s7] =	ssyncset.done $0x0  }
0x104: {  	[sflag:s7] =	ssyncadd.s32 $0xFFFFFB00  }
0x105: {  	_ =	swait.ge [sflag:s7], $0x500  }
0x106: {  	[sflag:s7] =	ssyncset.done $0x0  }
0x107: {  	[sflag:s7] =	ssyncadd.s32 $0xFFFFFB00  }
0x108: {  	_ =	swait.ge [sflag:s7], $0x500  }
0x109: {  	[sflag:s7] =	ssyncset.done $0x0  }
0x10a: {  	[sflag:s7] =	ssyncadd.s32 $0xFFFFFB00  }
0x10b: {  	_ =	swait.ge [sflag:s7], $0x500  }
0x10c: {  	[sflag:s7] =	ssyncset.done $0x0  }
0x10d: {  	[sflag:s7] =	ssyncadd.s32 $0xFFFFFB00  }
0x10e: {  	_ =	swait.ge [sflag:s7], $0x500  }
0x10f: {  	[sflag:s7] =	ssyncset.done $0x0  }
0x110: {  	[sflag:s7] =	ssyncadd.s32 $0xFFFFFB00  }
0x111: {  	_ =	swait.ge [sflag:s7], $0x500  }
0x112: {  	[sflag:s7] =	ssyncset.done $0x0  }
0x113: {  	[sflag:s7] =	ssyncadd.s32 $0xFFFFFB00  }
0x114: {  	_ =	swait.ge [sflag:s7], $0x500  }
0x115: {  	[sflag:s7] =	ssyncset.done $0x0  }
0x116: {  	[sflag:s7] =	ssyncadd.s32 $0xFFFFFB00  }
0x117: {  	_ =	swait.ge [sflag:s7], $0x500  }
0x118: {  	[sflag:s7] =	ssyncset.done $0x0  }
0x119: {  	[sflag:s7] =	ssyncadd.s32 $0xFFFFFB00  }
0x11a: {  	_ =	swait.ge [sflag:s7], $0x500  }
0x11b: {  	[sflag:s7] =	ssyncset.done $0x0  }
0x11c: {  	[sflag:s7] =	ssyncadd.s32 $0xFFFFFB00  }
0x11d: {  	_ =	swait.ge [sflag:s7], $0x500  }
.Ltmp0:
0x11e: {  	[sflag:s7] =	ssyncset.done $0x0;
	(pc) =	sbr.rel @p0 .LBB2_2-.Ltmp0, $4  }
0x11f: {  	s17 =	simm.s32 $0x0;
	[sflag:s7] =	ssyncadd.s32 $0xFFFFFB00  }
0x120: {  	[hbm4b:s18+s17] =	stream.linear.scatter [tilespmem:s16], [sflag:$0x2], $0x7D00, $0x38;
	[tilespmem:$0x1C520] =	vst v63  }
0x121: {  	_ =	swait.ge [sflag:s13], $0x7D00  }
0x122: {  	s21 =	smov.u32 s20;
	s18 =	sadd.s32 $0xFA0, s18;
	[sflag:s13] =	ssyncset.done $0x0  }
0x123: {  	s19 =	sshra.s32 s19, $0x2;
	[sflag:s13] =	ssyncadd.s32 $0xFFFF8300  }
0x124: {  	[tilespmem:s16], [sflag:$0x1] =	stream.indirect.gather [hbm4b:s5+s15], $0x10, s19, s15, $0xb8;
	[tilespmem:$0x1C520] =	vst v63  }
0x125: {  	s2 =	simm.s32 $0x5320;
	s20 =	sadd.s32 $0x50, s19  }
0x126: {  	[tilespmem:s2], [sflag:$0x1] =	stream.indirect.gather [hbm4b:s5+s15], $0x10, s20, s15, $0xb8;
	[tilespmem:$0x1C520] =	vst v63  }
0x127: {  	s2 =	sadd.s32 $0xA0, s19  }
0x128: {  	[tilespmem:s24], [sflag:$0x1] =	stream.indirect.gather [hbm4b:s5+s15], $0x10, s2, s15, $0xb8;
	[tilespmem:$0x1C520] =	vst v63  }
0x129: {  	s21 =	sadd.s32 $0xF0, s19  }
0x12a: {  	[tilespmem:s25], [sflag:$0x1] =	stream.indirect.gather [hbm4b:s5+s15], $0x10, s21, s15, $0xb8;
	[tilespmem:$0x1C520] =	vst v63  }
0x12b: {  	s2 =	sadd.s32 $0x140, s19  }
0x12c: {  	[tilespmem:s26], [sflag:$0x1] =	stream.indirect.gather [hbm4b:s5+s15], $0x10, s2, s15, $0xb8;
	[tilespmem:$0x1C520] =	vst v63  }
0x12d: {  	s21 =	sadd.s32 $0x190, s19  }
0x12e: {  	[tilespmem:s28], [sflag:$0x1] =	stream.indirect.gather [hbm4b:s5+s15], $0x10, s21, s15, $0xb8;
	[tilespmem:$0x1C520] =	vst v63  }
0x12f: {  	s2 =	sadd.s32 $0x1E0, s19  }
0x130: {  	[tilespmem:s29], [sflag:$0x1] =	stream.indirect.gather [hbm4b:s5+s15], $0x10, s2, s15, $0xb8;
	[tilespmem:$0x1C520] =	vst v63  }
0x131: {  	s21 =	sadd.s32 $0x230, s19  }
0x132: {  	[tilespmem:s30], [sflag:$0x1] =	stream.indirect.gather [hbm4b:s5+s15], $0x10, s21, s15, $0xb8;
	[tilespmem:$0x1C520] =	vst v63  }
0x133: {  	s2 =	sadd.s32 $0x280, s19  }
0x134: {  	[tilespmem:s31], [sflag:$0x1] =	stream.indirect.gather [hbm4b:s5+s15], $0x10, s2, s15, $0xb8;
	[tilespmem:$0x1C520] =	vst v63  }
0x135: {  	s21 =	sadd.s32 $0x2D0, s19  }
0x136: {  	[tilespmem:s1], [sflag:$0x1] =	stream.indirect.gather [hbm4b:s5+s15], $0x10, s21, s15, $0xb8;
	[tilespmem:$0x1C520] =	vst v63  }
0x137: {  	s2 =	sadd.s32 $0x320, s19  }
0x138: {  	[tilespmem:s0], [sflag:$0x1] =	stream.indirect.gather [hbm4b:s5+s15], $0x10, s2, s15, $0xb8;
	[tilespmem:$0x1C520] =	vst v63  }
0x139: {  	s21 =	sadd.s32 $0x370, s19  }
0x13a: {  	[tilespmem:s14], [sflag:$0x1] =	stream.indirect.gather [hbm4b:s5+s15], $0x10, s21, s15, $0xb8;
	[tilespmem:$0x1C520] =	vst v63  }
0x13b: {  	s2 =	sadd.s32 $0x3C0, s19  }
0x13c: {  	[tilespmem:s8], [sflag:$0x1] =	stream.indirect.gather [hbm4b:s5+s15], $0x10, s2, s15, $0xb8;
	[tilespmem:$0x1C520] =	vst v63  }
0x13d: {  	s21 =	sadd.s32 $0x410, s19  }
0x13e: {  	[tilespmem:s9], [sflag:$0x1] =	stream.indirect.gather [hbm4b:s5+s15], $0x10, s21, s15, $0xb8;
	[tilespmem:$0x1C520] =	vst v63  }
0x13f: {  	s2 =	sadd.s32 $0x460, s19  }
0x140: {  	[tilespmem:s10], [sflag:$0x1] =	stream.indirect.gather [hbm4b:s5+s15], $0x10, s2, s15, $0xb8;
	[tilespmem:$0x1C520] =	vst v63  }
0x141: {  	s21 =	sadd.s32 $0x4B0, s19  }
0x142: {  	[tilespmem:s11], [sflag:$0x1] =	stream.indirect.gather [hbm4b:s5+s15], $0x10, s21, s15, $0xb8;
	[tilespmem:$0x1C520] =	vst v63  }
0x143: {  	s2 =	sadd.s32 $0x500, s19  }
0x144: {  	[tilespmem:s4], [sflag:$0x1] =	stream.indirect.gather [hbm4b:s5+s15], $0x10, s2, s15, $0xb8;
	[tilespmem:$0x1C520] =	vst v63  }
0x145: {  	s21 =	sadd.s32 $0x550, s19;
	s2 =	simm.s32 $0xA320  }
0x146: {  	[tilespmem:s2], [sflag:$0x1] =	stream.indirect.gather [hbm4b:s5+s15], $0x10, s21, s15, $0xb8;
	[tilespmem:$0x1C520] =	vst v63  }
0x147: {  	s21 =	sadd.s32 $0x5A0, s19  }
0x148: {  	[tilespmem:s23], [sflag:$0x1] =	stream.indirect.gather [hbm4b:s5+s15], $0x10, s21, s15, $0xb8;
	[tilespmem:$0x1C520] =	vst v63  }
0x149: {  	s23 =	sadd.s32 $0x5F0, s19  }
0x14a: {  	[tilespmem:s12], [sflag:$0x1] =	stream.indirect.gather [hbm4b:s5+s15], $0x10, s23, s15, $0xb8;
	[tilespmem:$0x1C520] =	vst v63  }
0x14b: {  	s2 =	sadd.s32 $0x640, s19;
	s21 =	simm.s32 $0xB220  }
0x14c: {  	[tilespmem:s21], [sflag:$0x1] =	stream.indirect.gather [hbm4b:s5+s15], $0x10, s2, s15, $0xb8;
	[tilespmem:$0x1C520] =	vst v63  }
0x14d: {  	s23 =	sadd.s32 $0x690, s19;
	s2 =	simm.s32 $0xB720  }
0x14e: {  	[tilespmem:s2], [sflag:$0x1] =	stream.indirect.gather [hbm4b:s5+s15], $0x10, s23, s15, $0xb8;
	[tilespmem:$0x1C520] =	vst v63  }
0x14f: {  	s23 =	sadd.s32 $0x6E0, s19;
	s2 =	simm.s32 $0xBC20  }
0x150: {  	[tilespmem:s2], [sflag:$0x1] =	stream.indirect.gather [hbm4b:s5+s15], $0x10, s23, s15, $0xb8;
	[tilespmem:$0x1C520] =	vst v63  }
0x151: {  	s21 =	sadd.s32 $0x730, s19  }
0x152: {  	[tilespmem:s22], [sflag:$0x1] =	stream.indirect.gather [hbm4b:s5+s15], $0x10, s21, s15, $0xb8;
	[tilespmem:$0x1C520] =	vst v63  }
0x153: {  	s19 =	sadd.s32 $0x780, s19;
	s23 =	simm.s32 $0xC620  }
0x154: {  	[tilespmem:s23], [sflag:$0x1] =	stream.indirect.gather [hbm4b:s5+s15], $0x10, s19, s15, $0xb8;
	[tilespmem:$0x1C520] =	vst v63  }
0x155: {  	_ =	swait.ge [sflag:s7], $0x500  }
0x156: {  	[sflag:s7] =	ssyncset.done $0x0  }
0x157: {  	[sflag:s7] =	ssyncadd.s32 $0xFFFFFB00  }
0x158: {  	_ =	swait.ge [sflag:s7], $0x500  }
0x159: {  	[sflag:s7] =	ssyncset.done $0x0  }
0x15a: {  	[sflag:s7] =	ssyncadd.s32 $0xFFFFFB00  }
0x15b: {  	_ =	swait.ge [sflag:s7], $0x500  }
0x15c: {  	[sflag:s7] =	ssyncset.done $0x0  }
0x15d: {  	[sflag:s7] =	ssyncadd.s32 $0xFFFFFB00  }
0x15e: {  	_ =	swait.ge [sflag:s7], $0x500  }
0x15f: {  	[sflag:s7] =	ssyncset.done $0x0  }
0x160: {  	[sflag:s7] =	ssyncadd.s32 $0xFFFFFB00  }
0x161: {  	_ =	swait.ge [sflag:s7], $0x500  }
0x162: {  	[sflag:s7] =	ssyncset.done $0x0  }
0x163: {  	[sflag:s7] =	ssyncadd.s32 $0xFFFFFB00  }
0x164: {  	_ =	swait.ge [sflag:s7], $0x500  }
0x165: {  	[sflag:s7] =	ssyncset.done $0x0  }
0x166: {  	[sflag:s7] =	ssyncadd.s32 $0xFFFFFB00  }
0x167: {  	_ =	swait.ge [sflag:s7], $0x500  }
0x168: {  	[sflag:s7] =	ssyncset.done $0x0  }
0x169: {  	[sflag:s7] =	ssyncadd.s32 $0xFFFFFB00  }
0x16a: {  	_ =	swait.ge [sflag:s7], $0x500  }
0x16b: {  	[sflag:s7] =	ssyncset.done $0x0  }
0x16c: {  	[sflag:s7] =	ssyncadd.s32 $0xFFFFFB00  }
0x16d: {  	_ =	swait.ge [sflag:s7], $0x500  }
0x16e: {  	[sflag:s7] =	ssyncset.done $0x0  }
0x16f: {  	[sflag:s7] =	ssyncadd.s32 $0xFFFFFB00  }
0x170: {  	_ =	swait.ge [sflag:s7], $0x500  }
0x171: {  	[sflag:s7] =	ssyncset.done $0x0  }
0x172: {  	[sflag:s7] =	ssyncadd.s32 $0xFFFFFB00  }
0x173: {  	_ =	swait.ge [sflag:s7], $0x500  }
0x174: {  	[sflag:s7] =	ssyncset.done $0x0  }
0x175: {  	[sflag:s7] =	ssyncadd.s32 $0xFFFFFB00  }
0x176: {  	_ =	swait.ge [sflag:s7], $0x500  }
0x177: {  	[sflag:s7] =	ssyncset.done $0x0  }
0x178: {  	[sflag:s7] =	ssyncadd.s32 $0xFFFFFB00  }
0x179: {  	_ =	swait.ge [sflag:s7], $0x500  }
0x17a: {  	[sflag:s7] =	ssyncset.done $0x0  }
0x17b: {  	[sflag:s7] =	ssyncadd.s32 $0xFFFFFB00  }
0x17c: {  	_ =	swait.ge [sflag:s7], $0x500  }
0x17d: {  	[sflag:s7] =	ssyncset.done $0x0  }
0x17e: {  	[sflag:s7] =	ssyncadd.s32 $0xFFFFFB00  }
0x17f: {  	_ =	swait.ge [sflag:s7], $0x500  }
0x180: {  	[sflag:s7] =	ssyncset.done $0x0  }
0x181: {  	[sflag:s7] =	ssyncadd.s32 $0xFFFFFB00  }
0x182: {  	_ =	swait.ge [sflag:s7], $0x500  }
0x183: {  	[sflag:s7] =	ssyncset.done $0x0  }
0x184: {  	[sflag:s7] =	ssyncadd.s32 $0xFFFFFB00  }
0x185: {  	_ =	swait.ge [sflag:s7], $0x500  }
0x186: {  	[sflag:s7] =	ssyncset.done $0x0  }
0x187: {  	[sflag:s7] =	ssyncadd.s32 $0xFFFFFB00  }
0x188: {  	_ =	swait.ge [sflag:s7], $0x500  }
0x189: {  	[sflag:s7] =	ssyncset.done $0x0  }
0x18a: {  	[sflag:s7] =	ssyncadd.s32 $0xFFFFFB00  }
0x18b: {  	_ =	swait.ge [sflag:s7], $0x500  }
0x18c: {  	[sflag:s7] =	ssyncset.done $0x0  }
0x18d: {  	[sflag:s7] =	ssyncadd.s32 $0xFFFFFB00  }
0x18e: {  	_ =	swait.ge [sflag:s7], $0x500  }
0x18f: {  	[sflag:s7] =	ssyncset.done $0x0  }
0x190: {  	[sflag:s7] =	ssyncadd.s32 $0xFFFFFB00  }
0x191: {  	_ =	swait.ge [sflag:s7], $0x500  }
0x192: {  	[sflag:s7] =	ssyncset.done $0x0  }
0x193: {  	[sflag:s7] =	ssyncadd.s32 $0xFFFFFB00  }
0x194: {  	_ =	swait.ge [sflag:s7], $0x500  }
0x195: {  	[sflag:s7] =	ssyncset.done $0x0  }
0x196: {  	[sflag:s7] =	ssyncadd.s32 $0xFFFFFB00  }
0x197: {  	_ =	swait.ge [sflag:s7], $0x500  }
0x198: {  	[sflag:s7] =	ssyncset.done $0x0  }
0x199: {  	[sflag:s7] =	ssyncadd.s32 $0xFFFFFB00  }
0x19a: {  	_ =	swait.ge [sflag:s7], $0x500  }
0x19b: {  	[sflag:s7] =	ssyncset.done $0x0  }
0x19c: {  	[sflag:s7] =	ssyncadd.s32 $0xFFFFFB00  }
0x19d: {  	_ =	swait.ge [sflag:s7], $0x500  }
0x19e: {  	p1 =	por $0x1, $0x1;
	[sflag:s7] =	ssyncset.done $0x0  }
.Ltmp1:
0x19f: {  	p0 =	por $0x0, $0x0;
	[sflag:s7] =	ssyncadd.s32 $0xFFFFFB00;
	(pc) =	sbr.rel @!p1 .LBB2_8-.Ltmp1, $4  }
0x1a0: {  	[hbm4b:s18+s17] =	stream.linear.scatter [tilespmem:s16], [sflag:$0x2], $0x7D00, $0x38;
	[tilespmem:$0x1C520] =	vst v63  }
0x1a1: {  	s4 =	simm.s32 $0x9E20;
	s2 =	simm.s32 $0xC120;
	_ =	swait.ge [sflag:s13], $0x7D00  }
0x1a2: {  	s21 =	simm.s32 $0x0;
	s22 =	simm.s32 $0xC620;
	[sflag:s13] =	ssyncset.done $0x0  }
0x1a3: {  	s23 =	simm.s32 $0x0;
	s18 =	rddreg [dreg:$0xa];
	[sflag:s13] =	ssyncadd.s32 $0xFFFF8300  }
0x1a4: {  	s18 =	simm.s32 $0x2710  }
0x1a5: {  	[tilespmem:s16], [sflag:$0x1] =	stream.indirect.gather [hbm4b:s6+s15], $0x10, s18, s15, $0xb8;
	[tilespmem:$0x1C520] =	vst v63  }
0x1a6: {  	s21 =	simm.s32 $0x2760;
	s12 =	simm.s32 $0x5320  }
0x1a7: {  	[tilespmem:s12], [sflag:$0x1] =	stream.indirect.gather [hbm4b:s6+s15], $0x10, s21, s15, $0xb8;
	[tilespmem:$0x1C520] =	vst v63  }
0x1a8: {  	s23 =	simm.s32 $0x27B0  }
0x1a9: {  	[tilespmem:s24], [sflag:$0x1] =	stream.indirect.gather [hbm4b:s6+s15], $0x10, s23, s15, $0xb8;
	[tilespmem:$0x1C520] =	vst v63  }
0x1aa: {  	s12 =	simm.s32 $0x2800  }
0x1ab: {  	[tilespmem:s25], [sflag:$0x1] =	stream.indirect.gather [hbm4b:s6+s15], $0x10, s12, s15, $0xb8;
	[tilespmem:$0x1C520] =	vst v63  }
0x1ac: {  	s19 =	simm.s32 $0x2850  }
0x1ad: {  	[tilespmem:s26], [sflag:$0x1] =	stream.indirect.gather [hbm4b:s6+s15], $0x10, s19, s15, $0xb8;
	[tilespmem:$0x1C520] =	vst v63  }
0x1ae: {  	s20 =	simm.s32 $0x28A0  }
0x1af: {  	[tilespmem:s28], [sflag:$0x1] =	stream.indirect.gather [hbm4b:s6+s15], $0x10, s20, s15, $0xb8;
	[tilespmem:$0x1C520] =	vst v63  }
0x1b0: {  	s21 =	simm.s32 $0x28F0  }
0x1b1: {  	[tilespmem:s29], [sflag:$0x1] =	stream.indirect.gather [hbm4b:s6+s15], $0x10, s21, s15, $0xb8;
	[tilespmem:$0x1C520] =	vst v63  }
0x1b2: {  	s23 =	simm.s32 $0x2940  }
0x1b3: {  	[tilespmem:s30], [sflag:$0x1] =	stream.indirect.gather [hbm4b:s6+s15], $0x10, s23, s15, $0xb8;
	[tilespmem:$0x1C520] =	vst v63  }
0x1b4: {  	s24 =	simm.s32 $0x2990  }
0x1b5: {  	[tilespmem:s31], [sflag:$0x1] =	stream.indirect.gather [hbm4b:s6+s15], $0x10, s24, s15, $0xb8;
	[tilespmem:$0x1C520] =	vst v63  }
0x1b6: {  	s25 =	simm.s32 $0x29E0  }
0x1b7: {  	[tilespmem:s1], [sflag:$0x1] =	stream.indirect.gather [hbm4b:s6+s15], $0x10, s25, s15, $0xb8;
	[tilespmem:$0x1C520] =	vst v63  }
0x1b8: {  	s26 =	simm.s32 $0x2A30  }
0x1b9: {  	[tilespmem:s0], [sflag:$0x1] =	stream.indirect.gather [hbm4b:s6+s15], $0x10, s26, s15, $0xb8;
	[tilespmem:$0x1C520] =	vst v63  }
0x1ba: {  	s0 =	simm.s32 $0x2A80  }
0x1bb: {  	[tilespmem:s14], [sflag:$0x1] =	stream.indirect.gather [hbm4b:s6+s15], $0x10, s0, s15, $0xb8;
	[tilespmem:$0x1C520] =	vst v63  }
0x1bc: {  	s1 =	simm.s32 $0x2AD0  }
0x1bd: {  	[tilespmem:s8], [sflag:$0x1] =	stream.indirect.gather [hbm4b:s6+s15], $0x10, s1, s15, $0xb8;
	[tilespmem:$0x1C520] =	vst v63  }
0x1be: {  	s12 =	simm.s32 $0x2B20  }
0x1bf: {  	[tilespmem:s9], [sflag:$0x1] =	stream.indirect.gather [hbm4b:s6+s15], $0x10, s12, s15, $0xb8;
	[tilespmem:$0x1C520] =	vst v63  }
0x1c0: {  	s14 =	simm.s32 $0x2B70  }
0x1c1: {  	[tilespmem:s10], [sflag:$0x1] =	stream.indirect.gather [hbm4b:s6+s15], $0x10, s14, s15, $0xb8;
	[tilespmem:$0x1C520] =	vst v63  }
0x1c2: {  	s19 =	simm.s32 $0x2BC0  }
0x1c3: {  	[tilespmem:s11], [sflag:$0x1] =	stream.indirect.gather [hbm4b:s6+s15], $0x10, s19, s15, $0xb8;
	[tilespmem:$0x1C520] =	vst v63  }
0x1c4: {  	s20 =	simm.s32 $0x2C10  }
0x1c5: {  	[tilespmem:s4], [sflag:$0x1] =	stream.indirect.gather [hbm4b:s6+s15], $0x10, s20, s15, $0xb8;
	[tilespmem:$0x1C520] =	vst v63  }
0x1c6: {  	s21 =	simm.s32 $0x2C60;
	s23 =	simm.s32 $0xA320  }
0x1c7: {  	[tilespmem:s23], [sflag:$0x1] =	stream.indirect.gather [hbm4b:s6+s15], $0x10, s21, s15, $0xb8;
	[tilespmem:$0x1C520] =	vst v63  }
0x1c8: {  	s10 =	simm.s32 $0xA820;
	s4 =	simm.s32 $0x2CB0  }
0x1c9: {  	[tilespmem:s10], [sflag:$0x1] =	stream.indirect.gather [hbm4b:s6+s15], $0x10, s4, s15, $0xb8;
	[tilespmem:$0x1C520] =	vst v63  }
0x1ca: {  	s11 =	simm.s32 $0xAD20;
	s19 =	simm.s32 $0x2D00  }
0x1cb: {  	[tilespmem:s11], [sflag:$0x1] =	stream.indirect.gather [hbm4b:s6+s15], $0x10, s19, s15, $0xb8;
	[tilespmem:$0x1C520] =	vst v63  }
0x1cc: {  	s20 =	simm.s32 $0x2D50;
	s19 =	simm.s32 $0xB220  }
0x1cd: {  	[tilespmem:s19], [sflag:$0x1] =	stream.indirect.gather [hbm4b:s6+s15], $0x10, s20, s15, $0xb8;
	[tilespmem:$0x1C520] =	vst v63  }
0x1ce: {  	s21 =	simm.s32 $0x2DA0;
	s23 =	simm.s32 $0xB720  }
0x1cf: {  	[tilespmem:s23], [sflag:$0x1] =	stream.indirect.gather [hbm4b:s6+s15], $0x10, s21, s15, $0xb8;
	[tilespmem:$0x1C520] =	vst v63  }
0x1d0: {  	s4 =	simm.s32 $0x2DF0;
	s10 =	simm.s32 $0xBC20  }
0x1d1: {  	[tilespmem:s10], [sflag:$0x1] =	stream.indirect.gather [hbm4b:s6+s15], $0x10, s4, s15, $0xb8;
	[tilespmem:$0x1C520] =	vst v63  }
0x1d2: {  	s20 =	simm.s32 $0x2E40  }
0x1d3: {  	[tilespmem:s2], [sflag:$0x1] =	stream.indirect.gather [hbm4b:s6+s15], $0x10, s20, s15, $0xb8;
	[tilespmem:$0x1C520] =	vst v63  }
0x1d4: {  	s21 =	simm.s32 $0x2E90  }
0x1d5: {  	[tilespmem:s22], [sflag:$0x1] =	stream.indirect.gather [hbm4b:s6+s15], $0x10, s21, s15, $0xb8;
	[tilespmem:$0x1C520] =	vst v63  }
0x1d6: {  	_ =	swait.ge [sflag:s7], $0x500  }
0x1d7: {  	[sflag:s7] =	ssyncset.done $0x0  }
0x1d8: {  	[sflag:s7] =	ssyncadd.s32 $0xFFFFFB00  }
0x1d9: {  	_ =	swait.ge [sflag:s7], $0x500  }
0x1da: {  	[sflag:s7] =	ssyncset.done $0x0  }
0x1db: {  	[sflag:s7] =	ssyncadd.s32 $0xFFFFFB00  }
0x1dc: {  	_ =	swait.ge [sflag:s7], $0x500  }
0x1dd: {  	[sflag:s7] =	ssyncset.done $0x0  }
0x1de: {  	[sflag:s7] =	ssyncadd.s32 $0xFFFFFB00  }
0x1df: {  	_ =	swait.ge [sflag:s7], $0x500  }
0x1e0: {  	[sflag:s7] =	ssyncset.done $0x0  }
0x1e1: {  	[sflag:s7] =	ssyncadd.s32 $0xFFFFFB00  }
0x1e2: {  	_ =	swait.ge [sflag:s7], $0x500  }
0x1e3: {  	[sflag:s7] =	ssyncset.done $0x0  }
0x1e4: {  	[sflag:s7] =	ssyncadd.s32 $0xFFFFFB00  }
0x1e5: {  	_ =	swait.ge [sflag:s7], $0x500  }
0x1e6: {  	[sflag:s7] =	ssyncset.done $0x0  }
0x1e7: {  	[sflag:s7] =	ssyncadd.s32 $0xFFFFFB00  }
0x1e8: {  	_ =	swait.ge [sflag:s7], $0x500  }
0x1e9: {  	[sflag:s7] =	ssyncset.done $0x0  }
0x1ea: {  	[sflag:s7] =	ssyncadd.s32 $0xFFFFFB00  }
0x1eb: {  	_ =	swait.ge [sflag:s7], $0x500  }
0x1ec: {  	[sflag:s7] =	ssyncset.done $0x0  }
0x1ed: {  	[sflag:s7] =	ssyncadd.s32 $0xFFFFFB00  }
0x1ee: {  	_ =	swait.ge [sflag:s7], $0x500  }
0x1ef: {  	[sflag:s7] =	ssyncset.done $0x0  }
0x1f0: {  	[sflag:s7] =	ssyncadd.s32 $0xFFFFFB00  }
0x1f1: {  	_ =	swait.ge [sflag:s7], $0x500  }
0x1f2: {  	[sflag:s7] =	ssyncset.done $0x0  }
0x1f3: {  	[sflag:s7] =	ssyncadd.s32 $0xFFFFFB00  }
0x1f4: {  	_ =	swait.ge [sflag:s7], $0x500  }
0x1f5: {  	[sflag:s7] =	ssyncset.done $0x0  }
0x1f6: {  	[sflag:s7] =	ssyncadd.s32 $0xFFFFFB00  }
0x1f7: {  	_ =	swait.ge [sflag:s7], $0x500  }
0x1f8: {  	[sflag:s7] =	ssyncset.done $0x0  }
0x1f9: {  	[sflag:s7] =	ssyncadd.s32 $0xFFFFFB00  }
0x1fa: {  	_ =	swait.ge [sflag:s7], $0x500  }
0x1fb: {  	[sflag:s7] =	ssyncset.done $0x0  }
0x1fc: {  	[sflag:s7] =	ssyncadd.s32 $0xFFFFFB00  }
0x1fd: {  	_ =	swait.ge [sflag:s7], $0x500  }
0x1fe: {  	[sflag:s7] =	ssyncset.done $0x0  }
0x1ff: {  	[sflag:s7] =	ssyncadd.s32 $0xFFFFFB00  }
0x200: {  	_ =	swait.ge [sflag:s7], $0x500  }
0x201: {  	[sflag:s7] =	ssyncset.done $0x0  }
0x202: {  	[sflag:s7] =	ssyncadd.s32 $0xFFFFFB00  }
0x203: {  	_ =	swait.ge [sflag:s7], $0x500  }
0x204: {  	[sflag:s7] =	ssyncset.done $0x0  }
0x205: {  	[sflag:s7] =	ssyncadd.s32 $0xFFFFFB00  }
0x206: {  	_ =	swait.ge [sflag:s7], $0x500  }
0x207: {  	[sflag:s7] =	ssyncset.done $0x0  }
0x208: {  	[sflag:s7] =	ssyncadd.s32 $0xFFFFFB00  }
0x209: {  	_ =	swait.ge [sflag:s7], $0x500  }
0x20a: {  	[sflag:s7] =	ssyncset.done $0x0  }
0x20b: {  	[sflag:s7] =	ssyncadd.s32 $0xFFFFFB00  }
0x20c: {  	_ =	swait.ge [sflag:s7], $0x500  }
0x20d: {  	[sflag:s7] =	ssyncset.done $0x0  }
0x20e: {  	[sflag:s7] =	ssyncadd.s32 $0xFFFFFB00  }
0x20f: {  	_ =	swait.ge [sflag:s7], $0x500  }
0x210: {  	[sflag:s7] =	ssyncset.done $0x0  }
0x211: {  	[sflag:s7] =	ssyncadd.s32 $0xFFFFFB00  }
0x212: {  	_ =	swait.ge [sflag:s7], $0x500  }
0x213: {  	[sflag:s7] =	ssyncset.done $0x0  }
0x214: {  	[sflag:s7] =	ssyncadd.s32 $0xFFFFFB00  }
0x215: {  	_ =	swait.ge [sflag:s7], $0x500  }
0x216: {  	[sflag:s7] =	ssyncset.done $0x0  }
0x217: {  	[sflag:s7] =	ssyncadd.s32 $0xFFFFFB00  }
0x218: {  	p1 =	por $0x1, $0x1;
	p0 =	por $0x1, $0x1;
	_ =	swait.ge [sflag:s7], $0x500  }
0x219: {  	s28 =	simm.s32 $0x6C20;
	s29 =	simm.s32 $0x7120;
	[sflag:s7] =	ssyncset.done $0x0  }
0x21a: {  	s30 =	simm.s32 $0x7620;
	s24 =	simm.s32 $0x5D20;
	[sflag:s7] =	ssyncadd.s32 $0xFFFFFB00  }
0x21b: {  	s31 =	simm.s32 $0x7B20;
	s25 =	simm.s32 $0x6220;
	_ =	swait.ge [sflag:s7], $0x500  }
0x21c: {  	s26 =	simm.s32 $0x6720;
	s0 =	simm.s32 $0x8520;
	[sflag:s7] =	ssyncset.done $0x0  }
0x21d: {  	s1 =	simm.s32 $0x8020;
	s8 =	simm.s32 $0x8F20;
	[sflag:s7] =	ssyncadd.s32 $0xFFFFFB00  }
0x21e: {  	s12 =	simm.s32 $0x5820;
	s9 =	simm.s32 $0x9420;
	_ =	swait.ge [sflag:s7], $0x500  }
.Ltmp2:
0x21f: {  	s14 =	simm.s32 $0x8A20;
	[sflag:s7] =	ssyncset.done $0x0;
	(pc) =	sbr.rel @!p1 .LBB2_5-.Ltmp2, $4  }
0x220: {  	s19 =	simm.s32 $0x3E80;
	s23 =	rddreg [dreg:$0xa];
	[sflag:s7] =	ssyncadd.s32 $0xFFFFFB00  }
0x221: {  	[hbm4b:s23+s17] =	stream.linear.scatter [tilespmem:s16], [sflag:$0x2], $0x7D00, $0x38;
	[tilespmem:$0x1C520] =	vst v63  }
0x222: {  	s10 =	simm.s32 $0xC620;
	s2 =	simm.s32 $0xC120;
	_ =	swait.ge [sflag:s13], $0x7D00  }
0x223: {  	s21 =	simm.s32 $0x7D0;
	s18 =	sadd.s32 $0xFA0, s23;
	[sflag:s13] =	ssyncset.done $0x0  }
.LBB2_6:
0x224: {  	s23 =	sadd.s32 $0x2710, s21  }
0x225: {  	[sflag:s13] =	ssyncadd.s32 $0xFFFF8300;
	s20 =	smov.u32 s19;
	s22 =	sadd.s32 $0x1F40, s19  }
0x226: {  	[tilespmem:s16], [sflag:$0x1] =	stream.indirect.gather [hbm4b:s6+s15], $0x10, s23, s15, $0xb8;
	[tilespmem:$0x1C520] =	vst v63  }
0x227: {  	p1 =	sne.s32 s19, $0x7D00;
	s19 =	sadd.s32 $0x2760, s21;
	s4 =	simm.s32 $0x5320  }
0x228: {  	[tilespmem:s4], [sflag:$0x1] =	stream.indirect.gather [hbm4b:s6+s15], $0x10, s19, s15, $0xb8;
	[tilespmem:$0x1C520] =	vst v63  }
0x229: {  	s19 =	sadd.s32 $0x27B0, s21  }
0x22a: {  	[tilespmem:s12], [sflag:$0x1] =	stream.indirect.gather [hbm4b:s6+s15], $0x10, s19, s15, $0xb8;
	[tilespmem:$0x1C520] =	vst v63  }
0x22b: {  	s19 =	sadd.s32 $0x2800, s21  }
0x22c: {  	[tilespmem:s24], [sflag:$0x1] =	stream.indirect.gather [hbm4b:s6+s15], $0x10, s19, s15, $0xb8;
	[tilespmem:$0x1C520] =	vst v63  }
0x22d: {  	s19 =	sadd.s32 $0x2850, s21  }
0x22e: {  	[tilespmem:s25], [sflag:$0x1] =	stream.indirect.gather [hbm4b:s6+s15], $0x10, s19, s15, $0xb8;
	[tilespmem:$0x1C520] =	vst v63  }
0x22f: {  	s19 =	sadd.s32 $0x28A0, s21  }
0x230: {  	[tilespmem:s26], [sflag:$0x1] =	stream.indirect.gather [hbm4b:s6+s15], $0x10, s19, s15, $0xb8;
	[tilespmem:$0x1C520] =	vst v63  }
0x231: {  	s19 =	sadd.s32 $0x28F0, s21  }
0x232: {  	[tilespmem:s28], [sflag:$0x1] =	stream.indirect.gather [hbm4b:s6+s15], $0x10, s19, s15, $0xb8;
	[tilespmem:$0x1C520] =	vst v63  }
0x233: {  	s19 =	sadd.s32 $0x2940, s21  }
0x234: {  	[tilespmem:s29], [sflag:$0x1] =	stream.indirect.gather [hbm4b:s6+s15], $0x10, s19, s15, $0xb8;
	[tilespmem:$0x1C520] =	vst v63  }
0x235: {  	s19 =	sadd.s32 $0x2990, s21  }
0x236: {  	[tilespmem:s30], [sflag:$0x1] =	stream.indirect.gather [hbm4b:s6+s15], $0x10, s19, s15, $0xb8;
	[tilespmem:$0x1C520] =	vst v63  }
0x237: {  	s19 =	sadd.s32 $0x29E0, s21  }
0x238: {  	[tilespmem:s31], [sflag:$0x1] =	stream.indirect.gather [hbm4b:s6+s15], $0x10, s19, s15, $0xb8;
	[tilespmem:$0x1C520] =	vst v63  }
0x239: {  	s19 =	sadd.s32 $0x2A30, s21  }
0x23a: {  	[tilespmem:s1], [sflag:$0x1] =	stream.indirect.gather [hbm4b:s6+s15], $0x10, s19, s15, $0xb8;
	[tilespmem:$0x1C520] =	vst v63  }
0x23b: {  	s19 =	sadd.s32 $0x2A80, s21  }
0x23c: {  	[tilespmem:s0], [sflag:$0x1] =	stream.indirect.gather [hbm4b:s6+s15], $0x10, s19, s15, $0xb8;
	[tilespmem:$0x1C520] =	vst v63  }
0x23d: {  	s19 =	sadd.s32 $0x2AD0, s21  }
0x23e: {  	[tilespmem:s14], [sflag:$0x1] =	stream.indirect.gather [hbm4b:s6+s15], $0x10, s19, s15, $0xb8;
	[tilespmem:$0x1C520] =	vst v63  }
0x23f: {  	s19 =	sadd.s32 $0x2B20, s21  }
0x240: {  	[tilespmem:s8], [sflag:$0x1] =	stream.indirect.gather [hbm4b:s6+s15], $0x10, s19, s15, $0xb8;
	[tilespmem:$0x1C520] =	vst v63  }
0x241: {  	s19 =	sadd.s32 $0x2B70, s21  }
0x242: {  	[tilespmem:s9], [sflag:$0x1] =	stream.indirect.gather [hbm4b:s6+s15], $0x10, s19, s15, $0xb8;
	[tilespmem:$0x1C520] =	vst v63  }
0x243: {  	s4 =	simm.s32 $0x9920;
	s19 =	sadd.s32 $0x2BC0, s21  }
0x244: {  	[tilespmem:s4], [sflag:$0x1] =	stream.indirect.gather [hbm4b:s6+s15], $0x10, s19, s15, $0xb8;
	[tilespmem:$0x1C520] =	vst v63  }
0x245: {  	s19 =	sadd.s32 $0x2C10, s21;
	s4 =	simm.s32 $0x9E20  }
0x246: {  	[tilespmem:s4], [sflag:$0x1] =	stream.indirect.gather [hbm4b:s6+s15], $0x10, s19, s15, $0xb8;
	[tilespmem:$0x1C520] =	vst v63  }
0x247: {  	s19 =	sadd.s32 $0x2C60, s21;
	s4 =	simm.s32 $0xA320  }
0x248: {  	[tilespmem:s4], [sflag:$0x1] =	stream.indirect.gather [hbm4b:s6+s15], $0x10, s19, s15, $0xb8;
	[tilespmem:$0x1C520] =	vst v63  }
0x249: {  	s19 =	sadd.s32 $0x2CB0, s21;
	s4 =	simm.s32 $0xA820  }
0x24a: {  	[tilespmem:s4], [sflag:$0x1] =	stream.indirect.gather [hbm4b:s6+s15], $0x10, s19, s15, $0xb8;
	[tilespmem:$0x1C520] =	vst v63  }
0x24b: {  	s19 =	sadd.s32 $0x2D00, s21  }
0x24c: {  	[tilespmem:s11], [sflag:$0x1] =	stream.indirect.gather [hbm4b:s6+s15], $0x10, s19, s15, $0xb8;
	[tilespmem:$0x1C520] =	vst v63  }
0x24d: {  	s23 =	simm.s32 $0xB220;
	s19 =	sadd.s32 $0x2D50, s21  }
0x24e: {  	[tilespmem:s23], [sflag:$0x1] =	stream.indirect.gather [hbm4b:s6+s15], $0x10, s19, s15, $0xb8;
	[tilespmem:$0x1C520] =	vst v63  }
0x24f: {  	s19 =	sadd.s32 $0x2DA0, s21;
	s23 =	simm.s32 $0xB720  }
0x250: {  	[tilespmem:s23], [sflag:$0x1] =	stream.indirect.gather [hbm4b:s6+s15], $0x10, s19, s15, $0xb8;
	[tilespmem:$0x1C520] =	vst v63  }
0x251: {  	s19 =	sadd.s32 $0x2DF0, s21;
	s23 =	simm.s32 $0xBC20  }
0x252: {  	[tilespmem:s23], [sflag:$0x1] =	stream.indirect.gather [hbm4b:s6+s15], $0x10, s19, s15, $0xb8;
	[tilespmem:$0x1C520] =	vst v63  }
0x253: {  	s19 =	sadd.s32 $0x2E40, s21  }
0x254: {  	[tilespmem:s2], [sflag:$0x1] =	stream.indirect.gather [hbm4b:s6+s15], $0x10, s19, s15, $0xb8;
	[tilespmem:$0x1C520] =	vst v63  }
0x255: {  	s19 =	sadd.s32 $0x2E90, s21  }
0x256: {  	[tilespmem:s10], [sflag:$0x1] =	stream.indirect.gather [hbm4b:s6+s15], $0x10, s19, s15, $0xb8;
	[tilespmem:$0x1C520] =	vst v63  }
0x257: {  	_ =	swait.ge [sflag:s7], $0x500  }
0x258: {  	[sflag:s7] =	ssyncset.done $0x0  }
0x259: {  	[sflag:s7] =	ssyncadd.s32 $0xFFFFFB00  }
0x25a: {  	_ =	swait.ge [sflag:s7], $0x500  }
0x25b: {  	[sflag:s7] =	ssyncset.done $0x0  }
0x25c: {  	[sflag:s7] =	ssyncadd.s32 $0xFFFFFB00  }
0x25d: {  	_ =	swait.ge [sflag:s7], $0x500  }
0x25e: {  	[sflag:s7] =	ssyncset.done $0x0  }
0x25f: {  	[sflag:s7] =	ssyncadd.s32 $0xFFFFFB00  }
0x260: {  	_ =	swait.ge [sflag:s7], $0x500  }
0x261: {  	[sflag:s7] =	ssyncset.done $0x0  }
0x262: {  	[sflag:s7] =	ssyncadd.s32 $0xFFFFFB00  }
0x263: {  	_ =	swait.ge [sflag:s7], $0x500  }
0x264: {  	[sflag:s7] =	ssyncset.done $0x0  }
0x265: {  	[sflag:s7] =	ssyncadd.s32 $0xFFFFFB00  }
0x266: {  	_ =	swait.ge [sflag:s7], $0x500  }
0x267: {  	[sflag:s7] =	ssyncset.done $0x0  }
0x268: {  	[sflag:s7] =	ssyncadd.s32 $0xFFFFFB00  }
0x269: {  	_ =	swait.ge [sflag:s7], $0x500  }
0x26a: {  	[sflag:s7] =	ssyncset.done $0x0  }
0x26b: {  	[sflag:s7] =	ssyncadd.s32 $0xFFFFFB00  }
0x26c: {  	_ =	swait.ge [sflag:s7], $0x500  }
0x26d: {  	[sflag:s7] =	ssyncset.done $0x0  }
0x26e: {  	[sflag:s7] =	ssyncadd.s32 $0xFFFFFB00  }
0x26f: {  	_ =	swait.ge [sflag:s7], $0x500  }
0x270: {  	[sflag:s7] =	ssyncset.done $0x0  }
0x271: {  	[sflag:s7] =	ssyncadd.s32 $0xFFFFFB00  }
0x272: {  	_ =	swait.ge [sflag:s7], $0x500  }
0x273: {  	[sflag:s7] =	ssyncset.done $0x0  }
0x274: {  	[sflag:s7] =	ssyncadd.s32 $0xFFFFFB00  }
0x275: {  	_ =	swait.ge [sflag:s7], $0x500  }
0x276: {  	[sflag:s7] =	ssyncset.done $0x0  }
0x277: {  	[sflag:s7] =	ssyncadd.s32 $0xFFFFFB00  }
0x278: {  	_ =	swait.ge [sflag:s7], $0x500  }
0x279: {  	[sflag:s7] =	ssyncset.done $0x0  }
0x27a: {  	[sflag:s7] =	ssyncadd.s32 $0xFFFFFB00  }
0x27b: {  	_ =	swait.ge [sflag:s7], $0x500  }
0x27c: {  	[sflag:s7] =	ssyncset.done $0x0  }
0x27d: {  	[sflag:s7] =	ssyncadd.s32 $0xFFFFFB00  }
0x27e: {  	_ =	swait.ge [sflag:s7], $0x500  }
0x27f: {  	[sflag:s7] =	ssyncset.done $0x0  }
0x280: {  	[sflag:s7] =	ssyncadd.s32 $0xFFFFFB00  }
0x281: {  	_ =	swait.ge [sflag:s7], $0x500  }
0x282: {  	[sflag:s7] =	ssyncset.done $0x0  }
0x283: {  	[sflag:s7] =	ssyncadd.s32 $0xFFFFFB00  }
0x284: {  	_ =	swait.ge [sflag:s7], $0x500  }
0x285: {  	[sflag:s7] =	ssyncset.done $0x0  }
0x286: {  	[sflag:s7] =	ssyncadd.s32 $0xFFFFFB00  }
0x287: {  	_ =	swait.ge [sflag:s7], $0x500  }
0x288: {  	[sflag:s7] =	ssyncset.done $0x0  }
0x289: {  	[sflag:s7] =	ssyncadd.s32 $0xFFFFFB00  }
0x28a: {  	_ =	swait.ge [sflag:s7], $0x500  }
0x28b: {  	[sflag:s7] =	ssyncset.done $0x0  }
0x28c: {  	[sflag:s7] =	ssyncadd.s32 $0xFFFFFB00  }
0x28d: {  	_ =	swait.ge [sflag:s7], $0x500  }
0x28e: {  	[sflag:s7] =	ssyncset.done $0x0  }
0x28f: {  	[sflag:s7] =	ssyncadd.s32 $0xFFFFFB00  }
0x290: {  	_ =	swait.ge [sflag:s7], $0x500  }
0x291: {  	[sflag:s7] =	ssyncset.done $0x0  }
0x292: {  	[sflag:s7] =	ssyncadd.s32 $0xFFFFFB00  }
0x293: {  	_ =	swait.ge [sflag:s7], $0x500  }
0x294: {  	[sflag:s7] =	ssyncset.done $0x0  }
0x295: {  	[sflag:s7] =	ssyncadd.s32 $0xFFFFFB00  }
0x296: {  	_ =	swait.ge [sflag:s7], $0x500  }
0x297: {  	[sflag:s7] =	ssyncset.done $0x0  }
0x298: {  	[sflag:s7] =	ssyncadd.s32 $0xFFFFFB00  }
0x299: {  	_ =	swait.ge [sflag:s7], $0x500  }
0x29a: {  	[sflag:s7] =	ssyncset.done $0x0  }
0x29b: {  	[sflag:s7] =	ssyncadd.s32 $0xFFFFFB00  }
0x29c: {  	_ =	swait.ge [sflag:s7], $0x500  }
0x29d: {  	[sflag:s7] =	ssyncset.done $0x0  }
0x29e: {  	[sflag:s7] =	ssyncadd.s32 $0xFFFFFB00  }
0x29f: {  	_ =	swait.ge [sflag:s7], $0x500  }
.Ltmp3:
0x2a0: {  	[sflag:s7] =	ssyncset.done $0x0;
	(pc) =	sbr.rel @p1 .LBB2_6-.Ltmp3, $4  }
0x2a1: {  	[sflag:s7] =	ssyncadd.s32 $0xFFFFFB00  }
0x2a2: {  	[hbm4b:s18+s17] =	stream.linear.scatter [tilespmem:s16], [sflag:$0x2], $0x7D00, $0x38;
	[tilespmem:$0x1C520] =	vst v63  }
0x2a3: {  	s21 =	sshra.s32 s20, $0x2;
	_ =	swait.ge [sflag:s13], $0x7D00  }
0x2a4: {  	s19 =	smov.u32 s22;
	s18 =	sadd.s32 $0xFA0, s18;
	[sflag:s13] =	ssyncset.done $0x0  }
0x2a5: {  	s23 =	simm.s32 $0x0  }
0x2a6: {  	s2 =	simm.s32 $0xC120;
	s4 =	simm.s32 $0x9E20;
	s12 =	simm.s32 $0xAD20  }
0x2a7: {  	s11 =	simm.s32 $0x9920;
	s10 =	simm.s32 $0x9420;
	s9 =	simm.s32 $0x8F20  }
0x2a8: {  	s8 =	simm.s32 $0x8A20;
	s14 =	simm.s32 $0x8520;
	s0 =	simm.s32 $0x8020  }
0x2a9: {  	s1 =	simm.s32 $0x7B20;
	s31 =	simm.s32 $0x7620;
	s30 =	simm.s32 $0x7120  }
0x2aa: {  	s29 =	simm.s32 $0x6C20;
	s28 =	simm.s32 $0x6720;
	s26 =	simm.s32 $0x6220  }
0x2ab: {  	s25 =	simm.s32 $0x5D20;
	s24 =	simm.s32 $0x5820;
	s22 =	simm.s32 $0xC620  }
.LBB2_8:
0x2ac: {  	s19 =	sadd.s32 $0x2710, s21;
	[sflag:s13] =	ssyncadd.s32 @p0 $0xFFFF8300  }
0x2ad: {  	[tilespmem:s16], [sflag:$0x1] =	stream.indirect.gather [hbm4b:s6+s15], $0x10, s19, s15, $0xb8;
	[tilespmem:$0x1C520] =	vst v63  }
0x2ae: {  	s20 =	simm.s32 $0x5320;
	s19 =	sadd.s32 $0x2760, s21  }
0x2af: {  	[tilespmem:s20], [sflag:$0x1] =	stream.indirect.gather [hbm4b:s6+s15], $0x10, s19, s15, $0xb8;
	[tilespmem:$0x1C520] =	vst v63  }
0x2b0: {  	s20 =	sadd.s32 $0x27B0, s21  }
0x2b1: {  	[tilespmem:s24], [sflag:$0x1] =	stream.indirect.gather [hbm4b:s6+s15], $0x10, s20, s15, $0xb8;
	[tilespmem:$0x1C520] =	vst v63  }
0x2b2: {  	s24 =	sadd.s32 $0x2800, s21  }
0x2b3: {  	[tilespmem:s25], [sflag:$0x1] =	stream.indirect.gather [hbm4b:s6+s15], $0x10, s24, s15, $0xb8;
	[tilespmem:$0x1C520] =	vst v63  }
0x2b4: {  	s25 =	sadd.s32 $0x2850, s21  }
0x2b5: {  	[tilespmem:s26], [sflag:$0x1] =	stream.indirect.gather [hbm4b:s6+s15], $0x10, s25, s15, $0xb8;
	[tilespmem:$0x1C520] =	vst v63  }
0x2b6: {  	s20 =	sadd.s32 $0x28A0, s21  }
0x2b7: {  	[tilespmem:s28], [sflag:$0x1] =	stream.indirect.gather [hbm4b:s6+s15], $0x10, s20, s15, $0xb8;
	[tilespmem:$0x1C520] =	vst v63  }
0x2b8: {  	s24 =	sadd.s32 $0x28F0, s21  }
0x2b9: {  	[tilespmem:s29], [sflag:$0x1] =	stream.indirect.gather [hbm4b:s6+s15], $0x10, s24, s15, $0xb8;
	[tilespmem:$0x1C520] =	vst v63  }
0x2ba: {  	s25 =	sadd.s32 $0x2940, s21  }
0x2bb: {  	[tilespmem:s30], [sflag:$0x1] =	stream.indirect.gather [hbm4b:s6+s15], $0x10, s25, s15, $0xb8;
	[tilespmem:$0x1C520] =	vst v63  }
0x2bc: {  	s26 =	sadd.s32 $0x2990, s21  }
0x2bd: {  	[tilespmem:s31], [sflag:$0x1] =	stream.indirect.gather [hbm4b:s6+s15], $0x10, s26, s15, $0xb8;
	[tilespmem:$0x1C520] =	vst v63  }
0x2be: {  	s31 =	sadd.s32 $0x29E0, s21  }
0x2bf: {  	[tilespmem:s1], [sflag:$0x1] =	stream.indirect.gather [hbm4b:s6+s15], $0x10, s31, s15, $0xb8;
	[tilespmem:$0x1C520] =	vst v63  }
0x2c0: {  	s1 =	sadd.s32 $0x2A30, s21  }
0x2c1: {  	[tilespmem:s0], [sflag:$0x1] =	stream.indirect.gather [hbm4b:s6+s15], $0x10, s1, s15, $0xb8;
	[tilespmem:$0x1C520] =	vst v63  }
0x2c2: {  	s20 =	sadd.s32 $0x2A80, s21  }
0x2c3: {  	[tilespmem:s14], [sflag:$0x1] =	stream.indirect.gather [hbm4b:s6+s15], $0x10, s20, s15, $0xb8;
	[tilespmem:$0x1C520] =	vst v63  }
0x2c4: {  	s24 =	sadd.s32 $0x2AD0, s21  }
0x2c5: {  	[tilespmem:s8], [sflag:$0x1] =	stream.indirect.gather [hbm4b:s6+s15], $0x10, s24, s15, $0xb8;
	[tilespmem:$0x1C520] =	vst v63  }
0x2c6: {  	s25 =	sadd.s32 $0x2B20, s21  }
0x2c7: {  	[tilespmem:s9], [sflag:$0x1] =	stream.indirect.gather [hbm4b:s6+s15], $0x10, s25, s15, $0xb8;
	[tilespmem:$0x1C520] =	vst v63  }
0x2c8: {  	s26 =	sadd.s32 $0x2B70, s21  }
0x2c9: {  	[tilespmem:s10], [sflag:$0x1] =	stream.indirect.gather [hbm4b:s6+s15], $0x10, s26, s15, $0xb8;
	[tilespmem:$0x1C520] =	vst v63  }
0x2ca: {  	s31 =	sadd.s32 $0x2BC0, s21  }
0x2cb: {  	[tilespmem:s11], [sflag:$0x1] =	stream.indirect.gather [hbm4b:s6+s15], $0x10, s31, s15, $0xb8;
	[tilespmem:$0x1C520] =	vst v63  }
0x2cc: {  	s0 =	sadd.s32 $0x2C10, s21  }
0x2cd: {  	[tilespmem:s4], [sflag:$0x1] =	stream.indirect.gather [hbm4b:s6+s15], $0x10, s0, s15, $0xb8;
	[tilespmem:$0x1C520] =	vst v63  }
0x2ce: {  	s1 =	sadd.s32 $0x2C60, s21;
	s4 =	simm.s32 $0xA320  }
0x2cf: {  	[tilespmem:s4], [sflag:$0x1] =	stream.indirect.gather [hbm4b:s6+s15], $0x10, s1, s15, $0xb8;
	[tilespmem:$0x1C520] =	vst v63  }
0x2d0: {  	s8 =	sadd.s32 $0x2CB0, s21;
	s9 =	simm.s32 $0xA820  }
0x2d1: {  	[tilespmem:s9], [sflag:$0x1] =	stream.indirect.gather [hbm4b:s6+s15], $0x10, s8, s15, $0xb8;
	[tilespmem:$0x1C520] =	vst v63  }
0x2d2: {  	s10 =	sadd.s32 $0x2D00, s21  }
0x2d3: {  	[tilespmem:s12], [sflag:$0x1] =	stream.indirect.gather [hbm4b:s6+s15], $0x10, s10, s15, $0xb8;
	[tilespmem:$0x1C520] =	vst v63  }
0x2d4: {  	s11 =	sadd.s32 $0x2D50, s21;
	s12 =	simm.s32 $0xB220  }
0x2d5: {  	[tilespmem:s12], [sflag:$0x1] =	stream.indirect.gather [hbm4b:s6+s15], $0x10, s11, s15, $0xb8;
	[tilespmem:$0x1C520] =	vst v63  }
0x2d6: {  	s14 =	sadd.s32 $0x2DA0, s21;
	s20 =	simm.s32 $0xB720  }
0x2d7: {  	[tilespmem:s20], [sflag:$0x1] =	stream.indirect.gather [hbm4b:s6+s15], $0x10, s14, s15, $0xb8;
	[tilespmem:$0x1C520] =	vst v63  }
0x2d8: {  	s24 =	sadd.s32 $0x2DF0, s21;
	s25 =	simm.s32 $0xBC20  }
0x2d9: {  	[tilespmem:s25], [sflag:$0x1] =	stream.indirect.gather [hbm4b:s6+s15], $0x10, s24, s15, $0xb8;
	[tilespmem:$0x1C520] =	vst v63  }
0x2da: {  	s26 =	sadd.s32 $0x2E40, s21  }
0x2db: {  	[tilespmem:s2], [sflag:$0x1] =	stream.indirect.gather [hbm4b:s6+s15], $0x10, s26, s15, $0xb8;
	[tilespmem:$0x1C520] =	vst v63  }
0x2dc: {  	s31 =	sadd.s32 $0x2E90, s21  }
0x2dd: {  	[tilespmem:s22], [sflag:$0x1] =	stream.indirect.gather [hbm4b:s6+s15], $0x10, s31, s15, $0xb8;
	[tilespmem:$0x1C520] =	vst v63  }
0x2de: {  	_ =	swait.ge [sflag:s7], $0x500  }
0x2df: {  	[sflag:s7] =	ssyncset.done $0x0  }
0x2e0: {  	[sflag:s7] =	ssyncadd.s32 $0xFFFFFB00  }
0x2e1: {  	_ =	swait.ge [sflag:s7], $0x500  }
0x2e2: {  	[sflag:s7] =	ssyncset.done $0x0  }
0x2e3: {  	[sflag:s7] =	ssyncadd.s32 $0xFFFFFB00  }
0x2e4: {  	_ =	swait.ge [sflag:s7], $0x500  }
0x2e5: {  	[sflag:s7] =	ssyncset.done $0x0  }
0x2e6: {  	[sflag:s7] =	ssyncadd.s32 $0xFFFFFB00  }
0x2e7: {  	_ =	swait.ge [sflag:s7], $0x500  }
0x2e8: {  	[sflag:s7] =	ssyncset.done $0x0  }
0x2e9: {  	[sflag:s7] =	ssyncadd.s32 $0xFFFFFB00  }
0x2ea: {  	_ =	swait.ge [sflag:s7], $0x500  }
0x2eb: {  	[sflag:s7] =	ssyncset.done $0x0  }
0x2ec: {  	[sflag:s7] =	ssyncadd.s32 $0xFFFFFB00  }
0x2ed: {  	_ =	swait.ge [sflag:s7], $0x500  }
0x2ee: {  	[sflag:s7] =	ssyncset.done $0x0  }
0x2ef: {  	[sflag:s7] =	ssyncadd.s32 $0xFFFFFB00  }
0x2f0: {  	_ =	swait.ge [sflag:s7], $0x500  }
0x2f1: {  	[sflag:s7] =	ssyncset.done $0x0  }
0x2f2: {  	[sflag:s7] =	ssyncadd.s32 $0xFFFFFB00  }
0x2f3: {  	_ =	swait.ge [sflag:s7], $0x500  }
0x2f4: {  	[sflag:s7] =	ssyncset.done $0x0  }
0x2f5: {  	[sflag:s7] =	ssyncadd.s32 $0xFFFFFB00  }
0x2f6: {  	_ =	swait.ge [sflag:s7], $0x500  }
0x2f7: {  	[sflag:s7] =	ssyncset.done $0x0  }
0x2f8: {  	[sflag:s7] =	ssyncadd.s32 $0xFFFFFB00  }
0x2f9: {  	_ =	swait.ge [sflag:s7], $0x500  }
0x2fa: {  	[sflag:s7] =	ssyncset.done $0x0  }
0x2fb: {  	[sflag:s7] =	ssyncadd.s32 $0xFFFFFB00  }
0x2fc: {  	_ =	swait.ge [sflag:s7], $0x500  }
0x2fd: {  	[sflag:s7] =	ssyncset.done $0x0  }
0x2fe: {  	[sflag:s7] =	ssyncadd.s32 $0xFFFFFB00  }
0x2ff: {  	_ =	swait.ge [sflag:s7], $0x500  }
0x300: {  	[sflag:s7] =	ssyncset.done $0x0  }
0x301: {  	[sflag:s7] =	ssyncadd.s32 $0xFFFFFB00  }
0x302: {  	_ =	swait.ge [sflag:s7], $0x500  }
0x303: {  	[sflag:s7] =	ssyncset.done $0x0  }
0x304: {  	[sflag:s7] =	ssyncadd.s32 $0xFFFFFB00  }
0x305: {  	_ =	swait.ge [sflag:s7], $0x500  }
0x306: {  	[sflag:s7] =	ssyncset.done $0x0  }
0x307: {  	[sflag:s7] =	ssyncadd.s32 $0xFFFFFB00  }
0x308: {  	_ =	swait.ge [sflag:s7], $0x500  }
0x309: {  	[sflag:s7] =	ssyncset.done $0x0  }
0x30a: {  	[sflag:s7] =	ssyncadd.s32 $0xFFFFFB00  }
0x30b: {  	_ =	swait.ge [sflag:s7], $0x500  }
0x30c: {  	[sflag:s7] =	ssyncset.done $0x0  }
0x30d: {  	[sflag:s7] =	ssyncadd.s32 $0xFFFFFB00  }
0x30e: {  	_ =	swait.ge [sflag:s7], $0x500  }
0x30f: {  	[sflag:s7] =	ssyncset.done $0x0  }
0x310: {  	[sflag:s7] =	ssyncadd.s32 $0xFFFFFB00  }
0x311: {  	_ =	swait.ge [sflag:s7], $0x500  }
0x312: {  	[sflag:s7] =	ssyncset.done $0x0  }
0x313: {  	[sflag:s7] =	ssyncadd.s32 $0xFFFFFB00  }
0x314: {  	_ =	swait.ge [sflag:s7], $0x500  }
0x315: {  	[sflag:s7] =	ssyncset.done $0x0  }
0x316: {  	[sflag:s7] =	ssyncadd.s32 $0xFFFFFB00  }
0x317: {  	_ =	swait.ge [sflag:s7], $0x500  }
0x318: {  	[sflag:s7] =	ssyncset.done $0x0  }
0x319: {  	[sflag:s7] =	ssyncadd.s32 $0xFFFFFB00  }
0x31a: {  	_ =	swait.ge [sflag:s7], $0x500  }
0x31b: {  	[sflag:s7] =	ssyncset.done $0x0  }
0x31c: {  	[sflag:s7] =	ssyncadd.s32 $0xFFFFFB00  }
0x31d: {  	_ =	swait.ge [sflag:s7], $0x500  }
0x31e: {  	[sflag:s7] =	ssyncset.done $0x0  }
0x31f: {  	[sflag:s7] =	ssyncadd.s32 $0xFFFFFB00  }
0x320: {  	_ =	swait.ge [sflag:s7], $0x500  }
0x321: {  	[sflag:s7] =	ssyncset.done $0x0  }
0x322: {  	[sflag:s7] =	ssyncadd.s32 $0xFFFFFB00  }
0x323: {  	s28 =	simm.s32 $0x6720;
	_ =	swait.ge [sflag:s7], $0x500  }
0x324: {  	s29 =	simm.s32 $0x6C20;
	s30 =	simm.s32 $0x7120;
	[sflag:s7] =	ssyncset.done $0x0  }
0x325: {  	s0 =	simm.s32 $0x7B20;
	s1 =	simm.s32 $0x7620;
	[sflag:s7] =	ssyncadd.s32 $0xFFFFFB00  }
0x326: {  	s4 =	simm.s32 $0xA320;
	s8 =	simm.s32 $0x8520;
	_ =	swait.ge [sflag:s7], $0x500  }
0x327: {  	s9 =	simm.s32 $0x8A20;
	s10 =	simm.s32 $0x8F20;
	[sflag:s7] =	ssyncset.done $0x0  }
0x328: {  	s11 =	simm.s32 $0x9420;
	s12 =	simm.s32 $0x9920;
	[sflag:s7] =	ssyncadd.s32 $0xFFFFFB00  }
0x329: {  	[hbm4b:s18+s17] =	stream.linear.scatter [tilespmem:s16], [sflag:$0x2], $0x7D00, $0x38;
	[tilespmem:$0x1C520] =	vst v63  }
0x32a: {  	s14 =	simm.s32 $0x8020;
	s24 =	simm.s32 $0x5820;
	_ =	swait.ge [sflag:s13], $0x7D00  }
0x32b: {  	s25 =	simm.s32 $0x5D20;
	s26 =	simm.s32 $0x6220;
	[sflag:s13] =	ssyncset.done $0x0  }
0x32c: {  	s2 =	simm.s32 $0x9E20;
	s22 =	simm.s32 $0xD2F0;
	[sflag:s13] =	ssyncadd.s32 $0xFFFF8300  }
.LBB2_9:
0x32d: {  	s18 =	smul.u32 $0x7D0, s17  }
0x32e: {  	s19 =	rddreg [dreg:$0x4]  }
0x32f: {  	s18 =	sadd.s32 s19, s18  }
0x330: {  	s20 =	rddreg [dreg:$0x2];
	s31 =	smov.u32 s18;
	s18 =	sshrl.u32 s18, $0x3  }
0x331: {  	s19 =	sadd.s32 s20, s18;
	s18 =	simm.s32 $0xCB20  }
0x332: {  	[tilespmem:s18], [sflag:$0x1] =	stream.linear.gather [hbm4b:s19+s23], $0x7D0, $0x38;
	[tilespmem:$0x1C520] =	vst v63  }
0x333: {  	s20 =	sadd.s32 $0x9C40, s19  }
0x334: {  	[tilespmem:s22], [sflag:$0x1] =	stream.linear.gather [hbm4b:s20+s23], $0x7D0, $0x38;
	[tilespmem:$0x1C520] =	vst v63  }
0x335: {  	s21 =	simm.s32 $0xDAC0;
	s20 =	sadd.s32 $0x13880, s19  }
0x336: {  	[tilespmem:s21], [sflag:$0x1] =	stream.linear.gather [hbm4b:s20+s23], $0x7D0, $0x38;
	[tilespmem:$0x1C520] =	vst v63  }
0x337: {  	s20 =	sadd.s32 $0x1D4C0, s19;
	s21 =	simm.s32 $0xE290  }
0x338: {  	[tilespmem:s21], [sflag:$0x1] =	stream.linear.gather [hbm4b:s20+s23], $0x7D0, $0x38;
	[tilespmem:$0x1C520] =	vst v63  }
0x339: {  	s20 =	sadd.s32 $0x27100, s19;
	s21 =	simm.s32 $0xEA60  }
0x33a: {  	[tilespmem:s21], [sflag:$0x1] =	stream.linear.gather [hbm4b:s20+s23], $0x7D0, $0x38;
	[tilespmem:$0x1C520] =	vst v63  }
0x33b: {  	s20 =	sadd.s32 $0x30D40, s19;
	s21 =	simm.s32 $0xF230  }
0x33c: {  	[tilespmem:s21], [sflag:$0x1] =	stream.linear.gather [hbm4b:s20+s23], $0x7D0, $0x38;
	[tilespmem:$0x1C520] =	vst v63  }
0x33d: {  	s20 =	sadd.s32 $0x3A980, s19;
	s21 =	simm.s32 $0xFA00  }
0x33e: {  	[tilespmem:s21], [sflag:$0x1] =	stream.linear.gather [hbm4b:s20+s23], $0x7D0, $0x38;
	[tilespmem:$0x1C520] =	vst v63  }
0x33f: {  	s20 =	sadd.s32 $0x445C0, s19;
	s21 =	simm.s32 $0x101D0  }
0x340: {  	[tilespmem:s21], [sflag:$0x1] =	stream.linear.gather [hbm4b:s20+s23], $0x7D0, $0x38;
	[tilespmem:$0x1C520] =	vst v63  }
0x341: {  	s20 =	sadd.s32 $0x4E200, s19;
	s21 =	simm.s32 $0x109A0  }
0x342: {  	[tilespmem:s21], [sflag:$0x1] =	stream.linear.gather [hbm4b:s20+s23], $0x7D0, $0x38;
	[tilespmem:$0x1C520] =	vst v63  }
0x343: {  	s20 =	sadd.s32 $0x57E40, s19;
	s21 =	simm.s32 $0x11170  }
0x344: {  	[tilespmem:s21], [sflag:$0x1] =	stream.linear.gather [hbm4b:s20+s23], $0x7D0, $0x38;
	[tilespmem:$0x1C520] =	vst v63  }
0x345: {  	s20 =	sadd.s32 $0x61A80, s19;
	s21 =	simm.s32 $0x11940  }
0x346: {  	[tilespmem:s21], [sflag:$0x1] =	stream.linear.gather [hbm4b:s20+s23], $0x7D0, $0x38;
	[tilespmem:$0x1C520] =	vst v63  }
0x347: {  	s20 =	sadd.s32 $0x6B6C0, s19;
	s21 =	simm.s32 $0x12110  }
0x348: {  	[tilespmem:s21], [sflag:$0x1] =	stream.linear.gather [hbm4b:s20+s23], $0x7D0, $0x38;
	[tilespmem:$0x1C520] =	vst v63  }
0x349: {  	s20 =	sadd.s32 $0x75300, s19;
	s21 =	simm.s32 $0x128E0  }
0x34a: {  	[tilespmem:s21], [sflag:$0x1] =	stream.linear.gather [hbm4b:s20+s23], $0x7D0, $0x38;
	[tilespmem:$0x1C520] =	vst v63  }
0x34b: {  	s20 =	sadd.s32 $0x7EF40, s19;
	s21 =	simm.s32 $0x130B0  }
0x34c: {  	[tilespmem:s21], [sflag:$0x1] =	stream.linear.gather [hbm4b:s20+s23], $0x7D0, $0x38;
	[tilespmem:$0x1C520] =	vst v63  }
0x34d: {  	s20 =	sadd.s32 $0x88B80, s19;
	s21 =	simm.s32 $0x13880  }
0x34e: {  	[tilespmem:s21], [sflag:$0x1] =	stream.linear.gather [hbm4b:s20+s23], $0x7D0, $0x38;
	[tilespmem:$0x1C520] =	vst v63  }
0x34f: {  	s19 =	sadd.s32 $0x927C0, s19;
	s21 =	simm.s32 $0x14050  }
0x350: {  	[tilespmem:s21], [sflag:$0x1] =	stream.linear.gather [hbm4b:s19+s23], $0x7D0, $0x38;
	[tilespmem:$0x1C520] =	vst v63  }
0x351: {  	_ =	swait.ge [sflag:s7], $0x7D0  }
0x352: {  	[sflag:s7] =	ssyncset.done $0x0  }
0x353: {  	[sflag:s7] =	ssyncadd.s32 $0xFFFFF830  }
0x354: {  	_ =	swait.ge [sflag:s7], $0x7D0  }
0x355: {  	[sflag:s7] =	ssyncset.done $0x0  }
0x356: {  	[sflag:s7] =	ssyncadd.s32 $0xFFFFF830  }
0x357: {  	_ =	swait.ge [sflag:s7], $0x7D0  }
0x358: {  	[sflag:s7] =	ssyncset.done $0x0  }
0x359: {  	[sflag:s7] =	ssyncadd.s32 $0xFFFFF830  }
0x35a: {  	_ =	swait.ge [sflag:s7], $0x7D0  }
0x35b: {  	[sflag:s7] =	ssyncset.done $0x0  }
0x35c: {  	[sflag:s7] =	ssyncadd.s32 $0xFFFFF830  }
0x35d: {  	_ =	swait.ge [sflag:s7], $0x7D0  }
0x35e: {  	[sflag:s7] =	ssyncset.done $0x0  }
0x35f: {  	[sflag:s7] =	ssyncadd.s32 $0xFFFFF830  }
0x360: {  	_ =	swait.ge [sflag:s7], $0x7D0  }
0x361: {  	[sflag:s7] =	ssyncset.done $0x0  }
0x362: {  	[sflag:s7] =	ssyncadd.s32 $0xFFFFF830  }
0x363: {  	_ =	swait.ge [sflag:s7], $0x7D0  }
0x364: {  	[sflag:s7] =	ssyncset.done $0x0  }
0x365: {  	[sflag:s7] =	ssyncadd.s32 $0xFFFFF830  }
0x366: {  	_ =	swait.ge [sflag:s7], $0x7D0  }
0x367: {  	[sflag:s7] =	ssyncset.done $0x0  }
0x368: {  	[sflag:s7] =	ssyncadd.s32 $0xFFFFF830  }
0x369: {  	_ =	swait.ge [sflag:s7], $0x7D0  }
0x36a: {  	[sflag:s7] =	ssyncset.done $0x0  }
0x36b: {  	[sflag:s7] =	ssyncadd.s32 $0xFFFFF830  }
0x36c: {  	_ =	swait.ge [sflag:s7], $0x7D0  }
0x36d: {  	[sflag:s7] =	ssyncset.done $0x0  }
0x36e: {  	[sflag:s7] =	ssyncadd.s32 $0xFFFFF830  }
0x36f: {  	_ =	swait.ge [sflag:s7], $0x7D0  }
0x370: {  	[sflag:s7] =	ssyncset.done $0x0  }
0x371: {  	[sflag:s7] =	ssyncadd.s32 $0xFFFFF830  }
0x372: {  	_ =	swait.ge [sflag:s7], $0x7D0  }
0x373: {  	[sflag:s7] =	ssyncset.done $0x0  }
0x374: {  	[sflag:s7] =	ssyncadd.s32 $0xFFFFF830  }
0x375: {  	_ =	swait.ge [sflag:s7], $0x7D0  }
0x376: {  	[sflag:s7] =	ssyncset.done $0x0  }
0x377: {  	[sflag:s7] =	ssyncadd.s32 $0xFFFFF830  }
0x378: {  	_ =	swait.ge [sflag:s7], $0x7D0  }
0x379: {  	[sflag:s7] =	ssyncset.done $0x0  }
0x37a: {  	[sflag:s7] =	ssyncadd.s32 $0xFFFFF830  }
0x37b: {  	_ =	swait.ge [sflag:s7], $0x7D0  }
0x37c: {  	[sflag:s7] =	ssyncset.done $0x0  }
0x37d: {  	[sflag:s7] =	ssyncadd.s32 $0xFFFFF830  }
0x37e: {  	_ =	swait.ge [sflag:s7], $0x7D0  }
0x37f: {  	s20 =	simm.s32 $0x10F;
	[sflag:s7] =	ssyncset.done $0x0  }
0x380: {  	s19 =	simm.s32 $0xF;
	s21 =	simm.s32 $0x0;
	[sflag:s7] =	ssyncadd.s32 $0xFFFFF830  }
.LBB2_10:
0x381: {  	p0 =	sne.s32 s20, $0x7C0F;
	v8 =	vld [tilespmem:s18+$0x0];
	v9 =	vor.u32 s21, v0;
	_ =	sdelay $0x4  }
0x382: {  	[tilespmem:v9+s3+$0x0] =	vst.idx.msk $0xffff, v8  }
0x383: {  	v9 =	vor.u32 s21, v1;
	v8 =	vld [tilespmem:s18+$0x7D0];
	_ =	sdelay $0x4  }
0x384: {  	[tilespmem:v9+s3+$0x0] =	vst.idx.msk $0xffff, v8  }
0x385: {  	v9 =	vor.u32 s21, v2;
	v8 =	vld [tilespmem:s18+$0xFA0];
	_ =	sdelay $0x4  }
0x386: {  	[tilespmem:v9+s3+$0x0] =	vst.idx.msk $0xffff, v8  }
0x387: {  	v9 =	vor.u32 s21, v3;
	v8 =	vld [tilespmem:s18+$0x1770];
	_ =	sdelay $0x4  }
0x388: {  	[tilespmem:v9+s3+$0x0] =	vst.idx.msk $0xffff, v8  }
0x389: {  	v9 =	vor.u32 s21, v4;
	v8 =	vld [tilespmem:s18+$0x1F40];
	_ =	sdelay $0x4  }
0x38a: {  	[tilespmem:v9+s3+$0x0] =	vst.idx.msk $0xffff, v8  }
0x38b: {  	v9 =	vor.u32 s21, v5;
	v8 =	vld [tilespmem:s18+$0x2710];
	_ =	sdelay $0x4  }
0x38c: {  	[tilespmem:v9+s3+$0x0] =	vst.idx.msk $0xffff, v8  }
0x38d: {  	v9 =	vor.u32 s21, v6;
	v8 =	vld [tilespmem:s18+$0x2EE0];
	_ =	sdelay $0x4  }
0x38e: {  	[tilespmem:v9+s3+$0x0] =	vst.idx.msk $0xffff, v8  }
0x38f: {  	v9 =	vor.u32 s21, v7;
	v8 =	vld [tilespmem:s18+$0x36B0];
	_ =	sdelay $0x4  }
0x390: {  	s21 =	sadd.s32 $0xFFFFFFF9, s19;
	[tilespmem:v9+s3+$0x0] =	vst.idx.msk $0xffff, v8  }
0x391: {  	v9 =	vor.u32 s21, v0;
	v8 =	vld [tilespmem:s18+$0x3E80];
	_ =	sdelay $0x4  }
0x392: {  	s21 =	sadd.s32 $0xFFFFFFFA, s19;
	[tilespmem:v9+s3+$0x0] =	vst.idx.msk $0xffff, v8  }
0x393: {  	v9 =	vor.u32 s21, v1;
	v8 =	vld [tilespmem:s18+$0x4650];
	_ =	sdelay $0x4  }
0x394: {  	s21 =	sadd.s32 $0xFFFFFFFB, s19;
	[tilespmem:v9+s3+$0x0] =	vst.idx.msk $0xffff, v8  }
0x395: {  	v9 =	vor.u32 s21, v2;
	v8 =	vld [tilespmem:s18+$0x4E20];
	_ =	sdelay $0x4  }
0x396: {  	s21 =	sadd.s32 $0xFFFFFFFC, s19;
	[tilespmem:v9+s3+$0x0] =	vst.idx.msk $0xffff, v8  }
0x397: {  	v9 =	vor.u32 s21, v3;
	v8 =	vld [tilespmem:s18+$0x55F0];
	_ =	sdelay $0x4  }
0x398: {  	s21 =	sadd.s32 $0xFFFFFFFD, s19;
	[tilespmem:v9+s3+$0x0] =	vst.idx.msk $0xffff, v8  }
0x399: {  	v9 =	vor.u32 s21, v4;
	v8 =	vld [tilespmem:s18+$0x5DC0];
	_ =	sdelay $0x4  }
0x39a: {  	s21 =	sadd.s32 $0xFFFFFFFE, s19;
	[tilespmem:v9+s3+$0x0] =	vst.idx.msk $0xffff, v8  }
0x39b: {  	v9 =	vor.u32 s21, v5;
	v8 =	vld [tilespmem:s18+$0x6590];
	_ =	sdelay $0x4  }
0x39c: {  	s21 =	sadd.s32 $0xFFFFFFFF, s19;
	[tilespmem:v9+s3+$0x0] =	vst.idx.msk $0xffff, v8  }
0x39d: {  	v9 =	vor.u32 s21, v6;
	v8 =	vld [tilespmem:s18+$0x6D60];
	_ =	sdelay $0x4  }
0x39e: {  	[tilespmem:v9+s3+$0x0] =	vst.idx.msk $0xffff, v8  }
0x39f: {  	v9 =	vor.u32 s19, v7;
	s19 =	smov.u32 s20;
	v8 =	vld [tilespmem:s18+$0x7530]  }
.Ltmp4:
0x3a0: {  	(pc) =	sbr.rel @p0 .LBB2_10-.Ltmp4, $2  }
0x3a1: {  	_ =	sdelay $0x2  }
0x3a2: {  	s20 =	sadd.s32 $0x100, s20;
	s21 =	sadd.s32 $0xFFFFFFF1, s19;
	s18 =	sadd.s32 $0x10, s18;
	[tilespmem:v9+s3+$0x0] =	vst.idx.msk $0xffff, v8  }
0x3a3: {  	v8 =	vld [tilespmem:s18+$0x0];
	v9 =	vor.u32 s21, v0;
	_ =	sdelay $0x4  }
0x3a4: {  	[tilespmem:v9+s3+$0x0] =	vst.idx.msk $0xffff, v8  }
0x3a5: {  	v49 =	vor.u32 s21, v1;
	v8 =	vld [tilespmem:s18+$0x7D0];
	_ =	sdelay $0x4  }
0x3a6: {  	[tilespmem:v49+s3+$0x0] =	vst.idx.msk $0xffff, v8  }
0x3a7: {  	v50 =	vor.u32 s21, v2;
	v8 =	vld [tilespmem:s18+$0xFA0];
	_ =	sdelay $0x4  }
0x3a8: {  	[tilespmem:v50+s3+$0x0] =	vst.idx.msk $0xffff, v8  }
0x3a9: {  	v51 =	vor.u32 s21, v3;
	v8 =	vld [tilespmem:s18+$0x1770];
	_ =	sdelay $0x4  }
0x3aa: {  	[tilespmem:v51+s3+$0x0] =	vst.idx.msk $0xffff, v8  }
0x3ab: {  	v52 =	vor.u32 s21, v4;
	v8 =	vld [tilespmem:s18+$0x1F40];
	_ =	sdelay $0x4  }
0x3ac: {  	[tilespmem:v52+s3+$0x0] =	vst.idx.msk $0xffff, v8  }
0x3ad: {  	v53 =	vor.u32 s21, v5;
	v8 =	vld [tilespmem:s18+$0x2710];
	_ =	sdelay $0x4  }
0x3ae: {  	[tilespmem:v53+s3+$0x0] =	vst.idx.msk $0xffff, v8  }
0x3af: {  	v54 =	vor.u32 s21, v6;
	v8 =	vld [tilespmem:s18+$0x2EE0];
	_ =	sdelay $0x4  }
0x3b0: {  	[tilespmem:v54+s3+$0x0] =	vst.idx.msk $0xffff, v8  }
0x3b1: {  	v55 =	vor.u32 s21, v7;
	v8 =	vld [tilespmem:s18+$0x36B0];
	_ =	sdelay $0x4  }
0x3b2: {  	s20 =	sadd.s32 $0xFFFFFFF9, s19;
	[tilespmem:v55+s3+$0x0] =	vst.idx.msk $0xffff, v8  }
0x3b3: {  	v56 =	vor.u32 s20, v0;
	v8 =	vld [tilespmem:s18+$0x3E80];
	_ =	sdelay $0x4  }
0x3b4: {  	s21 =	sadd.s32 $0xFFFFFFFA, s19;
	[tilespmem:v56+s3+$0x0] =	vst.idx.msk $0xffff, v8  }
0x3b5: {  	v57 =	vor.u32 s21, v1;
	v8 =	vld [tilespmem:s18+$0x4650];
	_ =	sdelay $0x4  }
0x3b6: {  	s21 =	sadd.s32 $0xFFFFFFFB, s19;
	[tilespmem:v57+s3+$0x0] =	vst.idx.msk $0xffff, v8  }
0x3b7: {  	v58 =	vor.u32 s21, v2;
	v8 =	vld [tilespmem:s18+$0x4E20];
	_ =	sdelay $0x4  }
0x3b8: {  	s21 =	sadd.s32 $0xFFFFFFFC, s19;
	[tilespmem:v58+s3+$0x0] =	vst.idx.msk $0xffff, v8  }
0x3b9: {  	v59 =	vor.u32 s21, v3;
	v8 =	vld [tilespmem:s18+$0x55F0];
	_ =	sdelay $0x4  }
0x3ba: {  	s21 =	sadd.s32 $0xFFFFFFFD, s19;
	[tilespmem:v59+s3+$0x0] =	vst.idx.msk $0xffff, v8  }
0x3bb: {  	v60 =	vor.u32 s21, v4;
	v8 =	vld [tilespmem:s18+$0x5DC0];
	_ =	sdelay $0x4  }
0x3bc: {  	s21 =	sadd.s32 $0xFFFFFFFE, s19;
	[tilespmem:v60+s3+$0x0] =	vst.idx.msk $0xffff, v8  }
0x3bd: {  	v61 =	vor.u32 s21, v5;
	v8 =	vld [tilespmem:s18+$0x6590];
	_ =	sdelay $0x4  }
0x3be: {  	s21 =	sadd.s32 $0xFFFFFFFF, s19;
	[tilespmem:v61+s3+$0x0] =	vst.idx.msk $0xffff, v8  }
0x3bf: {  	v62 =	vor.u32 s21, v6;
	v8 =	vld [tilespmem:s18+$0x6D60];
	_ =	sdelay $0x4  }
0x3c0: {  	[tilespmem:v62+s3+$0x0] =	vst.idx.msk $0xffff, v8  }
0x3c1: {  	v63 =	vor.u32 s19, v7;
	v8 =	vld [tilespmem:s18+$0x7530];
	_ =	sdelay $0x2  }
0x3c2: {  	s17 =	sadd.s32 $0x1, s17  }
0x3c3: {  	p0 =	sne.s32 s17, $0x5;
	s21 =	sshll.u32 s31, $0x1;
	s31 =	rddreg [dreg:$0x5]  }
.Ltmp5:
0x3c4: {  	s18 =	sadd.s32 s31, s21;
	[tilespmem:v63+s3+$0x0] =	vst.idx.msk $0xffff, v8;
	(pc) =	sbr.rel @p0 .LBB2_9-.Ltmp5, $4  }
0x3c5: {  	[hbm4b:s18+s23] =	stream.linear.scatter [tilespmem:s3], [sflag:$0x2], $0x7D00, $0x38;
	[tilespmem:$0x1C520] =	vst v63  }
0x3c6: {  	_ =	swait.ge [sflag:s13], $0x7D00  }
0x3c7: {  	[sflag:s13] =	ssyncset.done $0x0  }
0x3c8: {  	[sflag:s13] =	ssyncadd.s32 $0xFFFF8300  }
0x3c9: {  	s18 =	rddreg [dreg:$0xb]  }
0x3ca: {  	s17 =	rddreg [dreg:$0x8];
	s18 =	sadd.s32 $0x1, s18  }
0x3cb: {  	p0 =	sne.s32 s18, s17  }
.Ltmp6:
0x3cc: {  	_ = 	snop;
	(pc) =	sbr.rel @p0 .LBB2_1-.Ltmp6, $4  }
.Ltmp7:
0x3cd: {  	_ = 	snop;
	(pc) =	sbr.rel @!p0 .LBB2_13-.Ltmp7, $4  }
0x3ce: {  	_ = 	snop  }
0x3cf: {  	s19 =	simm.s32 $0x5320  }
0x3d0: {  	s20 =	simm.s32 $0xAD20;
	s21 =	simm.s32 $0xB220;
	s22 =	simm.s32 $0xA820  }
0x3d1: {  	_ = 	snop  }
.LBB2_5:
0x3d2: {  	s23 =	simm.s32 $0x0;
	s2 =	simm.s32 $0xC120  }
0x3d3: {  	s4 =	simm.s32 $0x9E20;
	s12 =	simm.s32 $0xAD20;
	s11 =	simm.s32 $0x9920  }
.Ltmp8:
0x3d4: {  	s10 =	simm.s32 $0x9420;
	s9 =	simm.s32 $0x8F20;
	(pc) =	sbr.rel .LBB2_8-.Ltmp8, $4  }
0x3d5: {  	s8 =	simm.s32 $0x8A20;
	s14 =	simm.s32 $0x8520;
	s0 =	simm.s32 $0x8020  }
0x3d6: {  	s1 =	simm.s32 $0x7B20;
	s31 =	simm.s32 $0x7620;
	s30 =	simm.s32 $0x7120  }
0x3d7: {  	s29 =	simm.s32 $0x6C20;
	s28 =	simm.s32 $0x6720;
	s26 =	simm.s32 $0x6220  }
0x3d8: {  	s25 =	simm.s32 $0x5D20;
	s24 =	simm.s32 $0x5820;
	s22 =	simm.s32 $0xC620  }
.LBB2_13:
0x3d9: {  	_ =	sfence.sel $0x180000  }
0x3da: {  	[bflag:$0x0] =	sbarrier.arrive $0xFFFF  }
0x3db: {  	_ =	strace $0x90000047  }
0x3dc: {  	s0 =	stileid.u32;
	[bflag:$0x2] =	sbarrier.arrive $0xFFFF  }
0x3dd: {  	p0 =	sne.s32 s0, $0x0;
	s0 =	rddreg [dreg:$0x3]  }
0x3de: {  	s0 =	sadd.s32 @!p0 $0x100000, s0  }
0x3df: {  	[sflag:s0] =	ssyncadd.tile.s32 @!p0 $0x1;
	_ =	shalt  }
.Lfunc_end2:
_tile_overlayer_lowered:
.L_overlay_start_2:
0x3e0: {  	(tag) =	ssettag $0x2  }
0x3e1: {  	s0 =	rddreg [dreg:$0x0];
	s2 =	stileid.u32  }
0x3e2: {  	s1 =	rddreg [dreg:$0x1];
	p0 =	sne.s32 s2, $0x0  }
0x3e3: {  	s3 =	rddreg [dreg:$0x2];
	[bflag:$0x3] =	sbarrier.arrive $0xFFFF;
	s2 =	simm.s32 @!p0 $0x1C02  }
0x3e4: {  	[timem:s3], [sflag:s2] =	dma.local @!p0 [hbm:s0], s1  }
0x3e5: {  	s0 =	simm.s32 @!p0 $0x2  }
0x3e6: {  	_ =	swait.ge @!p0 [sflag:s0], s1  }
0x3e7: {  	s1 =	ssub.s32 @!p0 $0x0, s1;
	[sflag:s0] =	ssyncset.done @!p0 $0x0  }
0x3e8: {  	[sflag:s0] =	ssyncadd.s32 @!p0 s1  }
0x3e9: {  	[bflag:$0x3] =	sbarrier.arrive $0xFFFF  }
0x3ea: {  	_ =	shalt  }

</sc_bundles>
